<compile_context>
chip_gen: v7x
topology: tpu7x:2x2x1
jax: 0.10.2.dev20260603
libtpu: 0.0.44.dev20260713+nightly
codegen_flags: <defaults>
</compile_context>

<pallas_src>
import functools

import jax
import jax.numpy as jnp
from jax import lax
from jax.experimental import pallas as pl
from jax.experimental.pallas import tpu as pltpu
from jax.experimental.pallas import tpu_sc as plsc

NN = 10000
EE = 320000
DD = 128
OUTD = 64
FFD = 2048

NC = 2
NS = 16
NW = NC * NS
EW = EE // NW
CHK = 80
GCH = EW // CHK
NBUF = 4
NBUF_DEG = 3
RPS = 624
TAIL = NN - NS * RPS

BN = 1000
GN = NN // BN
FCH = 512



def _agg_body(want_deg, h_hbm, src_hbm, dst_hbm, *rest):
    if want_deg:
        (out_hbm, deg_hbm, idx_s, idx_d, rows, accum, degp, gsem, isem) = rest
        nbuf = NBUF_DEG
    else:
        (out_hbm, idx_s, idx_d, rows, accum, gsem, isem) = rest
        nbuf = NBUF
    idxr = nbuf + 2
    c = lax.axis_index("c")
    s = lax.axis_index("s")
    wid = c * NS + s
    @pl.when(c == 0)
    def _():
        pltpu.sync_copy(h_hbm.at[pl.ds(s * RPS, RPS)],
                        accum.at[pl.ds(s * RPS, RPS)])
        @pl.when(s == NS - 1)
        def _():
            pltpu.sync_copy(h_hbm.at[pl.ds(NS * RPS, TAIL)],
                            accum.at[pl.ds(NS * RPS, TAIL)])
    @pl.when(c != 0)
    def _():
        z16 = jnp.zeros((16,), jnp.float32)

        def zrow(t, _):
            rows[0, t // (DD // 16), pl.ds((t % (DD // 16)) * 16, 16)] = z16
            return 0

        lax.fori_loop(0, CHK * (DD // 16), zrow, 0)
        for r in range(RPS // CHK):
            pltpu.sync_copy(rows.at[0],
                            accum.at[pl.ds(s * RPS + r * CHK, CHK)])
        rem = RPS % CHK
        if rem:
            pltpu.sync_copy(
                rows.at[0].at[pl.ds(0, rem)],
                accum.at[pl.ds(s * RPS + (RPS // CHK) * CHK, rem)])
        @pl.when(s == NS - 1)
        def _():
            pltpu.sync_copy(rows.at[0].at[pl.ds(0, TAIL)],
                            accum.at[pl.ds(NS * RPS, TAIL)])
    plsc.subcore_barrier()

    if want_deg:
        zeros16 = jnp.zeros((16,), jnp.float32)
        ones16 = jnp.ones((16,), jnp.float32)

        def zbody(i, _):
            degp[pl.ds(i * 16, 16)] = zeros16
            return 0

        lax.fori_loop(0, NN // 16, zbody, 0)

    def _idx_load(q):
        slot = lax.rem(q, idxr)
        pltpu.async_copy(src_hbm.at[wid, q], idx_s.at[slot], isem)
        pltpu.async_copy(dst_hbm.at[wid, q], idx_d.at[slot], isem)

    def _idx_wait(q):
        slot = lax.rem(q, idxr)
        pltpu.make_async_copy(src_hbm.at[wid, q], idx_s.at[slot], isem).wait()
        pltpu.make_async_copy(dst_hbm.at[wid, q], idx_d.at[slot], isem).wait()

    def _gather(q):
        pltpu.async_copy(h_hbm.at[idx_s.at[lax.rem(q, idxr)]],
                         rows.at[lax.rem(q, nbuf)], gsem)

    for r in range(idxr - 1):
        _idx_load(r)
    for j in range(nbuf - 1):
        _idx_wait(j)
        _gather(j)

    def body(g, _):
        q = g + nbuf - 1
        @pl.when(q < GCH)
        def _():
            @pl.when(g + idxr - 1 < GCH)
            def _():
                _idx_load(g + idxr - 1)
            _idx_wait(q)
            _gather(q)
        pltpu.make_async_copy(h_hbm.at[idx_s.at[lax.rem(g, idxr)]],
                              rows.at[lax.rem(g, nbuf)], gsem).wait()
        dslot = lax.rem(g, idxr)
        if want_deg:
            for k in range(CHK // 16):
                v = idx_d[dslot, pl.ds(k * 16, 16)]
                plsc.addupdate_scatter(degp, [v], ones16)
        pltpu.sync_copy(rows.at[lax.rem(g, nbuf)], accum.at[idx_d.at[dslot]],
                        add=True)
        return 0

    lax.fori_loop(0, GCH, body, 0)

    if want_deg:
        pltpu.sync_copy(degp, deg_hbm.at[pl.ds(wid * NN, NN)])

    plsc.subcore_barrier()
    pltpu.sync_copy(accum.at[pl.ds(s * RPS, RPS)],
                    out_hbm.at[c, pl.ds(s * RPS, RPS)])
    @pl.when(s == NS - 1)
    def _():
        pltpu.sync_copy(accum.at[pl.ds(NS * RPS, TAIL)],
                        out_hbm.at[c, pl.ds(NS * RPS, TAIL)])


@functools.lru_cache(maxsize=2)
def _build_agg_sc(want_deg):
    mesh = plsc.VectorSubcoreMesh(
        core_axis_name="c", subcore_axis_name="s",
        num_cores=NC, num_subcores=NS)
    nbuf = NBUF_DEG if want_deg else NBUF
    idxr = nbuf + 2
    out_type = [jax.ShapeDtypeStruct((NC, NN, DD), jnp.float32)]
    scratch = [
        pltpu.VMEM((idxr, CHK), jnp.int32),
        pltpu.VMEM((idxr, CHK), jnp.int32),
        pltpu.VMEM((nbuf, CHK, DD), jnp.float32),
        pltpu.VMEM_SHARED((NN, DD), jnp.float32),
    ]
    if want_deg:
        out_type.append(jax.ShapeDtypeStruct((NW * NN,), jnp.float32))
        scratch.append(pltpu.VMEM((NN,), jnp.float32))
    scratch.append(pltpu.SemaphoreType.DMA)
    scratch.append(pltpu.SemaphoreType.DMA)
    return pl.kernel(
        functools.partial(_agg_body, want_deg),
        out_type=out_type,
        mesh=mesh,
        scratch_types=scratch,
        compiler_params=pltpu.CompilerParams(
            use_tc_tiling_on_sc=False, needs_layout_passes=False),
    )


def _agg_call(h, src_r, dst_r, want_deg):
    return _build_agg_sc(want_deg)(h, src_r, dst_r)



def _dotT(x, w):
    return lax.dot_general(x, w, (((1,), (1,)), ((), ())),
                           preferred_element_type=jnp.float32)


def _dot(x, w):
    return lax.dot_general(x, w, (((1,), (0,)), ((), ())),
                           preferred_element_type=jnp.float32)


def _dense_in_body(feat_ref, w1_ref, b1_ref, w2_ref, out_ref):
    t = _dotT(feat_ref[...], w1_ref[...]) + b1_ref[...]
    out_ref[...] = _dot(t, w2_ref[...])


_dense_in = pl.pallas_call(
    _dense_in_body,
    grid=(GN,),
    in_specs=[
        pl.BlockSpec((BN, DD), lambda i: (i, 0)),
        pl.BlockSpec((DD, DD), lambda i: (0, 0)),
        pl.BlockSpec((1, DD), lambda i: (0, 0)),
        pl.BlockSpec((DD, DD), lambda i: (0, 0)),
    ],
    out_specs=pl.BlockSpec((BN, DD), lambda i: (i, 0)),
    out_shape=jax.ShapeDtypeStruct((NN, DD), jnp.float32),
)


def _layer_body(parts_ref, deg_ref, gw_ref, gb_ref, a_ref, aw_ref, ab_ref,
                h_ref, tsum_ref):
    p = parts_ref[0] + parts_ref[1]
    deg = jnp.sum(deg_ref[0], axis=1, keepdims=True) + 1.0
    hc = _dot(p * (1.0 / deg), gw_ref[...]) + gb_ref[...]
    hc = jnp.where(hc >= 0, hc, a_ref[...] * hc)
    t = jnp.tanh(_dotT(hc, aw_ref[...]) + ab_ref[...])
    tsum_ref[...] = jnp.sum(t, axis=0, keepdims=True).reshape(1, 1, DD)
    h_ref[...] = hc


_layer = pl.pallas_call(
    _layer_body,
    grid=(GN,),
    in_specs=[
        pl.BlockSpec((NC, BN, DD), lambda i: (0, i, 0)),
        pl.BlockSpec((1, BN, NW), lambda i: (i, 0, 0)),
        pl.BlockSpec((DD, DD), lambda i: (0, 0)),
        pl.BlockSpec((1, DD), lambda i: (0, 0)),
        pl.BlockSpec((1, DD), lambda i: (0, 0)),
        pl.BlockSpec((DD, DD), lambda i: (0, 0)),
        pl.BlockSpec((1, DD), lambda i: (0, 0)),
    ],
    out_specs=[
        pl.BlockSpec((BN, DD), lambda i: (i, 0)),
        pl.BlockSpec((1, 1, DD), lambda i: (i, 0, 0)),
    ],
    out_shape=[
        jax.ShapeDtypeStruct((NN, DD), jnp.float32),
        jax.ShapeDtypeStruct((GN, 1, DD), jnp.float32),
    ],
)


def _ln(x, w, b):
    mu = jnp.mean(x, axis=-1, keepdims=True)
    var = jnp.mean((x - mu) ** 2, axis=-1, keepdims=True)
    return (x - mu) / jnp.sqrt(var + 1e-5) * w + b


def _tail_body(h1_ref, h2_ref, ts1_ref, ts2_ref, av_ref,
               wv_sa_ref, bv_sa_ref, ow_sa_ref, ob_sa_ref,
               wv_ca_ref, bv_ca_ref, ow_ca_ref, ob_ca_ref,
               ln1w_ref, ln1b_ref, ln2w_ref, ln2b_ref, ln3w_ref, ln3b_ref,
               ff1_ref, ff1b_ref, ff2_ref, ff2b_ref,
               pw_ref, pb_ref, out_ref):
    av = av_ref[...]
    s1 = jnp.sum(jnp.sum(ts1_ref[...], axis=0) * av) / NN
    s2 = jnp.sum(jnp.sum(ts2_ref[...], axis=0) * av) / NN
    mx = jnp.maximum(s1, s2)
    e1 = jnp.exp(s1 - mx)
    e2 = jnp.exp(s2 - mx)
    b0 = e1 / (e1 + e2)
    b1 = e2 / (e1 + e2)
    z = b0 * h1_ref[...] + b1 * h2_ref[...]
    sa = _dotT(_dotT(z, wv_sa_ref[...]) + bv_sa_ref[...],
               ow_sa_ref[...]) + ob_sa_ref[...]
    x1 = _ln(z + sa, ln1w_ref[...], ln1b_ref[...])
    ca = _dotT(_dotT(z, wv_ca_ref[...]) + bv_ca_ref[...],
               ow_ca_ref[...]) + ob_ca_ref[...]
    x2 = _ln(x1 + ca, ln2w_ref[...], ln2b_ref[...])
    ff = jnp.zeros((BN, DD), jnp.float32) + ff2b_ref[...]
    x2b = x2.astype(jnp.bfloat16)
    for k in range(FFD // FCH):
        w1c = ff1_ref[k * FCH:(k + 1) * FCH, :]
        b1c = ff1b_ref[:, k * FCH:(k + 1) * FCH]
        hck = jnp.maximum(_dotT(x2b, w1c) + b1c, 0.0)
        ff = ff + _dotT(hck.astype(jnp.bfloat16),
                        ff2_ref[:, k * FCH:(k + 1) * FCH])
    x3 = _ln(x2 + ff, ln3w_ref[...], ln3b_ref[...])
    out_ref[...] = _dotT(x3, pw_ref[...]) + pb_ref[...]


_tail = pl.pallas_call(
    _tail_body,
    grid=(GN,),
    in_specs=[
        pl.BlockSpec((BN, DD), lambda i: (i, 0)),
        pl.BlockSpec((BN, DD), lambda i: (i, 0)),
        pl.BlockSpec((GN, 1, DD), lambda i: (0, 0, 0)),
        pl.BlockSpec((GN, 1, DD), lambda i: (0, 0, 0)),
        pl.BlockSpec((1, DD), lambda i: (0, 0)),
        pl.BlockSpec((DD, DD), lambda i: (0, 0)),
        pl.BlockSpec((1, DD), lambda i: (0, 0)),
        pl.BlockSpec((DD, DD), lambda i: (0, 0)),
        pl.BlockSpec((1, DD), lambda i: (0, 0)),
        pl.BlockSpec((DD, DD), lambda i: (0, 0)),
        pl.BlockSpec((1, DD), lambda i: (0, 0)),
        pl.BlockSpec((DD, DD), lambda i: (0, 0)),
        pl.BlockSpec((1, DD), lambda i: (0, 0)),
        pl.BlockSpec((1, DD), lambda i: (0, 0)),
        pl.BlockSpec((1, DD), lambda i: (0, 0)),
        pl.BlockSpec((1, DD), lambda i: (0, 0)),
        pl.BlockSpec((1, DD), lambda i: (0, 0)),
        pl.BlockSpec((1, DD), lambda i: (0, 0)),
        pl.BlockSpec((1, DD), lambda i: (0, 0)),
        pl.BlockSpec((FFD, DD), lambda i: (0, 0)),
        pl.BlockSpec((1, FFD), lambda i: (0, 0)),
        pl.BlockSpec((DD, FFD), lambda i: (0, 0)),
        pl.BlockSpec((1, DD), lambda i: (0, 0)),
        pl.BlockSpec((OUTD, DD), lambda i: (0, 0)),
        pl.BlockSpec((1, OUTD), lambda i: (0, 0)),
    ],
    out_specs=pl.BlockSpec((BN, OUTD), lambda i: (i, 0)),
    out_shape=jax.ShapeDtypeStruct((NN, OUTD), jnp.float32),
)



def kernel(feat, params, edge_index):
    p = params
    row = lambda v: v.reshape(1, -1)
    src_r = edge_index[0].reshape(NW, GCH, CHK)
    dst_r = edge_index[1].reshape(NW, GCH, CHK)

    h0 = _dense_in(feat, p["fc_in_w"], row(p["fc_in_b"]), p["w_cites"])

    parts0, deg_flat = _agg_call(h0, src_r, dst_r, True)
    deg_r = deg_flat.reshape(NW, NN).T.reshape(GN, BN, NW)
    h1, ts1 = _layer(parts0, deg_r, p["gc_w"][0], row(p["gc_b"][0]),
                     jnp.full((1, DD), p["prelu_a"][0], jnp.float32),
                     p["attn_fc_w"], row(p["attn_fc_b"]))

    (parts1,) = _agg_call(h1, src_r, dst_r, False)
    h2, ts2 = _layer(parts1, deg_r, p["gc_w"][1], row(p["gc_b"][1]),
                     jnp.full((1, DD), p["prelu_a"][1], jnp.float32),
                     p["attn_fc_w"], row(p["attn_fc_b"]))

    out = _tail(h1, h2, ts1, ts2, p["attn_vec"],
                p["sa_in_w"][2 * DD:], row(p["sa_in_b"][2 * DD:]),
                p["sa_out_w"], row(p["sa_out_b"]),
                p["ca_in_w"][2 * DD:], row(p["ca_in_b"][2 * DD:]),
                p["ca_out_w"], row(p["ca_out_b"]),
                row(p["ln1_w"]), row(p["ln1_b"]),
                row(p["ln2_w"]), row(p["ln2_b"]),
                row(p["ln3_w"]), row(p["ln3_b"]),
                p["ff1_w"].astype(jnp.bfloat16), row(p["ff1_b"]),
                p["ff2_w"].astype(jnp.bfloat16), row(p["ff2_b"]),
                p["pred_w"], row(p["pred_b"]))
    return out

# --- scband reference (transcript-rebuilt; emitter-appended) ---
"""Pipeline reference for scband-my-model-86981677679366 (READ-ONLY COPY).

The authoritative reference and input builder live on the scoring server;
editing this copy changes nothing except your own understanding.
"""

import jax, jax.numpy as jnp
import numpy as np

N = 10000
E = 320000
D = 128
OUT = 64
FF = 2048
NHEAD = 8
LAYERS = 2


def setup_inputs(seed: int = 0) -> dict:
    key = jax.random.key(seed)
    ks = jax.random.split(key, 20)
    s = 0.05
    feat = jax.random.normal(ks[0], (N, D), dtype=jnp.float32)
    edge_index = jax.random.randint(ks[1], (2, E), 0, N, dtype=jnp.int32)
    params = {
        "fc_in_w": jax.random.normal(ks[2], (D, D), jnp.float32) * s,
        "fc_in_b": jnp.zeros((D,), jnp.float32),
        "w_cites": jax.random.normal(ks[3], (D, D), jnp.float32) * s,
        "gc_w": jax.random.normal(ks[4], (LAYERS, D, D), jnp.float32) * s,
        "gc_b": jnp.zeros((LAYERS, D), jnp.float32),
        "prelu_a": jnp.full((LAYERS,), 0.25, jnp.float32),
        "attn_fc_w": jax.random.normal(ks[5], (D, D), jnp.float32) * s,
        "attn_fc_b": jnp.zeros((D,), jnp.float32),
        "attn_vec": jax.random.normal(ks[6], (1, D), jnp.float32) * s,
        "sa_in_w": jax.random.normal(ks[7], (3 * D, D), jnp.float32) * s,
        "sa_in_b": jnp.zeros((3 * D,), jnp.float32),
        "sa_out_w": jax.random.normal(ks[8], (D, D), jnp.float32) * s,
        "sa_out_b": jnp.zeros((D,), jnp.float32),
        "ca_in_w": jax.random.normal(ks[9], (3 * D, D), jnp.float32) * s,
        "ca_in_b": jnp.zeros((3 * D,), jnp.float32),
        "ca_out_w": jax.random.normal(ks[10], (D, D), jnp.float32) * s,
        "ca_out_b": jnp.zeros((D,), jnp.float32),
        "ln1_w": jnp.ones((D,), jnp.float32), "ln1_b": jnp.zeros((D,), jnp.float32),
        "ln2_w": jnp.ones((D,), jnp.float32), "ln2_b": jnp.zeros((D,), jnp.float32),
        "ln3_w": jnp.ones((D,), jnp.float32), "ln3_b": jnp.zeros((D,), jnp.float32),
        "ff1_w": jax.random.normal(ks[11], (FF, D), jnp.float32) * s,
        "ff1_b": jnp.zeros((FF,), jnp.float32),
        "ff2_w": jax.random.normal(ks[12], (D, FF), jnp.float32) * s,
        "ff2_b": jnp.zeros((D,), jnp.float32),
        "pred_w": jax.random.normal(ks[13], (OUT, D), jnp.float32) * s,
        "pred_b": jnp.zeros((OUT,), jnp.float32),
    }
    return {"feat": feat, "params": params, "edge_index": edge_index}


def _layer_norm(x, w, b):
    mu = x.mean(-1, keepdims=True)
    var = ((x - mu) ** 2).mean(-1, keepdims=True)
    return (x - mu) / jnp.sqrt(var + 1e-5) * w + b


def _prelu(x, a):
    return jnp.where(x >= 0, x, a * x)


def _mha(q_in, kv_in, in_w, in_b, out_w, out_b):
    d = q_in.shape[-1]
    dh = d // NHEAD
    wq, wk, wv = in_w[:d], in_w[d:2 * d], in_w[2 * d:]
    bq, bk, bv = in_b[:d], in_b[d:2 * d], in_b[2 * d:]
    q = q_in @ wq.T + bq
    k = kv_in @ wk.T + bk
    v = kv_in @ wv.T + bv
    B, Lq, _ = q.shape
    Lk = k.shape[1]
    q = q.reshape(B, Lq, NHEAD, dh).transpose(0, 2, 1, 3)
    k = k.reshape(B, Lk, NHEAD, dh).transpose(0, 2, 1, 3)
    v = v.reshape(B, Lk, NHEAD, dh).transpose(0, 2, 1, 3)
    scores = (q @ k.transpose(0, 1, 3, 2)) / jnp.sqrt(jnp.float32(dh))
    attn = jax.nn.softmax(scores, axis=-1)
    o = (attn @ v).transpose(0, 2, 1, 3).reshape(B, Lq, d)
    return o @ out_w.T + out_b


def _forward(feat, params, edge_index):
    p = params
    # fc_in + per-etype input weight
    h = (feat @ p["fc_in_w"].T + p["fc_in_b"]) @ p["w_cites"]
    src = edge_index[0]
    dst = edge_index[1]
    h_list = []
    for l in range(LAYERS):
        # GraphConv with added self-loops, norm='right', PReLU activation
        msg = h[src]
        agg = jax.ops.segment_sum(msg, dst, num_segments=N) + h  # + self-loop
        deg = jax.ops.segment_sum(jnp.ones((E,), jnp.float32), dst, num_segments=N) + 1.0
        hc = agg / deg[:, None]
        hc = hc @ p["gc_w"][l] + p["gc_b"][l]
        hc = _prelu(hc, p["prelu_a"][l])
        h = hc
        h_list.append(hc)
    hs = jnp.stack(h_list, axis=1)  # (N, M, D)
    # semantic attention (dropout = identity in eval)
    w = jnp.tanh(hs @ p["attn_fc_w"].T + p["attn_fc_b"]).mean(axis=0) @ p["attn_vec"].T  # (M, 1)
    beta = jax.nn.softmax(w, axis=0)
    z = (beta[None, :, :] * hs).sum(axis=1)  # (N, D)
    tgt = z[:, None, :]  # (N, 1, D) batch_first
    mem = tgt
    x = _layer_norm(tgt + _mha(tgt, tgt, p["sa_in_w"], p["sa_in_b"], p["sa_out_w"], p["sa_out_b"]), p["ln1_w"], p["ln1_b"])
    x = _layer_norm(x + _mha(x, mem, p["ca_in_w"], p["ca_in_b"], p["ca_out_w"], p["ca_out_b"]), p["ln2_w"], p["ln2_b"])
    ff = jax.nn.relu(x @ p["ff1_w"].T + p["ff1_b"]) @ p["ff2_w"].T + p["ff2_b"]
    x = _layer_norm(x + ff, p["ln3_w"], p["ln3_b"])
    x = x.reshape(N, D)
    return x @ p["pred_w"].T + p["pred_b"]


def reference(feat, params, edge_index):
    return _forward(feat, params, edge_index)

if __name__ == "__main__":
    import jax
    _d = setup_inputs()
    print(jax.jit(kernel)(*tuple(_d.values())))

</pallas_src>

<mosaic_0001>
#map = affine_map<(d0, d1) -> (0, 0)>
#map1 = affine_map<(d0, d1) -> (0, 0, 0)>
#map2 = affine_map<(d0, d1) -> (0)>
module attributes {stable_mosaic.version = 14 : i64} {
  func.func @_agg_body(%arg0: i32, %arg1: i32, %arg2: memref<10000x128xf32, #tpu.memory_space<hbm>>, %arg3: memref<32x125x80xi32, #tpu.memory_space<hbm>>, %arg4: memref<32x125x80xi32, #tpu.memory_space<hbm>>, %arg5: memref<2x10000x128xf32, #tpu.memory_space<hbm>>, %arg6: memref<320000xf32, #tpu.memory_space<hbm>>, %arg7: memref<5x80xi32, #tpu.memory_space<vmem>>, %arg8: memref<5x80xi32, #tpu.memory_space<vmem>>, %arg9: memref<3x80x128xf32, #tpu.memory_space<vmem>>, %arg10: memref<10000x128xf32, #tpu.memory_space<vmem_shared>>, %arg11: memref<10000xf32, #tpu.memory_space<vmem>>, %arg12: memref<!tpu.dma_semaphore, #tpu.memory_space<semaphore_mem>>, %arg13: memref<!tpu.dma_semaphore, #tpu.memory_space<semaphore_mem>>) attributes {dimension_semantics = [#tpu.dimension_semantics<core_parallel>, #tpu.dimension_semantics<subcore_parallel>], iteration_bounds = array<i64: 2, 16>, scalar_prefetch = 0 : i64, scratch_operands = 7 : i64, tpu.core_type = #tpu.core_type<sc_vector_subcore>, window_params = [{transform_indices = #map}, {transform_indices = #map1}, {transform_indices = #map1}, {transform_indices = #map1}, {transform_indices = #map2}]} {
    %mul3A = arith.constant 16 : i32
    %mul3A_0 = arith.muli %arg0, %mul3A : i32
    %add3A = arith.addi %mul3A_0, %arg1 : i32
    %eq3A = arith.constant 0 : i32
    %eq3A_1 = arith.cmpi eq, %arg0, %eq3A : i32
    %convert_element_type3A = arith.extui %eq3A_1 : i1 to i32
    %cond3A = arith.constant 0 : i32
    %cond3A_2 = arith.cmpi ne, %convert_element_type3A, %cond3A : i32
    scf.if %cond3A_2 {
      %mul3A_238 = arith.constant 624 : i32
      %mul3A_239 = arith.muli %arg1, %mul3A_238 : i32
      %mul3A_240 = arith.constant 624 : i32
      %mul3A_241 = arith.muli %arg1, %mul3A_240 : i32
      "tpu.region"() ({
        %run_scoped3A = tpu.sem_alloc : memref<!tpu.dma_semaphore, #tpu.memory_space<semaphore_mem>>
        %dma_start3A_247 = arith.constant 0 : i32
        %dma_start3A_248 = tpu.memref_slice %arg10[%mul3A_241, %dma_start3A_247] : memref<10000x128xf32, #tpu.memory_space<vmem_shared>> -> memref<624x128xf32, #tpu.memory_space<vmem_shared>>
        %dma_start3A_249 = arith.constant 0 : i32
        %dma_start3A_250 = tpu.memref_slice %arg2[%mul3A_239, %dma_start3A_249] : memref<10000x128xf32, #tpu.memory_space<hbm>> -> memref<624x128xf32, #tpu.memory_space<hbm>>
        tpu.enqueue_dma source(%dma_start3A_250 : memref<624x128xf32, #tpu.memory_space<hbm>>) target(%dma_start3A_248 : memref<624x128xf32, #tpu.memory_space<vmem_shared>>) target_semaphore(%run_scoped3A : memref<!tpu.dma_semaphore, #tpu.memory_space<semaphore_mem>>)
        %dma_wait3A_251 = arith.constant 0 : i32
        %dma_wait3A_252 = tpu.memref_slice %arg10[%mul3A_241, %dma_wait3A_251] : memref<10000x128xf32, #tpu.memory_space<vmem_shared>> -> memref<624x128xf32, #tpu.memory_space<vmem_shared>>
        %dma_wait3A_253 = arith.constant 0 : i32
        %dma_wait3A_254 = tpu.memref_slice %arg2[%mul3A_239, %dma_wait3A_253] : memref<10000x128xf32, #tpu.memory_space<hbm>> -> memref<624x128xf32, #tpu.memory_space<hbm>>
        tpu.wait_dma2 semaphore(%run_scoped3A : memref<!tpu.dma_semaphore, #tpu.memory_space<semaphore_mem>>) src(%dma_wait3A_254 : memref<624x128xf32, #tpu.memory_space<hbm>>) dst(%dma_wait3A_252 : memref<624x128xf32, #tpu.memory_space<vmem_shared>>)
        tpu.yield
      }) : () -> ()
      %eq3A_242 = arith.constant 15 : i32
      %eq3A_243 = arith.cmpi eq, %arg1, %eq3A_242 : i32
      %convert_element_type3A_244 = arith.extui %eq3A_243 : i1 to i32
      %cond3A_245 = arith.constant 0 : i32
      %cond3A_246 = arith.cmpi ne, %convert_element_type3A_244, %cond3A_245 : i32
      scf.if %cond3A_246 {
        "tpu.region"() ({
          %run_scoped3A = tpu.sem_alloc : memref<!tpu.dma_semaphore, #tpu.memory_space<semaphore_mem>>
          %dma_start3A_247 = arith.constant 9984 : i32
          %dma_start3A_248 = arith.constant 0 : i32
          %dma_start3A_249 = tpu.memref_slice %arg10[%dma_start3A_247, %dma_start3A_248] : memref<10000x128xf32, #tpu.memory_space<vmem_shared>> -> memref<16x128xf32, #tpu.memory_space<vmem_shared>>
          %dma_start3A_250 = arith.constant 9984 : i32
          %dma_start3A_251 = arith.constant 0 : i32
          %dma_start3A_252 = tpu.memref_slice %arg2[%dma_start3A_250, %dma_start3A_251] : memref<10000x128xf32, #tpu.memory_space<hbm>> -> memref<16x128xf32, #tpu.memory_space<hbm>>
          tpu.enqueue_dma source(%dma_start3A_252 : memref<16x128xf32, #tpu.memory_space<hbm>>) target(%dma_start3A_249 : memref<16x128xf32, #tpu.memory_space<vmem_shared>>) target_semaphore(%run_scoped3A : memref<!tpu.dma_semaphore, #tpu.memory_space<semaphore_mem>>)
          %dma_wait3A_253 = arith.constant 9984 : i32
          %dma_wait3A_254 = arith.constant 0 : i32
          %dma_wait3A_255 = tpu.memref_slice %arg10[%dma_wait3A_253, %dma_wait3A_254] : memref<10000x128xf32, #tpu.memory_space<vmem_shared>> -> memref<16x128xf32, #tpu.memory_space<vmem_shared>>
          %dma_wait3A_256 = arith.constant 9984 : i32
          %dma_wait3A_257 = arith.constant 0 : i32
          %dma_wait3A_258 = tpu.memref_slice %arg2[%dma_wait3A_256, %dma_wait3A_257] : memref<10000x128xf32, #tpu.memory_space<hbm>> -> memref<16x128xf32, #tpu.memory_space<hbm>>
          tpu.wait_dma2 semaphore(%run_scoped3A : memref<!tpu.dma_semaphore, #tpu.memory_space<semaphore_mem>>) src(%dma_wait3A_258 : memref<16x128xf32, #tpu.memory_space<hbm>>) dst(%dma_wait3A_255 : memref<16x128xf32, #tpu.memory_space<vmem_shared>>)
          tpu.yield
        }) : () -> ()
      } else {
      }
    } else {
    }
    %ne3A = arith.constant 0 : i32
    %ne3A_3 = arith.cmpi ne, %arg0, %ne3A : i32
    %convert_element_type3A_4 = arith.extui %ne3A_3 : i1 to i32
    %cond3A_5 = arith.constant 0 : i32
    %cond3A_6 = arith.cmpi ne, %convert_element_type3A_4, %cond3A_5 : i32
    scf.if %cond3A_6 {
      %broadcast_in_dim3A_238 = arith.constant 0.000000e+00 : f32
      %broadcast_in_dim3A_239 = vector.broadcast %broadcast_in_dim3A_238 : f32 to vector<16xf32>
      %scan3A_240 = arith.constant 0 : i32
      %scan3A_241 = arith.constant 0 : i32
      %scan3A_242 = arith.constant 640 : i32
      %scan3A_243 = arith.addi %scan3A_241, %scan3A_242 : i32
      %scan3A_244 = arith.constant 1 : i32
      %scan3A_245 = scf.for %scan3A_291 = %scan3A_241 to %scan3A_243 step %scan3A_244 iter_args(%scan3A_292 = %scan3A_240) -> (i32)  : i32 {
        %jit3A = arith.constant 8 : i32
        %div3A = arith.divsi %scan3A_291, %jit3A : i32
        %sign3A = arith.constant 0 : i32
        %sign3A_293 = arith.cmpi sgt, %scan3A_291, %sign3A : i32
        %sign3A_294 = arith.extui %sign3A_293 : i1 to i32
        %sign3A_295 = arith.constant 0 : i32
        %sign3A_296 = arith.cmpi slt, %scan3A_291, %sign3A_295 : i32
        %sign3A_297 = arith.extui %sign3A_296 : i1 to i32
        %sign3A_298 = arith.subi %sign3A_294, %sign3A_297 : i32
        %sign3A_299 = arith.constant 0 : i32
        %sign3A_300 = arith.cmpi sgt, %jit3A, %sign3A_299 : i32
        %sign3A_301 = arith.extui %sign3A_300 : i1 to i32
        %sign3A_302 = arith.constant 0 : i32
        %sign3A_303 = arith.cmpi slt, %jit3A, %sign3A_302 : i32
        %sign3A_304 = arith.extui %sign3A_303 : i1 to i32
        %sign3A_305 = arith.subi %sign3A_301, %sign3A_304 : i32
        %ne3A_306 = arith.cmpi ne, %sign3A_298, %sign3A_305 : i32
        %rem3A_307 = arith.remsi %scan3A_291, %jit3A : i32
        %ne3A_308 = arith.constant 0 : i32
        %ne3A_309 = arith.cmpi ne, %rem3A_307, %ne3A_308 : i32
        %and3A = arith.andi %ne3A_306, %ne3A_309 : i1
        %sub3A = arith.constant 1 : i32
        %sub3A_310 = arith.subi %div3A, %sub3A : i32
        %select_n3A = arith.select %and3A, %sub3A_310, %div3A : i32
        %jit3A_311 = arith.constant 8 : i32
        %eq3A_312 = arith.constant 0 : i32
        %eq3A_313 = arith.cmpi eq, %jit3A_311, %eq3A_312 : i32
        %jit3A_314 = arith.constant 1 : i32
        %select_n3A_315 = arith.select %eq3A_313, %jit3A_314, %jit3A_311 : i32
        %rem3A_316 = arith.remsi %scan3A_291, %select_n3A_315 : i32
        %ne3A_317 = arith.constant 0 : i32
        %ne3A_318 = arith.cmpi ne, %rem3A_316, %ne3A_317 : i32
        %lt3A = arith.constant 0 : i32
        %lt3A_319 = arith.cmpi slt, %rem3A_316, %lt3A : i32
        %lt3A_320 = arith.constant 0 : i32
        %lt3A_321 = arith.cmpi slt, %select_n3A_315, %lt3A_320 : i32
        %ne3A_322 = arith.xori %lt3A_319, %lt3A_321 : i1
        %and3A_323 = arith.andi %ne3A_322, %ne3A_318 : i1
        %add3A_324 = arith.addi %rem3A_316, %select_n3A_315 : i32
        %select_n3A_325 = arith.select %and3A_323, %add3A_324, %rem3A_316 : i32
        %mul3A_326 = arith.constant 16 : i32
        %mul3A_327 = arith.muli %select_n3A_325, %mul3A_326 : i32
        %swap3A = arith.constant 0 : i32
        %swap3A_328 = arith.index_cast %swap3A : i32 to index
        %swap3A_329 = arith.index_cast %select_n3A : i32 to index
        %swap3A_330 = arith.index_cast %mul3A_327 : i32 to index
        %swap3A_331 = tpu.vector_load %arg9[%swap3A_328, %swap3A_329, %swap3A_330] {strides = array<i32>} : memref<3x80x128xf32, #tpu.memory_space<vmem>>, vector<16xf32>,
        tpu.vector_store %arg9[%swap3A_328, %swap3A_329, %swap3A_330], %broadcast_in_dim3A_239 {strides = array<i32>} : memref<3x80x128xf32, #tpu.memory_space<vmem>>, vector<16xf32>,
        %scan3A_332 = arith.constant 0 : i32
        scf.yield %scan3A_332 : i32
      }
      %scan3A_246 = arith.constant 640 : i32
      %mul3A_247 = arith.constant 624 : i32
      %mul3A_248 = arith.muli %arg1, %mul3A_247 : i32
      %add3A_249 = arith.constant 0 : i32
      %add3A_250 = arith.addi %mul3A_248, %add3A_249 : i32
      %run_scoped3A = arith.constant 0 : i32
      "tpu.region"() ({
        %run_scoped3A_291 = tpu.sem_alloc : memref<!tpu.dma_semaphore, #tpu.memory_space<semaphore_mem>>
        %dma_start3A_292 = arith.constant 0 : i32
        %dma_start3A_293 = arith.constant 0 : i32
        %dma_start3A_294 = tpu.memref_slice %arg9[%run_scoped3A, %dma_start3A_292, %dma_start3A_293] : memref<3x80x128xf32, #tpu.memory_space<vmem>> -> memref<1x80x128xf32, #tpu.memory_space<vmem>>
        %dma_start3A_295 = tpu.memref_squeeze %dma_start3A_294 : memref<1x80x128xf32, #tpu.memory_space<vmem>> -> memref<80x128xf32, #tpu.memory_space<vmem>>
        %dma_start3A_296 = arith.constant 0 : i32
        %dma_start3A_297 = tpu.memref_slice %arg10[%add3A_250, %dma_start3A_296] : memref<10000x128xf32, #tpu.memory_space<vmem_shared>> -> memref<80x128xf32, #tpu.memory_space<vmem_shared>>
        %dma_start3A_298 = arith.constant 0 : i32
        %dma_start3A_299 = tpu.memref_slice %arg10[%add3A_250, %dma_start3A_298] : memref<10000x128xf32, #tpu.memory_space<vmem_shared>> -> memref<80x128xf32, #tpu.memory_space<vmem_shared>>
        %dma_start3A_300 = arith.constant 0 : i32
        %dma_start3A_301 = arith.constant 0 : i32
        %dma_start3A_302 = tpu.memref_slice %arg9[%run_scoped3A, %dma_start3A_300, %dma_start3A_301] : memref<3x80x128xf32, #tpu.memory_space<vmem>> -> memref<1x80x128xf32, #tpu.memory_space<vmem>>
        %dma_start3A_303 = tpu.memref_squeeze %dma_start3A_302 : memref<1x80x128xf32, #tpu.memory_space<vmem>> -> memref<80x128xf32, #tpu.memory_space<vmem>>
        tpu.enqueue_dma source(%dma_start3A_303 : memref<80x128xf32, #tpu.memory_space<vmem>>) target(%dma_start3A_299 : memref<80x128xf32, #tpu.memory_space<vmem_shared>>) target_semaphore(%run_scoped3A_291 : memref<!tpu.dma_semaphore, #tpu.memory_space<semaphore_mem>>)
        %dma_wait3A_304 = arith.constant 0 : i32
        %dma_wait3A_305 = arith.constant 0 : i32
        %dma_wait3A_306 = tpu.memref_slice %arg9[%run_scoped3A, %dma_wait3A_304, %dma_wait3A_305] : memref<3x80x128xf32, #tpu.memory_space<vmem>> -> memref<1x80x128xf32, #tpu.memory_space<vmem>>
        %dma_wait3A_307 = tpu.memref_squeeze %dma_wait3A_306 : memref<1x80x128xf32, #tpu.memory_space<vmem>> -> memref<80x128xf32, #tpu.memory_space<vmem>>
        %dma_wait3A_308 = arith.constant 0 : i32
        %dma_wait3A_309 = tpu.memref_slice %arg10[%add3A_250, %dma_wait3A_308] : memref<10000x128xf32, #tpu.memory_space<vmem_shared>> -> memref<80x128xf32, #tpu.memory_space<vmem_shared>>
        %dma_wait3A_310 = arith.constant 0 : i32
        %dma_wait3A_311 = tpu.memref_slice %arg10[%add3A_250, %dma_wait3A_310] : memref<10000x128xf32, #tpu.memory_space<vmem_shared>> -> memref<80x128xf32, #tpu.memory_space<vmem_shared>>
        %dma_wait3A_312 = arith.constant 0 : i32
        %dma_wait3A_313 = arith.constant 0 : i32
        %dma_wait3A_314 = tpu.memref_slice %arg9[%run_scoped3A, %dma_wait3A_312, %dma_wait3A_313] : memref<3x80x128xf32, #tpu.memory_space<vmem>> -> memref<1x80x128xf32, #tpu.memory_space<vmem>>
        %dma_wait3A_315 = tpu.memref_squeeze %dma_wait3A_314 : memref<1x80x128xf32, #tpu.memory_space<vmem>> -> memref<80x128xf32, #tpu.memory_space<vmem>>
        tpu.wait_dma2 semaphore(%run_scoped3A_291 : memref<!tpu.dma_semaphore, #tpu.memory_space<semaphore_mem>>) src(%dma_wait3A_315 : memref<80x128xf32, #tpu.memory_space<vmem>>) dst(%dma_wait3A_311 : memref<80x128xf32, #tpu.memory_space<vmem_shared>>)
        tpu.yield
      }) : () -> ()
      %mul3A_251 = arith.constant 624 : i32
      %mul3A_252 = arith.muli %arg1, %mul3A_251 : i32
      %add3A_253 = arith.constant 80 : i32
      %add3A_254 = arith.addi %mul3A_252, %add3A_253 : i32
      %run_scoped3A_255 = arith.constant 0 : i32
      "tpu.region"() ({
        %run_scoped3A_291 = tpu.sem_alloc : memref<!tpu.dma_semaphore, #tpu.memory_space<semaphore_mem>>
        %dma_start3A_292 = arith.constant 0 : i32
        %dma_start3A_293 = arith.constant 0 : i32
        %dma_start3A_294 = tpu.memref_slice %arg9[%run_scoped3A_255, %dma_start3A_292, %dma_start3A_293] : memref<3x80x128xf32, #tpu.memory_space<vmem>> -> memref<1x80x128xf32, #tpu.memory_space<vmem>>
        %dma_start3A_295 = tpu.memref_squeeze %dma_start3A_294 : memref<1x80x128xf32, #tpu.memory_space<vmem>> -> memref<80x128xf32, #tpu.memory_space<vmem>>
        %dma_start3A_296 = arith.constant 0 : i32
        %dma_start3A_297 = tpu.memref_slice %arg10[%add3A_254, %dma_start3A_296] : memref<10000x128xf32, #tpu.memory_space<vmem_shared>> -> memref<80x128xf32, #tpu.memory_space<vmem_shared>>
        %dma_start3A_298 = arith.constant 0 : i32
        %dma_start3A_299 = tpu.memref_slice %arg10[%add3A_254, %dma_start3A_298] : memref<10000x128xf32, #tpu.memory_space<vmem_shared>> -> memref<80x128xf32, #tpu.memory_space<vmem_shared>>
        %dma_start3A_300 = arith.constant 0 : i32
        %dma_start3A_301 = arith.constant 0 : i32
        %dma_start3A_302 = tpu.memref_slice %arg9[%run_scoped3A_255, %dma_start3A_300, %dma_start3A_301] : memref<3x80x128xf32, #tpu.memory_space<vmem>> -> memref<1x80x128xf32, #tpu.memory_space<vmem>>
        %dma_start3A_303 = tpu.memref_squeeze %dma_start3A_302 : memref<1x80x128xf32, #tpu.memory_space<vmem>> -> memref<80x128xf32, #tpu.memory_space<vmem>>
        tpu.enqueue_dma source(%dma_start3A_303 : memref<80x128xf32, #tpu.memory_space<vmem>>) target(%dma_start3A_299 : memref<80x128xf32, #tpu.memory_space<vmem_shared>>) target_semaphore(%run_scoped3A_291 : memref<!tpu.dma_semaphore, #tpu.memory_space<semaphore_mem>>)
        %dma_wait3A_304 = arith.constant 0 : i32
        %dma_wait3A_305 = arith.constant 0 : i32
        %dma_wait3A_306 = tpu.memref_slice %arg9[%run_scoped3A_255, %dma_wait3A_304, %dma_wait3A_305] : memref<3x80x128xf32, #tpu.memory_space<vmem>> -> memref<1x80x128xf32, #tpu.memory_space<vmem>>
        %dma_wait3A_307 = tpu.memref_squeeze %dma_wait3A_306 : memref<1x80x128xf32, #tpu.memory_space<vmem>> -> memref<80x128xf32, #tpu.memory_space<vmem>>
        %dma_wait3A_308 = arith.constant 0 : i32
        %dma_wait3A_309 = tpu.memref_slice %arg10[%add3A_254, %dma_wait3A_308] : memref<10000x128xf32, #tpu.memory_space<vmem_shared>> -> memref<80x128xf32, #tpu.memory_space<vmem_shared>>
        %dma_wait3A_310 = arith.constant 0 : i32
        %dma_wait3A_311 = tpu.memref_slice %arg10[%add3A_254, %dma_wait3A_310] : memref<10000x128xf32, #tpu.memory_space<vmem_shared>> -> memref<80x128xf32, #tpu.memory_space<vmem_shared>>
        %dma_wait3A_312 = arith.constant 0 : i32
        %dma_wait3A_313 = arith.constant 0 : i32
        %dma_wait3A_314 = tpu.memref_slice %arg9[%run_scoped3A_255, %dma_wait3A_312, %dma_wait3A_313] : memref<3x80x128xf32, #tpu.memory_space<vmem>> -> memref<1x80x128xf32, #tpu.memory_space<vmem>>
        %dma_wait3A_315 = tpu.memref_squeeze %dma_wait3A_314 : memref<1x80x128xf32, #tpu.memory_space<vmem>> -> memref<80x128xf32, #tpu.memory_space<vmem>>
        tpu.wait_dma2 semaphore(%run_scoped3A_291 : memref<!tpu.dma_semaphore, #tpu.memory_space<semaphore_mem>>) src(%dma_wait3A_315 : memref<80x128xf32, #tpu.memory_space<vmem>>) dst(%dma_wait3A_311 : memref<80x128xf32, #tpu.memory_space<vmem_shared>>)
        tpu.yield
      }) : () -> ()
      %mul3A_256 = arith.constant 624 : i32
      %mul3A_257 = arith.muli %arg1, %mul3A_256 : i32
      %add3A_258 = arith.constant 160 : i32
      %add3A_259 = arith.addi %mul3A_257, %add3A_258 : i32
      %run_scoped3A_260 = arith.constant 0 : i32
      "tpu.region"() ({
        %run_scoped3A_291 = tpu.sem_alloc : memref<!tpu.dma_semaphore, #tpu.memory_space<semaphore_mem>>
        %dma_start3A_292 = arith.constant 0 : i32
        %dma_start3A_293 = arith.constant 0 : i32
        %dma_start3A_294 = tpu.memref_slice %arg9[%run_scoped3A_260, %dma_start3A_292, %dma_start3A_293] : memref<3x80x128xf32, #tpu.memory_space<vmem>> -> memref<1x80x128xf32, #tpu.memory_space<vmem>>
        %dma_start3A_295 = tpu.memref_squeeze %dma_start3A_294 : memref<1x80x128xf32, #tpu.memory_space<vmem>> -> memref<80x128xf32, #tpu.memory_space<vmem>>
        %dma_start3A_296 = arith.constant 0 : i32
        %dma_start3A_297 = tpu.memref_slice %arg10[%add3A_259, %dma_start3A_296] : memref<10000x128xf32, #tpu.memory_space<vmem_shared>> -> memref<80x128xf32, #tpu.memory_space<vmem_shared>>
        %dma_start3A_298 = arith.constant 0 : i32
        %dma_start3A_299 = tpu.memref_slice %arg10[%add3A_259, %dma_start3A_298] : memref<10000x128xf32, #tpu.memory_space<vmem_shared>> -> memref<80x128xf32, #tpu.memory_space<vmem_shared>>
        %dma_start3A_300 = arith.constant 0 : i32
        %dma_start3A_301 = arith.constant 0 : i32
        %dma_start3A_302 = tpu.memref_slice %arg9[%run_scoped3A_260, %dma_start3A_300, %dma_start3A_301] : memref<3x80x128xf32, #tpu.memory_space<vmem>> -> memref<1x80x128xf32, #tpu.memory_space<vmem>>
        %dma_start3A_303 = tpu.memref_squeeze %dma_start3A_302 : memref<1x80x128xf32, #tpu.memory_space<vmem>> -> memref<80x128xf32, #tpu.memory_space<vmem>>
        tpu.enqueue_dma source(%dma_start3A_303 : memref<80x128xf32, #tpu.memory_space<vmem>>) target(%dma_start3A_299 : memref<80x128xf32, #tpu.memory_space<vmem_shared>>) target_semaphore(%run_scoped3A_291 : memref<!tpu.dma_semaphore, #tpu.memory_space<semaphore_mem>>)
        %dma_wait3A_304 = arith.constant 0 : i32
        %dma_wait3A_305 = arith.constant 0 : i32
        %dma_wait3A_306 = tpu.memref_slice %arg9[%run_scoped3A_260, %dma_wait3A_304, %dma_wait3A_305] : memref<3x80x128xf32, #tpu.memory_space<vmem>> -> memref<1x80x128xf32, #tpu.memory_space<vmem>>
        %dma_wait3A_307 = tpu.memref_squeeze %dma_wait3A_306 : memref<1x80x128xf32, #tpu.memory_space<vmem>> -> memref<80x128xf32, #tpu.memory_space<vmem>>
        %dma_wait3A_308 = arith.constant 0 : i32
        %dma_wait3A_309 = tpu.memref_slice %arg10[%add3A_259, %dma_wait3A_308] : memref<10000x128xf32, #tpu.memory_space<vmem_shared>> -> memref<80x128xf32, #tpu.memory_space<vmem_shared>>
        %dma_wait3A_310 = arith.constant 0 : i32
        %dma_wait3A_311 = tpu.memref_slice %arg10[%add3A_259, %dma_wait3A_310] : memref<10000x128xf32, #tpu.memory_space<vmem_shared>> -> memref<80x128xf32, #tpu.memory_space<vmem_shared>>
        %dma_wait3A_312 = arith.constant 0 : i32
        %dma_wait3A_313 = arith.constant 0 : i32
        %dma_wait3A_314 = tpu.memref_slice %arg9[%run_scoped3A_260, %dma_wait3A_312, %dma_wait3A_313] : memref<3x80x128xf32, #tpu.memory_space<vmem>> -> memref<1x80x128xf32, #tpu.memory_space<vmem>>
        %dma_wait3A_315 = tpu.memref_squeeze %dma_wait3A_314 : memref<1x80x128xf32, #tpu.memory_space<vmem>> -> memref<80x128xf32, #tpu.memory_space<vmem>>
        tpu.wait_dma2 semaphore(%run_scoped3A_291 : memref<!tpu.dma_semaphore, #tpu.memory_space<semaphore_mem>>) src(%dma_wait3A_315 : memref<80x128xf32, #tpu.memory_space<vmem>>) dst(%dma_wait3A_311 : memref<80x128xf32, #tpu.memory_space<vmem_shared>>)
        tpu.yield
      }) : () -> ()
      %mul3A_261 = arith.constant 624 : i32
      %mul3A_262 = arith.muli %arg1, %mul3A_261 : i32
      %add3A_263 = arith.constant 240 : i32
      %add3A_264 = arith.addi %mul3A_262, %add3A_263 : i32
      %run_scoped3A_265 = arith.constant 0 : i32
      "tpu.region"() ({
        %run_scoped3A_291 = tpu.sem_alloc : memref<!tpu.dma_semaphore, #tpu.memory_space<semaphore_mem>>
        %dma_start3A_292 = arith.constant 0 : i32
        %dma_start3A_293 = arith.constant 0 : i32
        %dma_start3A_294 = tpu.memref_slice %arg9[%run_scoped3A_265, %dma_start3A_292, %dma_start3A_293] : memref<3x80x128xf32, #tpu.memory_space<vmem>> -> memref<1x80x128xf32, #tpu.memory_space<vmem>>
        %dma_start3A_295 = tpu.memref_squeeze %dma_start3A_294 : memref<1x80x128xf32, #tpu.memory_space<vmem>> -> memref<80x128xf32, #tpu.memory_space<vmem>>
        %dma_start3A_296 = arith.constant 0 : i32
        %dma_start3A_297 = tpu.memref_slice %arg10[%add3A_264, %dma_start3A_296] : memref<10000x128xf32, #tpu.memory_space<vmem_shared>> -> memref<80x128xf32, #tpu.memory_space<vmem_shared>>
        %dma_start3A_298 = arith.constant 0 : i32
        %dma_start3A_299 = tpu.memref_slice %arg10[%add3A_264, %dma_start3A_298] : memref<10000x128xf32, #tpu.memory_space<vmem_shared>> -> memref<80x128xf32, #tpu.memory_space<vmem_shared>>
        %dma_start3A_300 = arith.constant 0 : i32
        %dma_start3A_301 = arith.constant 0 : i32
        %dma_start3A_302 = tpu.memref_slice %arg9[%run_scoped3A_265, %dma_start3A_300, %dma_start3A_301] : memref<3x80x128xf32, #tpu.memory_space<vmem>> -> memref<1x80x128xf32, #tpu.memory_space<vmem>>
        %dma_start3A_303 = tpu.memref_squeeze %dma_start3A_302 : memref<1x80x128xf32, #tpu.memory_space<vmem>> -> memref<80x128xf32, #tpu.memory_space<vmem>>
        tpu.enqueue_dma source(%dma_start3A_303 : memref<80x128xf32, #tpu.memory_space<vmem>>) target(%dma_start3A_299 : memref<80x128xf32, #tpu.memory_space<vmem_shared>>) target_semaphore(%run_scoped3A_291 : memref<!tpu.dma_semaphore, #tpu.memory_space<semaphore_mem>>)
        %dma_wait3A_304 = arith.constant 0 : i32
        %dma_wait3A_305 = arith.constant 0 : i32
        %dma_wait3A_306 = tpu.memref_slice %arg9[%run_scoped3A_265, %dma_wait3A_304, %dma_wait3A_305] : memref<3x80x128xf32, #tpu.memory_space<vmem>> -> memref<1x80x128xf32, #tpu.memory_space<vmem>>
        %dma_wait3A_307 = tpu.memref_squeeze %dma_wait3A_306 : memref<1x80x128xf32, #tpu.memory_space<vmem>> -> memref<80x128xf32, #tpu.memory_space<vmem>>
        %dma_wait3A_308 = arith.constant 0 : i32
        %dma_wait3A_309 = tpu.memref_slice %arg10[%add3A_264, %dma_wait3A_308] : memref<10000x128xf32, #tpu.memory_space<vmem_shared>> -> memref<80x128xf32, #tpu.memory_space<vmem_shared>>
        %dma_wait3A_310 = arith.constant 0 : i32
        %dma_wait3A_311 = tpu.memref_slice %arg10[%add3A_264, %dma_wait3A_310] : memref<10000x128xf32, #tpu.memory_space<vmem_shared>> -> memref<80x128xf32, #tpu.memory_space<vmem_shared>>
        %dma_wait3A_312 = arith.constant 0 : i32
        %dma_wait3A_313 = arith.constant 0 : i32
        %dma_wait3A_314 = tpu.memref_slice %arg9[%run_scoped3A_265, %dma_wait3A_312, %dma_wait3A_313] : memref<3x80x128xf32, #tpu.memory_space<vmem>> -> memref<1x80x128xf32, #tpu.memory_space<vmem>>
        %dma_wait3A_315 = tpu.memref_squeeze %dma_wait3A_314 : memref<1x80x128xf32, #tpu.memory_space<vmem>> -> memref<80x128xf32, #tpu.memory_space<vmem>>
        tpu.wait_dma2 semaphore(%run_scoped3A_291 : memref<!tpu.dma_semaphore, #tpu.memory_space<semaphore_mem>>) src(%dma_wait3A_315 : memref<80x128xf32, #tpu.memory_space<vmem>>) dst(%dma_wait3A_311 : memref<80x128xf32, #tpu.memory_space<vmem_shared>>)
        tpu.yield
      }) : () -> ()
      %mul3A_266 = arith.constant 624 : i32
      %mul3A_267 = arith.muli %arg1, %mul3A_266 : i32
      %add3A_268 = arith.constant 320 : i32
      %add3A_269 = arith.addi %mul3A_267, %add3A_268 : i32
      %run_scoped3A_270 = arith.constant 0 : i32
      "tpu.region"() ({
        %run_scoped3A_291 = tpu.sem_alloc : memref<!tpu.dma_semaphore, #tpu.memory_space<semaphore_mem>>
        %dma_start3A_292 = arith.constant 0 : i32
        %dma_start3A_293 = arith.constant 0 : i32
        %dma_start3A_294 = tpu.memref_slice %arg9[%run_scoped3A_270, %dma_start3A_292, %dma_start3A_293] : memref<3x80x128xf32, #tpu.memory_space<vmem>> -> memref<1x80x128xf32, #tpu.memory_space<vmem>>
        %dma_start3A_295 = tpu.memref_squeeze %dma_start3A_294 : memref<1x80x128xf32, #tpu.memory_space<vmem>> -> memref<80x128xf32, #tpu.memory_space<vmem>>
        %dma_start3A_296 = arith.constant 0 : i32
        %dma_start3A_297 = tpu.memref_slice %arg10[%add3A_269, %dma_start3A_296] : memref<10000x128xf32, #tpu.memory_space<vmem_shared>> -> memref<80x128xf32, #tpu.memory_space<vmem_shared>>
        %dma_start3A_298 = arith.constant 0 : i32
        %dma_start3A_299 = tpu.memref_slice %arg10[%add3A_269, %dma_start3A_298] : memref<10000x128xf32, #tpu.memory_space<vmem_shared>> -> memref<80x128xf32, #tpu.memory_space<vmem_shared>>
        %dma_start3A_300 = arith.constant 0 : i32
        %dma_start3A_301 = arith.constant 0 : i32
        %dma_start3A_302 = tpu.memref_slice %arg9[%run_scoped3A_270, %dma_start3A_300, %dma_start3A_301] : memref<3x80x128xf32, #tpu.memory_space<vmem>> -> memref<1x80x128xf32, #tpu.memory_space<vmem>>
        %dma_start3A_303 = tpu.memref_squeeze %dma_start3A_302 : memref<1x80x128xf32, #tpu.memory_space<vmem>> -> memref<80x128xf32, #tpu.memory_space<vmem>>
        tpu.enqueue_dma source(%dma_start3A_303 : memref<80x128xf32, #tpu.memory_space<vmem>>) target(%dma_start3A_299 : memref<80x128xf32, #tpu.memory_space<vmem_shared>>) target_semaphore(%run_scoped3A_291 : memref<!tpu.dma_semaphore, #tpu.memory_space<semaphore_mem>>)
        %dma_wait3A_304 = arith.constant 0 : i32
        %dma_wait3A_305 = arith.constant 0 : i32
        %dma_wait3A_306 = tpu.memref_slice %arg9[%run_scoped3A_270, %dma_wait3A_304, %dma_wait3A_305] : memref<3x80x128xf32, #tpu.memory_space<vmem>> -> memref<1x80x128xf32, #tpu.memory_space<vmem>>
        %dma_wait3A_307 = tpu.memref_squeeze %dma_wait3A_306 : memref<1x80x128xf32, #tpu.memory_space<vmem>> -> memref<80x128xf32, #tpu.memory_space<vmem>>
        %dma_wait3A_308 = arith.constant 0 : i32
        %dma_wait3A_309 = tpu.memref_slice %arg10[%add3A_269, %dma_wait3A_308] : memref<10000x128xf32, #tpu.memory_space<vmem_shared>> -> memref<80x128xf32, #tpu.memory_space<vmem_shared>>
        %dma_wait3A_310 = arith.constant 0 : i32
        %dma_wait3A_311 = tpu.memref_slice %arg10[%add3A_269, %dma_wait3A_310] : memref<10000x128xf32, #tpu.memory_space<vmem_shared>> -> memref<80x128xf32, #tpu.memory_space<vmem_shared>>
        %dma_wait3A_312 = arith.constant 0 : i32
        %dma_wait3A_313 = arith.constant 0 : i32
        %dma_wait3A_314 = tpu.memref_slice %arg9[%run_scoped3A_270, %dma_wait3A_312, %dma_wait3A_313] : memref<3x80x128xf32, #tpu.memory_space<vmem>> -> memref<1x80x128xf32, #tpu.memory_space<vmem>>
        %dma_wait3A_315 = tpu.memref_squeeze %dma_wait3A_314 : memref<1x80x128xf32, #tpu.memory_space<vmem>> -> memref<80x128xf32, #tpu.memory_space<vmem>>
        tpu.wait_dma2 semaphore(%run_scoped3A_291 : memref<!tpu.dma_semaphore, #tpu.memory_space<semaphore_mem>>) src(%dma_wait3A_315 : memref<80x128xf32, #tpu.memory_space<vmem>>) dst(%dma_wait3A_311 : memref<80x128xf32, #tpu.memory_space<vmem_shared>>)
        tpu.yield
      }) : () -> ()
      %mul3A_271 = arith.constant 624 : i32
      %mul3A_272 = arith.muli %arg1, %mul3A_271 : i32
      %add3A_273 = arith.constant 400 : i32
      %add3A_274 = arith.addi %mul3A_272, %add3A_273 : i32
      %run_scoped3A_275 = arith.constant 0 : i32
      "tpu.region"() ({
        %run_scoped3A_291 = tpu.sem_alloc : memref<!tpu.dma_semaphore, #tpu.memory_space<semaphore_mem>>
        %dma_start3A_292 = arith.constant 0 : i32
        %dma_start3A_293 = arith.constant 0 : i32
        %dma_start3A_294 = tpu.memref_slice %arg9[%run_scoped3A_275, %dma_start3A_292, %dma_start3A_293] : memref<3x80x128xf32, #tpu.memory_space<vmem>> -> memref<1x80x128xf32, #tpu.memory_space<vmem>>
        %dma_start3A_295 = tpu.memref_squeeze %dma_start3A_294 : memref<1x80x128xf32, #tpu.memory_space<vmem>> -> memref<80x128xf32, #tpu.memory_space<vmem>>
        %dma_start3A_296 = arith.constant 0 : i32
        %dma_start3A_297 = tpu.memref_slice %arg10[%add3A_274, %dma_start3A_296] : memref<10000x128xf32, #tpu.memory_space<vmem_shared>> -> memref<80x128xf32, #tpu.memory_space<vmem_shared>>
        %dma_start3A_298 = arith.constant 0 : i32
        %dma_start3A_299 = tpu.memref_slice %arg10[%add3A_274, %dma_start3A_298] : memref<10000x128xf32, #tpu.memory_space<vmem_shared>> -> memref<80x128xf32, #tpu.memory_space<vmem_shared>>
        %dma_start3A_300 = arith.constant 0 : i32
        %dma_start3A_301 = arith.constant 0 : i32
        %dma_start3A_302 = tpu.memref_slice %arg9[%run_scoped3A_275, %dma_start3A_300, %dma_start3A_301] : memref<3x80x128xf32, #tpu.memory_space<vmem>> -> memref<1x80x128xf32, #tpu.memory_space<vmem>>
        %dma_start3A_303 = tpu.memref_squeeze %dma_start3A_302 : memref<1x80x128xf32, #tpu.memory_space<vmem>> -> memref<80x128xf32, #tpu.memory_space<vmem>>
        tpu.enqueue_dma source(%dma_start3A_303 : memref<80x128xf32, #tpu.memory_space<vmem>>) target(%dma_start3A_299 : memref<80x128xf32, #tpu.memory_space<vmem_shared>>) target_semaphore(%run_scoped3A_291 : memref<!tpu.dma_semaphore, #tpu.memory_space<semaphore_mem>>)
        %dma_wait3A_304 = arith.constant 0 : i32
        %dma_wait3A_305 = arith.constant 0 : i32
        %dma_wait3A_306 = tpu.memref_slice %arg9[%run_scoped3A_275, %dma_wait3A_304, %dma_wait3A_305] : memref<3x80x128xf32, #tpu.memory_space<vmem>> -> memref<1x80x128xf32, #tpu.memory_space<vmem>>
        %dma_wait3A_307 = tpu.memref_squeeze %dma_wait3A_306 : memref<1x80x128xf32, #tpu.memory_space<vmem>> -> memref<80x128xf32, #tpu.memory_space<vmem>>
        %dma_wait3A_308 = arith.constant 0 : i32
        %dma_wait3A_309 = tpu.memref_slice %arg10[%add3A_274, %dma_wait3A_308] : memref<10000x128xf32, #tpu.memory_space<vmem_shared>> -> memref<80x128xf32, #tpu.memory_space<vmem_shared>>
        %dma_wait3A_310 = arith.constant 0 : i32
        %dma_wait3A_311 = tpu.memref_slice %arg10[%add3A_274, %dma_wait3A_310] : memref<10000x128xf32, #tpu.memory_space<vmem_shared>> -> memref<80x128xf32, #tpu.memory_space<vmem_shared>>
        %dma_wait3A_312 = arith.constant 0 : i32
        %dma_wait3A_313 = arith.constant 0 : i32
        %dma_wait3A_314 = tpu.memref_slice %arg9[%run_scoped3A_275, %dma_wait3A_312, %dma_wait3A_313] : memref<3x80x128xf32, #tpu.memory_space<vmem>> -> memref<1x80x128xf32, #tpu.memory_space<vmem>>
        %dma_wait3A_315 = tpu.memref_squeeze %dma_wait3A_314 : memref<1x80x128xf32, #tpu.memory_space<vmem>> -> memref<80x128xf32, #tpu.memory_space<vmem>>
        tpu.wait_dma2 semaphore(%run_scoped3A_291 : memref<!tpu.dma_semaphore, #tpu.memory_space<semaphore_mem>>) src(%dma_wait3A_315 : memref<80x128xf32, #tpu.memory_space<vmem>>) dst(%dma_wait3A_311 : memref<80x128xf32, #tpu.memory_space<vmem_shared>>)
        tpu.yield
      }) : () -> ()
      %mul3A_276 = arith.constant 624 : i32
      %mul3A_277 = arith.muli %arg1, %mul3A_276 : i32
      %add3A_278 = arith.constant 480 : i32
      %add3A_279 = arith.addi %mul3A_277, %add3A_278 : i32
      %run_scoped3A_280 = arith.constant 0 : i32
      "tpu.region"() ({
        %run_scoped3A_291 = tpu.sem_alloc : memref<!tpu.dma_semaphore, #tpu.memory_space<semaphore_mem>>
        %dma_start3A_292 = arith.constant 0 : i32
        %dma_start3A_293 = arith.constant 0 : i32
        %dma_start3A_294 = tpu.memref_slice %arg9[%run_scoped3A_280, %dma_start3A_292, %dma_start3A_293] : memref<3x80x128xf32, #tpu.memory_space<vmem>> -> memref<1x80x128xf32, #tpu.memory_space<vmem>>
        %dma_start3A_295 = tpu.memref_squeeze %dma_start3A_294 : memref<1x80x128xf32, #tpu.memory_space<vmem>> -> memref<80x128xf32, #tpu.memory_space<vmem>>
        %dma_start3A_296 = arith.constant 0 : i32
        %dma_start3A_297 = tpu.memref_slice %arg10[%add3A_279, %dma_start3A_296] : memref<10000x128xf32, #tpu.memory_space<vmem_shared>> -> memref<80x128xf32, #tpu.memory_space<vmem_shared>>
        %dma_start3A_298 = arith.constant 0 : i32
        %dma_start3A_299 = tpu.memref_slice %arg10[%add3A_279, %dma_start3A_298] : memref<10000x128xf32, #tpu.memory_space<vmem_shared>> -> memref<80x128xf32, #tpu.memory_space<vmem_shared>>
        %dma_start3A_300 = arith.constant 0 : i32
        %dma_start3A_301 = arith.constant 0 : i32
        %dma_start3A_302 = tpu.memref_slice %arg9[%run_scoped3A_280, %dma_start3A_300, %dma_start3A_301] : memref<3x80x128xf32, #tpu.memory_space<vmem>> -> memref<1x80x128xf32, #tpu.memory_space<vmem>>
        %dma_start3A_303 = tpu.memref_squeeze %dma_start3A_302 : memref<1x80x128xf32, #tpu.memory_space<vmem>> -> memref<80x128xf32, #tpu.memory_space<vmem>>
        tpu.enqueue_dma source(%dma_start3A_303 : memref<80x128xf32, #tpu.memory_space<vmem>>) target(%dma_start3A_299 : memref<80x128xf32, #tpu.memory_space<vmem_shared>>) target_semaphore(%run_scoped3A_291 : memref<!tpu.dma_semaphore, #tpu.memory_space<semaphore_mem>>)
        %dma_wait3A_304 = arith.constant 0 : i32
        %dma_wait3A_305 = arith.constant 0 : i32
        %dma_wait3A_306 = tpu.memref_slice %arg9[%run_scoped3A_280, %dma_wait3A_304, %dma_wait3A_305] : memref<3x80x128xf32, #tpu.memory_space<vmem>> -> memref<1x80x128xf32, #tpu.memory_space<vmem>>
        %dma_wait3A_307 = tpu.memref_squeeze %dma_wait3A_306 : memref<1x80x128xf32, #tpu.memory_space<vmem>> -> memref<80x128xf32, #tpu.memory_space<vmem>>
        %dma_wait3A_308 = arith.constant 0 : i32
        %dma_wait3A_309 = tpu.memref_slice %arg10[%add3A_279, %dma_wait3A_308] : memref<10000x128xf32, #tpu.memory_space<vmem_shared>> -> memref<80x128xf32, #tpu.memory_space<vmem_shared>>
        %dma_wait3A_310 = arith.constant 0 : i32
        %dma_wait3A_311 = tpu.memref_slice %arg10[%add3A_279, %dma_wait3A_310] : memref<10000x128xf32, #tpu.memory_space<vmem_shared>> -> memref<80x128xf32, #tpu.memory_space<vmem_shared>>
        %dma_wait3A_312 = arith.constant 0 : i32
        %dma_wait3A_313 = arith.constant 0 : i32
        %dma_wait3A_314 = tpu.memref_slice %arg9[%run_scoped3A_280, %dma_wait3A_312, %dma_wait3A_313] : memref<3x80x128xf32, #tpu.memory_space<vmem>> -> memref<1x80x128xf32, #tpu.memory_space<vmem>>
        %dma_wait3A_315 = tpu.memref_squeeze %dma_wait3A_314 : memref<1x80x128xf32, #tpu.memory_space<vmem>> -> memref<80x128xf32, #tpu.memory_space<vmem>>
        tpu.wait_dma2 semaphore(%run_scoped3A_291 : memref<!tpu.dma_semaphore, #tpu.memory_space<semaphore_mem>>) src(%dma_wait3A_315 : memref<80x128xf32, #tpu.memory_space<vmem>>) dst(%dma_wait3A_311 : memref<80x128xf32, #tpu.memory_space<vmem_shared>>)
        tpu.yield
      }) : () -> ()
      %mul3A_281 = arith.constant 624 : i32
      %mul3A_282 = arith.muli %arg1, %mul3A_281 : i32
      %add3A_283 = arith.constant 560 : i32
      %add3A_284 = arith.addi %mul3A_282, %add3A_283 : i32
      %run_scoped3A_285 = arith.constant 0 : i32
      "tpu.region"() ({
        %run_scoped3A_291 = tpu.sem_alloc : memref<!tpu.dma_semaphore, #tpu.memory_space<semaphore_mem>>
        %dma_start3A_292 = arith.constant 0 : i32
        %dma_start3A_293 = arith.constant 0 : i32
        %dma_start3A_294 = tpu.memref_slice %arg9[%run_scoped3A_285, %dma_start3A_292, %dma_start3A_293] : memref<3x80x128xf32, #tpu.memory_space<vmem>> -> memref<1x80x128xf32, #tpu.memory_space<vmem>>
        %dma_start3A_295 = tpu.memref_squeeze %dma_start3A_294 : memref<1x80x128xf32, #tpu.memory_space<vmem>> -> memref<80x128xf32, #tpu.memory_space<vmem>>
        %dma_start3A_296 = arith.constant 0 : i32
        %dma_start3A_297 = arith.constant 0 : i32
        %dma_start3A_298 = tpu.memref_slice %dma_start3A_295[%dma_start3A_296, %dma_start3A_297] : memref<80x128xf32, #tpu.memory_space<vmem>> -> memref<64x128xf32, #tpu.memory_space<vmem>>
        %dma_start3A_299 = arith.constant 0 : i32
        %dma_start3A_300 = tpu.memref_slice %arg10[%add3A_284, %dma_start3A_299] : memref<10000x128xf32, #tpu.memory_space<vmem_shared>> -> memref<64x128xf32, #tpu.memory_space<vmem_shared>>
        %dma_start3A_301 = arith.constant 0 : i32
        %dma_start3A_302 = tpu.memref_slice %arg10[%add3A_284, %dma_start3A_301] : memref<10000x128xf32, #tpu.memory_space<vmem_shared>> -> memref<64x128xf32, #tpu.memory_space<vmem_shared>>
        %dma_start3A_303 = arith.constant 0 : i32
        %dma_start3A_304 = arith.constant 0 : i32
        %dma_start3A_305 = tpu.memref_slice %arg9[%run_scoped3A_285, %dma_start3A_303, %dma_start3A_304] : memref<3x80x128xf32, #tpu.memory_space<vmem>> -> memref<1x80x128xf32, #tpu.memory_space<vmem>>
        %dma_start3A_306 = tpu.memref_squeeze %dma_start3A_305 : memref<1x80x128xf32, #tpu.memory_space<vmem>> -> memref<80x128xf32, #tpu.memory_space<vmem>>
        %dma_start3A_307 = arith.constant 0 : i32
        %dma_start3A_308 = arith.constant 0 : i32
        %dma_start3A_309 = tpu.memref_slice %dma_start3A_306[%dma_start3A_307, %dma_start3A_308] : memref<80x128xf32, #tpu.memory_space<vmem>> -> memref<64x128xf32, #tpu.memory_space<vmem>>
        tpu.enqueue_dma source(%dma_start3A_309 : memref<64x128xf32, #tpu.memory_space<vmem>>) target(%dma_start3A_302 : memref<64x128xf32, #tpu.memory_space<vmem_shared>>) target_semaphore(%run_scoped3A_291 : memref<!tpu.dma_semaphore, #tpu.memory_space<semaphore_mem>>)
        %dma_wait3A_310 = arith.constant 0 : i32
        %dma_wait3A_311 = arith.constant 0 : i32
        %dma_wait3A_312 = tpu.memref_slice %arg9[%run_scoped3A_285, %dma_wait3A_310, %dma_wait3A_311] : memref<3x80x128xf32, #tpu.memory_space<vmem>> -> memref<1x80x128xf32, #tpu.memory_space<vmem>>
        %dma_wait3A_313 = tpu.memref_squeeze %dma_wait3A_312 : memref<1x80x128xf32, #tpu.memory_space<vmem>> -> memref<80x128xf32, #tpu.memory_space<vmem>>
        %dma_wait3A_314 = arith.constant 0 : i32
        %dma_wait3A_315 = arith.constant 0 : i32
        %dma_wait3A_316 = tpu.memref_slice %dma_wait3A_313[%dma_wait3A_314, %dma_wait3A_315] : memref<80x128xf32, #tpu.memory_space<vmem>> -> memref<64x128xf32, #tpu.memory_space<vmem>>
        %dma_wait3A_317 = arith.constant 0 : i32
        %dma_wait3A_318 = tpu.memref_slice %arg10[%add3A_284, %dma_wait3A_317] : memref<10000x128xf32, #tpu.memory_space<vmem_shared>> -> memref<64x128xf32, #tpu.memory_space<vmem_shared>>
        %dma_wait3A_319 = arith.constant 0 : i32
        %dma_wait3A_320 = tpu.memref_slice %arg10[%add3A_284, %dma_wait3A_319] : memref<10000x128xf32, #tpu.memory_space<vmem_shared>> -> memref<64x128xf32, #tpu.memory_space<vmem_shared>>
        %dma_wait3A_321 = arith.constant 0 : i32
        %dma_wait3A_322 = arith.constant 0 : i32
        %dma_wait3A_323 = tpu.memref_slice %arg9[%run_scoped3A_285, %dma_wait3A_321, %dma_wait3A_322] : memref<3x80x128xf32, #tpu.memory_space<vmem>> -> memref<1x80x128xf32, #tpu.memory_space<vmem>>
        %dma_wait3A_324 = tpu.memref_squeeze %dma_wait3A_323 : memref<1x80x128xf32, #tpu.memory_space<vmem>> -> memref<80x128xf32, #tpu.memory_space<vmem>>
        %dma_wait3A_325 = arith.constant 0 : i32
        %dma_wait3A_326 = arith.constant 0 : i32
        %dma_wait3A_327 = tpu.memref_slice %dma_wait3A_324[%dma_wait3A_325, %dma_wait3A_326] : memref<80x128xf32, #tpu.memory_space<vmem>> -> memref<64x128xf32, #tpu.memory_space<vmem>>
        tpu.wait_dma2 semaphore(%run_scoped3A_291 : memref<!tpu.dma_semaphore, #tpu.memory_space<semaphore_mem>>) src(%dma_wait3A_327 : memref<64x128xf32, #tpu.memory_space<vmem>>) dst(%dma_wait3A_320 : memref<64x128xf32, #tpu.memory_space<vmem_shared>>)
        tpu.yield
      }) : () -> ()
      %eq3A_286 = arith.constant 15 : i32
      %eq3A_287 = arith.cmpi eq, %arg1, %eq3A_286 : i32
      %convert_element_type3A_288 = arith.extui %eq3A_287 : i1 to i32
      %cond3A_289 = arith.constant 0 : i32
      %cond3A_290 = arith.cmpi ne, %convert_element_type3A_288, %cond3A_289 : i32
      scf.if %cond3A_290 {
        %run_scoped3A_291 = arith.constant 0 : i32
        "tpu.region"() ({
          %run_scoped3A_292 = tpu.sem_alloc : memref<!tpu.dma_semaphore, #tpu.memory_space<semaphore_mem>>
          %dma_start3A_293 = arith.constant 0 : i32
          %dma_start3A_294 = arith.constant 0 : i32
          %dma_start3A_295 = tpu.memref_slice %arg9[%run_scoped3A_291, %dma_start3A_293, %dma_start3A_294] : memref<3x80x128xf32, #tpu.memory_space<vmem>> -> memref<1x80x128xf32, #tpu.memory_space<vmem>>
          %dma_start3A_296 = tpu.memref_squeeze %dma_start3A_295 : memref<1x80x128xf32, #tpu.memory_space<vmem>> -> memref<80x128xf32, #tpu.memory_space<vmem>>
          %dma_start3A_297 = arith.constant 0 : i32
          %dma_start3A_298 = arith.constant 0 : i32
          %dma_start3A_299 = tpu.memref_slice %dma_start3A_296[%dma_start3A_297, %dma_start3A_298] : memref<80x128xf32, #tpu.memory_space<vmem>> -> memref<16x128xf32, #tpu.memory_space<vmem>>
          %dma_start3A_300 = arith.constant 9984 : i32
          %dma_start3A_301 = arith.constant 0 : i32
          %dma_start3A_302 = tpu.memref_slice %arg10[%dma_start3A_300, %dma_start3A_301] : memref<10000x128xf32, #tpu.memory_space<vmem_shared>> -> memref<16x128xf32, #tpu.memory_space<vmem_shared>>
          %dma_start3A_303 = arith.constant 9984 : i32
          %dma_start3A_304 = arith.constant 0 : i32
          %dma_start3A_305 = tpu.memref_slice %arg10[%dma_start3A_303, %dma_start3A_304] : memref<10000x128xf32, #tpu.memory_space<vmem_shared>> -> memref<16x128xf32, #tpu.memory_space<vmem_shared>>
          %dma_start3A_306 = arith.constant 0 : i32
          %dma_start3A_307 = arith.constant 0 : i32
          %dma_start3A_308 = tpu.memref_slice %arg9[%run_scoped3A_291, %dma_start3A_306, %dma_start3A_307] : memref<3x80x128xf32, #tpu.memory_space<vmem>> -> memref<1x80x128xf32, #tpu.memory_space<vmem>>
          %dma_start3A_309 = tpu.memref_squeeze %dma_start3A_308 : memref<1x80x128xf32, #tpu.memory_space<vmem>> -> memref<80x128xf32, #tpu.memory_space<vmem>>
          %dma_start3A_310 = arith.constant 0 : i32
          %dma_start3A_311 = arith.constant 0 : i32
          %dma_start3A_312 = tpu.memref_slice %dma_start3A_309[%dma_start3A_310, %dma_start3A_311] : memref<80x128xf32, #tpu.memory_space<vmem>> -> memref<16x128xf32, #tpu.memory_space<vmem>>
          tpu.enqueue_dma source(%dma_start3A_312 : memref<16x128xf32, #tpu.memory_space<vmem>>) target(%dma_start3A_305 : memref<16x128xf32, #tpu.memory_space<vmem_shared>>) target_semaphore(%run_scoped3A_292 : memref<!tpu.dma_semaphore, #tpu.memory_space<semaphore_mem>>)
          %dma_wait3A_313 = arith.constant 0 : i32
          %dma_wait3A_314 = arith.constant 0 : i32
          %dma_wait3A_315 = tpu.memref_slice %arg9[%run_scoped3A_291, %dma_wait3A_313, %dma_wait3A_314] : memref<3x80x128xf32, #tpu.memory_space<vmem>> -> memref<1x80x128xf32, #tpu.memory_space<vmem>>
          %dma_wait3A_316 = tpu.memref_squeeze %dma_wait3A_315 : memref<1x80x128xf32, #tpu.memory_space<vmem>> -> memref<80x128xf32, #tpu.memory_space<vmem>>
          %dma_wait3A_317 = arith.constant 0 : i32
          %dma_wait3A_318 = arith.constant 0 : i32
          %dma_wait3A_319 = tpu.memref_slice %dma_wait3A_316[%dma_wait3A_317, %dma_wait3A_318] : memref<80x128xf32, #tpu.memory_space<vmem>> -> memref<16x128xf32, #tpu.memory_space<vmem>>
          %dma_wait3A_320 = arith.constant 9984 : i32
          %dma_wait3A_321 = arith.constant 0 : i32
          %dma_wait3A_322 = tpu.memref_slice %arg10[%dma_wait3A_320, %dma_wait3A_321] : memref<10000x128xf32, #tpu.memory_space<vmem_shared>> -> memref<16x128xf32, #tpu.memory_space<vmem_shared>>
          %dma_wait3A_323 = arith.constant 9984 : i32
          %dma_wait3A_324 = arith.constant 0 : i32
          %dma_wait3A_325 = tpu.memref_slice %arg10[%dma_wait3A_323, %dma_wait3A_324] : memref<10000x128xf32, #tpu.memory_space<vmem_shared>> -> memref<16x128xf32, #tpu.memory_space<vmem_shared>>
          %dma_wait3A_326 = arith.constant 0 : i32
          %dma_wait3A_327 = arith.constant 0 : i32
          %dma_wait3A_328 = tpu.memref_slice %arg9[%run_scoped3A_291, %dma_wait3A_326, %dma_wait3A_327] : memref<3x80x128xf32, #tpu.memory_space<vmem>> -> memref<1x80x128xf32, #tpu.memory_space<vmem>>
          %dma_wait3A_329 = tpu.memref_squeeze %dma_wait3A_328 : memref<1x80x128xf32, #tpu.memory_space<vmem>> -> memref<80x128xf32, #tpu.memory_space<vmem>>
          %dma_wait3A_330 = arith.constant 0 : i32
          %dma_wait3A_331 = arith.constant 0 : i32
          %dma_wait3A_332 = tpu.memref_slice %dma_wait3A_329[%dma_wait3A_330, %dma_wait3A_331] : memref<80x128xf32, #tpu.memory_space<vmem>> -> memref<16x128xf32, #tpu.memory_space<vmem>>
          tpu.wait_dma2 semaphore(%run_scoped3A_292 : memref<!tpu.dma_semaphore, #tpu.memory_space<semaphore_mem>>) src(%dma_wait3A_332 : memref<16x128xf32, #tpu.memory_space<vmem>>) dst(%dma_wait3A_325 : memref<16x128xf32, #tpu.memory_space<vmem_shared>>)
          tpu.yield
        }) : () -> ()
      } else {
      }
    } else {
    }
    %barrier3A = arith.constant 0 : index
    tpu.barrier barrier_id(%barrier3A)
    %broadcast_in_dim3A = arith.constant 0.000000e+00 : f32
    %broadcast_in_dim3A_7 = vector.broadcast %broadcast_in_dim3A : f32 to vector<16xf32>
    %broadcast_in_dim3A_8 = arith.constant 1.000000e+00 : f32
    %broadcast_in_dim3A_9 = vector.broadcast %broadcast_in_dim3A_8 : f32 to vector<16xf32>
    %scan3A = arith.constant 0 : i32
    %scan3A_10 = arith.constant 0 : i32
    %scan3A_11 = arith.constant 625 : i32
    %scan3A_12 = arith.addi %scan3A_10, %scan3A_11 : i32
    %scan3A_13 = arith.constant 1 : i32
    %scan3A_14 = scf.for %scan3A_238 = %scan3A_10 to %scan3A_12 step %scan3A_13 iter_args(%scan3A_239 = %scan3A) -> (i32)  : i32 {
      %mul3A_240 = arith.constant 16 : i32
      %mul3A_241 = arith.muli %scan3A_238, %mul3A_240 : i32
      %swap3A = arith.index_cast %mul3A_241 : i32 to index
      %swap3A_242 = tpu.vector_load %arg11[%swap3A] {strides = array<i32>} : memref<10000xf32, #tpu.memory_space<vmem>>, vector<16xf32>,
      tpu.vector_store %arg11[%swap3A], %broadcast_in_dim3A_7 {strides = array<i32>} : memref<10000xf32, #tpu.memory_space<vmem>>, vector<16xf32>,
      %scan3A_243 = arith.constant 0 : i32
      scf.yield %scan3A_243 : i32
    }
    %scan3A_15 = arith.constant 625 : i32
    %rem3A = arith.constant 0 : i32
    %rem3A_16 = arith.constant 5 : i32
    %rem3A_17 = arith.remsi %rem3A, %rem3A_16 : i32
    %dma_start3A = arith.constant 0 : i32
    %dma_start3A_18 = arith.constant 0 : i32
    %dma_start3A_19 = tpu.memref_slice %arg7[%rem3A_17, %dma_start3A_18] : memref<5x80xi32, #tpu.memory_space<vmem>> -> memref<1x80xi32, #tpu.memory_space<vmem>>
    %dma_start3A_20 = tpu.memref_squeeze %dma_start3A_19 : memref<1x80xi32, #tpu.memory_space<vmem>> -> memref<80xi32, #tpu.memory_space<vmem>>
    %dma_start3A_21 = arith.constant 0 : i32
    %dma_start3A_22 = tpu.memref_slice %arg3[%add3A, %dma_start3A, %dma_start3A_21] : memref<32x125x80xi32, #tpu.memory_space<hbm>> -> memref<1x1x80xi32, #tpu.memory_space<hbm>>
    %dma_start3A_23 = tpu.memref_squeeze %dma_start3A_22 : memref<1x1x80xi32, #tpu.memory_space<hbm>> -> memref<80xi32, #tpu.memory_space<hbm>>
    %dma_start3A_24 = arith.constant 0 : i32
    %dma_start3A_25 = tpu.memref_slice %arg7[%rem3A_17, %dma_start3A_24] : memref<5x80xi32, #tpu.memory_space<vmem>> -> memref<1x80xi32, #tpu.memory_space<vmem>>
    %dma_start3A_26 = tpu.memref_squeeze %dma_start3A_25 : memref<1x80xi32, #tpu.memory_space<vmem>> -> memref<80xi32, #tpu.memory_space<vmem>>
    %dma_start3A_27 = arith.constant 0 : i32
    %dma_start3A_28 = tpu.memref_slice %arg3[%add3A, %dma_start3A, %dma_start3A_27] : memref<32x125x80xi32, #tpu.memory_space<hbm>> -> memref<1x1x80xi32, #tpu.memory_space<hbm>>
    %dma_start3A_29 = tpu.memref_squeeze %dma_start3A_28 : memref<1x1x80xi32, #tpu.memory_space<hbm>> -> memref<80xi32, #tpu.memory_space<hbm>>
    tpu.enqueue_dma source(%dma_start3A_29 : memref<80xi32, #tpu.memory_space<hbm>>) target(%dma_start3A_26 : memref<80xi32, #tpu.memory_space<vmem>>) target_semaphore(%arg13 : memref<!tpu.dma_semaphore, #tpu.memory_space<semaphore_mem>>)
    %dma_start3A_30 = arith.constant 0 : i32
    %dma_start3A_31 = arith.constant 0 : i32
    %dma_start3A_32 = tpu.memref_slice %arg8[%rem3A_17, %dma_start3A_31] : memref<5x80xi32, #tpu.memory_space<vmem>> -> memref<1x80xi32, #tpu.memory_space<vmem>>
    %dma_start3A_33 = tpu.memref_squeeze %dma_start3A_32 : memref<1x80xi32, #tpu.memory_space<vmem>> -> memref<80xi32, #tpu.memory_space<vmem>>
    %dma_start3A_34 = arith.constant 0 : i32
    %dma_start3A_35 = tpu.memref_slice %arg4[%add3A, %dma_start3A_30, %dma_start3A_34] : memref<32x125x80xi32, #tpu.memory_space<hbm>> -> memref<1x1x80xi32, #tpu.memory_space<hbm>>
    %dma_start3A_36 = tpu.memref_squeeze %dma_start3A_35 : memref<1x1x80xi32, #tpu.memory_space<hbm>> -> memref<80xi32, #tpu.memory_space<hbm>>
    %dma_start3A_37 = arith.constant 0 : i32
    %dma_start3A_38 = tpu.memref_slice %arg8[%rem3A_17, %dma_start3A_37] : memref<5x80xi32, #tpu.memory_space<vmem>> -> memref<1x80xi32, #tpu.memory_space<vmem>>
    %dma_start3A_39 = tpu.memref_squeeze %dma_start3A_38 : memref<1x80xi32, #tpu.memory_space<vmem>> -> memref<80xi32, #tpu.memory_space<vmem>>
    %dma_start3A_40 = arith.constant 0 : i32
    %dma_start3A_41 = tpu.memref_slice %arg4[%add3A, %dma_start3A_30, %dma_start3A_40] : memref<32x125x80xi32, #tpu.memory_space<hbm>> -> memref<1x1x80xi32, #tpu.memory_space<hbm>>
    %dma_start3A_42 = tpu.memref_squeeze %dma_start3A_41 : memref<1x1x80xi32, #tpu.memory_space<hbm>> -> memref<80xi32, #tpu.memory_space<hbm>>
    tpu.enqueue_dma source(%dma_start3A_42 : memref<80xi32, #tpu.memory_space<hbm>>) target(%dma_start3A_39 : memref<80xi32, #tpu.memory_space<vmem>>) target_semaphore(%arg13 : memref<!tpu.dma_semaphore, #tpu.memory_space<semaphore_mem>>)
    %rem3A_43 = arith.constant 1 : i32
    %rem3A_44 = arith.constant 5 : i32
    %rem3A_45 = arith.remsi %rem3A_43, %rem3A_44 : i32
    %dma_start3A_46 = arith.constant 1 : i32
    %dma_start3A_47 = arith.constant 0 : i32
    %dma_start3A_48 = tpu.memref_slice %arg7[%rem3A_45, %dma_start3A_47] : memref<5x80xi32, #tpu.memory_space<vmem>> -> memref<1x80xi32, #tpu.memory_space<vmem>>
    %dma_start3A_49 = tpu.memref_squeeze %dma_start3A_48 : memref<1x80xi32, #tpu.memory_space<vmem>> -> memref<80xi32, #tpu.memory_space<vmem>>
    %dma_start3A_50 = arith.constant 0 : i32
    %dma_start3A_51 = tpu.memref_slice %arg3[%add3A, %dma_start3A_46, %dma_start3A_50] : memref<32x125x80xi32, #tpu.memory_space<hbm>> -> memref<1x1x80xi32, #tpu.memory_space<hbm>>
    %dma_start3A_52 = tpu.memref_squeeze %dma_start3A_51 : memref<1x1x80xi32, #tpu.memory_space<hbm>> -> memref<80xi32, #tpu.memory_space<hbm>>
    %dma_start3A_53 = arith.constant 0 : i32
    %dma_start3A_54 = tpu.memref_slice %arg7[%rem3A_45, %dma_start3A_53] : memref<5x80xi32, #tpu.memory_space<vmem>> -> memref<1x80xi32, #tpu.memory_space<vmem>>
    %dma_start3A_55 = tpu.memref_squeeze %dma_start3A_54 : memref<1x80xi32, #tpu.memory_space<vmem>> -> memref<80xi32, #tpu.memory_space<vmem>>
    %dma_start3A_56 = arith.constant 0 : i32
    %dma_start3A_57 = tpu.memref_slice %arg3[%add3A, %dma_start3A_46, %dma_start3A_56] : memref<32x125x80xi32, #tpu.memory_space<hbm>> -> memref<1x1x80xi32, #tpu.memory_space<hbm>>
    %dma_start3A_58 = tpu.memref_squeeze %dma_start3A_57 : memref<1x1x80xi32, #tpu.memory_space<hbm>> -> memref<80xi32, #tpu.memory_space<hbm>>
    tpu.enqueue_dma source(%dma_start3A_58 : memref<80xi32, #tpu.memory_space<hbm>>) target(%dma_start3A_55 : memref<80xi32, #tpu.memory_space<vmem>>) target_semaphore(%arg13 : memref<!tpu.dma_semaphore, #tpu.memory_space<semaphore_mem>>)
    %dma_start3A_59 = arith.constant 1 : i32
    %dma_start3A_60 = arith.constant 0 : i32
    %dma_start3A_61 = tpu.memref_slice %arg8[%rem3A_45, %dma_start3A_60] : memref<5x80xi32, #tpu.memory_space<vmem>> -> memref<1x80xi32, #tpu.memory_space<vmem>>
    %dma_start3A_62 = tpu.memref_squeeze %dma_start3A_61 : memref<1x80xi32, #tpu.memory_space<vmem>> -> memref<80xi32, #tpu.memory_space<vmem>>
    %dma_start3A_63 = arith.constant 0 : i32
    %dma_start3A_64 = tpu.memref_slice %arg4[%add3A, %dma_start3A_59, %dma_start3A_63] : memref<32x125x80xi32, #tpu.memory_space<hbm>> -> memref<1x1x80xi32, #tpu.memory_space<hbm>>
    %dma_start3A_65 = tpu.memref_squeeze %dma_start3A_64 : memref<1x1x80xi32, #tpu.memory_space<hbm>> -> memref<80xi32, #tpu.memory_space<hbm>>
    %dma_start3A_66 = arith.constant 0 : i32
    %dma_start3A_67 = tpu.memref_slice %arg8[%rem3A_45, %dma_start3A_66] : memref<5x80xi32, #tpu.memory_space<vmem>> -> memref<1x80xi32, #tpu.memory_space<vmem>>
    %dma_start3A_68 = tpu.memref_squeeze %dma_start3A_67 : memref<1x80xi32, #tpu.memory_space<vmem>> -> memref<80xi32, #tpu.memory_space<vmem>>
    %dma_start3A_69 = arith.constant 0 : i32
    %dma_start3A_70 = tpu.memref_slice %arg4[%add3A, %dma_start3A_59, %dma_start3A_69] : memref<32x125x80xi32, #tpu.memory_space<hbm>> -> memref<1x1x80xi32, #tpu.memory_space<hbm>>
    %dma_start3A_71 = tpu.memref_squeeze %dma_start3A_70 : memref<1x1x80xi32, #tpu.memory_space<hbm>> -> memref<80xi32, #tpu.memory_space<hbm>>
    tpu.enqueue_dma source(%dma_start3A_71 : memref<80xi32, #tpu.memory_space<hbm>>) target(%dma_start3A_68 : memref<80xi32, #tpu.memory_space<vmem>>) target_semaphore(%arg13 : memref<!tpu.dma_semaphore, #tpu.memory_space<semaphore_mem>>)
    %rem3A_72 = arith.constant 2 : i32
    %rem3A_73 = arith.constant 5 : i32
    %rem3A_74 = arith.remsi %rem3A_72, %rem3A_73 : i32
    %dma_start3A_75 = arith.constant 2 : i32
    %dma_start3A_76 = arith.constant 0 : i32
    %dma_start3A_77 = tpu.memref_slice %arg7[%rem3A_74, %dma_start3A_76] : memref<5x80xi32, #tpu.memory_space<vmem>> -> memref<1x80xi32, #tpu.memory_space<vmem>>
    %dma_start3A_78 = tpu.memref_squeeze %dma_start3A_77 : memref<1x80xi32, #tpu.memory_space<vmem>> -> memref<80xi32, #tpu.memory_space<vmem>>
    %dma_start3A_79 = arith.constant 0 : i32
    %dma_start3A_80 = tpu.memref_slice %arg3[%add3A, %dma_start3A_75, %dma_start3A_79] : memref<32x125x80xi32, #tpu.memory_space<hbm>> -> memref<1x1x80xi32, #tpu.memory_space<hbm>>
    %dma_start3A_81 = tpu.memref_squeeze %dma_start3A_80 : memref<1x1x80xi32, #tpu.memory_space<hbm>> -> memref<80xi32, #tpu.memory_space<hbm>>
    %dma_start3A_82 = arith.constant 0 : i32
    %dma_start3A_83 = tpu.memref_slice %arg7[%rem3A_74, %dma_start3A_82] : memref<5x80xi32, #tpu.memory_space<vmem>> -> memref<1x80xi32, #tpu.memory_space<vmem>>
    %dma_start3A_84 = tpu.memref_squeeze %dma_start3A_83 : memref<1x80xi32, #tpu.memory_space<vmem>> -> memref<80xi32, #tpu.memory_space<vmem>>
    %dma_start3A_85 = arith.constant 0 : i32
    %dma_start3A_86 = tpu.memref_slice %arg3[%add3A, %dma_start3A_75, %dma_start3A_85] : memref<32x125x80xi32, #tpu.memory_space<hbm>> -> memref<1x1x80xi32, #tpu.memory_space<hbm>>
    %dma_start3A_87 = tpu.memref_squeeze %dma_start3A_86 : memref<1x1x80xi32, #tpu.memory_space<hbm>> -> memref<80xi32, #tpu.memory_space<hbm>>
    tpu.enqueue_dma source(%dma_start3A_87 : memref<80xi32, #tpu.memory_space<hbm>>) target(%dma_start3A_84 : memref<80xi32, #tpu.memory_space<vmem>>) target_semaphore(%arg13 : memref<!tpu.dma_semaphore, #tpu.memory_space<semaphore_mem>>)
    %dma_start3A_88 = arith.constant 2 : i32
    %dma_start3A_89 = arith.constant 0 : i32
    %dma_start3A_90 = tpu.memref_slice %arg8[%rem3A_74, %dma_start3A_89] : memref<5x80xi32, #tpu.memory_space<vmem>> -> memref<1x80xi32, #tpu.memory_space<vmem>>
    %dma_start3A_91 = tpu.memref_squeeze %dma_start3A_90 : memref<1x80xi32, #tpu.memory_space<vmem>> -> memref<80xi32, #tpu.memory_space<vmem>>
    %dma_start3A_92 = arith.constant 0 : i32
    %dma_start3A_93 = tpu.memref_slice %arg4[%add3A, %dma_start3A_88, %dma_start3A_92] : memref<32x125x80xi32, #tpu.memory_space<hbm>> -> memref<1x1x80xi32, #tpu.memory_space<hbm>>
    %dma_start3A_94 = tpu.memref_squeeze %dma_start3A_93 : memref<1x1x80xi32, #tpu.memory_space<hbm>> -> memref<80xi32, #tpu.memory_space<hbm>>
    %dma_start3A_95 = arith.constant 0 : i32
    %dma_start3A_96 = tpu.memref_slice %arg8[%rem3A_74, %dma_start3A_95] : memref<5x80xi32, #tpu.memory_space<vmem>> -> memref<1x80xi32, #tpu.memory_space<vmem>>
    %dma_start3A_97 = tpu.memref_squeeze %dma_start3A_96 : memref<1x80xi32, #tpu.memory_space<vmem>> -> memref<80xi32, #tpu.memory_space<vmem>>
    %dma_start3A_98 = arith.constant 0 : i32
    %dma_start3A_99 = tpu.memref_slice %arg4[%add3A, %dma_start3A_88, %dma_start3A_98] : memref<32x125x80xi32, #tpu.memory_space<hbm>> -> memref<1x1x80xi32, #tpu.memory_space<hbm>>
    %dma_start3A_100 = tpu.memref_squeeze %dma_start3A_99 : memref<1x1x80xi32, #tpu.memory_space<hbm>> -> memref<80xi32, #tpu.memory_space<hbm>>
    tpu.enqueue_dma source(%dma_start3A_100 : memref<80xi32, #tpu.memory_space<hbm>>) target(%dma_start3A_97 : memref<80xi32, #tpu.memory_space<vmem>>) target_semaphore(%arg13 : memref<!tpu.dma_semaphore, #tpu.memory_space<semaphore_mem>>)
    %rem3A_101 = arith.constant 3 : i32
    %rem3A_102 = arith.constant 5 : i32
    %rem3A_103 = arith.remsi %rem3A_101, %rem3A_102 : i32
    %dma_start3A_104 = arith.constant 3 : i32
    %dma_start3A_105 = arith.constant 0 : i32
    %dma_start3A_106 = tpu.memref_slice %arg7[%rem3A_103, %dma_start3A_105] : memref<5x80xi32, #tpu.memory_space<vmem>> -> memref<1x80xi32, #tpu.memory_space<vmem>>
    %dma_start3A_107 = tpu.memref_squeeze %dma_start3A_106 : memref<1x80xi32, #tpu.memory_space<vmem>> -> memref<80xi32, #tpu.memory_space<vmem>>
    %dma_start3A_108 = arith.constant 0 : i32
    %dma_start3A_109 = tpu.memref_slice %arg3[%add3A, %dma_start3A_104, %dma_start3A_108] : memref<32x125x80xi32, #tpu.memory_space<hbm>> -> memref<1x1x80xi32, #tpu.memory_space<hbm>>
    %dma_start3A_110 = tpu.memref_squeeze %dma_start3A_109 : memref<1x1x80xi32, #tpu.memory_space<hbm>> -> memref<80xi32, #tpu.memory_space<hbm>>
    %dma_start3A_111 = arith.constant 0 : i32
    %dma_start3A_112 = tpu.memref_slice %arg7[%rem3A_103, %dma_start3A_111] : memref<5x80xi32, #tpu.memory_space<vmem>> -> memref<1x80xi32, #tpu.memory_space<vmem>>
    %dma_start3A_113 = tpu.memref_squeeze %dma_start3A_112 : memref<1x80xi32, #tpu.memory_space<vmem>> -> memref<80xi32, #tpu.memory_space<vmem>>
    %dma_start3A_114 = arith.constant 0 : i32
    %dma_start3A_115 = tpu.memref_slice %arg3[%add3A, %dma_start3A_104, %dma_start3A_114] : memref<32x125x80xi32, #tpu.memory_space<hbm>> -> memref<1x1x80xi32, #tpu.memory_space<hbm>>
    %dma_start3A_116 = tpu.memref_squeeze %dma_start3A_115 : memref<1x1x80xi32, #tpu.memory_space<hbm>> -> memref<80xi32, #tpu.memory_space<hbm>>
    tpu.enqueue_dma source(%dma_start3A_116 : memref<80xi32, #tpu.memory_space<hbm>>) target(%dma_start3A_113 : memref<80xi32, #tpu.memory_space<vmem>>) target_semaphore(%arg13 : memref<!tpu.dma_semaphore, #tpu.memory_space<semaphore_mem>>)
    %dma_start3A_117 = arith.constant 3 : i32
    %dma_start3A_118 = arith.constant 0 : i32
    %dma_start3A_119 = tpu.memref_slice %arg8[%rem3A_103, %dma_start3A_118] : memref<5x80xi32, #tpu.memory_space<vmem>> -> memref<1x80xi32, #tpu.memory_space<vmem>>
    %dma_start3A_120 = tpu.memref_squeeze %dma_start3A_119 : memref<1x80xi32, #tpu.memory_space<vmem>> -> memref<80xi32, #tpu.memory_space<vmem>>
    %dma_start3A_121 = arith.constant 0 : i32
    %dma_start3A_122 = tpu.memref_slice %arg4[%add3A, %dma_start3A_117, %dma_start3A_121] : memref<32x125x80xi32, #tpu.memory_space<hbm>> -> memref<1x1x80xi32, #tpu.memory_space<hbm>>
    %dma_start3A_123 = tpu.memref_squeeze %dma_start3A_122 : memref<1x1x80xi32, #tpu.memory_space<hbm>> -> memref<80xi32, #tpu.memory_space<hbm>>
    %dma_start3A_124 = arith.constant 0 : i32
    %dma_start3A_125 = tpu.memref_slice %arg8[%rem3A_103, %dma_start3A_124] : memref<5x80xi32, #tpu.memory_space<vmem>> -> memref<1x80xi32, #tpu.memory_space<vmem>>
    %dma_start3A_126 = tpu.memref_squeeze %dma_start3A_125 : memref<1x80xi32, #tpu.memory_space<vmem>> -> memref<80xi32, #tpu.memory_space<vmem>>
    %dma_start3A_127 = arith.constant 0 : i32
    %dma_start3A_128 = tpu.memref_slice %arg4[%add3A, %dma_start3A_117, %dma_start3A_127] : memref<32x125x80xi32, #tpu.memory_space<hbm>> -> memref<1x1x80xi32, #tpu.memory_space<hbm>>
    %dma_start3A_129 = tpu.memref_squeeze %dma_start3A_128 : memref<1x1x80xi32, #tpu.memory_space<hbm>> -> memref<80xi32, #tpu.memory_space<hbm>>
    tpu.enqueue_dma source(%dma_start3A_129 : memref<80xi32, #tpu.memory_space<hbm>>) target(%dma_start3A_126 : memref<80xi32, #tpu.memory_space<vmem>>) target_semaphore(%arg13 : memref<!tpu.dma_semaphore, #tpu.memory_space<semaphore_mem>>)
    %rem3A_130 = arith.constant 0 : i32
    %rem3A_131 = arith.constant 5 : i32
    %rem3A_132 = arith.remsi %rem3A_130, %rem3A_131 : i32
    %dma_wait3A = arith.constant 0 : i32
    %dma_wait3A_133 = arith.constant 0 : i32
    %dma_wait3A_134 = tpu.memref_slice %arg7[%rem3A_132, %dma_wait3A_133] : memref<5x80xi32, #tpu.memory_space<vmem>> -> memref<1x80xi32, #tpu.memory_space<vmem>>
    %dma_wait3A_135 = tpu.memref_squeeze %dma_wait3A_134 : memref<1x80xi32, #tpu.memory_space<vmem>> -> memref<80xi32, #tpu.memory_space<vmem>>
    %dma_wait3A_136 = arith.constant 0 : i32
    %dma_wait3A_137 = tpu.memref_slice %arg3[%add3A, %dma_wait3A, %dma_wait3A_136] : memref<32x125x80xi32, #tpu.memory_space<hbm>> -> memref<1x1x80xi32, #tpu.memory_space<hbm>>
    %dma_wait3A_138 = tpu.memref_squeeze %dma_wait3A_137 : memref<1x1x80xi32, #tpu.memory_space<hbm>> -> memref<80xi32, #tpu.memory_space<hbm>>
    %dma_wait3A_139 = arith.constant 0 : i32
    %dma_wait3A_140 = tpu.memref_slice %arg7[%rem3A_132, %dma_wait3A_139] : memref<5x80xi32, #tpu.memory_space<vmem>> -> memref<1x80xi32, #tpu.memory_space<vmem>>
    %dma_wait3A_141 = tpu.memref_squeeze %dma_wait3A_140 : memref<1x80xi32, #tpu.memory_space<vmem>> -> memref<80xi32, #tpu.memory_space<vmem>>
    %dma_wait3A_142 = arith.constant 0 : i32
    %dma_wait3A_143 = tpu.memref_slice %arg3[%add3A, %dma_wait3A, %dma_wait3A_142] : memref<32x125x80xi32, #tpu.memory_space<hbm>> -> memref<1x1x80xi32, #tpu.memory_space<hbm>>
    %dma_wait3A_144 = tpu.memref_squeeze %dma_wait3A_143 : memref<1x1x80xi32, #tpu.memory_space<hbm>> -> memref<80xi32, #tpu.memory_space<hbm>>
    tpu.wait_dma2 semaphore(%arg13 : memref<!tpu.dma_semaphore, #tpu.memory_space<semaphore_mem>>) src(%dma_wait3A_144 : memref<80xi32, #tpu.memory_space<hbm>>) dst(%dma_wait3A_141 : memref<80xi32, #tpu.memory_space<vmem>>)
    %dma_wait3A_145 = arith.constant 0 : i32
    %dma_wait3A_146 = arith.constant 0 : i32
    %dma_wait3A_147 = tpu.memref_slice %arg8[%rem3A_132, %dma_wait3A_146] : memref<5x80xi32, #tpu.memory_space<vmem>> -> memref<1x80xi32, #tpu.memory_space<vmem>>
    %dma_wait3A_148 = tpu.memref_squeeze %dma_wait3A_147 : memref<1x80xi32, #tpu.memory_space<vmem>> -> memref<80xi32, #tpu.memory_space<vmem>>
    %dma_wait3A_149 = arith.constant 0 : i32
    %dma_wait3A_150 = tpu.memref_slice %arg4[%add3A, %dma_wait3A_145, %dma_wait3A_149] : memref<32x125x80xi32, #tpu.memory_space<hbm>> -> memref<1x1x80xi32, #tpu.memory_space<hbm>>
    %dma_wait3A_151 = tpu.memref_squeeze %dma_wait3A_150 : memref<1x1x80xi32, #tpu.memory_space<hbm>> -> memref<80xi32, #tpu.memory_space<hbm>>
    %dma_wait3A_152 = arith.constant 0 : i32
    %dma_wait3A_153 = tpu.memref_slice %arg8[%rem3A_132, %dma_wait3A_152] : memref<5x80xi32, #tpu.memory_space<vmem>> -> memref<1x80xi32, #tpu.memory_space<vmem>>
    %dma_wait3A_154 = tpu.memref_squeeze %dma_wait3A_153 : memref<1x80xi32, #tpu.memory_space<vmem>> -> memref<80xi32, #tpu.memory_space<vmem>>
    %dma_wait3A_155 = arith.constant 0 : i32
    %dma_wait3A_156 = tpu.memref_slice %arg4[%add3A, %dma_wait3A_145, %dma_wait3A_155] : memref<32x125x80xi32, #tpu.memory_space<hbm>> -> memref<1x1x80xi32, #tpu.memory_space<hbm>>
    %dma_wait3A_157 = tpu.memref_squeeze %dma_wait3A_156 : memref<1x1x80xi32, #tpu.memory_space<hbm>> -> memref<80xi32, #tpu.memory_space<hbm>>
    tpu.wait_dma2 semaphore(%arg13 : memref<!tpu.dma_semaphore, #tpu.memory_space<semaphore_mem>>) src(%dma_wait3A_157 : memref<80xi32, #tpu.memory_space<hbm>>) dst(%dma_wait3A_154 : memref<80xi32, #tpu.memory_space<vmem>>)
    %rem3A_158 = arith.constant 0 : i32
    %rem3A_159 = arith.constant 5 : i32
    %rem3A_160 = arith.remsi %rem3A_158, %rem3A_159 : i32
    %rem3A_161 = arith.constant 0 : i32
    %rem3A_162 = arith.constant 3 : i32
    %rem3A_163 = arith.remsi %rem3A_161, %rem3A_162 : i32
    %dma_start3A_164 = arith.constant 0 : i32
    %dma_start3A_165 = arith.constant 0 : i32
    %dma_start3A_166 = tpu.memref_slice %arg9[%rem3A_163, %dma_start3A_164, %dma_start3A_165] : memref<3x80x128xf32, #tpu.memory_space<vmem>> -> memref<1x80x128xf32, #tpu.memory_space<vmem>>
    %dma_start3A_167 = tpu.memref_squeeze %dma_start3A_166 : memref<1x80x128xf32, #tpu.memory_space<vmem>> -> memref<80x128xf32, #tpu.memory_space<vmem>>
    %dma_start3A_168 = arith.constant 0 : i32
    %dma_start3A_169 = tpu.memref_slice %arg7[%rem3A_160, %dma_start3A_168] : memref<5x80xi32, #tpu.memory_space<vmem>> -> memref<1x80xi32, #tpu.memory_space<vmem>>
    %dma_start3A_170 = tpu.memref_squeeze %dma_start3A_169 : memref<1x80xi32, #tpu.memory_space<vmem>> -> memref<80xi32, #tpu.memory_space<vmem>>
    %dma_start3A_171 = arith.constant 0 : i32
    %dma_start3A_172 = arith.constant 0 : i32
    %dma_start3A_173 = tpu.memref_slice %arg2[%dma_start3A_171, %dma_start3A_172] : memref<10000x128xf32, #tpu.memory_space<hbm>> -> memref<10000x128xf32, #tpu.memory_space<hbm>>
    tpu.enqueue_indirect_dma source(%dma_start3A_173 : memref<10000x128xf32, #tpu.memory_space<hbm>>) target(%dma_start3A_167 : memref<80x128xf32, #tpu.memory_space<vmem>>) offsets(%dma_start3A_170 : memref<80xi32, #tpu.memory_space<vmem>>) semaphore(%arg12 : memref<!tpu.dma_semaphore, #tpu.memory_space<semaphore_mem>>)
    %rem3A_174 = arith.constant 1 : i32
    %rem3A_175 = arith.constant 5 : i32
    %rem3A_176 = arith.remsi %rem3A_174, %rem3A_175 : i32
    %dma_wait3A_177 = arith.constant 1 : i32
    %dma_wait3A_178 = arith.constant 0 : i32
    %dma_wait3A_179 = tpu.memref_slice %arg7[%rem3A_176, %dma_wait3A_178] : memref<5x80xi32, #tpu.memory_space<vmem>> -> memref<1x80xi32, #tpu.memory_space<vmem>>
    %dma_wait3A_180 = tpu.memref_squeeze %dma_wait3A_179 : memref<1x80xi32, #tpu.memory_space<vmem>> -> memref<80xi32, #tpu.memory_space<vmem>>
    %dma_wait3A_181 = arith.constant 0 : i32
    %dma_wait3A_182 = tpu.memref_slice %arg3[%add3A, %dma_wait3A_177, %dma_wait3A_181] : memref<32x125x80xi32, #tpu.memory_space<hbm>> -> memref<1x1x80xi32, #tpu.memory_space<hbm>>
    %dma_wait3A_183 = tpu.memref_squeeze %dma_wait3A_182 : memref<1x1x80xi32, #tpu.memory_space<hbm>> -> memref<80xi32, #tpu.memory_space<hbm>>
    %dma_wait3A_184 = arith.constant 0 : i32
    %dma_wait3A_185 = tpu.memref_slice %arg7[%rem3A_176, %dma_wait3A_184] : memref<5x80xi32, #tpu.memory_space<vmem>> -> memref<1x80xi32, #tpu.memory_space<vmem>>
    %dma_wait3A_186 = tpu.memref_squeeze %dma_wait3A_185 : memref<1x80xi32, #tpu.memory_space<vmem>> -> memref<80xi32, #tpu.memory_space<vmem>>
    %dma_wait3A_187 = arith.constant 0 : i32
    %dma_wait3A_188 = tpu.memref_slice %arg3[%add3A, %dma_wait3A_177, %dma_wait3A_187] : memref<32x125x80xi32, #tpu.memory_space<hbm>> -> memref<1x1x80xi32, #tpu.memory_space<hbm>>
    %dma_wait3A_189 = tpu.memref_squeeze %dma_wait3A_188 : memref<1x1x80xi32, #tpu.memory_space<hbm>> -> memref<80xi32, #tpu.memory_space<hbm>>
    tpu.wait_dma2 semaphore(%arg13 : memref<!tpu.dma_semaphore, #tpu.memory_space<semaphore_mem>>) src(%dma_wait3A_189 : memref<80xi32, #tpu.memory_space<hbm>>) dst(%dma_wait3A_186 : memref<80xi32, #tpu.memory_space<vmem>>)
    %dma_wait3A_190 = arith.constant 1 : i32
    %dma_wait3A_191 = arith.constant 0 : i32
    %dma_wait3A_192 = tpu.memref_slice %arg8[%rem3A_176, %dma_wait3A_191] : memref<5x80xi32, #tpu.memory_space<vmem>> -> memref<1x80xi32, #tpu.memory_space<vmem>>
    %dma_wait3A_193 = tpu.memref_squeeze %dma_wait3A_192 : memref<1x80xi32, #tpu.memory_space<vmem>> -> memref<80xi32, #tpu.memory_space<vmem>>
    %dma_wait3A_194 = arith.constant 0 : i32
    %dma_wait3A_195 = tpu.memref_slice %arg4[%add3A, %dma_wait3A_190, %dma_wait3A_194] : memref<32x125x80xi32, #tpu.memory_space<hbm>> -> memref<1x1x80xi32, #tpu.memory_space<hbm>>
    %dma_wait3A_196 = tpu.memref_squeeze %dma_wait3A_195 : memref<1x1x80xi32, #tpu.memory_space<hbm>> -> memref<80xi32, #tpu.memory_space<hbm>>
    %dma_wait3A_197 = arith.constant 0 : i32
    %dma_wait3A_198 = tpu.memref_slice %arg8[%rem3A_176, %dma_wait3A_197] : memref<5x80xi32, #tpu.memory_space<vmem>> -> memref<1x80xi32, #tpu.memory_space<vmem>>
    %dma_wait3A_199 = tpu.memref_squeeze %dma_wait3A_198 : memref<1x80xi32, #tpu.memory_space<vmem>> -> memref<80xi32, #tpu.memory_space<vmem>>
    %dma_wait3A_200 = arith.constant 0 : i32
    %dma_wait3A_201 = tpu.memref_slice %arg4[%add3A, %dma_wait3A_190, %dma_wait3A_200] : memref<32x125x80xi32, #tpu.memory_space<hbm>> -> memref<1x1x80xi32, #tpu.memory_space<hbm>>
    %dma_wait3A_202 = tpu.memref_squeeze %dma_wait3A_201 : memref<1x1x80xi32, #tpu.memory_space<hbm>> -> memref<80xi32, #tpu.memory_space<hbm>>
    tpu.wait_dma2 semaphore(%arg13 : memref<!tpu.dma_semaphore, #tpu.memory_space<semaphore_mem>>) src(%dma_wait3A_202 : memref<80xi32, #tpu.memory_space<hbm>>) dst(%dma_wait3A_199 : memref<80xi32, #tpu.memory_space<vmem>>)
    %rem3A_203 = arith.constant 1 : i32
    %rem3A_204 = arith.constant 5 : i32
    %rem3A_205 = arith.remsi %rem3A_203, %rem3A_204 : i32
    %rem3A_206 = arith.constant 1 : i32
    %rem3A_207 = arith.constant 3 : i32
    %rem3A_208 = arith.remsi %rem3A_206, %rem3A_207 : i32
    %dma_start3A_209 = arith.constant 0 : i32
    %dma_start3A_210 = arith.constant 0 : i32
    %dma_start3A_211 = tpu.memref_slice %arg9[%rem3A_208, %dma_start3A_209, %dma_start3A_210] : memref<3x80x128xf32, #tpu.memory_space<vmem>> -> memref<1x80x128xf32, #tpu.memory_space<vmem>>
    %dma_start3A_212 = tpu.memref_squeeze %dma_start3A_211 : memref<1x80x128xf32, #tpu.memory_space<vmem>> -> memref<80x128xf32, #tpu.memory_space<vmem>>
    %dma_start3A_213 = arith.constant 0 : i32
    %dma_start3A_214 = tpu.memref_slice %arg7[%rem3A_205, %dma_start3A_213] : memref<5x80xi32, #tpu.memory_space<vmem>> -> memref<1x80xi32, #tpu.memory_space<vmem>>
    %dma_start3A_215 = tpu.memref_squeeze %dma_start3A_214 : memref<1x80xi32, #tpu.memory_space<vmem>> -> memref<80xi32, #tpu.memory_space<vmem>>
    %dma_start3A_216 = arith.constant 0 : i32
    %dma_start3A_217 = arith.constant 0 : i32
    %dma_start3A_218 = tpu.memref_slice %arg2[%dma_start3A_216, %dma_start3A_217] : memref<10000x128xf32, #tpu.memory_space<hbm>> -> memref<10000x128xf32, #tpu.memory_space<hbm>>
    tpu.enqueue_indirect_dma source(%dma_start3A_218 : memref<10000x128xf32, #tpu.memory_space<hbm>>) target(%dma_start3A_212 : memref<80x128xf32, #tpu.memory_space<vmem>>) offsets(%dma_start3A_215 : memref<80xi32, #tpu.memory_space<vmem>>) semaphore(%arg12 : memref<!tpu.dma_semaphore, #tpu.memory_space<semaphore_mem>>)
    %scan3A_219 = arith.constant 0 : i32
    %scan3A_220 = arith.constant 0 : i32
    %scan3A_221 = arith.constant 125 : i32
    %scan3A_222 = arith.addi %scan3A_220, %scan3A_221 : i32
    %scan3A_223 = arith.constant 1 : i32
    %scan3A_224 = scf.for %scan3A_238 = %scan3A_220 to %scan3A_222 step %scan3A_223 iter_args(%scan3A_239 = %scan3A_219) -> (i32)  : i32 {
      %add3A_240 = arith.constant 3 : i32
      %add3A_241 = arith.addi %scan3A_238, %add3A_240 : i32
      %sub3A = arith.constant 1 : i32
      %sub3A_242 = arith.subi %add3A_241, %sub3A : i32
      %lt3A = arith.constant 125 : i32
      %lt3A_243 = arith.cmpi slt, %sub3A_242, %lt3A : i32
      %convert_element_type3A_244 = arith.extui %lt3A_243 : i1 to i32
      %cond3A_245 = arith.constant 0 : i32
      %cond3A_246 = arith.cmpi ne, %convert_element_type3A_244, %cond3A_245 : i32
      scf.if %cond3A_246 {
        %add3A_280 = arith.constant 5 : i32
        %add3A_281 = arith.addi %scan3A_238, %add3A_280 : i32
        %sub3A_282 = arith.constant 1 : i32
        %sub3A_283 = arith.subi %add3A_281, %sub3A_282 : i32
        %lt3A_284 = arith.constant 125 : i32
        %lt3A_285 = arith.cmpi slt, %sub3A_283, %lt3A_284 : i32
        %convert_element_type3A_286 = arith.extui %lt3A_285 : i1 to i32
        %cond3A_287 = arith.constant 0 : i32
        %cond3A_288 = arith.cmpi ne, %convert_element_type3A_286, %cond3A_287 : i32
        scf.if %cond3A_288 {
          %add3A_329 = arith.constant 5 : i32
          %add3A_330 = arith.addi %scan3A_238, %add3A_329 : i32
          %sub3A_331 = arith.constant 1 : i32
          %sub3A_332 = arith.subi %add3A_330, %sub3A_331 : i32
          %rem3A_333 = arith.constant 5 : i32
          %rem3A_334 = arith.remsi %sub3A_332, %rem3A_333 : i32
          %dma_start3A_335 = arith.constant 0 : i32
          %dma_start3A_336 = tpu.memref_slice %arg7[%rem3A_334, %dma_start3A_335] : memref<5x80xi32, #tpu.memory_space<vmem>> -> memref<1x80xi32, #tpu.memory_space<vmem>>
          %dma_start3A_337 = tpu.memref_squeeze %dma_start3A_336 : memref<1x80xi32, #tpu.memory_space<vmem>> -> memref<80xi32, #tpu.memory_space<vmem>>
          %dma_start3A_338 = arith.constant 0 : i32
          %dma_start3A_339 = tpu.memref_slice %arg3[%add3A, %sub3A_332, %dma_start3A_338] : memref<32x125x80xi32, #tpu.memory_space<hbm>> -> memref<1x1x80xi32, #tpu.memory_space<hbm>>
          %dma_start3A_340 = tpu.memref_squeeze %dma_start3A_339 : memref<1x1x80xi32, #tpu.memory_space<hbm>> -> memref<80xi32, #tpu.memory_space<hbm>>
          %dma_start3A_341 = arith.constant 0 : i32
          %dma_start3A_342 = tpu.memref_slice %arg7[%rem3A_334, %dma_start3A_341] : memref<5x80xi32, #tpu.memory_space<vmem>> -> memref<1x80xi32, #tpu.memory_space<vmem>>
          %dma_start3A_343 = tpu.memref_squeeze %dma_start3A_342 : memref<1x80xi32, #tpu.memory_space<vmem>> -> memref<80xi32, #tpu.memory_space<vmem>>
          %dma_start3A_344 = arith.constant 0 : i32
          %dma_start3A_345 = tpu.memref_slice %arg3[%add3A, %sub3A_332, %dma_start3A_344] : memref<32x125x80xi32, #tpu.memory_space<hbm>> -> memref<1x1x80xi32, #tpu.memory_space<hbm>>
          %dma_start3A_346 = tpu.memref_squeeze %dma_start3A_345 : memref<1x1x80xi32, #tpu.memory_space<hbm>> -> memref<80xi32, #tpu.memory_space<hbm>>
          tpu.enqueue_dma source(%dma_start3A_346 : memref<80xi32, #tpu.memory_space<hbm>>) target(%dma_start3A_343 : memref<80xi32, #tpu.memory_space<vmem>>) target_semaphore(%arg13 : memref<!tpu.dma_semaphore, #tpu.memory_space<semaphore_mem>>)
          %dma_start3A_347 = arith.constant 0 : i32
          %dma_start3A_348 = tpu.memref_slice %arg8[%rem3A_334, %dma_start3A_347] : memref<5x80xi32, #tpu.memory_space<vmem>> -> memref<1x80xi32, #tpu.memory_space<vmem>>
          %dma_start3A_349 = tpu.memref_squeeze %dma_start3A_348 : memref<1x80xi32, #tpu.memory_space<vmem>> -> memref<80xi32, #tpu.memory_space<vmem>>
          %dma_start3A_350 = arith.constant 0 : i32
          %dma_start3A_351 = tpu.memref_slice %arg4[%add3A, %sub3A_332, %dma_start3A_350] : memref<32x125x80xi32, #tpu.memory_space<hbm>> -> memref<1x1x80xi32, #tpu.memory_space<hbm>>
          %dma_start3A_352 = tpu.memref_squeeze %dma_start3A_351 : memref<1x1x80xi32, #tpu.memory_space<hbm>> -> memref<80xi32, #tpu.memory_space<hbm>>
          %dma_start3A_353 = arith.constant 0 : i32
          %dma_start3A_354 = tpu.memref_slice %arg8[%rem3A_334, %dma_start3A_353] : memref<5x80xi32, #tpu.memory_space<vmem>> -> memref<1x80xi32, #tpu.memory_space<vmem>>
          %dma_start3A_355 = tpu.memref_squeeze %dma_start3A_354 : memref<1x80xi32, #tpu.memory_space<vmem>> -> memref<80xi32, #tpu.memory_space<vmem>>
          %dma_start3A_356 = arith.constant 0 : i32
          %dma_start3A_357 = tpu.memref_slice %arg4[%add3A, %sub3A_332, %dma_start3A_356] : memref<32x125x80xi32, #tpu.memory_space<hbm>> -> memref<1x1x80xi32, #tpu.memory_space<hbm>>
          %dma_start3A_358 = tpu.memref_squeeze %dma_start3A_357 : memref<1x1x80xi32, #tpu.memory_space<hbm>> -> memref<80xi32, #tpu.memory_space<hbm>>
          tpu.enqueue_dma source(%dma_start3A_358 : memref<80xi32, #tpu.memory_space<hbm>>) target(%dma_start3A_355 : memref<80xi32, #tpu.memory_space<vmem>>) target_semaphore(%arg13 : memref<!tpu.dma_semaphore, #tpu.memory_space<semaphore_mem>>)
        } else {
        }
        %rem3A_289 = arith.constant 5 : i32
        %rem3A_290 = arith.remsi %sub3A_242, %rem3A_289 : i32
        %dma_wait3A_291 = arith.constant 0 : i32
        %dma_wait3A_292 = tpu.memref_slice %arg7[%rem3A_290, %dma_wait3A_291] : memref<5x80xi32, #tpu.memory_space<vmem>> -> memref<1x80xi32, #tpu.memory_space<vmem>>
        %dma_wait3A_293 = tpu.memref_squeeze %dma_wait3A_292 : memref<1x80xi32, #tpu.memory_space<vmem>> -> memref<80xi32, #tpu.memory_space<vmem>>
        %dma_wait3A_294 = arith.constant 0 : i32
        %dma_wait3A_295 = tpu.memref_slice %arg3[%add3A, %sub3A_242, %dma_wait3A_294] : memref<32x125x80xi32, #tpu.memory_space<hbm>> -> memref<1x1x80xi32, #tpu.memory_space<hbm>>
        %dma_wait3A_296 = tpu.memref_squeeze %dma_wait3A_295 : memref<1x1x80xi32, #tpu.memory_space<hbm>> -> memref<80xi32, #tpu.memory_space<hbm>>
        %dma_wait3A_297 = arith.constant 0 : i32
        %dma_wait3A_298 = tpu.memref_slice %arg7[%rem3A_290, %dma_wait3A_297] : memref<5x80xi32, #tpu.memory_space<vmem>> -> memref<1x80xi32, #tpu.memory_space<vmem>>
        %dma_wait3A_299 = tpu.memref_squeeze %dma_wait3A_298 : memref<1x80xi32, #tpu.memory_space<vmem>> -> memref<80xi32, #tpu.memory_space<vmem>>
        %dma_wait3A_300 = arith.constant 0 : i32
        %dma_wait3A_301 = tpu.memref_slice %arg3[%add3A, %sub3A_242, %dma_wait3A_300] : memref<32x125x80xi32, #tpu.memory_space<hbm>> -> memref<1x1x80xi32, #tpu.memory_space<hbm>>
        %dma_wait3A_302 = tpu.memref_squeeze %dma_wait3A_301 : memref<1x1x80xi32, #tpu.memory_space<hbm>> -> memref<80xi32, #tpu.memory_space<hbm>>
        tpu.wait_dma2 semaphore(%arg13 : memref<!tpu.dma_semaphore, #tpu.memory_space<semaphore_mem>>) src(%dma_wait3A_302 : memref<80xi32, #tpu.memory_space<hbm>>) dst(%dma_wait3A_299 : memref<80xi32, #tpu.memory_space<vmem>>)
        %dma_wait3A_303 = arith.constant 0 : i32
        %dma_wait3A_304 = tpu.memref_slice %arg8[%rem3A_290, %dma_wait3A_303] : memref<5x80xi32, #tpu.memory_space<vmem>> -> memref<1x80xi32, #tpu.memory_space<vmem>>
        %dma_wait3A_305 = tpu.memref_squeeze %dma_wait3A_304 : memref<1x80xi32, #tpu.memory_space<vmem>> -> memref<80xi32, #tpu.memory_space<vmem>>
        %dma_wait3A_306 = arith.constant 0 : i32
        %dma_wait3A_307 = tpu.memref_slice %arg4[%add3A, %sub3A_242, %dma_wait3A_306] : memref<32x125x80xi32, #tpu.memory_space<hbm>> -> memref<1x1x80xi32, #tpu.memory_space<hbm>>
        %dma_wait3A_308 = tpu.memref_squeeze %dma_wait3A_307 : memref<1x1x80xi32, #tpu.memory_space<hbm>> -> memref<80xi32, #tpu.memory_space<hbm>>
        %dma_wait3A_309 = arith.constant 0 : i32
        %dma_wait3A_310 = tpu.memref_slice %arg8[%rem3A_290, %dma_wait3A_309] : memref<5x80xi32, #tpu.memory_space<vmem>> -> memref<1x80xi32, #tpu.memory_space<vmem>>
        %dma_wait3A_311 = tpu.memref_squeeze %dma_wait3A_310 : memref<1x80xi32, #tpu.memory_space<vmem>> -> memref<80xi32, #tpu.memory_space<vmem>>
        %dma_wait3A_312 = arith.constant 0 : i32
        %dma_wait3A_313 = tpu.memref_slice %arg4[%add3A, %sub3A_242, %dma_wait3A_312] : memref<32x125x80xi32, #tpu.memory_space<hbm>> -> memref<1x1x80xi32, #tpu.memory_space<hbm>>
        %dma_wait3A_314 = tpu.memref_squeeze %dma_wait3A_313 : memref<1x1x80xi32, #tpu.memory_space<hbm>> -> memref<80xi32, #tpu.memory_space<hbm>>
        tpu.wait_dma2 semaphore(%arg13 : memref<!tpu.dma_semaphore, #tpu.memory_space<semaphore_mem>>) src(%dma_wait3A_314 : memref<80xi32, #tpu.memory_space<hbm>>) dst(%dma_wait3A_311 : memref<80xi32, #tpu.memory_space<vmem>>)
        %rem3A_315 = arith.constant 5 : i32
        %rem3A_316 = arith.remsi %sub3A_242, %rem3A_315 : i32
        %rem3A_317 = arith.constant 3 : i32
        %rem3A_318 = arith.remsi %sub3A_242, %rem3A_317 : i32
        %dma_start3A_319 = arith.constant 0 : i32
        %dma_start3A_320 = arith.constant 0 : i32
        %dma_start3A_321 = tpu.memref_slice %arg9[%rem3A_318, %dma_start3A_319, %dma_start3A_320] : memref<3x80x128xf32, #tpu.memory_space<vmem>> -> memref<1x80x128xf32, #tpu.memory_space<vmem>>
        %dma_start3A_322 = tpu.memref_squeeze %dma_start3A_321 : memref<1x80x128xf32, #tpu.memory_space<vmem>> -> memref<80x128xf32, #tpu.memory_space<vmem>>
        %dma_start3A_323 = arith.constant 0 : i32
        %dma_start3A_324 = tpu.memref_slice %arg7[%rem3A_316, %dma_start3A_323] : memref<5x80xi32, #tpu.memory_space<vmem>> -> memref<1x80xi32, #tpu.memory_space<vmem>>
        %dma_start3A_325 = tpu.memref_squeeze %dma_start3A_324 : memref<1x80xi32, #tpu.memory_space<vmem>> -> memref<80xi32, #tpu.memory_space<vmem>>
        %dma_start3A_326 = arith.constant 0 : i32
        %dma_start3A_327 = arith.constant 0 : i32
        %dma_start3A_328 = tpu.memref_slice %arg2[%dma_start3A_326, %dma_start3A_327] : memref<10000x128xf32, #tpu.memory_space<hbm>> -> memref<10000x128xf32, #tpu.memory_space<hbm>>
        tpu.enqueue_indirect_dma source(%dma_start3A_328 : memref<10000x128xf32, #tpu.memory_space<hbm>>) target(%dma_start3A_322 : memref<80x128xf32, #tpu.memory_space<vmem>>) offsets(%dma_start3A_325 : memref<80xi32, #tpu.memory_space<vmem>>) semaphore(%arg12 : memref<!tpu.dma_semaphore, #tpu.memory_space<semaphore_mem>>)
      } else {
      }
      %rem3A_247 = arith.constant 5 : i32
      %rem3A_248 = arith.remsi %scan3A_238, %rem3A_247 : i32
      %rem3A_249 = arith.constant 3 : i32
      %rem3A_250 = arith.remsi %scan3A_238, %rem3A_249 : i32
      %dma_wait3A_251 = arith.constant 0 : i32
      %dma_wait3A_252 = arith.constant 0 : i32
      %dma_wait3A_253 = tpu.memref_slice %arg9[%rem3A_250, %dma_wait3A_251, %dma_wait3A_252] : memref<3x80x128xf32, #tpu.memory_space<vmem>> -> memref<1x80x128xf32, #tpu.memory_space<vmem>>
      %dma_wait3A_254 = tpu.memref_squeeze %dma_wait3A_253 : memref<1x80x128xf32, #tpu.memory_space<vmem>> -> memref<80x128xf32, #tpu.memory_space<vmem>>
      %dma_wait3A_255 = arith.constant 0 : i32
      %dma_wait3A_256 = tpu.memref_slice %arg7[%rem3A_248, %dma_wait3A_255] : memref<5x80xi32, #tpu.memory_space<vmem>> -> memref<1x80xi32, #tpu.memory_space<vmem>>
      %dma_wait3A_257 = tpu.memref_squeeze %dma_wait3A_256 : memref<1x80xi32, #tpu.memory_space<vmem>> -> memref<80xi32, #tpu.memory_space<vmem>>
      %dma_wait3A_258 = arith.constant 0 : i32
      %dma_wait3A_259 = arith.constant 0 : i32
      %dma_wait3A_260 = tpu.memref_slice %arg2[%dma_wait3A_258, %dma_wait3A_259] : memref<10000x128xf32, #tpu.memory_space<hbm>> -> memref<10000x128xf32, #tpu.memory_space<hbm>>
      tpu.wait_indirect_dma semaphore(%arg12 : memref<!tpu.dma_semaphore, #tpu.memory_space<semaphore_mem>>) src(%dma_wait3A_260 : memref<10000x128xf32, #tpu.memory_space<hbm>>) dst(%dma_wait3A_254 : memref<80x128xf32, #tpu.memory_space<vmem>>)
      %rem3A_261 = arith.constant 5 : i32
      %rem3A_262 = arith.remsi %scan3A_238, %rem3A_261 : i32
      %get3A = arith.index_cast %rem3A_262 : i32 to index
      %get3A_263 = arith.constant 0 : index
      %get3A_264 = tpu.vector_load %arg8[%get3A, %get3A_263] {strides = array<i32>} : memref<5x80xi32, #tpu.memory_space<vmem>>, vector<16xi32>,
      tpu.vector_store_idx %arg11[%get3A_264], %broadcast_in_dim3A_9 {add = true} : memref<10000xf32, #tpu.memory_space<vmem>>[vector<16xi32>], vector<16xf32>,
      %get3A_265 = arith.index_cast %rem3A_262 : i32 to index
      %get3A_266 = arith.constant 16 : index
      %get3A_267 = tpu.vector_load %arg8[%get3A_265, %get3A_266] {strides = array<i32>} : memref<5x80xi32, #tpu.memory_space<vmem>>, vector<16xi32>,
      tpu.vector_store_idx %arg11[%get3A_267], %broadcast_in_dim3A_9 {add = true} : memref<10000xf32, #tpu.memory_space<vmem>>[vector<16xi32>], vector<16xf32>,
      %get3A_268 = arith.index_cast %rem3A_262 : i32 to index
      %get3A_269 = arith.constant 32 : index
      %get3A_270 = tpu.vector_load %arg8[%get3A_268, %get3A_269] {strides = array<i32>} : memref<5x80xi32, #tpu.memory_space<vmem>>, vector<16xi32>,
      tpu.vector_store_idx %arg11[%get3A_270], %broadcast_in_dim3A_9 {add = true} : memref<10000xf32, #tpu.memory_space<vmem>>[vector<16xi32>], vector<16xf32>,
      %get3A_271 = arith.index_cast %rem3A_262 : i32 to index
      %get3A_272 = arith.constant 48 : index
      %get3A_273 = tpu.vector_load %arg8[%get3A_271, %get3A_272] {strides = array<i32>} : memref<5x80xi32, #tpu.memory_space<vmem>>, vector<16xi32>,
      tpu.vector_store_idx %arg11[%get3A_273], %broadcast_in_dim3A_9 {add = true} : memref<10000xf32, #tpu.memory_space<vmem>>[vector<16xi32>], vector<16xf32>,
      %get3A_274 = arith.index_cast %rem3A_262 : i32 to index
      %get3A_275 = arith.constant 64 : index
      %get3A_276 = tpu.vector_load %arg8[%get3A_274, %get3A_275] {strides = array<i32>} : memref<5x80xi32, #tpu.memory_space<vmem>>, vector<16xi32>,
      tpu.vector_store_idx %arg11[%get3A_276], %broadcast_in_dim3A_9 {add = true} : memref<10000xf32, #tpu.memory_space<vmem>>[vector<16xi32>], vector<16xf32>,
      %rem3A_277 = arith.constant 3 : i32
      %rem3A_278 = arith.remsi %scan3A_238, %rem3A_277 : i32
      "tpu.region"() ({
        %run_scoped3A = tpu.sem_alloc : memref<!tpu.dma_semaphore, #tpu.memory_space<semaphore_mem>>
        %dma_start3A_280 = arith.constant 0 : i32
        %dma_start3A_281 = arith.constant 0 : i32
        %dma_start3A_282 = tpu.memref_slice %arg9[%rem3A_278, %dma_start3A_280, %dma_start3A_281] : memref<3x80x128xf32, #tpu.memory_space<vmem>> -> memref<1x80x128xf32, #tpu.memory_space<vmem>>
        %dma_start3A_283 = tpu.memref_squeeze %dma_start3A_282 : memref<1x80x128xf32, #tpu.memory_space<vmem>> -> memref<80x128xf32, #tpu.memory_space<vmem>>
        %dma_start3A_284 = arith.constant 0 : i32
        %dma_start3A_285 = tpu.memref_slice %arg8[%rem3A_262, %dma_start3A_284] : memref<5x80xi32, #tpu.memory_space<vmem>> -> memref<1x80xi32, #tpu.memory_space<vmem>>
        %dma_start3A_286 = tpu.memref_squeeze %dma_start3A_285 : memref<1x80xi32, #tpu.memory_space<vmem>> -> memref<80xi32, #tpu.memory_space<vmem>>
        %dma_start3A_287 = arith.constant 0 : i32
        %dma_start3A_288 = arith.constant 0 : i32
        %dma_start3A_289 = tpu.memref_slice %arg10[%dma_start3A_287, %dma_start3A_288] : memref<10000x128xf32, #tpu.memory_space<vmem_shared>> -> memref<10000x128xf32, #tpu.memory_space<vmem_shared>>
        tpu.enqueue_indirect_dma source(%dma_start3A_283 : memref<80x128xf32, #tpu.memory_space<vmem>>) target(%dma_start3A_289 : memref<10000x128xf32, #tpu.memory_space<vmem_shared>>) offsets(%dma_start3A_286 : memref<80xi32, #tpu.memory_space<vmem>>) semaphore(%run_scoped3A : memref<!tpu.dma_semaphore, #tpu.memory_space<semaphore_mem>>) {add = true}
        %dma_wait3A_290 = arith.constant 0 : i32
        %dma_wait3A_291 = arith.constant 0 : i32
        %dma_wait3A_292 = tpu.memref_slice %arg9[%rem3A_278, %dma_wait3A_290, %dma_wait3A_291] : memref<3x80x128xf32, #tpu.memory_space<vmem>> -> memref<1x80x128xf32, #tpu.memory_space<vmem>>
        %dma_wait3A_293 = tpu.memref_squeeze %dma_wait3A_292 : memref<1x80x128xf32, #tpu.memory_space<vmem>> -> memref<80x128xf32, #tpu.memory_space<vmem>>
        %dma_wait3A_294 = arith.constant 0 : i32
        %dma_wait3A_295 = tpu.memref_slice %arg8[%rem3A_262, %dma_wait3A_294] : memref<5x80xi32, #tpu.memory_space<vmem>> -> memref<1x80xi32, #tpu.memory_space<vmem>>
        %dma_wait3A_296 = tpu.memref_squeeze %dma_wait3A_295 : memref<1x80xi32, #tpu.memory_space<vmem>> -> memref<80xi32, #tpu.memory_space<vmem>>
        %dma_wait3A_297 = arith.constant 0 : i32
        %dma_wait3A_298 = arith.constant 0 : i32
        %dma_wait3A_299 = tpu.memref_slice %arg10[%dma_wait3A_297, %dma_wait3A_298] : memref<10000x128xf32, #tpu.memory_space<vmem_shared>> -> memref<10000x128xf32, #tpu.memory_space<vmem_shared>>
        tpu.wait_indirect_dma semaphore(%run_scoped3A : memref<!tpu.dma_semaphore, #tpu.memory_space<semaphore_mem>>) src(%dma_wait3A_293 : memref<80x128xf32, #tpu.memory_space<vmem>>) dst(%dma_wait3A_299 : memref<10000x128xf32, #tpu.memory_space<vmem_shared>>)
        tpu.yield
      }) : () -> ()
      %scan3A_279 = arith.constant 0 : i32
      scf.yield %scan3A_279 : i32
    }
    %scan3A_225 = arith.constant 125 : i32
    %mul3A_226 = arith.constant 10000 : i32
    %mul3A_227 = arith.muli %add3A, %mul3A_226 : i32
    "tpu.region"() ({
      %run_scoped3A = tpu.sem_alloc : memref<!tpu.dma_semaphore, #tpu.memory_space<semaphore_mem>>
      %dma_start3A_238 = tpu.memref_slice %arg6[%mul3A_227] : memref<320000xf32, #tpu.memory_space<hbm>> -> memref<10000xf32, #tpu.memory_space<hbm>>
      %dma_start3A_239 = tpu.memref_slice %arg6[%mul3A_227] : memref<320000xf32, #tpu.memory_space<hbm>> -> memref<10000xf32, #tpu.memory_space<hbm>>
      tpu.enqueue_dma source(%arg11 : memref<10000xf32, #tpu.memory_space<vmem>>) target(%dma_start3A_239 : memref<10000xf32, #tpu.memory_space<hbm>>) target_semaphore(%run_scoped3A : memref<!tpu.dma_semaphore, #tpu.memory_space<semaphore_mem>>)
      %dma_wait3A_240 = tpu.memref_slice %arg6[%mul3A_227] : memref<320000xf32, #tpu.memory_space<hbm>> -> memref<10000xf32, #tpu.memory_space<hbm>>
      %dma_wait3A_241 = tpu.memref_slice %arg6[%mul3A_227] : memref<320000xf32, #tpu.memory_space<hbm>> -> memref<10000xf32, #tpu.memory_space<hbm>>
      tpu.wait_dma2 semaphore(%run_scoped3A : memref<!tpu.dma_semaphore, #tpu.memory_space<semaphore_mem>>) src(%arg11 : memref<10000xf32, #tpu.memory_space<vmem>>) dst(%dma_wait3A_241 : memref<10000xf32, #tpu.memory_space<hbm>>)
      tpu.yield
    }) : () -> ()
    %barrier3A_228 = arith.constant 0 : index
    tpu.barrier barrier_id(%barrier3A_228)
    %mul3A_229 = arith.constant 624 : i32
    %mul3A_230 = arith.muli %arg1, %mul3A_229 : i32
    %mul3A_231 = arith.constant 624 : i32
    %mul3A_232 = arith.muli %arg1, %mul3A_231 : i32
    "tpu.region"() ({
      %run_scoped3A = tpu.sem_alloc : memref<!tpu.dma_semaphore, #tpu.memory_space<semaphore_mem>>
      %dma_start3A_238 = arith.constant 0 : i32
      %dma_start3A_239 = tpu.memref_slice %arg5[%arg0, %mul3A_232, %dma_start3A_238] : memref<2x10000x128xf32, #tpu.memory_space<hbm>> -> memref<1x624x128xf32, #tpu.memory_space<hbm>>
      %dma_start3A_240 = tpu.memref_squeeze %dma_start3A_239 : memref<1x624x128xf32, #tpu.memory_space<hbm>> -> memref<624x128xf32, #tpu.memory_space<hbm>>
      %dma_start3A_241 = arith.constant 0 : i32
      %dma_start3A_242 = tpu.memref_slice %arg10[%mul3A_230, %dma_start3A_241] : memref<10000x128xf32, #tpu.memory_space<vmem_shared>> -> memref<624x128xf32, #tpu.memory_space<vmem_shared>>
      tpu.enqueue_dma source(%dma_start3A_242 : memref<624x128xf32, #tpu.memory_space<vmem_shared>>) target(%dma_start3A_240 : memref<624x128xf32, #tpu.memory_space<hbm>>) target_semaphore(%run_scoped3A : memref<!tpu.dma_semaphore, #tpu.memory_space<semaphore_mem>>)
      %dma_wait3A_243 = arith.constant 0 : i32
      %dma_wait3A_244 = tpu.memref_slice %arg5[%arg0, %mul3A_232, %dma_wait3A_243] : memref<2x10000x128xf32, #tpu.memory_space<hbm>> -> memref<1x624x128xf32, #tpu.memory_space<hbm>>
      %dma_wait3A_245 = tpu.memref_squeeze %dma_wait3A_244 : memref<1x624x128xf32, #tpu.memory_space<hbm>> -> memref<624x128xf32, #tpu.memory_space<hbm>>
      %dma_wait3A_246 = arith.constant 0 : i32
      %dma_wait3A_247 = tpu.memref_slice %arg10[%mul3A_230, %dma_wait3A_246] : memref<10000x128xf32, #tpu.memory_space<vmem_shared>> -> memref<624x128xf32, #tpu.memory_space<vmem_shared>>
      tpu.wait_dma2 semaphore(%run_scoped3A : memref<!tpu.dma_semaphore, #tpu.memory_space<semaphore_mem>>) src(%dma_wait3A_247 : memref<624x128xf32, #tpu.memory_space<vmem_shared>>) dst(%dma_wait3A_245 : memref<624x128xf32, #tpu.memory_space<hbm>>)
      tpu.yield
    }) : () -> ()
    %eq3A_233 = arith.constant 15 : i32
    %eq3A_234 = arith.cmpi eq, %arg1, %eq3A_233 : i32
    %convert_element_type3A_235 = arith.extui %eq3A_234 : i1 to i32
    %cond3A_236 = arith.constant 0 : i32
    %cond3A_237 = arith.cmpi ne, %convert_element_type3A_235, %cond3A_236 : i32
    scf.if %cond3A_237 {
      "tpu.region"() ({
        %run_scoped3A = tpu.sem_alloc : memref<!tpu.dma_semaphore, #tpu.memory_space<semaphore_mem>>
        %dma_start3A_238 = arith.constant 9984 : i32
        %dma_start3A_239 = arith.constant 0 : i32
        %dma_start3A_240 = tpu.memref_slice %arg5[%arg0, %dma_start3A_238, %dma_start3A_239] : memref<2x10000x128xf32, #tpu.memory_space<hbm>> -> memref<1x16x128xf32, #tpu.memory_space<hbm>>
        %dma_start3A_241 = tpu.memref_squeeze %dma_start3A_240 : memref<1x16x128xf32, #tpu.memory_space<hbm>> -> memref<16x128xf32, #tpu.memory_space<hbm>>
        %dma_start3A_242 = arith.constant 9984 : i32
        %dma_start3A_243 = arith.constant 0 : i32
        %dma_start3A_244 = tpu.memref_slice %arg10[%dma_start3A_242, %dma_start3A_243] : memref<10000x128xf32, #tpu.memory_space<vmem_shared>> -> memref<16x128xf32, #tpu.memory_space<vmem_shared>>
        tpu.enqueue_dma source(%dma_start3A_244 : memref<16x128xf32, #tpu.memory_space<vmem_shared>>) target(%dma_start3A_241 : memref<16x128xf32, #tpu.memory_space<hbm>>) target_semaphore(%run_scoped3A : memref<!tpu.dma_semaphore, #tpu.memory_space<semaphore_mem>>)
        %dma_wait3A_245 = arith.constant 9984 : i32
        %dma_wait3A_246 = arith.constant 0 : i32
        %dma_wait3A_247 = tpu.memref_slice %arg5[%arg0, %dma_wait3A_245, %dma_wait3A_246] : memref<2x10000x128xf32, #tpu.memory_space<hbm>> -> memref<1x16x128xf32, #tpu.memory_space<hbm>>
        %dma_wait3A_248 = tpu.memref_squeeze %dma_wait3A_247 : memref<1x16x128xf32, #tpu.memory_space<hbm>> -> memref<16x128xf32, #tpu.memory_space<hbm>>
        %dma_wait3A_249 = arith.constant 9984 : i32
        %dma_wait3A_250 = arith.constant 0 : i32
        %dma_wait3A_251 = tpu.memref_slice %arg10[%dma_wait3A_249, %dma_wait3A_250] : memref<10000x128xf32, #tpu.memory_space<vmem_shared>> -> memref<16x128xf32, #tpu.memory_space<vmem_shared>>
        tpu.wait_dma2 semaphore(%run_scoped3A : memref<!tpu.dma_semaphore, #tpu.memory_space<semaphore_mem>>) src(%dma_wait3A_251 : memref<16x128xf32, #tpu.memory_space<vmem_shared>>) dst(%dma_wait3A_248 : memref<16x128xf32, #tpu.memory_space<hbm>>)
        tpu.yield
      }) : () -> ()
    } else {
    }
    return
  }
}

#map = affine_map<(d0, d1) -> (0, 0)>
#map1 = affine_map<(d0, d1) -> (0, 0, 0)>
module attributes {stable_mosaic.version = 14 : i64} {
  func.func @_agg_body(%arg0: i32, %arg1: i32, %arg2: memref<10000x128xf32, #tpu.memory_space<hbm>>, %arg3: memref<32x125x80xi32, #tpu.memory_space<hbm>>, %arg4: memref<32x125x80xi32, #tpu.memory_space<hbm>>, %arg5: memref<2x10000x128xf32, #tpu.memory_space<hbm>>, %arg6: memref<6x80xi32, #tpu.memory_space<vmem>>, %arg7: memref<6x80xi32, #tpu.memory_space<vmem>>, %arg8: memref<4x80x128xf32, #tpu.memory_space<vmem>>, %arg9: memref<10000x128xf32, #tpu.memory_space<vmem_shared>>, %arg10: memref<!tpu.dma_semaphore, #tpu.memory_space<semaphore_mem>>, %arg11: memref<!tpu.dma_semaphore, #tpu.memory_space<semaphore_mem>>) attributes {dimension_semantics = [#tpu.dimension_semantics<core_parallel>, #tpu.dimension_semantics<subcore_parallel>], iteration_bounds = array<i64: 2, 16>, scalar_prefetch = 0 : i64, scratch_operands = 6 : i64, tpu.core_type = #tpu.core_type<sc_vector_subcore>, window_params = [{transform_indices = #map}, {transform_indices = #map1}, {transform_indices = #map1}, {transform_indices = #map1}]} {
    %mul3A = arith.constant 16 : i32
    %mul3A_0 = arith.muli %arg0, %mul3A : i32
    %add3A = arith.addi %mul3A_0, %arg1 : i32
    %eq3A = arith.constant 0 : i32
    %eq3A_1 = arith.cmpi eq, %arg0, %eq3A : i32
    %convert_element_type3A = arith.extui %eq3A_1 : i1 to i32
    %cond3A = arith.constant 0 : i32
    %cond3A_2 = arith.cmpi ne, %convert_element_type3A, %cond3A : i32
    scf.if %cond3A_2 {
      %mul3A_300 = arith.constant 624 : i32
      %mul3A_301 = arith.muli %arg1, %mul3A_300 : i32
      %mul3A_302 = arith.constant 624 : i32
      %mul3A_303 = arith.muli %arg1, %mul3A_302 : i32
      "tpu.region"() ({
        %run_scoped3A = tpu.sem_alloc : memref<!tpu.dma_semaphore, #tpu.memory_space<semaphore_mem>>
        %dma_start3A_309 = arith.constant 0 : i32
        %dma_start3A_310 = tpu.memref_slice %arg9[%mul3A_303, %dma_start3A_309] : memref<10000x128xf32, #tpu.memory_space<vmem_shared>> -> memref<624x128xf32, #tpu.memory_space<vmem_shared>>
        %dma_start3A_311 = arith.constant 0 : i32
        %dma_start3A_312 = tpu.memref_slice %arg2[%mul3A_301, %dma_start3A_311] : memref<10000x128xf32, #tpu.memory_space<hbm>> -> memref<624x128xf32, #tpu.memory_space<hbm>>
        tpu.enqueue_dma source(%dma_start3A_312 : memref<624x128xf32, #tpu.memory_space<hbm>>) target(%dma_start3A_310 : memref<624x128xf32, #tpu.memory_space<vmem_shared>>) target_semaphore(%run_scoped3A : memref<!tpu.dma_semaphore, #tpu.memory_space<semaphore_mem>>)
        %dma_wait3A_313 = arith.constant 0 : i32
        %dma_wait3A_314 = tpu.memref_slice %arg9[%mul3A_303, %dma_wait3A_313] : memref<10000x128xf32, #tpu.memory_space<vmem_shared>> -> memref<624x128xf32, #tpu.memory_space<vmem_shared>>
        %dma_wait3A_315 = arith.constant 0 : i32
        %dma_wait3A_316 = tpu.memref_slice %arg2[%mul3A_301, %dma_wait3A_315] : memref<10000x128xf32, #tpu.memory_space<hbm>> -> memref<624x128xf32, #tpu.memory_space<hbm>>
        tpu.wait_dma2 semaphore(%run_scoped3A : memref<!tpu.dma_semaphore, #tpu.memory_space<semaphore_mem>>) src(%dma_wait3A_316 : memref<624x128xf32, #tpu.memory_space<hbm>>) dst(%dma_wait3A_314 : memref<624x128xf32, #tpu.memory_space<vmem_shared>>)
        tpu.yield
      }) : () -> ()
      %eq3A_304 = arith.constant 15 : i32
      %eq3A_305 = arith.cmpi eq, %arg1, %eq3A_304 : i32
      %convert_element_type3A_306 = arith.extui %eq3A_305 : i1 to i32
      %cond3A_307 = arith.constant 0 : i32
      %cond3A_308 = arith.cmpi ne, %convert_element_type3A_306, %cond3A_307 : i32
      scf.if %cond3A_308 {
        "tpu.region"() ({
          %run_scoped3A = tpu.sem_alloc : memref<!tpu.dma_semaphore, #tpu.memory_space<semaphore_mem>>
          %dma_start3A_309 = arith.constant 9984 : i32
          %dma_start3A_310 = arith.constant 0 : i32
          %dma_start3A_311 = tpu.memref_slice %arg9[%dma_start3A_309, %dma_start3A_310] : memref<10000x128xf32, #tpu.memory_space<vmem_shared>> -> memref<16x128xf32, #tpu.memory_space<vmem_shared>>
          %dma_start3A_312 = arith.constant 9984 : i32
          %dma_start3A_313 = arith.constant 0 : i32
          %dma_start3A_314 = tpu.memref_slice %arg2[%dma_start3A_312, %dma_start3A_313] : memref<10000x128xf32, #tpu.memory_space<hbm>> -> memref<16x128xf32, #tpu.memory_space<hbm>>
          tpu.enqueue_dma source(%dma_start3A_314 : memref<16x128xf32, #tpu.memory_space<hbm>>) target(%dma_start3A_311 : memref<16x128xf32, #tpu.memory_space<vmem_shared>>) target_semaphore(%run_scoped3A : memref<!tpu.dma_semaphore, #tpu.memory_space<semaphore_mem>>)
          %dma_wait3A_315 = arith.constant 9984 : i32
          %dma_wait3A_316 = arith.constant 0 : i32
          %dma_wait3A_317 = tpu.memref_slice %arg9[%dma_wait3A_315, %dma_wait3A_316] : memref<10000x128xf32, #tpu.memory_space<vmem_shared>> -> memref<16x128xf32, #tpu.memory_space<vmem_shared>>
          %dma_wait3A_318 = arith.constant 9984 : i32
          %dma_wait3A_319 = arith.constant 0 : i32
          %dma_wait3A_320 = tpu.memref_slice %arg2[%dma_wait3A_318, %dma_wait3A_319] : memref<10000x128xf32, #tpu.memory_space<hbm>> -> memref<16x128xf32, #tpu.memory_space<hbm>>
          tpu.wait_dma2 semaphore(%run_scoped3A : memref<!tpu.dma_semaphore, #tpu.memory_space<semaphore_mem>>) src(%dma_wait3A_320 : memref<16x128xf32, #tpu.memory_space<hbm>>) dst(%dma_wait3A_317 : memref<16x128xf32, #tpu.memory_space<vmem_shared>>)
          tpu.yield
        }) : () -> ()
      } else {
      }
    } else {
    }
    %ne3A = arith.constant 0 : i32
    %ne3A_3 = arith.cmpi ne, %arg0, %ne3A : i32
    %convert_element_type3A_4 = arith.extui %ne3A_3 : i1 to i32
    %cond3A_5 = arith.constant 0 : i32
    %cond3A_6 = arith.cmpi ne, %convert_element_type3A_4, %cond3A_5 : i32
    scf.if %cond3A_6 {
      %broadcast_in_dim3A = arith.constant 0.000000e+00 : f32
      %broadcast_in_dim3A_300 = vector.broadcast %broadcast_in_dim3A : f32 to vector<16xf32>
      %scan3A_301 = arith.constant 0 : i32
      %scan3A_302 = arith.constant 0 : i32
      %scan3A_303 = arith.constant 640 : i32
      %scan3A_304 = arith.addi %scan3A_302, %scan3A_303 : i32
      %scan3A_305 = arith.constant 1 : i32
      %scan3A_306 = scf.for %scan3A_352 = %scan3A_302 to %scan3A_304 step %scan3A_305 iter_args(%scan3A_353 = %scan3A_301) -> (i32)  : i32 {
        %jit3A = arith.constant 8 : i32
        %div3A = arith.divsi %scan3A_352, %jit3A : i32
        %sign3A = arith.constant 0 : i32
        %sign3A_354 = arith.cmpi sgt, %scan3A_352, %sign3A : i32
        %sign3A_355 = arith.extui %sign3A_354 : i1 to i32
        %sign3A_356 = arith.constant 0 : i32
        %sign3A_357 = arith.cmpi slt, %scan3A_352, %sign3A_356 : i32
        %sign3A_358 = arith.extui %sign3A_357 : i1 to i32
        %sign3A_359 = arith.subi %sign3A_355, %sign3A_358 : i32
        %sign3A_360 = arith.constant 0 : i32
        %sign3A_361 = arith.cmpi sgt, %jit3A, %sign3A_360 : i32
        %sign3A_362 = arith.extui %sign3A_361 : i1 to i32
        %sign3A_363 = arith.constant 0 : i32
        %sign3A_364 = arith.cmpi slt, %jit3A, %sign3A_363 : i32
        %sign3A_365 = arith.extui %sign3A_364 : i1 to i32
        %sign3A_366 = arith.subi %sign3A_362, %sign3A_365 : i32
        %ne3A_367 = arith.cmpi ne, %sign3A_359, %sign3A_366 : i32
        %rem3A_368 = arith.remsi %scan3A_352, %jit3A : i32
        %ne3A_369 = arith.constant 0 : i32
        %ne3A_370 = arith.cmpi ne, %rem3A_368, %ne3A_369 : i32
        %and3A = arith.andi %ne3A_367, %ne3A_370 : i1
        %sub3A = arith.constant 1 : i32
        %sub3A_371 = arith.subi %div3A, %sub3A : i32
        %select_n3A = arith.select %and3A, %sub3A_371, %div3A : i32
        %jit3A_372 = arith.constant 8 : i32
        %eq3A_373 = arith.constant 0 : i32
        %eq3A_374 = arith.cmpi eq, %jit3A_372, %eq3A_373 : i32
        %jit3A_375 = arith.constant 1 : i32
        %select_n3A_376 = arith.select %eq3A_374, %jit3A_375, %jit3A_372 : i32
        %rem3A_377 = arith.remsi %scan3A_352, %select_n3A_376 : i32
        %ne3A_378 = arith.constant 0 : i32
        %ne3A_379 = arith.cmpi ne, %rem3A_377, %ne3A_378 : i32
        %lt3A = arith.constant 0 : i32
        %lt3A_380 = arith.cmpi slt, %rem3A_377, %lt3A : i32
        %lt3A_381 = arith.constant 0 : i32
        %lt3A_382 = arith.cmpi slt, %select_n3A_376, %lt3A_381 : i32
        %ne3A_383 = arith.xori %lt3A_380, %lt3A_382 : i1
        %and3A_384 = arith.andi %ne3A_383, %ne3A_379 : i1
        %add3A_385 = arith.addi %rem3A_377, %select_n3A_376 : i32
        %select_n3A_386 = arith.select %and3A_384, %add3A_385, %rem3A_377 : i32
        %mul3A_387 = arith.constant 16 : i32
        %mul3A_388 = arith.muli %select_n3A_386, %mul3A_387 : i32
        %swap3A = arith.constant 0 : i32
        %swap3A_389 = arith.index_cast %swap3A : i32 to index
        %swap3A_390 = arith.index_cast %select_n3A : i32 to index
        %swap3A_391 = arith.index_cast %mul3A_388 : i32 to index
        %swap3A_392 = tpu.vector_load %arg8[%swap3A_389, %swap3A_390, %swap3A_391] {strides = array<i32>} : memref<4x80x128xf32, #tpu.memory_space<vmem>>, vector<16xf32>,
        tpu.vector_store %arg8[%swap3A_389, %swap3A_390, %swap3A_391], %broadcast_in_dim3A_300 {strides = array<i32>} : memref<4x80x128xf32, #tpu.memory_space<vmem>>, vector<16xf32>,
        %scan3A_393 = arith.constant 0 : i32
        scf.yield %scan3A_393 : i32
      }
      %scan3A_307 = arith.constant 640 : i32
      %mul3A_308 = arith.constant 624 : i32
      %mul3A_309 = arith.muli %arg1, %mul3A_308 : i32
      %add3A_310 = arith.constant 0 : i32
      %add3A_311 = arith.addi %mul3A_309, %add3A_310 : i32
      %run_scoped3A = arith.constant 0 : i32
      "tpu.region"() ({
        %run_scoped3A_352 = tpu.sem_alloc : memref<!tpu.dma_semaphore, #tpu.memory_space<semaphore_mem>>
        %dma_start3A_353 = arith.constant 0 : i32
        %dma_start3A_354 = arith.constant 0 : i32
        %dma_start3A_355 = tpu.memref_slice %arg8[%run_scoped3A, %dma_start3A_353, %dma_start3A_354] : memref<4x80x128xf32, #tpu.memory_space<vmem>> -> memref<1x80x128xf32, #tpu.memory_space<vmem>>
        %dma_start3A_356 = tpu.memref_squeeze %dma_start3A_355 : memref<1x80x128xf32, #tpu.memory_space<vmem>> -> memref<80x128xf32, #tpu.memory_space<vmem>>
        %dma_start3A_357 = arith.constant 0 : i32
        %dma_start3A_358 = tpu.memref_slice %arg9[%add3A_311, %dma_start3A_357] : memref<10000x128xf32, #tpu.memory_space<vmem_shared>> -> memref<80x128xf32, #tpu.memory_space<vmem_shared>>
        %dma_start3A_359 = arith.constant 0 : i32
        %dma_start3A_360 = tpu.memref_slice %arg9[%add3A_311, %dma_start3A_359] : memref<10000x128xf32, #tpu.memory_space<vmem_shared>> -> memref<80x128xf32, #tpu.memory_space<vmem_shared>>
        %dma_start3A_361 = arith.constant 0 : i32
        %dma_start3A_362 = arith.constant 0 : i32
        %dma_start3A_363 = tpu.memref_slice %arg8[%run_scoped3A, %dma_start3A_361, %dma_start3A_362] : memref<4x80x128xf32, #tpu.memory_space<vmem>> -> memref<1x80x128xf32, #tpu.memory_space<vmem>>
        %dma_start3A_364 = tpu.memref_squeeze %dma_start3A_363 : memref<1x80x128xf32, #tpu.memory_space<vmem>> -> memref<80x128xf32, #tpu.memory_space<vmem>>
        tpu.enqueue_dma source(%dma_start3A_364 : memref<80x128xf32, #tpu.memory_space<vmem>>) target(%dma_start3A_360 : memref<80x128xf32, #tpu.memory_space<vmem_shared>>) target_semaphore(%run_scoped3A_352 : memref<!tpu.dma_semaphore, #tpu.memory_space<semaphore_mem>>)
        %dma_wait3A_365 = arith.constant 0 : i32
        %dma_wait3A_366 = arith.constant 0 : i32
        %dma_wait3A_367 = tpu.memref_slice %arg8[%run_scoped3A, %dma_wait3A_365, %dma_wait3A_366] : memref<4x80x128xf32, #tpu.memory_space<vmem>> -> memref<1x80x128xf32, #tpu.memory_space<vmem>>
        %dma_wait3A_368 = tpu.memref_squeeze %dma_wait3A_367 : memref<1x80x128xf32, #tpu.memory_space<vmem>> -> memref<80x128xf32, #tpu.memory_space<vmem>>
        %dma_wait3A_369 = arith.constant 0 : i32
        %dma_wait3A_370 = tpu.memref_slice %arg9[%add3A_311, %dma_wait3A_369] : memref<10000x128xf32, #tpu.memory_space<vmem_shared>> -> memref<80x128xf32, #tpu.memory_space<vmem_shared>>
        %dma_wait3A_371 = arith.constant 0 : i32
        %dma_wait3A_372 = tpu.memref_slice %arg9[%add3A_311, %dma_wait3A_371] : memref<10000x128xf32, #tpu.memory_space<vmem_shared>> -> memref<80x128xf32, #tpu.memory_space<vmem_shared>>
        %dma_wait3A_373 = arith.constant 0 : i32
        %dma_wait3A_374 = arith.constant 0 : i32
        %dma_wait3A_375 = tpu.memref_slice %arg8[%run_scoped3A, %dma_wait3A_373, %dma_wait3A_374] : memref<4x80x128xf32, #tpu.memory_space<vmem>> -> memref<1x80x128xf32, #tpu.memory_space<vmem>>
        %dma_wait3A_376 = tpu.memref_squeeze %dma_wait3A_375 : memref<1x80x128xf32, #tpu.memory_space<vmem>> -> memref<80x128xf32, #tpu.memory_space<vmem>>
        tpu.wait_dma2 semaphore(%run_scoped3A_352 : memref<!tpu.dma_semaphore, #tpu.memory_space<semaphore_mem>>) src(%dma_wait3A_376 : memref<80x128xf32, #tpu.memory_space<vmem>>) dst(%dma_wait3A_372 : memref<80x128xf32, #tpu.memory_space<vmem_shared>>)
        tpu.yield
      }) : () -> ()
      %mul3A_312 = arith.constant 624 : i32
      %mul3A_313 = arith.muli %arg1, %mul3A_312 : i32
      %add3A_314 = arith.constant 80 : i32
      %add3A_315 = arith.addi %mul3A_313, %add3A_314 : i32
      %run_scoped3A_316 = arith.constant 0 : i32
      "tpu.region"() ({
        %run_scoped3A_352 = tpu.sem_alloc : memref<!tpu.dma_semaphore, #tpu.memory_space<semaphore_mem>>
        %dma_start3A_353 = arith.constant 0 : i32
        %dma_start3A_354 = arith.constant 0 : i32
        %dma_start3A_355 = tpu.memref_slice %arg8[%run_scoped3A_316, %dma_start3A_353, %dma_start3A_354] : memref<4x80x128xf32, #tpu.memory_space<vmem>> -> memref<1x80x128xf32, #tpu.memory_space<vmem>>
        %dma_start3A_356 = tpu.memref_squeeze %dma_start3A_355 : memref<1x80x128xf32, #tpu.memory_space<vmem>> -> memref<80x128xf32, #tpu.memory_space<vmem>>
        %dma_start3A_357 = arith.constant 0 : i32
        %dma_start3A_358 = tpu.memref_slice %arg9[%add3A_315, %dma_start3A_357] : memref<10000x128xf32, #tpu.memory_space<vmem_shared>> -> memref<80x128xf32, #tpu.memory_space<vmem_shared>>
        %dma_start3A_359 = arith.constant 0 : i32
        %dma_start3A_360 = tpu.memref_slice %arg9[%add3A_315, %dma_start3A_359] : memref<10000x128xf32, #tpu.memory_space<vmem_shared>> -> memref<80x128xf32, #tpu.memory_space<vmem_shared>>
        %dma_start3A_361 = arith.constant 0 : i32
        %dma_start3A_362 = arith.constant 0 : i32
        %dma_start3A_363 = tpu.memref_slice %arg8[%run_scoped3A_316, %dma_start3A_361, %dma_start3A_362] : memref<4x80x128xf32, #tpu.memory_space<vmem>> -> memref<1x80x128xf32, #tpu.memory_space<vmem>>
        %dma_start3A_364 = tpu.memref_squeeze %dma_start3A_363 : memref<1x80x128xf32, #tpu.memory_space<vmem>> -> memref<80x128xf32, #tpu.memory_space<vmem>>
        tpu.enqueue_dma source(%dma_start3A_364 : memref<80x128xf32, #tpu.memory_space<vmem>>) target(%dma_start3A_360 : memref<80x128xf32, #tpu.memory_space<vmem_shared>>) target_semaphore(%run_scoped3A_352 : memref<!tpu.dma_semaphore, #tpu.memory_space<semaphore_mem>>)
        %dma_wait3A_365 = arith.constant 0 : i32
        %dma_wait3A_366 = arith.constant 0 : i32
        %dma_wait3A_367 = tpu.memref_slice %arg8[%run_scoped3A_316, %dma_wait3A_365, %dma_wait3A_366] : memref<4x80x128xf32, #tpu.memory_space<vmem>> -> memref<1x80x128xf32, #tpu.memory_space<vmem>>
        %dma_wait3A_368 = tpu.memref_squeeze %dma_wait3A_367 : memref<1x80x128xf32, #tpu.memory_space<vmem>> -> memref<80x128xf32, #tpu.memory_space<vmem>>
        %dma_wait3A_369 = arith.constant 0 : i32
        %dma_wait3A_370 = tpu.memref_slice %arg9[%add3A_315, %dma_wait3A_369] : memref<10000x128xf32, #tpu.memory_space<vmem_shared>> -> memref<80x128xf32, #tpu.memory_space<vmem_shared>>
        %dma_wait3A_371 = arith.constant 0 : i32
        %dma_wait3A_372 = tpu.memref_slice %arg9[%add3A_315, %dma_wait3A_371] : memref<10000x128xf32, #tpu.memory_space<vmem_shared>> -> memref<80x128xf32, #tpu.memory_space<vmem_shared>>
        %dma_wait3A_373 = arith.constant 0 : i32
        %dma_wait3A_374 = arith.constant 0 : i32
        %dma_wait3A_375 = tpu.memref_slice %arg8[%run_scoped3A_316, %dma_wait3A_373, %dma_wait3A_374] : memref<4x80x128xf32, #tpu.memory_space<vmem>> -> memref<1x80x128xf32, #tpu.memory_space<vmem>>
        %dma_wait3A_376 = tpu.memref_squeeze %dma_wait3A_375 : memref<1x80x128xf32, #tpu.memory_space<vmem>> -> memref<80x128xf32, #tpu.memory_space<vmem>>
        tpu.wait_dma2 semaphore(%run_scoped3A_352 : memref<!tpu.dma_semaphore, #tpu.memory_space<semaphore_mem>>) src(%dma_wait3A_376 : memref<80x128xf32, #tpu.memory_space<vmem>>) dst(%dma_wait3A_372 : memref<80x128xf32, #tpu.memory_space<vmem_shared>>)
        tpu.yield
      }) : () -> ()
      %mul3A_317 = arith.constant 624 : i32
      %mul3A_318 = arith.muli %arg1, %mul3A_317 : i32
      %add3A_319 = arith.constant 160 : i32
      %add3A_320 = arith.addi %mul3A_318, %add3A_319 : i32
      %run_scoped3A_321 = arith.constant 0 : i32
      "tpu.region"() ({
        %run_scoped3A_352 = tpu.sem_alloc : memref<!tpu.dma_semaphore, #tpu.memory_space<semaphore_mem>>
        %dma_start3A_353 = arith.constant 0 : i32
        %dma_start3A_354 = arith.constant 0 : i32
        %dma_start3A_355 = tpu.memref_slice %arg8[%run_scoped3A_321, %dma_start3A_353, %dma_start3A_354] : memref<4x80x128xf32, #tpu.memory_space<vmem>> -> memref<1x80x128xf32, #tpu.memory_space<vmem>>
        %dma_start3A_356 = tpu.memref_squeeze %dma_start3A_355 : memref<1x80x128xf32, #tpu.memory_space<vmem>> -> memref<80x128xf32, #tpu.memory_space<vmem>>
        %dma_start3A_357 = arith.constant 0 : i32
        %dma_start3A_358 = tpu.memref_slice %arg9[%add3A_320, %dma_start3A_357] : memref<10000x128xf32, #tpu.memory_space<vmem_shared>> -> memref<80x128xf32, #tpu.memory_space<vmem_shared>>
        %dma_start3A_359 = arith.constant 0 : i32
        %dma_start3A_360 = tpu.memref_slice %arg9[%add3A_320, %dma_start3A_359] : memref<10000x128xf32, #tpu.memory_space<vmem_shared>> -> memref<80x128xf32, #tpu.memory_space<vmem_shared>>
        %dma_start3A_361 = arith.constant 0 : i32
        %dma_start3A_362 = arith.constant 0 : i32
        %dma_start3A_363 = tpu.memref_slice %arg8[%run_scoped3A_321, %dma_start3A_361, %dma_start3A_362] : memref<4x80x128xf32, #tpu.memory_space<vmem>> -> memref<1x80x128xf32, #tpu.memory_space<vmem>>
        %dma_start3A_364 = tpu.memref_squeeze %dma_start3A_363 : memref<1x80x128xf32, #tpu.memory_space<vmem>> -> memref<80x128xf32, #tpu.memory_space<vmem>>
        tpu.enqueue_dma source(%dma_start3A_364 : memref<80x128xf32, #tpu.memory_space<vmem>>) target(%dma_start3A_360 : memref<80x128xf32, #tpu.memory_space<vmem_shared>>) target_semaphore(%run_scoped3A_352 : memref<!tpu.dma_semaphore, #tpu.memory_space<semaphore_mem>>)
        %dma_wait3A_365 = arith.constant 0 : i32
        %dma_wait3A_366 = arith.constant 0 : i32
        %dma_wait3A_367 = tpu.memref_slice %arg8[%run_scoped3A_321, %dma_wait3A_365, %dma_wait3A_366] : memref<4x80x128xf32, #tpu.memory_space<vmem>> -> memref<1x80x128xf32, #tpu.memory_space<vmem>>
        %dma_wait3A_368 = tpu.memref_squeeze %dma_wait3A_367 : memref<1x80x128xf32, #tpu.memory_space<vmem>> -> memref<80x128xf32, #tpu.memory_space<vmem>>
        %dma_wait3A_369 = arith.constant 0 : i32
        %dma_wait3A_370 = tpu.memref_slice %arg9[%add3A_320, %dma_wait3A_369] : memref<10000x128xf32, #tpu.memory_space<vmem_shared>> -> memref<80x128xf32, #tpu.memory_space<vmem_shared>>
        %dma_wait3A_371 = arith.constant 0 : i32
        %dma_wait3A_372 = tpu.memref_slice %arg9[%add3A_320, %dma_wait3A_371] : memref<10000x128xf32, #tpu.memory_space<vmem_shared>> -> memref<80x128xf32, #tpu.memory_space<vmem_shared>>
        %dma_wait3A_373 = arith.constant 0 : i32
        %dma_wait3A_374 = arith.constant 0 : i32
        %dma_wait3A_375 = tpu.memref_slice %arg8[%run_scoped3A_321, %dma_wait3A_373, %dma_wait3A_374] : memref<4x80x128xf32, #tpu.memory_space<vmem>> -> memref<1x80x128xf32, #tpu.memory_space<vmem>>
        %dma_wait3A_376 = tpu.memref_squeeze %dma_wait3A_375 : memref<1x80x128xf32, #tpu.memory_space<vmem>> -> memref<80x128xf32, #tpu.memory_space<vmem>>
        tpu.wait_dma2 semaphore(%run_scoped3A_352 : memref<!tpu.dma_semaphore, #tpu.memory_space<semaphore_mem>>) src(%dma_wait3A_376 : memref<80x128xf32, #tpu.memory_space<vmem>>) dst(%dma_wait3A_372 : memref<80x128xf32, #tpu.memory_space<vmem_shared>>)
        tpu.yield
      }) : () -> ()
      %mul3A_322 = arith.constant 624 : i32
      %mul3A_323 = arith.muli %arg1, %mul3A_322 : i32
      %add3A_324 = arith.constant 240 : i32
      %add3A_325 = arith.addi %mul3A_323, %add3A_324 : i32
      %run_scoped3A_326 = arith.constant 0 : i32
      "tpu.region"() ({
        %run_scoped3A_352 = tpu.sem_alloc : memref<!tpu.dma_semaphore, #tpu.memory_space<semaphore_mem>>
        %dma_start3A_353 = arith.constant 0 : i32
        %dma_start3A_354 = arith.constant 0 : i32
        %dma_start3A_355 = tpu.memref_slice %arg8[%run_scoped3A_326, %dma_start3A_353, %dma_start3A_354] : memref<4x80x128xf32, #tpu.memory_space<vmem>> -> memref<1x80x128xf32, #tpu.memory_space<vmem>>
        %dma_start3A_356 = tpu.memref_squeeze %dma_start3A_355 : memref<1x80x128xf32, #tpu.memory_space<vmem>> -> memref<80x128xf32, #tpu.memory_space<vmem>>
        %dma_start3A_357 = arith.constant 0 : i32
        %dma_start3A_358 = tpu.memref_slice %arg9[%add3A_325, %dma_start3A_357] : memref<10000x128xf32, #tpu.memory_space<vmem_shared>> -> memref<80x128xf32, #tpu.memory_space<vmem_shared>>
        %dma_start3A_359 = arith.constant 0 : i32
        %dma_start3A_360 = tpu.memref_slice %arg9[%add3A_325, %dma_start3A_359] : memref<10000x128xf32, #tpu.memory_space<vmem_shared>> -> memref<80x128xf32, #tpu.memory_space<vmem_shared>>
        %dma_start3A_361 = arith.constant 0 : i32
        %dma_start3A_362 = arith.constant 0 : i32
        %dma_start3A_363 = tpu.memref_slice %arg8[%run_scoped3A_326, %dma_start3A_361, %dma_start3A_362] : memref<4x80x128xf32, #tpu.memory_space<vmem>> -> memref<1x80x128xf32, #tpu.memory_space<vmem>>
        %dma_start3A_364 = tpu.memref_squeeze %dma_start3A_363 : memref<1x80x128xf32, #tpu.memory_space<vmem>> -> memref<80x128xf32, #tpu.memory_space<vmem>>
        tpu.enqueue_dma source(%dma_start3A_364 : memref<80x128xf32, #tpu.memory_space<vmem>>) target(%dma_start3A_360 : memref<80x128xf32, #tpu.memory_space<vmem_shared>>) target_semaphore(%run_scoped3A_352 : memref<!tpu.dma_semaphore, #tpu.memory_space<semaphore_mem>>)
        %dma_wait3A_365 = arith.constant 0 : i32
        %dma_wait3A_366 = arith.constant 0 : i32
        %dma_wait3A_367 = tpu.memref_slice %arg8[%run_scoped3A_326, %dma_wait3A_365, %dma_wait3A_366] : memref<4x80x128xf32, #tpu.memory_space<vmem>> -> memref<1x80x128xf32, #tpu.memory_space<vmem>>
        %dma_wait3A_368 = tpu.memref_squeeze %dma_wait3A_367 : memref<1x80x128xf32, #tpu.memory_space<vmem>> -> memref<80x128xf32, #tpu.memory_space<vmem>>
        %dma_wait3A_369 = arith.constant 0 : i32
        %dma_wait3A_370 = tpu.memref_slice %arg9[%add3A_325, %dma_wait3A_369] : memref<10000x128xf32, #tpu.memory_space<vmem_shared>> -> memref<80x128xf32, #tpu.memory_space<vmem_shared>>
        %dma_wait3A_371 = arith.constant 0 : i32
        %dma_wait3A_372 = tpu.memref_slice %arg9[%add3A_325, %dma_wait3A_371] : memref<10000x128xf32, #tpu.memory_space<vmem_shared>> -> memref<80x128xf32, #tpu.memory_space<vmem_shared>>
        %dma_wait3A_373 = arith.constant 0 : i32
        %dma_wait3A_374 = arith.constant 0 : i32
        %dma_wait3A_375 = tpu.memref_slice %arg8[%run_scoped3A_326, %dma_wait3A_373, %dma_wait3A_374] : memref<4x80x128xf32, #tpu.memory_space<vmem>> -> memref<1x80x128xf32, #tpu.memory_space<vmem>>
        %dma_wait3A_376 = tpu.memref_squeeze %dma_wait3A_375 : memref<1x80x128xf32, #tpu.memory_space<vmem>> -> memref<80x128xf32, #tpu.memory_space<vmem>>
        tpu.wait_dma2 semaphore(%run_scoped3A_352 : memref<!tpu.dma_semaphore, #tpu.memory_space<semaphore_mem>>) src(%dma_wait3A_376 : memref<80x128xf32, #tpu.memory_space<vmem>>) dst(%dma_wait3A_372 : memref<80x128xf32, #tpu.memory_space<vmem_shared>>)
        tpu.yield
      }) : () -> ()
      %mul3A_327 = arith.constant 624 : i32
      %mul3A_328 = arith.muli %arg1, %mul3A_327 : i32
      %add3A_329 = arith.constant 320 : i32
      %add3A_330 = arith.addi %mul3A_328, %add3A_329 : i32
      %run_scoped3A_331 = arith.constant 0 : i32
      "tpu.region"() ({
        %run_scoped3A_352 = tpu.sem_alloc : memref<!tpu.dma_semaphore, #tpu.memory_space<semaphore_mem>>
        %dma_start3A_353 = arith.constant 0 : i32
        %dma_start3A_354 = arith.constant 0 : i32
        %dma_start3A_355 = tpu.memref_slice %arg8[%run_scoped3A_331, %dma_start3A_353, %dma_start3A_354] : memref<4x80x128xf32, #tpu.memory_space<vmem>> -> memref<1x80x128xf32, #tpu.memory_space<vmem>>
        %dma_start3A_356 = tpu.memref_squeeze %dma_start3A_355 : memref<1x80x128xf32, #tpu.memory_space<vmem>> -> memref<80x128xf32, #tpu.memory_space<vmem>>
        %dma_start3A_357 = arith.constant 0 : i32
        %dma_start3A_358 = tpu.memref_slice %arg9[%add3A_330, %dma_start3A_357] : memref<10000x128xf32, #tpu.memory_space<vmem_shared>> -> memref<80x128xf32, #tpu.memory_space<vmem_shared>>
        %dma_start3A_359 = arith.constant 0 : i32
        %dma_start3A_360 = tpu.memref_slice %arg9[%add3A_330, %dma_start3A_359] : memref<10000x128xf32, #tpu.memory_space<vmem_shared>> -> memref<80x128xf32, #tpu.memory_space<vmem_shared>>
        %dma_start3A_361 = arith.constant 0 : i32
        %dma_start3A_362 = arith.constant 0 : i32
        %dma_start3A_363 = tpu.memref_slice %arg8[%run_scoped3A_331, %dma_start3A_361, %dma_start3A_362] : memref<4x80x128xf32, #tpu.memory_space<vmem>> -> memref<1x80x128xf32, #tpu.memory_space<vmem>>
        %dma_start3A_364 = tpu.memref_squeeze %dma_start3A_363 : memref<1x80x128xf32, #tpu.memory_space<vmem>> -> memref<80x128xf32, #tpu.memory_space<vmem>>
        tpu.enqueue_dma source(%dma_start3A_364 : memref<80x128xf32, #tpu.memory_space<vmem>>) target(%dma_start3A_360 : memref<80x128xf32, #tpu.memory_space<vmem_shared>>) target_semaphore(%run_scoped3A_352 : memref<!tpu.dma_semaphore, #tpu.memory_space<semaphore_mem>>)
        %dma_wait3A_365 = arith.constant 0 : i32
        %dma_wait3A_366 = arith.constant 0 : i32
        %dma_wait3A_367 = tpu.memref_slice %arg8[%run_scoped3A_331, %dma_wait3A_365, %dma_wait3A_366] : memref<4x80x128xf32, #tpu.memory_space<vmem>> -> memref<1x80x128xf32, #tpu.memory_space<vmem>>
        %dma_wait3A_368 = tpu.memref_squeeze %dma_wait3A_367 : memref<1x80x128xf32, #tpu.memory_space<vmem>> -> memref<80x128xf32, #tpu.memory_space<vmem>>
        %dma_wait3A_369 = arith.constant 0 : i32
        %dma_wait3A_370 = tpu.memref_slice %arg9[%add3A_330, %dma_wait3A_369] : memref<10000x128xf32, #tpu.memory_space<vmem_shared>> -> memref<80x128xf32, #tpu.memory_space<vmem_shared>>
        %dma_wait3A_371 = arith.constant 0 : i32
        %dma_wait3A_372 = tpu.memref_slice %arg9[%add3A_330, %dma_wait3A_371] : memref<10000x128xf32, #tpu.memory_space<vmem_shared>> -> memref<80x128xf32, #tpu.memory_space<vmem_shared>>
        %dma_wait3A_373 = arith.constant 0 : i32
        %dma_wait3A_374 = arith.constant 0 : i32
        %dma_wait3A_375 = tpu.memref_slice %arg8[%run_scoped3A_331, %dma_wait3A_373, %dma_wait3A_374] : memref<4x80x128xf32, #tpu.memory_space<vmem>> -> memref<1x80x128xf32, #tpu.memory_space<vmem>>
        %dma_wait3A_376 = tpu.memref_squeeze %dma_wait3A_375 : memref<1x80x128xf32, #tpu.memory_space<vmem>> -> memref<80x128xf32, #tpu.memory_space<vmem>>
        tpu.wait_dma2 semaphore(%run_scoped3A_352 : memref<!tpu.dma_semaphore, #tpu.memory_space<semaphore_mem>>) src(%dma_wait3A_376 : memref<80x128xf32, #tpu.memory_space<vmem>>) dst(%dma_wait3A_372 : memref<80x128xf32, #tpu.memory_space<vmem_shared>>)
        tpu.yield
      }) : () -> ()
      %mul3A_332 = arith.constant 624 : i32
      %mul3A_333 = arith.muli %arg1, %mul3A_332 : i32
      %add3A_334 = arith.constant 400 : i32
      %add3A_335 = arith.addi %mul3A_333, %add3A_334 : i32
      %run_scoped3A_336 = arith.constant 0 : i32
      "tpu.region"() ({
        %run_scoped3A_352 = tpu.sem_alloc : memref<!tpu.dma_semaphore, #tpu.memory_space<semaphore_mem>>
        %dma_start3A_353 = arith.constant 0 : i32
        %dma_start3A_354 = arith.constant 0 : i32
        %dma_start3A_355 = tpu.memref_slice %arg8[%run_scoped3A_336, %dma_start3A_353, %dma_start3A_354] : memref<4x80x128xf32, #tpu.memory_space<vmem>> -> memref<1x80x128xf32, #tpu.memory_space<vmem>>
        %dma_start3A_356 = tpu.memref_squeeze %dma_start3A_355 : memref<1x80x128xf32, #tpu.memory_space<vmem>> -> memref<80x128xf32, #tpu.memory_space<vmem>>
        %dma_start3A_357 = arith.constant 0 : i32
        %dma_start3A_358 = tpu.memref_slice %arg9[%add3A_335, %dma_start3A_357] : memref<10000x128xf32, #tpu.memory_space<vmem_shared>> -> memref<80x128xf32, #tpu.memory_space<vmem_shared>>
        %dma_start3A_359 = arith.constant 0 : i32
        %dma_start3A_360 = tpu.memref_slice %arg9[%add3A_335, %dma_start3A_359] : memref<10000x128xf32, #tpu.memory_space<vmem_shared>> -> memref<80x128xf32, #tpu.memory_space<vmem_shared>>
        %dma_start3A_361 = arith.constant 0 : i32
        %dma_start3A_362 = arith.constant 0 : i32
        %dma_start3A_363 = tpu.memref_slice %arg8[%run_scoped3A_336, %dma_start3A_361, %dma_start3A_362] : memref<4x80x128xf32, #tpu.memory_space<vmem>> -> memref<1x80x128xf32, #tpu.memory_space<vmem>>
        %dma_start3A_364 = tpu.memref_squeeze %dma_start3A_363 : memref<1x80x128xf32, #tpu.memory_space<vmem>> -> memref<80x128xf32, #tpu.memory_space<vmem>>
        tpu.enqueue_dma source(%dma_start3A_364 : memref<80x128xf32, #tpu.memory_space<vmem>>) target(%dma_start3A_360 : memref<80x128xf32, #tpu.memory_space<vmem_shared>>) target_semaphore(%run_scoped3A_352 : memref<!tpu.dma_semaphore, #tpu.memory_space<semaphore_mem>>)
        %dma_wait3A_365 = arith.constant 0 : i32
        %dma_wait3A_366 = arith.constant 0 : i32
        %dma_wait3A_367 = tpu.memref_slice %arg8[%run_scoped3A_336, %dma_wait3A_365, %dma_wait3A_366] : memref<4x80x128xf32, #tpu.memory_space<vmem>> -> memref<1x80x128xf32, #tpu.memory_space<vmem>>
        %dma_wait3A_368 = tpu.memref_squeeze %dma_wait3A_367 : memref<1x80x128xf32, #tpu.memory_space<vmem>> -> memref<80x128xf32, #tpu.memory_space<vmem>>
        %dma_wait3A_369 = arith.constant 0 : i32
        %dma_wait3A_370 = tpu.memref_slice %arg9[%add3A_335, %dma_wait3A_369] : memref<10000x128xf32, #tpu.memory_space<vmem_shared>> -> memref<80x128xf32, #tpu.memory_space<vmem_shared>>
        %dma_wait3A_371 = arith.constant 0 : i32
        %dma_wait3A_372 = tpu.memref_slice %arg9[%add3A_335, %dma_wait3A_371] : memref<10000x128xf32, #tpu.memory_space<vmem_shared>> -> memref<80x128xf32, #tpu.memory_space<vmem_shared>>
        %dma_wait3A_373 = arith.constant 0 : i32
        %dma_wait3A_374 = arith.constant 0 : i32
        %dma_wait3A_375 = tpu.memref_slice %arg8[%run_scoped3A_336, %dma_wait3A_373, %dma_wait3A_374] : memref<4x80x128xf32, #tpu.memory_space<vmem>> -> memref<1x80x128xf32, #tpu.memory_space<vmem>>
        %dma_wait3A_376 = tpu.memref_squeeze %dma_wait3A_375 : memref<1x80x128xf32, #tpu.memory_space<vmem>> -> memref<80x128xf32, #tpu.memory_space<vmem>>
        tpu.wait_dma2 semaphore(%run_scoped3A_352 : memref<!tpu.dma_semaphore, #tpu.memory_space<semaphore_mem>>) src(%dma_wait3A_376 : memref<80x128xf32, #tpu.memory_space<vmem>>) dst(%dma_wait3A_372 : memref<80x128xf32, #tpu.memory_space<vmem_shared>>)
        tpu.yield
      }) : () -> ()
      %mul3A_337 = arith.constant 624 : i32
      %mul3A_338 = arith.muli %arg1, %mul3A_337 : i32
      %add3A_339 = arith.constant 480 : i32
      %add3A_340 = arith.addi %mul3A_338, %add3A_339 : i32
      %run_scoped3A_341 = arith.constant 0 : i32
      "tpu.region"() ({
        %run_scoped3A_352 = tpu.sem_alloc : memref<!tpu.dma_semaphore, #tpu.memory_space<semaphore_mem>>
        %dma_start3A_353 = arith.constant 0 : i32
        %dma_start3A_354 = arith.constant 0 : i32
        %dma_start3A_355 = tpu.memref_slice %arg8[%run_scoped3A_341, %dma_start3A_353, %dma_start3A_354] : memref<4x80x128xf32, #tpu.memory_space<vmem>> -> memref<1x80x128xf32, #tpu.memory_space<vmem>>
        %dma_start3A_356 = tpu.memref_squeeze %dma_start3A_355 : memref<1x80x128xf32, #tpu.memory_space<vmem>> -> memref<80x128xf32, #tpu.memory_space<vmem>>
        %dma_start3A_357 = arith.constant 0 : i32
        %dma_start3A_358 = tpu.memref_slice %arg9[%add3A_340, %dma_start3A_357] : memref<10000x128xf32, #tpu.memory_space<vmem_shared>> -> memref<80x128xf32, #tpu.memory_space<vmem_shared>>
        %dma_start3A_359 = arith.constant 0 : i32
        %dma_start3A_360 = tpu.memref_slice %arg9[%add3A_340, %dma_start3A_359] : memref<10000x128xf32, #tpu.memory_space<vmem_shared>> -> memref<80x128xf32, #tpu.memory_space<vmem_shared>>
        %dma_start3A_361 = arith.constant 0 : i32
        %dma_start3A_362 = arith.constant 0 : i32
        %dma_start3A_363 = tpu.memref_slice %arg8[%run_scoped3A_341, %dma_start3A_361, %dma_start3A_362] : memref<4x80x128xf32, #tpu.memory_space<vmem>> -> memref<1x80x128xf32, #tpu.memory_space<vmem>>
        %dma_start3A_364 = tpu.memref_squeeze %dma_start3A_363 : memref<1x80x128xf32, #tpu.memory_space<vmem>> -> memref<80x128xf32, #tpu.memory_space<vmem>>
        tpu.enqueue_dma source(%dma_start3A_364 : memref<80x128xf32, #tpu.memory_space<vmem>>) target(%dma_start3A_360 : memref<80x128xf32, #tpu.memory_space<vmem_shared>>) target_semaphore(%run_scoped3A_352 : memref<!tpu.dma_semaphore, #tpu.memory_space<semaphore_mem>>)
        %dma_wait3A_365 = arith.constant 0 : i32
        %dma_wait3A_366 = arith.constant 0 : i32
        %dma_wait3A_367 = tpu.memref_slice %arg8[%run_scoped3A_341, %dma_wait3A_365, %dma_wait3A_366] : memref<4x80x128xf32, #tpu.memory_space<vmem>> -> memref<1x80x128xf32, #tpu.memory_space<vmem>>
        %dma_wait3A_368 = tpu.memref_squeeze %dma_wait3A_367 : memref<1x80x128xf32, #tpu.memory_space<vmem>> -> memref<80x128xf32, #tpu.memory_space<vmem>>
        %dma_wait3A_369 = arith.constant 0 : i32
        %dma_wait3A_370 = tpu.memref_slice %arg9[%add3A_340, %dma_wait3A_369] : memref<10000x128xf32, #tpu.memory_space<vmem_shared>> -> memref<80x128xf32, #tpu.memory_space<vmem_shared>>
        %dma_wait3A_371 = arith.constant 0 : i32
        %dma_wait3A_372 = tpu.memref_slice %arg9[%add3A_340, %dma_wait3A_371] : memref<10000x128xf32, #tpu.memory_space<vmem_shared>> -> memref<80x128xf32, #tpu.memory_space<vmem_shared>>
        %dma_wait3A_373 = arith.constant 0 : i32
        %dma_wait3A_374 = arith.constant 0 : i32
        %dma_wait3A_375 = tpu.memref_slice %arg8[%run_scoped3A_341, %dma_wait3A_373, %dma_wait3A_374] : memref<4x80x128xf32, #tpu.memory_space<vmem>> -> memref<1x80x128xf32, #tpu.memory_space<vmem>>
        %dma_wait3A_376 = tpu.memref_squeeze %dma_wait3A_375 : memref<1x80x128xf32, #tpu.memory_space<vmem>> -> memref<80x128xf32, #tpu.memory_space<vmem>>
        tpu.wait_dma2 semaphore(%run_scoped3A_352 : memref<!tpu.dma_semaphore, #tpu.memory_space<semaphore_mem>>) src(%dma_wait3A_376 : memref<80x128xf32, #tpu.memory_space<vmem>>) dst(%dma_wait3A_372 : memref<80x128xf32, #tpu.memory_space<vmem_shared>>)
        tpu.yield
      }) : () -> ()
      %mul3A_342 = arith.constant 624 : i32
      %mul3A_343 = arith.muli %arg1, %mul3A_342 : i32
      %add3A_344 = arith.constant 560 : i32
      %add3A_345 = arith.addi %mul3A_343, %add3A_344 : i32
      %run_scoped3A_346 = arith.constant 0 : i32
      "tpu.region"() ({
        %run_scoped3A_352 = tpu.sem_alloc : memref<!tpu.dma_semaphore, #tpu.memory_space<semaphore_mem>>
        %dma_start3A_353 = arith.constant 0 : i32
        %dma_start3A_354 = arith.constant 0 : i32
        %dma_start3A_355 = tpu.memref_slice %arg8[%run_scoped3A_346, %dma_start3A_353, %dma_start3A_354] : memref<4x80x128xf32, #tpu.memory_space<vmem>> -> memref<1x80x128xf32, #tpu.memory_space<vmem>>
        %dma_start3A_356 = tpu.memref_squeeze %dma_start3A_355 : memref<1x80x128xf32, #tpu.memory_space<vmem>> -> memref<80x128xf32, #tpu.memory_space<vmem>>
        %dma_start3A_357 = arith.constant 0 : i32
        %dma_start3A_358 = arith.constant 0 : i32
        %dma_start3A_359 = tpu.memref_slice %dma_start3A_356[%dma_start3A_357, %dma_start3A_358] : memref<80x128xf32, #tpu.memory_space<vmem>> -> memref<64x128xf32, #tpu.memory_space<vmem>>
        %dma_start3A_360 = arith.constant 0 : i32
        %dma_start3A_361 = tpu.memref_slice %arg9[%add3A_345, %dma_start3A_360] : memref<10000x128xf32, #tpu.memory_space<vmem_shared>> -> memref<64x128xf32, #tpu.memory_space<vmem_shared>>
        %dma_start3A_362 = arith.constant 0 : i32
        %dma_start3A_363 = tpu.memref_slice %arg9[%add3A_345, %dma_start3A_362] : memref<10000x128xf32, #tpu.memory_space<vmem_shared>> -> memref<64x128xf32, #tpu.memory_space<vmem_shared>>
        %dma_start3A_364 = arith.constant 0 : i32
        %dma_start3A_365 = arith.constant 0 : i32
        %dma_start3A_366 = tpu.memref_slice %arg8[%run_scoped3A_346, %dma_start3A_364, %dma_start3A_365] : memref<4x80x128xf32, #tpu.memory_space<vmem>> -> memref<1x80x128xf32, #tpu.memory_space<vmem>>
        %dma_start3A_367 = tpu.memref_squeeze %dma_start3A_366 : memref<1x80x128xf32, #tpu.memory_space<vmem>> -> memref<80x128xf32, #tpu.memory_space<vmem>>
        %dma_start3A_368 = arith.constant 0 : i32
        %dma_start3A_369 = arith.constant 0 : i32
        %dma_start3A_370 = tpu.memref_slice %dma_start3A_367[%dma_start3A_368, %dma_start3A_369] : memref<80x128xf32, #tpu.memory_space<vmem>> -> memref<64x128xf32, #tpu.memory_space<vmem>>
        tpu.enqueue_dma source(%dma_start3A_370 : memref<64x128xf32, #tpu.memory_space<vmem>>) target(%dma_start3A_363 : memref<64x128xf32, #tpu.memory_space<vmem_shared>>) target_semaphore(%run_scoped3A_352 : memref<!tpu.dma_semaphore, #tpu.memory_space<semaphore_mem>>)
        %dma_wait3A_371 = arith.constant 0 : i32
        %dma_wait3A_372 = arith.constant 0 : i32
        %dma_wait3A_373 = tpu.memref_slice %arg8[%run_scoped3A_346, %dma_wait3A_371, %dma_wait3A_372] : memref<4x80x128xf32, #tpu.memory_space<vmem>> -> memref<1x80x128xf32, #tpu.memory_space<vmem>>
        %dma_wait3A_374 = tpu.memref_squeeze %dma_wait3A_373 : memref<1x80x128xf32, #tpu.memory_space<vmem>> -> memref<80x128xf32, #tpu.memory_space<vmem>>
        %dma_wait3A_375 = arith.constant 0 : i32
        %dma_wait3A_376 = arith.constant 0 : i32
        %dma_wait3A_377 = tpu.memref_slice %dma_wait3A_374[%dma_wait3A_375, %dma_wait3A_376] : memref<80x128xf32, #tpu.memory_space<vmem>> -> memref<64x128xf32, #tpu.memory_space<vmem>>
        %dma_wait3A_378 = arith.constant 0 : i32
        %dma_wait3A_379 = tpu.memref_slice %arg9[%add3A_345, %dma_wait3A_378] : memref<10000x128xf32, #tpu.memory_space<vmem_shared>> -> memref<64x128xf32, #tpu.memory_space<vmem_shared>>
        %dma_wait3A_380 = arith.constant 0 : i32
        %dma_wait3A_381 = tpu.memref_slice %arg9[%add3A_345, %dma_wait3A_380] : memref<10000x128xf32, #tpu.memory_space<vmem_shared>> -> memref<64x128xf32, #tpu.memory_space<vmem_shared>>
        %dma_wait3A_382 = arith.constant 0 : i32
        %dma_wait3A_383 = arith.constant 0 : i32
        %dma_wait3A_384 = tpu.memref_slice %arg8[%run_scoped3A_346, %dma_wait3A_382, %dma_wait3A_383] : memref<4x80x128xf32, #tpu.memory_space<vmem>> -> memref<1x80x128xf32, #tpu.memory_space<vmem>>
        %dma_wait3A_385 = tpu.memref_squeeze %dma_wait3A_384 : memref<1x80x128xf32, #tpu.memory_space<vmem>> -> memref<80x128xf32, #tpu.memory_space<vmem>>
        %dma_wait3A_386 = arith.constant 0 : i32
        %dma_wait3A_387 = arith.constant 0 : i32
        %dma_wait3A_388 = tpu.memref_slice %dma_wait3A_385[%dma_wait3A_386, %dma_wait3A_387] : memref<80x128xf32, #tpu.memory_space<vmem>> -> memref<64x128xf32, #tpu.memory_space<vmem>>
        tpu.wait_dma2 semaphore(%run_scoped3A_352 : memref<!tpu.dma_semaphore, #tpu.memory_space<semaphore_mem>>) src(%dma_wait3A_388 : memref<64x128xf32, #tpu.memory_space<vmem>>) dst(%dma_wait3A_381 : memref<64x128xf32, #tpu.memory_space<vmem_shared>>)
        tpu.yield
      }) : () -> ()
      %eq3A_347 = arith.constant 15 : i32
      %eq3A_348 = arith.cmpi eq, %arg1, %eq3A_347 : i32
      %convert_element_type3A_349 = arith.extui %eq3A_348 : i1 to i32
      %cond3A_350 = arith.constant 0 : i32
      %cond3A_351 = arith.cmpi ne, %convert_element_type3A_349, %cond3A_350 : i32
      scf.if %cond3A_351 {
        %run_scoped3A_352 = arith.constant 0 : i32
        "tpu.region"() ({
          %run_scoped3A_353 = tpu.sem_alloc : memref<!tpu.dma_semaphore, #tpu.memory_space<semaphore_mem>>
          %dma_start3A_354 = arith.constant 0 : i32
          %dma_start3A_355 = arith.constant 0 : i32
          %dma_start3A_356 = tpu.memref_slice %arg8[%run_scoped3A_352, %dma_start3A_354, %dma_start3A_355] : memref<4x80x128xf32, #tpu.memory_space<vmem>> -> memref<1x80x128xf32, #tpu.memory_space<vmem>>
          %dma_start3A_357 = tpu.memref_squeeze %dma_start3A_356 : memref<1x80x128xf32, #tpu.memory_space<vmem>> -> memref<80x128xf32, #tpu.memory_space<vmem>>
          %dma_start3A_358 = arith.constant 0 : i32
          %dma_start3A_359 = arith.constant 0 : i32
          %dma_start3A_360 = tpu.memref_slice %dma_start3A_357[%dma_start3A_358, %dma_start3A_359] : memref<80x128xf32, #tpu.memory_space<vmem>> -> memref<16x128xf32, #tpu.memory_space<vmem>>
          %dma_start3A_361 = arith.constant 9984 : i32
          %dma_start3A_362 = arith.constant 0 : i32
          %dma_start3A_363 = tpu.memref_slice %arg9[%dma_start3A_361, %dma_start3A_362] : memref<10000x128xf32, #tpu.memory_space<vmem_shared>> -> memref<16x128xf32, #tpu.memory_space<vmem_shared>>
          %dma_start3A_364 = arith.constant 9984 : i32
          %dma_start3A_365 = arith.constant 0 : i32
          %dma_start3A_366 = tpu.memref_slice %arg9[%dma_start3A_364, %dma_start3A_365] : memref<10000x128xf32, #tpu.memory_space<vmem_shared>> -> memref<16x128xf32, #tpu.memory_space<vmem_shared>>
          %dma_start3A_367 = arith.constant 0 : i32
          %dma_start3A_368 = arith.constant 0 : i32
          %dma_start3A_369 = tpu.memref_slice %arg8[%run_scoped3A_352, %dma_start3A_367, %dma_start3A_368] : memref<4x80x128xf32, #tpu.memory_space<vmem>> -> memref<1x80x128xf32, #tpu.memory_space<vmem>>
          %dma_start3A_370 = tpu.memref_squeeze %dma_start3A_369 : memref<1x80x128xf32, #tpu.memory_space<vmem>> -> memref<80x128xf32, #tpu.memory_space<vmem>>
          %dma_start3A_371 = arith.constant 0 : i32
          %dma_start3A_372 = arith.constant 0 : i32
          %dma_start3A_373 = tpu.memref_slice %dma_start3A_370[%dma_start3A_371, %dma_start3A_372] : memref<80x128xf32, #tpu.memory_space<vmem>> -> memref<16x128xf32, #tpu.memory_space<vmem>>
          tpu.enqueue_dma source(%dma_start3A_373 : memref<16x128xf32, #tpu.memory_space<vmem>>) target(%dma_start3A_366 : memref<16x128xf32, #tpu.memory_space<vmem_shared>>) target_semaphore(%run_scoped3A_353 : memref<!tpu.dma_semaphore, #tpu.memory_space<semaphore_mem>>)
          %dma_wait3A_374 = arith.constant 0 : i32
          %dma_wait3A_375 = arith.constant 0 : i32
          %dma_wait3A_376 = tpu.memref_slice %arg8[%run_scoped3A_352, %dma_wait3A_374, %dma_wait3A_375] : memref<4x80x128xf32, #tpu.memory_space<vmem>> -> memref<1x80x128xf32, #tpu.memory_space<vmem>>
          %dma_wait3A_377 = tpu.memref_squeeze %dma_wait3A_376 : memref<1x80x128xf32, #tpu.memory_space<vmem>> -> memref<80x128xf32, #tpu.memory_space<vmem>>
          %dma_wait3A_378 = arith.constant 0 : i32
          %dma_wait3A_379 = arith.constant 0 : i32
          %dma_wait3A_380 = tpu.memref_slice %dma_wait3A_377[%dma_wait3A_378, %dma_wait3A_379] : memref<80x128xf32, #tpu.memory_space<vmem>> -> memref<16x128xf32, #tpu.memory_space<vmem>>
          %dma_wait3A_381 = arith.constant 9984 : i32
          %dma_wait3A_382 = arith.constant 0 : i32
          %dma_wait3A_383 = tpu.memref_slice %arg9[%dma_wait3A_381, %dma_wait3A_382] : memref<10000x128xf32, #tpu.memory_space<vmem_shared>> -> memref<16x128xf32, #tpu.memory_space<vmem_shared>>
          %dma_wait3A_384 = arith.constant 9984 : i32
          %dma_wait3A_385 = arith.constant 0 : i32
          %dma_wait3A_386 = tpu.memref_slice %arg9[%dma_wait3A_384, %dma_wait3A_385] : memref<10000x128xf32, #tpu.memory_space<vmem_shared>> -> memref<16x128xf32, #tpu.memory_space<vmem_shared>>
          %dma_wait3A_387 = arith.constant 0 : i32
          %dma_wait3A_388 = arith.constant 0 : i32
          %dma_wait3A_389 = tpu.memref_slice %arg8[%run_scoped3A_352, %dma_wait3A_387, %dma_wait3A_388] : memref<4x80x128xf32, #tpu.memory_space<vmem>> -> memref<1x80x128xf32, #tpu.memory_space<vmem>>
          %dma_wait3A_390 = tpu.memref_squeeze %dma_wait3A_389 : memref<1x80x128xf32, #tpu.memory_space<vmem>> -> memref<80x128xf32, #tpu.memory_space<vmem>>
          %dma_wait3A_391 = arith.constant 0 : i32
          %dma_wait3A_392 = arith.constant 0 : i32
          %dma_wait3A_393 = tpu.memref_slice %dma_wait3A_390[%dma_wait3A_391, %dma_wait3A_392] : memref<80x128xf32, #tpu.memory_space<vmem>> -> memref<16x128xf32, #tpu.memory_space<vmem>>
          tpu.wait_dma2 semaphore(%run_scoped3A_353 : memref<!tpu.dma_semaphore, #tpu.memory_space<semaphore_mem>>) src(%dma_wait3A_393 : memref<16x128xf32, #tpu.memory_space<vmem>>) dst(%dma_wait3A_386 : memref<16x128xf32, #tpu.memory_space<vmem_shared>>)
          tpu.yield
        }) : () -> ()
      } else {
      }
    } else {
    }
    %barrier3A = arith.constant 0 : index
    tpu.barrier barrier_id(%barrier3A)
    %rem3A = arith.constant 0 : i32
    %rem3A_7 = arith.constant 6 : i32
    %rem3A_8 = arith.remsi %rem3A, %rem3A_7 : i32
    %dma_start3A = arith.constant 0 : i32
    %dma_start3A_9 = arith.constant 0 : i32
    %dma_start3A_10 = tpu.memref_slice %arg6[%rem3A_8, %dma_start3A_9] : memref<6x80xi32, #tpu.memory_space<vmem>> -> memref<1x80xi32, #tpu.memory_space<vmem>>
    %dma_start3A_11 = tpu.memref_squeeze %dma_start3A_10 : memref<1x80xi32, #tpu.memory_space<vmem>> -> memref<80xi32, #tpu.memory_space<vmem>>
    %dma_start3A_12 = arith.constant 0 : i32
    %dma_start3A_13 = tpu.memref_slice %arg3[%add3A, %dma_start3A, %dma_start3A_12] : memref<32x125x80xi32, #tpu.memory_space<hbm>> -> memref<1x1x80xi32, #tpu.memory_space<hbm>>
    %dma_start3A_14 = tpu.memref_squeeze %dma_start3A_13 : memref<1x1x80xi32, #tpu.memory_space<hbm>> -> memref<80xi32, #tpu.memory_space<hbm>>
    %dma_start3A_15 = arith.constant 0 : i32
    %dma_start3A_16 = tpu.memref_slice %arg6[%rem3A_8, %dma_start3A_15] : memref<6x80xi32, #tpu.memory_space<vmem>> -> memref<1x80xi32, #tpu.memory_space<vmem>>
    %dma_start3A_17 = tpu.memref_squeeze %dma_start3A_16 : memref<1x80xi32, #tpu.memory_space<vmem>> -> memref<80xi32, #tpu.memory_space<vmem>>
    %dma_start3A_18 = arith.constant 0 : i32
    %dma_start3A_19 = tpu.memref_slice %arg3[%add3A, %dma_start3A, %dma_start3A_18] : memref<32x125x80xi32, #tpu.memory_space<hbm>> -> memref<1x1x80xi32, #tpu.memory_space<hbm>>
    %dma_start3A_20 = tpu.memref_squeeze %dma_start3A_19 : memref<1x1x80xi32, #tpu.memory_space<hbm>> -> memref<80xi32, #tpu.memory_space<hbm>>
    tpu.enqueue_dma source(%dma_start3A_20 : memref<80xi32, #tpu.memory_space<hbm>>) target(%dma_start3A_17 : memref<80xi32, #tpu.memory_space<vmem>>) target_semaphore(%arg11 : memref<!tpu.dma_semaphore, #tpu.memory_space<semaphore_mem>>)
    %dma_start3A_21 = arith.constant 0 : i32
    %dma_start3A_22 = arith.constant 0 : i32
    %dma_start3A_23 = tpu.memref_slice %arg7[%rem3A_8, %dma_start3A_22] : memref<6x80xi32, #tpu.memory_space<vmem>> -> memref<1x80xi32, #tpu.memory_space<vmem>>
    %dma_start3A_24 = tpu.memref_squeeze %dma_start3A_23 : memref<1x80xi32, #tpu.memory_space<vmem>> -> memref<80xi32, #tpu.memory_space<vmem>>
    %dma_start3A_25 = arith.constant 0 : i32
    %dma_start3A_26 = tpu.memref_slice %arg4[%add3A, %dma_start3A_21, %dma_start3A_25] : memref<32x125x80xi32, #tpu.memory_space<hbm>> -> memref<1x1x80xi32, #tpu.memory_space<hbm>>
    %dma_start3A_27 = tpu.memref_squeeze %dma_start3A_26 : memref<1x1x80xi32, #tpu.memory_space<hbm>> -> memref<80xi32, #tpu.memory_space<hbm>>
    %dma_start3A_28 = arith.constant 0 : i32
    %dma_start3A_29 = tpu.memref_slice %arg7[%rem3A_8, %dma_start3A_28] : memref<6x80xi32, #tpu.memory_space<vmem>> -> memref<1x80xi32, #tpu.memory_space<vmem>>
    %dma_start3A_30 = tpu.memref_squeeze %dma_start3A_29 : memref<1x80xi32, #tpu.memory_space<vmem>> -> memref<80xi32, #tpu.memory_space<vmem>>
    %dma_start3A_31 = arith.constant 0 : i32
    %dma_start3A_32 = tpu.memref_slice %arg4[%add3A, %dma_start3A_21, %dma_start3A_31] : memref<32x125x80xi32, #tpu.memory_space<hbm>> -> memref<1x1x80xi32, #tpu.memory_space<hbm>>
    %dma_start3A_33 = tpu.memref_squeeze %dma_start3A_32 : memref<1x1x80xi32, #tpu.memory_space<hbm>> -> memref<80xi32, #tpu.memory_space<hbm>>
    tpu.enqueue_dma source(%dma_start3A_33 : memref<80xi32, #tpu.memory_space<hbm>>) target(%dma_start3A_30 : memref<80xi32, #tpu.memory_space<vmem>>) target_semaphore(%arg11 : memref<!tpu.dma_semaphore, #tpu.memory_space<semaphore_mem>>)
    %rem3A_34 = arith.constant 1 : i32
    %rem3A_35 = arith.constant 6 : i32
    %rem3A_36 = arith.remsi %rem3A_34, %rem3A_35 : i32
    %dma_start3A_37 = arith.constant 1 : i32
    %dma_start3A_38 = arith.constant 0 : i32
    %dma_start3A_39 = tpu.memref_slice %arg6[%rem3A_36, %dma_start3A_38] : memref<6x80xi32, #tpu.memory_space<vmem>> -> memref<1x80xi32, #tpu.memory_space<vmem>>
    %dma_start3A_40 = tpu.memref_squeeze %dma_start3A_39 : memref<1x80xi32, #tpu.memory_space<vmem>> -> memref<80xi32, #tpu.memory_space<vmem>>
    %dma_start3A_41 = arith.constant 0 : i32
    %dma_start3A_42 = tpu.memref_slice %arg3[%add3A, %dma_start3A_37, %dma_start3A_41] : memref<32x125x80xi32, #tpu.memory_space<hbm>> -> memref<1x1x80xi32, #tpu.memory_space<hbm>>
    %dma_start3A_43 = tpu.memref_squeeze %dma_start3A_42 : memref<1x1x80xi32, #tpu.memory_space<hbm>> -> memref<80xi32, #tpu.memory_space<hbm>>
    %dma_start3A_44 = arith.constant 0 : i32
    %dma_start3A_45 = tpu.memref_slice %arg6[%rem3A_36, %dma_start3A_44] : memref<6x80xi32, #tpu.memory_space<vmem>> -> memref<1x80xi32, #tpu.memory_space<vmem>>
    %dma_start3A_46 = tpu.memref_squeeze %dma_start3A_45 : memref<1x80xi32, #tpu.memory_space<vmem>> -> memref<80xi32, #tpu.memory_space<vmem>>
    %dma_start3A_47 = arith.constant 0 : i32
    %dma_start3A_48 = tpu.memref_slice %arg3[%add3A, %dma_start3A_37, %dma_start3A_47] : memref<32x125x80xi32, #tpu.memory_space<hbm>> -> memref<1x1x80xi32, #tpu.memory_space<hbm>>
    %dma_start3A_49 = tpu.memref_squeeze %dma_start3A_48 : memref<1x1x80xi32, #tpu.memory_space<hbm>> -> memref<80xi32, #tpu.memory_space<hbm>>
    tpu.enqueue_dma source(%dma_start3A_49 : memref<80xi32, #tpu.memory_space<hbm>>) target(%dma_start3A_46 : memref<80xi32, #tpu.memory_space<vmem>>) target_semaphore(%arg11 : memref<!tpu.dma_semaphore, #tpu.memory_space<semaphore_mem>>)
    %dma_start3A_50 = arith.constant 1 : i32
    %dma_start3A_51 = arith.constant 0 : i32
    %dma_start3A_52 = tpu.memref_slice %arg7[%rem3A_36, %dma_start3A_51] : memref<6x80xi32, #tpu.memory_space<vmem>> -> memref<1x80xi32, #tpu.memory_space<vmem>>
    %dma_start3A_53 = tpu.memref_squeeze %dma_start3A_52 : memref<1x80xi32, #tpu.memory_space<vmem>> -> memref<80xi32, #tpu.memory_space<vmem>>
    %dma_start3A_54 = arith.constant 0 : i32
    %dma_start3A_55 = tpu.memref_slice %arg4[%add3A, %dma_start3A_50, %dma_start3A_54] : memref<32x125x80xi32, #tpu.memory_space<hbm>> -> memref<1x1x80xi32, #tpu.memory_space<hbm>>
    %dma_start3A_56 = tpu.memref_squeeze %dma_start3A_55 : memref<1x1x80xi32, #tpu.memory_space<hbm>> -> memref<80xi32, #tpu.memory_space<hbm>>
    %dma_start3A_57 = arith.constant 0 : i32
    %dma_start3A_58 = tpu.memref_slice %arg7[%rem3A_36, %dma_start3A_57] : memref<6x80xi32, #tpu.memory_space<vmem>> -> memref<1x80xi32, #tpu.memory_space<vmem>>
    %dma_start3A_59 = tpu.memref_squeeze %dma_start3A_58 : memref<1x80xi32, #tpu.memory_space<vmem>> -> memref<80xi32, #tpu.memory_space<vmem>>
    %dma_start3A_60 = arith.constant 0 : i32
    %dma_start3A_61 = tpu.memref_slice %arg4[%add3A, %dma_start3A_50, %dma_start3A_60] : memref<32x125x80xi32, #tpu.memory_space<hbm>> -> memref<1x1x80xi32, #tpu.memory_space<hbm>>
    %dma_start3A_62 = tpu.memref_squeeze %dma_start3A_61 : memref<1x1x80xi32, #tpu.memory_space<hbm>> -> memref<80xi32, #tpu.memory_space<hbm>>
    tpu.enqueue_dma source(%dma_start3A_62 : memref<80xi32, #tpu.memory_space<hbm>>) target(%dma_start3A_59 : memref<80xi32, #tpu.memory_space<vmem>>) target_semaphore(%arg11 : memref<!tpu.dma_semaphore, #tpu.memory_space<semaphore_mem>>)
    %rem3A_63 = arith.constant 2 : i32
    %rem3A_64 = arith.constant 6 : i32
    %rem3A_65 = arith.remsi %rem3A_63, %rem3A_64 : i32
    %dma_start3A_66 = arith.constant 2 : i32
    %dma_start3A_67 = arith.constant 0 : i32
    %dma_start3A_68 = tpu.memref_slice %arg6[%rem3A_65, %dma_start3A_67] : memref<6x80xi32, #tpu.memory_space<vmem>> -> memref<1x80xi32, #tpu.memory_space<vmem>>
    %dma_start3A_69 = tpu.memref_squeeze %dma_start3A_68 : memref<1x80xi32, #tpu.memory_space<vmem>> -> memref<80xi32, #tpu.memory_space<vmem>>
    %dma_start3A_70 = arith.constant 0 : i32
    %dma_start3A_71 = tpu.memref_slice %arg3[%add3A, %dma_start3A_66, %dma_start3A_70] : memref<32x125x80xi32, #tpu.memory_space<hbm>> -> memref<1x1x80xi32, #tpu.memory_space<hbm>>
    %dma_start3A_72 = tpu.memref_squeeze %dma_start3A_71 : memref<1x1x80xi32, #tpu.memory_space<hbm>> -> memref<80xi32, #tpu.memory_space<hbm>>
    %dma_start3A_73 = arith.constant 0 : i32
    %dma_start3A_74 = tpu.memref_slice %arg6[%rem3A_65, %dma_start3A_73] : memref<6x80xi32, #tpu.memory_space<vmem>> -> memref<1x80xi32, #tpu.memory_space<vmem>>
    %dma_start3A_75 = tpu.memref_squeeze %dma_start3A_74 : memref<1x80xi32, #tpu.memory_space<vmem>> -> memref<80xi32, #tpu.memory_space<vmem>>
    %dma_start3A_76 = arith.constant 0 : i32
    %dma_start3A_77 = tpu.memref_slice %arg3[%add3A, %dma_start3A_66, %dma_start3A_76] : memref<32x125x80xi32, #tpu.memory_space<hbm>> -> memref<1x1x80xi32, #tpu.memory_space<hbm>>
    %dma_start3A_78 = tpu.memref_squeeze %dma_start3A_77 : memref<1x1x80xi32, #tpu.memory_space<hbm>> -> memref<80xi32, #tpu.memory_space<hbm>>
    tpu.enqueue_dma source(%dma_start3A_78 : memref<80xi32, #tpu.memory_space<hbm>>) target(%dma_start3A_75 : memref<80xi32, #tpu.memory_space<vmem>>) target_semaphore(%arg11 : memref<!tpu.dma_semaphore, #tpu.memory_space<semaphore_mem>>)
    %dma_start3A_79 = arith.constant 2 : i32
    %dma_start3A_80 = arith.constant 0 : i32
    %dma_start3A_81 = tpu.memref_slice %arg7[%rem3A_65, %dma_start3A_80] : memref<6x80xi32, #tpu.memory_space<vmem>> -> memref<1x80xi32, #tpu.memory_space<vmem>>
    %dma_start3A_82 = tpu.memref_squeeze %dma_start3A_81 : memref<1x80xi32, #tpu.memory_space<vmem>> -> memref<80xi32, #tpu.memory_space<vmem>>
    %dma_start3A_83 = arith.constant 0 : i32
    %dma_start3A_84 = tpu.memref_slice %arg4[%add3A, %dma_start3A_79, %dma_start3A_83] : memref<32x125x80xi32, #tpu.memory_space<hbm>> -> memref<1x1x80xi32, #tpu.memory_space<hbm>>
    %dma_start3A_85 = tpu.memref_squeeze %dma_start3A_84 : memref<1x1x80xi32, #tpu.memory_space<hbm>> -> memref<80xi32, #tpu.memory_space<hbm>>
    %dma_start3A_86 = arith.constant 0 : i32
    %dma_start3A_87 = tpu.memref_slice %arg7[%rem3A_65, %dma_start3A_86] : memref<6x80xi32, #tpu.memory_space<vmem>> -> memref<1x80xi32, #tpu.memory_space<vmem>>
    %dma_start3A_88 = tpu.memref_squeeze %dma_start3A_87 : memref<1x80xi32, #tpu.memory_space<vmem>> -> memref<80xi32, #tpu.memory_space<vmem>>
    %dma_start3A_89 = arith.constant 0 : i32
    %dma_start3A_90 = tpu.memref_slice %arg4[%add3A, %dma_start3A_79, %dma_start3A_89] : memref<32x125x80xi32, #tpu.memory_space<hbm>> -> memref<1x1x80xi32, #tpu.memory_space<hbm>>
    %dma_start3A_91 = tpu.memref_squeeze %dma_start3A_90 : memref<1x1x80xi32, #tpu.memory_space<hbm>> -> memref<80xi32, #tpu.memory_space<hbm>>
    tpu.enqueue_dma source(%dma_start3A_91 : memref<80xi32, #tpu.memory_space<hbm>>) target(%dma_start3A_88 : memref<80xi32, #tpu.memory_space<vmem>>) target_semaphore(%arg11 : memref<!tpu.dma_semaphore, #tpu.memory_space<semaphore_mem>>)
    %rem3A_92 = arith.constant 3 : i32
    %rem3A_93 = arith.constant 6 : i32
    %rem3A_94 = arith.remsi %rem3A_92, %rem3A_93 : i32
    %dma_start3A_95 = arith.constant 3 : i32
    %dma_start3A_96 = arith.constant 0 : i32
    %dma_start3A_97 = tpu.memref_slice %arg6[%rem3A_94, %dma_start3A_96] : memref<6x80xi32, #tpu.memory_space<vmem>> -> memref<1x80xi32, #tpu.memory_space<vmem>>
    %dma_start3A_98 = tpu.memref_squeeze %dma_start3A_97 : memref<1x80xi32, #tpu.memory_space<vmem>> -> memref<80xi32, #tpu.memory_space<vmem>>
    %dma_start3A_99 = arith.constant 0 : i32
    %dma_start3A_100 = tpu.memref_slice %arg3[%add3A, %dma_start3A_95, %dma_start3A_99] : memref<32x125x80xi32, #tpu.memory_space<hbm>> -> memref<1x1x80xi32, #tpu.memory_space<hbm>>
    %dma_start3A_101 = tpu.memref_squeeze %dma_start3A_100 : memref<1x1x80xi32, #tpu.memory_space<hbm>> -> memref<80xi32, #tpu.memory_space<hbm>>
    %dma_start3A_102 = arith.constant 0 : i32
    %dma_start3A_103 = tpu.memref_slice %arg6[%rem3A_94, %dma_start3A_102] : memref<6x80xi32, #tpu.memory_space<vmem>> -> memref<1x80xi32, #tpu.memory_space<vmem>>
    %dma_start3A_104 = tpu.memref_squeeze %dma_start3A_103 : memref<1x80xi32, #tpu.memory_space<vmem>> -> memref<80xi32, #tpu.memory_space<vmem>>
    %dma_start3A_105 = arith.constant 0 : i32
    %dma_start3A_106 = tpu.memref_slice %arg3[%add3A, %dma_start3A_95, %dma_start3A_105] : memref<32x125x80xi32, #tpu.memory_space<hbm>> -> memref<1x1x80xi32, #tpu.memory_space<hbm>>
    %dma_start3A_107 = tpu.memref_squeeze %dma_start3A_106 : memref<1x1x80xi32, #tpu.memory_space<hbm>> -> memref<80xi32, #tpu.memory_space<hbm>>
    tpu.enqueue_dma source(%dma_start3A_107 : memref<80xi32, #tpu.memory_space<hbm>>) target(%dma_start3A_104 : memref<80xi32, #tpu.memory_space<vmem>>) target_semaphore(%arg11 : memref<!tpu.dma_semaphore, #tpu.memory_space<semaphore_mem>>)
    %dma_start3A_108 = arith.constant 3 : i32
    %dma_start3A_109 = arith.constant 0 : i32
    %dma_start3A_110 = tpu.memref_slice %arg7[%rem3A_94, %dma_start3A_109] : memref<6x80xi32, #tpu.memory_space<vmem>> -> memref<1x80xi32, #tpu.memory_space<vmem>>
    %dma_start3A_111 = tpu.memref_squeeze %dma_start3A_110 : memref<1x80xi32, #tpu.memory_space<vmem>> -> memref<80xi32, #tpu.memory_space<vmem>>
    %dma_start3A_112 = arith.constant 0 : i32
    %dma_start3A_113 = tpu.memref_slice %arg4[%add3A, %dma_start3A_108, %dma_start3A_112] : memref<32x125x80xi32, #tpu.memory_space<hbm>> -> memref<1x1x80xi32, #tpu.memory_space<hbm>>
    %dma_start3A_114 = tpu.memref_squeeze %dma_start3A_113 : memref<1x1x80xi32, #tpu.memory_space<hbm>> -> memref<80xi32, #tpu.memory_space<hbm>>
    %dma_start3A_115 = arith.constant 0 : i32
    %dma_start3A_116 = tpu.memref_slice %arg7[%rem3A_94, %dma_start3A_115] : memref<6x80xi32, #tpu.memory_space<vmem>> -> memref<1x80xi32, #tpu.memory_space<vmem>>
    %dma_start3A_117 = tpu.memref_squeeze %dma_start3A_116 : memref<1x80xi32, #tpu.memory_space<vmem>> -> memref<80xi32, #tpu.memory_space<vmem>>
    %dma_start3A_118 = arith.constant 0 : i32
    %dma_start3A_119 = tpu.memref_slice %arg4[%add3A, %dma_start3A_108, %dma_start3A_118] : memref<32x125x80xi32, #tpu.memory_space<hbm>> -> memref<1x1x80xi32, #tpu.memory_space<hbm>>
    %dma_start3A_120 = tpu.memref_squeeze %dma_start3A_119 : memref<1x1x80xi32, #tpu.memory_space<hbm>> -> memref<80xi32, #tpu.memory_space<hbm>>
    tpu.enqueue_dma source(%dma_start3A_120 : memref<80xi32, #tpu.memory_space<hbm>>) target(%dma_start3A_117 : memref<80xi32, #tpu.memory_space<vmem>>) target_semaphore(%arg11 : memref<!tpu.dma_semaphore, #tpu.memory_space<semaphore_mem>>)
    %rem3A_121 = arith.constant 4 : i32
    %rem3A_122 = arith.constant 6 : i32
    %rem3A_123 = arith.remsi %rem3A_121, %rem3A_122 : i32
    %dma_start3A_124 = arith.constant 4 : i32
    %dma_start3A_125 = arith.constant 0 : i32
    %dma_start3A_126 = tpu.memref_slice %arg6[%rem3A_123, %dma_start3A_125] : memref<6x80xi32, #tpu.memory_space<vmem>> -> memref<1x80xi32, #tpu.memory_space<vmem>>
    %dma_start3A_127 = tpu.memref_squeeze %dma_start3A_126 : memref<1x80xi32, #tpu.memory_space<vmem>> -> memref<80xi32, #tpu.memory_space<vmem>>
    %dma_start3A_128 = arith.constant 0 : i32
    %dma_start3A_129 = tpu.memref_slice %arg3[%add3A, %dma_start3A_124, %dma_start3A_128] : memref<32x125x80xi32, #tpu.memory_space<hbm>> -> memref<1x1x80xi32, #tpu.memory_space<hbm>>
    %dma_start3A_130 = tpu.memref_squeeze %dma_start3A_129 : memref<1x1x80xi32, #tpu.memory_space<hbm>> -> memref<80xi32, #tpu.memory_space<hbm>>
    %dma_start3A_131 = arith.constant 0 : i32
    %dma_start3A_132 = tpu.memref_slice %arg6[%rem3A_123, %dma_start3A_131] : memref<6x80xi32, #tpu.memory_space<vmem>> -> memref<1x80xi32, #tpu.memory_space<vmem>>
    %dma_start3A_133 = tpu.memref_squeeze %dma_start3A_132 : memref<1x80xi32, #tpu.memory_space<vmem>> -> memref<80xi32, #tpu.memory_space<vmem>>
    %dma_start3A_134 = arith.constant 0 : i32
    %dma_start3A_135 = tpu.memref_slice %arg3[%add3A, %dma_start3A_124, %dma_start3A_134] : memref<32x125x80xi32, #tpu.memory_space<hbm>> -> memref<1x1x80xi32, #tpu.memory_space<hbm>>
    %dma_start3A_136 = tpu.memref_squeeze %dma_start3A_135 : memref<1x1x80xi32, #tpu.memory_space<hbm>> -> memref<80xi32, #tpu.memory_space<hbm>>
    tpu.enqueue_dma source(%dma_start3A_136 : memref<80xi32, #tpu.memory_space<hbm>>) target(%dma_start3A_133 : memref<80xi32, #tpu.memory_space<vmem>>) target_semaphore(%arg11 : memref<!tpu.dma_semaphore, #tpu.memory_space<semaphore_mem>>)
    %dma_start3A_137 = arith.constant 4 : i32
    %dma_start3A_138 = arith.constant 0 : i32
    %dma_start3A_139 = tpu.memref_slice %arg7[%rem3A_123, %dma_start3A_138] : memref<6x80xi32, #tpu.memory_space<vmem>> -> memref<1x80xi32, #tpu.memory_space<vmem>>
    %dma_start3A_140 = tpu.memref_squeeze %dma_start3A_139 : memref<1x80xi32, #tpu.memory_space<vmem>> -> memref<80xi32, #tpu.memory_space<vmem>>
    %dma_start3A_141 = arith.constant 0 : i32
    %dma_start3A_142 = tpu.memref_slice %arg4[%add3A, %dma_start3A_137, %dma_start3A_141] : memref<32x125x80xi32, #tpu.memory_space<hbm>> -> memref<1x1x80xi32, #tpu.memory_space<hbm>>
    %dma_start3A_143 = tpu.memref_squeeze %dma_start3A_142 : memref<1x1x80xi32, #tpu.memory_space<hbm>> -> memref<80xi32, #tpu.memory_space<hbm>>
    %dma_start3A_144 = arith.constant 0 : i32
    %dma_start3A_145 = tpu.memref_slice %arg7[%rem3A_123, %dma_start3A_144] : memref<6x80xi32, #tpu.memory_space<vmem>> -> memref<1x80xi32, #tpu.memory_space<vmem>>
    %dma_start3A_146 = tpu.memref_squeeze %dma_start3A_145 : memref<1x80xi32, #tpu.memory_space<vmem>> -> memref<80xi32, #tpu.memory_space<vmem>>
    %dma_start3A_147 = arith.constant 0 : i32
    %dma_start3A_148 = tpu.memref_slice %arg4[%add3A, %dma_start3A_137, %dma_start3A_147] : memref<32x125x80xi32, #tpu.memory_space<hbm>> -> memref<1x1x80xi32, #tpu.memory_space<hbm>>
    %dma_start3A_149 = tpu.memref_squeeze %dma_start3A_148 : memref<1x1x80xi32, #tpu.memory_space<hbm>> -> memref<80xi32, #tpu.memory_space<hbm>>
    tpu.enqueue_dma source(%dma_start3A_149 : memref<80xi32, #tpu.memory_space<hbm>>) target(%dma_start3A_146 : memref<80xi32, #tpu.memory_space<vmem>>) target_semaphore(%arg11 : memref<!tpu.dma_semaphore, #tpu.memory_space<semaphore_mem>>)
    %rem3A_150 = arith.constant 0 : i32
    %rem3A_151 = arith.constant 6 : i32
    %rem3A_152 = arith.remsi %rem3A_150, %rem3A_151 : i32
    %dma_wait3A = arith.constant 0 : i32
    %dma_wait3A_153 = arith.constant 0 : i32
    %dma_wait3A_154 = tpu.memref_slice %arg6[%rem3A_152, %dma_wait3A_153] : memref<6x80xi32, #tpu.memory_space<vmem>> -> memref<1x80xi32, #tpu.memory_space<vmem>>
    %dma_wait3A_155 = tpu.memref_squeeze %dma_wait3A_154 : memref<1x80xi32, #tpu.memory_space<vmem>> -> memref<80xi32, #tpu.memory_space<vmem>>
    %dma_wait3A_156 = arith.constant 0 : i32
    %dma_wait3A_157 = tpu.memref_slice %arg3[%add3A, %dma_wait3A, %dma_wait3A_156] : memref<32x125x80xi32, #tpu.memory_space<hbm>> -> memref<1x1x80xi32, #tpu.memory_space<hbm>>
    %dma_wait3A_158 = tpu.memref_squeeze %dma_wait3A_157 : memref<1x1x80xi32, #tpu.memory_space<hbm>> -> memref<80xi32, #tpu.memory_space<hbm>>
    %dma_wait3A_159 = arith.constant 0 : i32
    %dma_wait3A_160 = tpu.memref_slice %arg6[%rem3A_152, %dma_wait3A_159] : memref<6x80xi32, #tpu.memory_space<vmem>> -> memref<1x80xi32, #tpu.memory_space<vmem>>
    %dma_wait3A_161 = tpu.memref_squeeze %dma_wait3A_160 : memref<1x80xi32, #tpu.memory_space<vmem>> -> memref<80xi32, #tpu.memory_space<vmem>>
    %dma_wait3A_162 = arith.constant 0 : i32
    %dma_wait3A_163 = tpu.memref_slice %arg3[%add3A, %dma_wait3A, %dma_wait3A_162] : memref<32x125x80xi32, #tpu.memory_space<hbm>> -> memref<1x1x80xi32, #tpu.memory_space<hbm>>
    %dma_wait3A_164 = tpu.memref_squeeze %dma_wait3A_163 : memref<1x1x80xi32, #tpu.memory_space<hbm>> -> memref<80xi32, #tpu.memory_space<hbm>>
    tpu.wait_dma2 semaphore(%arg11 : memref<!tpu.dma_semaphore, #tpu.memory_space<semaphore_mem>>) src(%dma_wait3A_164 : memref<80xi32, #tpu.memory_space<hbm>>) dst(%dma_wait3A_161 : memref<80xi32, #tpu.memory_space<vmem>>)
    %dma_wait3A_165 = arith.constant 0 : i32
    %dma_wait3A_166 = arith.constant 0 : i32
    %dma_wait3A_167 = tpu.memref_slice %arg7[%rem3A_152, %dma_wait3A_166] : memref<6x80xi32, #tpu.memory_space<vmem>> -> memref<1x80xi32, #tpu.memory_space<vmem>>
    %dma_wait3A_168 = tpu.memref_squeeze %dma_wait3A_167 : memref<1x80xi32, #tpu.memory_space<vmem>> -> memref<80xi32, #tpu.memory_space<vmem>>
    %dma_wait3A_169 = arith.constant 0 : i32
    %dma_wait3A_170 = tpu.memref_slice %arg4[%add3A, %dma_wait3A_165, %dma_wait3A_169] : memref<32x125x80xi32, #tpu.memory_space<hbm>> -> memref<1x1x80xi32, #tpu.memory_space<hbm>>
    %dma_wait3A_171 = tpu.memref_squeeze %dma_wait3A_170 : memref<1x1x80xi32, #tpu.memory_space<hbm>> -> memref<80xi32, #tpu.memory_space<hbm>>
    %dma_wait3A_172 = arith.constant 0 : i32
    %dma_wait3A_173 = tpu.memref_slice %arg7[%rem3A_152, %dma_wait3A_172] : memref<6x80xi32, #tpu.memory_space<vmem>> -> memref<1x80xi32, #tpu.memory_space<vmem>>
    %dma_wait3A_174 = tpu.memref_squeeze %dma_wait3A_173 : memref<1x80xi32, #tpu.memory_space<vmem>> -> memref<80xi32, #tpu.memory_space<vmem>>
    %dma_wait3A_175 = arith.constant 0 : i32
    %dma_wait3A_176 = tpu.memref_slice %arg4[%add3A, %dma_wait3A_165, %dma_wait3A_175] : memref<32x125x80xi32, #tpu.memory_space<hbm>> -> memref<1x1x80xi32, #tpu.memory_space<hbm>>
    %dma_wait3A_177 = tpu.memref_squeeze %dma_wait3A_176 : memref<1x1x80xi32, #tpu.memory_space<hbm>> -> memref<80xi32, #tpu.memory_space<hbm>>
    tpu.wait_dma2 semaphore(%arg11 : memref<!tpu.dma_semaphore, #tpu.memory_space<semaphore_mem>>) src(%dma_wait3A_177 : memref<80xi32, #tpu.memory_space<hbm>>) dst(%dma_wait3A_174 : memref<80xi32, #tpu.memory_space<vmem>>)
    %rem3A_178 = arith.constant 0 : i32
    %rem3A_179 = arith.constant 6 : i32
    %rem3A_180 = arith.remsi %rem3A_178, %rem3A_179 : i32
    %rem3A_181 = arith.constant 0 : i32
    %rem3A_182 = arith.constant 4 : i32
    %rem3A_183 = arith.remsi %rem3A_181, %rem3A_182 : i32
    %dma_start3A_184 = arith.constant 0 : i32
    %dma_start3A_185 = arith.constant 0 : i32
    %dma_start3A_186 = tpu.memref_slice %arg8[%rem3A_183, %dma_start3A_184, %dma_start3A_185] : memref<4x80x128xf32, #tpu.memory_space<vmem>> -> memref<1x80x128xf32, #tpu.memory_space<vmem>>
    %dma_start3A_187 = tpu.memref_squeeze %dma_start3A_186 : memref<1x80x128xf32, #tpu.memory_space<vmem>> -> memref<80x128xf32, #tpu.memory_space<vmem>>
    %dma_start3A_188 = arith.constant 0 : i32
    %dma_start3A_189 = tpu.memref_slice %arg6[%rem3A_180, %dma_start3A_188] : memref<6x80xi32, #tpu.memory_space<vmem>> -> memref<1x80xi32, #tpu.memory_space<vmem>>
    %dma_start3A_190 = tpu.memref_squeeze %dma_start3A_189 : memref<1x80xi32, #tpu.memory_space<vmem>> -> memref<80xi32, #tpu.memory_space<vmem>>
    %dma_start3A_191 = arith.constant 0 : i32
    %dma_start3A_192 = arith.constant 0 : i32
    %dma_start3A_193 = tpu.memref_slice %arg2[%dma_start3A_191, %dma_start3A_192] : memref<10000x128xf32, #tpu.memory_space<hbm>> -> memref<10000x128xf32, #tpu.memory_space<hbm>>
    tpu.enqueue_indirect_dma source(%dma_start3A_193 : memref<10000x128xf32, #tpu.memory_space<hbm>>) target(%dma_start3A_187 : memref<80x128xf32, #tpu.memory_space<vmem>>) offsets(%dma_start3A_190 : memref<80xi32, #tpu.memory_space<vmem>>) semaphore(%arg10 : memref<!tpu.dma_semaphore, #tpu.memory_space<semaphore_mem>>)
    %rem3A_194 = arith.constant 1 : i32
    %rem3A_195 = arith.constant 6 : i32
    %rem3A_196 = arith.remsi %rem3A_194, %rem3A_195 : i32
    %dma_wait3A_197 = arith.constant 1 : i32
    %dma_wait3A_198 = arith.constant 0 : i32
    %dma_wait3A_199 = tpu.memref_slice %arg6[%rem3A_196, %dma_wait3A_198] : memref<6x80xi32, #tpu.memory_space<vmem>> -> memref<1x80xi32, #tpu.memory_space<vmem>>
    %dma_wait3A_200 = tpu.memref_squeeze %dma_wait3A_199 : memref<1x80xi32, #tpu.memory_space<vmem>> -> memref<80xi32, #tpu.memory_space<vmem>>
    %dma_wait3A_201 = arith.constant 0 : i32
    %dma_wait3A_202 = tpu.memref_slice %arg3[%add3A, %dma_wait3A_197, %dma_wait3A_201] : memref<32x125x80xi32, #tpu.memory_space<hbm>> -> memref<1x1x80xi32, #tpu.memory_space<hbm>>
    %dma_wait3A_203 = tpu.memref_squeeze %dma_wait3A_202 : memref<1x1x80xi32, #tpu.memory_space<hbm>> -> memref<80xi32, #tpu.memory_space<hbm>>
    %dma_wait3A_204 = arith.constant 0 : i32
    %dma_wait3A_205 = tpu.memref_slice %arg6[%rem3A_196, %dma_wait3A_204] : memref<6x80xi32, #tpu.memory_space<vmem>> -> memref<1x80xi32, #tpu.memory_space<vmem>>
    %dma_wait3A_206 = tpu.memref_squeeze %dma_wait3A_205 : memref<1x80xi32, #tpu.memory_space<vmem>> -> memref<80xi32, #tpu.memory_space<vmem>>
    %dma_wait3A_207 = arith.constant 0 : i32
    %dma_wait3A_208 = tpu.memref_slice %arg3[%add3A, %dma_wait3A_197, %dma_wait3A_207] : memref<32x125x80xi32, #tpu.memory_space<hbm>> -> memref<1x1x80xi32, #tpu.memory_space<hbm>>
    %dma_wait3A_209 = tpu.memref_squeeze %dma_wait3A_208 : memref<1x1x80xi32, #tpu.memory_space<hbm>> -> memref<80xi32, #tpu.memory_space<hbm>>
    tpu.wait_dma2 semaphore(%arg11 : memref<!tpu.dma_semaphore, #tpu.memory_space<semaphore_mem>>) src(%dma_wait3A_209 : memref<80xi32, #tpu.memory_space<hbm>>) dst(%dma_wait3A_206 : memref<80xi32, #tpu.memory_space<vmem>>)
    %dma_wait3A_210 = arith.constant 1 : i32
    %dma_wait3A_211 = arith.constant 0 : i32
    %dma_wait3A_212 = tpu.memref_slice %arg7[%rem3A_196, %dma_wait3A_211] : memref<6x80xi32, #tpu.memory_space<vmem>> -> memref<1x80xi32, #tpu.memory_space<vmem>>
    %dma_wait3A_213 = tpu.memref_squeeze %dma_wait3A_212 : memref<1x80xi32, #tpu.memory_space<vmem>> -> memref<80xi32, #tpu.memory_space<vmem>>
    %dma_wait3A_214 = arith.constant 0 : i32
    %dma_wait3A_215 = tpu.memref_slice %arg4[%add3A, %dma_wait3A_210, %dma_wait3A_214] : memref<32x125x80xi32, #tpu.memory_space<hbm>> -> memref<1x1x80xi32, #tpu.memory_space<hbm>>
    %dma_wait3A_216 = tpu.memref_squeeze %dma_wait3A_215 : memref<1x1x80xi32, #tpu.memory_space<hbm>> -> memref<80xi32, #tpu.memory_space<hbm>>
    %dma_wait3A_217 = arith.constant 0 : i32
    %dma_wait3A_218 = tpu.memref_slice %arg7[%rem3A_196, %dma_wait3A_217] : memref<6x80xi32, #tpu.memory_space<vmem>> -> memref<1x80xi32, #tpu.memory_space<vmem>>
    %dma_wait3A_219 = tpu.memref_squeeze %dma_wait3A_218 : memref<1x80xi32, #tpu.memory_space<vmem>> -> memref<80xi32, #tpu.memory_space<vmem>>
    %dma_wait3A_220 = arith.constant 0 : i32
    %dma_wait3A_221 = tpu.memref_slice %arg4[%add3A, %dma_wait3A_210, %dma_wait3A_220] : memref<32x125x80xi32, #tpu.memory_space<hbm>> -> memref<1x1x80xi32, #tpu.memory_space<hbm>>
    %dma_wait3A_222 = tpu.memref_squeeze %dma_wait3A_221 : memref<1x1x80xi32, #tpu.memory_space<hbm>> -> memref<80xi32, #tpu.memory_space<hbm>>
    tpu.wait_dma2 semaphore(%arg11 : memref<!tpu.dma_semaphore, #tpu.memory_space<semaphore_mem>>) src(%dma_wait3A_222 : memref<80xi32, #tpu.memory_space<hbm>>) dst(%dma_wait3A_219 : memref<80xi32, #tpu.memory_space<vmem>>)
    %rem3A_223 = arith.constant 1 : i32
    %rem3A_224 = arith.constant 6 : i32
    %rem3A_225 = arith.remsi %rem3A_223, %rem3A_224 : i32
    %rem3A_226 = arith.constant 1 : i32
    %rem3A_227 = arith.constant 4 : i32
    %rem3A_228 = arith.remsi %rem3A_226, %rem3A_227 : i32
    %dma_start3A_229 = arith.constant 0 : i32
    %dma_start3A_230 = arith.constant 0 : i32
    %dma_start3A_231 = tpu.memref_slice %arg8[%rem3A_228, %dma_start3A_229, %dma_start3A_230] : memref<4x80x128xf32, #tpu.memory_space<vmem>> -> memref<1x80x128xf32, #tpu.memory_space<vmem>>
    %dma_start3A_232 = tpu.memref_squeeze %dma_start3A_231 : memref<1x80x128xf32, #tpu.memory_space<vmem>> -> memref<80x128xf32, #tpu.memory_space<vmem>>
    %dma_start3A_233 = arith.constant 0 : i32
    %dma_start3A_234 = tpu.memref_slice %arg6[%rem3A_225, %dma_start3A_233] : memref<6x80xi32, #tpu.memory_space<vmem>> -> memref<1x80xi32, #tpu.memory_space<vmem>>
    %dma_start3A_235 = tpu.memref_squeeze %dma_start3A_234 : memref<1x80xi32, #tpu.memory_space<vmem>> -> memref<80xi32, #tpu.memory_space<vmem>>
    %dma_start3A_236 = arith.constant 0 : i32
    %dma_start3A_237 = arith.constant 0 : i32
    %dma_start3A_238 = tpu.memref_slice %arg2[%dma_start3A_236, %dma_start3A_237] : memref<10000x128xf32, #tpu.memory_space<hbm>> -> memref<10000x128xf32, #tpu.memory_space<hbm>>
    tpu.enqueue_indirect_dma source(%dma_start3A_238 : memref<10000x128xf32, #tpu.memory_space<hbm>>) target(%dma_start3A_232 : memref<80x128xf32, #tpu.memory_space<vmem>>) offsets(%dma_start3A_235 : memref<80xi32, #tpu.memory_space<vmem>>) semaphore(%arg10 : memref<!tpu.dma_semaphore, #tpu.memory_space<semaphore_mem>>)
    %rem3A_239 = arith.constant 2 : i32
    %rem3A_240 = arith.constant 6 : i32
    %rem3A_241 = arith.remsi %rem3A_239, %rem3A_240 : i32
    %dma_wait3A_242 = arith.constant 2 : i32
    %dma_wait3A_243 = arith.constant 0 : i32
    %dma_wait3A_244 = tpu.memref_slice %arg6[%rem3A_241, %dma_wait3A_243] : memref<6x80xi32, #tpu.memory_space<vmem>> -> memref<1x80xi32, #tpu.memory_space<vmem>>
    %dma_wait3A_245 = tpu.memref_squeeze %dma_wait3A_244 : memref<1x80xi32, #tpu.memory_space<vmem>> -> memref<80xi32, #tpu.memory_space<vmem>>
    %dma_wait3A_246 = arith.constant 0 : i32
    %dma_wait3A_247 = tpu.memref_slice %arg3[%add3A, %dma_wait3A_242, %dma_wait3A_246] : memref<32x125x80xi32, #tpu.memory_space<hbm>> -> memref<1x1x80xi32, #tpu.memory_space<hbm>>
    %dma_wait3A_248 = tpu.memref_squeeze %dma_wait3A_247 : memref<1x1x80xi32, #tpu.memory_space<hbm>> -> memref<80xi32, #tpu.memory_space<hbm>>
    %dma_wait3A_249 = arith.constant 0 : i32
    %dma_wait3A_250 = tpu.memref_slice %arg6[%rem3A_241, %dma_wait3A_249] : memref<6x80xi32, #tpu.memory_space<vmem>> -> memref<1x80xi32, #tpu.memory_space<vmem>>
    %dma_wait3A_251 = tpu.memref_squeeze %dma_wait3A_250 : memref<1x80xi32, #tpu.memory_space<vmem>> -> memref<80xi32, #tpu.memory_space<vmem>>
    %dma_wait3A_252 = arith.constant 0 : i32
    %dma_wait3A_253 = tpu.memref_slice %arg3[%add3A, %dma_wait3A_242, %dma_wait3A_252] : memref<32x125x80xi32, #tpu.memory_space<hbm>> -> memref<1x1x80xi32, #tpu.memory_space<hbm>>
    %dma_wait3A_254 = tpu.memref_squeeze %dma_wait3A_253 : memref<1x1x80xi32, #tpu.memory_space<hbm>> -> memref<80xi32, #tpu.memory_space<hbm>>
    tpu.wait_dma2 semaphore(%arg11 : memref<!tpu.dma_semaphore, #tpu.memory_space<semaphore_mem>>) src(%dma_wait3A_254 : memref<80xi32, #tpu.memory_space<hbm>>) dst(%dma_wait3A_251 : memref<80xi32, #tpu.memory_space<vmem>>)
    %dma_wait3A_255 = arith.constant 2 : i32
    %dma_wait3A_256 = arith.constant 0 : i32
    %dma_wait3A_257 = tpu.memref_slice %arg7[%rem3A_241, %dma_wait3A_256] : memref<6x80xi32, #tpu.memory_space<vmem>> -> memref<1x80xi32, #tpu.memory_space<vmem>>
    %dma_wait3A_258 = tpu.memref_squeeze %dma_wait3A_257 : memref<1x80xi32, #tpu.memory_space<vmem>> -> memref<80xi32, #tpu.memory_space<vmem>>
    %dma_wait3A_259 = arith.constant 0 : i32
    %dma_wait3A_260 = tpu.memref_slice %arg4[%add3A, %dma_wait3A_255, %dma_wait3A_259] : memref<32x125x80xi32, #tpu.memory_space<hbm>> -> memref<1x1x80xi32, #tpu.memory_space<hbm>>
    %dma_wait3A_261 = tpu.memref_squeeze %dma_wait3A_260 : memref<1x1x80xi32, #tpu.memory_space<hbm>> -> memref<80xi32, #tpu.memory_space<hbm>>
    %dma_wait3A_262 = arith.constant 0 : i32
    %dma_wait3A_263 = tpu.memref_slice %arg7[%rem3A_241, %dma_wait3A_262] : memref<6x80xi32, #tpu.memory_space<vmem>> -> memref<1x80xi32, #tpu.memory_space<vmem>>
    %dma_wait3A_264 = tpu.memref_squeeze %dma_wait3A_263 : memref<1x80xi32, #tpu.memory_space<vmem>> -> memref<80xi32, #tpu.memory_space<vmem>>
    %dma_wait3A_265 = arith.constant 0 : i32
    %dma_wait3A_266 = tpu.memref_slice %arg4[%add3A, %dma_wait3A_255, %dma_wait3A_265] : memref<32x125x80xi32, #tpu.memory_space<hbm>> -> memref<1x1x80xi32, #tpu.memory_space<hbm>>
    %dma_wait3A_267 = tpu.memref_squeeze %dma_wait3A_266 : memref<1x1x80xi32, #tpu.memory_space<hbm>> -> memref<80xi32, #tpu.memory_space<hbm>>
    tpu.wait_dma2 semaphore(%arg11 : memref<!tpu.dma_semaphore, #tpu.memory_space<semaphore_mem>>) src(%dma_wait3A_267 : memref<80xi32, #tpu.memory_space<hbm>>) dst(%dma_wait3A_264 : memref<80xi32, #tpu.memory_space<vmem>>)
    %rem3A_268 = arith.constant 2 : i32
    %rem3A_269 = arith.constant 6 : i32
    %rem3A_270 = arith.remsi %rem3A_268, %rem3A_269 : i32
    %rem3A_271 = arith.constant 2 : i32
    %rem3A_272 = arith.constant 4 : i32
    %rem3A_273 = arith.remsi %rem3A_271, %rem3A_272 : i32
    %dma_start3A_274 = arith.constant 0 : i32
    %dma_start3A_275 = arith.constant 0 : i32
    %dma_start3A_276 = tpu.memref_slice %arg8[%rem3A_273, %dma_start3A_274, %dma_start3A_275] : memref<4x80x128xf32, #tpu.memory_space<vmem>> -> memref<1x80x128xf32, #tpu.memory_space<vmem>>
    %dma_start3A_277 = tpu.memref_squeeze %dma_start3A_276 : memref<1x80x128xf32, #tpu.memory_space<vmem>> -> memref<80x128xf32, #tpu.memory_space<vmem>>
    %dma_start3A_278 = arith.constant 0 : i32
    %dma_start3A_279 = tpu.memref_slice %arg6[%rem3A_270, %dma_start3A_278] : memref<6x80xi32, #tpu.memory_space<vmem>> -> memref<1x80xi32, #tpu.memory_space<vmem>>
    %dma_start3A_280 = tpu.memref_squeeze %dma_start3A_279 : memref<1x80xi32, #tpu.memory_space<vmem>> -> memref<80xi32, #tpu.memory_space<vmem>>
    %dma_start3A_281 = arith.constant 0 : i32
    %dma_start3A_282 = arith.constant 0 : i32
    %dma_start3A_283 = tpu.memref_slice %arg2[%dma_start3A_281, %dma_start3A_282] : memref<10000x128xf32, #tpu.memory_space<hbm>> -> memref<10000x128xf32, #tpu.memory_space<hbm>>
    tpu.enqueue_indirect_dma source(%dma_start3A_283 : memref<10000x128xf32, #tpu.memory_space<hbm>>) target(%dma_start3A_277 : memref<80x128xf32, #tpu.memory_space<vmem>>) offsets(%dma_start3A_280 : memref<80xi32, #tpu.memory_space<vmem>>) semaphore(%arg10 : memref<!tpu.dma_semaphore, #tpu.memory_space<semaphore_mem>>)
    %scan3A = arith.constant 0 : i32
    %scan3A_284 = arith.constant 0 : i32
    %scan3A_285 = arith.constant 125 : i32
    %scan3A_286 = arith.addi %scan3A_284, %scan3A_285 : i32
    %scan3A_287 = arith.constant 1 : i32
    %scan3A_288 = scf.for %scan3A_300 = %scan3A_284 to %scan3A_286 step %scan3A_287 iter_args(%scan3A_301 = %scan3A) -> (i32)  : i32 {
      %add3A_302 = arith.constant 4 : i32
      %add3A_303 = arith.addi %scan3A_300, %add3A_302 : i32
      %sub3A = arith.constant 1 : i32
      %sub3A_304 = arith.subi %add3A_303, %sub3A : i32
      %lt3A = arith.constant 125 : i32
      %lt3A_305 = arith.cmpi slt, %sub3A_304, %lt3A : i32
      %convert_element_type3A_306 = arith.extui %lt3A_305 : i1 to i32
      %cond3A_307 = arith.constant 0 : i32
      %cond3A_308 = arith.cmpi ne, %convert_element_type3A_306, %cond3A_307 : i32
      scf.if %cond3A_308 {
        %add3A_328 = arith.constant 6 : i32
        %add3A_329 = arith.addi %scan3A_300, %add3A_328 : i32
        %sub3A_330 = arith.constant 1 : i32
        %sub3A_331 = arith.subi %add3A_329, %sub3A_330 : i32
        %lt3A_332 = arith.constant 125 : i32
        %lt3A_333 = arith.cmpi slt, %sub3A_331, %lt3A_332 : i32
        %convert_element_type3A_334 = arith.extui %lt3A_333 : i1 to i32
        %cond3A_335 = arith.constant 0 : i32
        %cond3A_336 = arith.cmpi ne, %convert_element_type3A_334, %cond3A_335 : i32
        scf.if %cond3A_336 {
          %add3A_377 = arith.constant 6 : i32
          %add3A_378 = arith.addi %scan3A_300, %add3A_377 : i32
          %sub3A_379 = arith.constant 1 : i32
          %sub3A_380 = arith.subi %add3A_378, %sub3A_379 : i32
          %rem3A_381 = arith.constant 6 : i32
          %rem3A_382 = arith.remsi %sub3A_380, %rem3A_381 : i32
          %dma_start3A_383 = arith.constant 0 : i32
          %dma_start3A_384 = tpu.memref_slice %arg6[%rem3A_382, %dma_start3A_383] : memref<6x80xi32, #tpu.memory_space<vmem>> -> memref<1x80xi32, #tpu.memory_space<vmem>>
          %dma_start3A_385 = tpu.memref_squeeze %dma_start3A_384 : memref<1x80xi32, #tpu.memory_space<vmem>> -> memref<80xi32, #tpu.memory_space<vmem>>
          %dma_start3A_386 = arith.constant 0 : i32
          %dma_start3A_387 = tpu.memref_slice %arg3[%add3A, %sub3A_380, %dma_start3A_386] : memref<32x125x80xi32, #tpu.memory_space<hbm>> -> memref<1x1x80xi32, #tpu.memory_space<hbm>>
          %dma_start3A_388 = tpu.memref_squeeze %dma_start3A_387 : memref<1x1x80xi32, #tpu.memory_space<hbm>> -> memref<80xi32, #tpu.memory_space<hbm>>
          %dma_start3A_389 = arith.constant 0 : i32
          %dma_start3A_390 = tpu.memref_slice %arg6[%rem3A_382, %dma_start3A_389] : memref<6x80xi32, #tpu.memory_space<vmem>> -> memref<1x80xi32, #tpu.memory_space<vmem>>
          %dma_start3A_391 = tpu.memref_squeeze %dma_start3A_390 : memref<1x80xi32, #tpu.memory_space<vmem>> -> memref<80xi32, #tpu.memory_space<vmem>>
          %dma_start3A_392 = arith.constant 0 : i32
          %dma_start3A_393 = tpu.memref_slice %arg3[%add3A, %sub3A_380, %dma_start3A_392] : memref<32x125x80xi32, #tpu.memory_space<hbm>> -> memref<1x1x80xi32, #tpu.memory_space<hbm>>
          %dma_start3A_394 = tpu.memref_squeeze %dma_start3A_393 : memref<1x1x80xi32, #tpu.memory_space<hbm>> -> memref<80xi32, #tpu.memory_space<hbm>>
          tpu.enqueue_dma source(%dma_start3A_394 : memref<80xi32, #tpu.memory_space<hbm>>) target(%dma_start3A_391 : memref<80xi32, #tpu.memory_space<vmem>>) target_semaphore(%arg11 : memref<!tpu.dma_semaphore, #tpu.memory_space<semaphore_mem>>)
          %dma_start3A_395 = arith.constant 0 : i32
          %dma_start3A_396 = tpu.memref_slice %arg7[%rem3A_382, %dma_start3A_395] : memref<6x80xi32, #tpu.memory_space<vmem>> -> memref<1x80xi32, #tpu.memory_space<vmem>>
          %dma_start3A_397 = tpu.memref_squeeze %dma_start3A_396 : memref<1x80xi32, #tpu.memory_space<vmem>> -> memref<80xi32, #tpu.memory_space<vmem>>
          %dma_start3A_398 = arith.constant 0 : i32
          %dma_start3A_399 = tpu.memref_slice %arg4[%add3A, %sub3A_380, %dma_start3A_398] : memref<32x125x80xi32, #tpu.memory_space<hbm>> -> memref<1x1x80xi32, #tpu.memory_space<hbm>>
          %dma_start3A_400 = tpu.memref_squeeze %dma_start3A_399 : memref<1x1x80xi32, #tpu.memory_space<hbm>> -> memref<80xi32, #tpu.memory_space<hbm>>
          %dma_start3A_401 = arith.constant 0 : i32
          %dma_start3A_402 = tpu.memref_slice %arg7[%rem3A_382, %dma_start3A_401] : memref<6x80xi32, #tpu.memory_space<vmem>> -> memref<1x80xi32, #tpu.memory_space<vmem>>
          %dma_start3A_403 = tpu.memref_squeeze %dma_start3A_402 : memref<1x80xi32, #tpu.memory_space<vmem>> -> memref<80xi32, #tpu.memory_space<vmem>>
          %dma_start3A_404 = arith.constant 0 : i32
          %dma_start3A_405 = tpu.memref_slice %arg4[%add3A, %sub3A_380, %dma_start3A_404] : memref<32x125x80xi32, #tpu.memory_space<hbm>> -> memref<1x1x80xi32, #tpu.memory_space<hbm>>
          %dma_start3A_406 = tpu.memref_squeeze %dma_start3A_405 : memref<1x1x80xi32, #tpu.memory_space<hbm>> -> memref<80xi32, #tpu.memory_space<hbm>>
          tpu.enqueue_dma source(%dma_start3A_406 : memref<80xi32, #tpu.memory_space<hbm>>) target(%dma_start3A_403 : memref<80xi32, #tpu.memory_space<vmem>>) target_semaphore(%arg11 : memref<!tpu.dma_semaphore, #tpu.memory_space<semaphore_mem>>)
        } else {
        }
        %rem3A_337 = arith.constant 6 : i32
        %rem3A_338 = arith.remsi %sub3A_304, %rem3A_337 : i32
        %dma_wait3A_339 = arith.constant 0 : i32
        %dma_wait3A_340 = tpu.memref_slice %arg6[%rem3A_338, %dma_wait3A_339] : memref<6x80xi32, #tpu.memory_space<vmem>> -> memref<1x80xi32, #tpu.memory_space<vmem>>
        %dma_wait3A_341 = tpu.memref_squeeze %dma_wait3A_340 : memref<1x80xi32, #tpu.memory_space<vmem>> -> memref<80xi32, #tpu.memory_space<vmem>>
        %dma_wait3A_342 = arith.constant 0 : i32
        %dma_wait3A_343 = tpu.memref_slice %arg3[%add3A, %sub3A_304, %dma_wait3A_342] : memref<32x125x80xi32, #tpu.memory_space<hbm>> -> memref<1x1x80xi32, #tpu.memory_space<hbm>>
        %dma_wait3A_344 = tpu.memref_squeeze %dma_wait3A_343 : memref<1x1x80xi32, #tpu.memory_space<hbm>> -> memref<80xi32, #tpu.memory_space<hbm>>
        %dma_wait3A_345 = arith.constant 0 : i32
        %dma_wait3A_346 = tpu.memref_slice %arg6[%rem3A_338, %dma_wait3A_345] : memref<6x80xi32, #tpu.memory_space<vmem>> -> memref<1x80xi32, #tpu.memory_space<vmem>>
        %dma_wait3A_347 = tpu.memref_squeeze %dma_wait3A_346 : memref<1x80xi32, #tpu.memory_space<vmem>> -> memref<80xi32, #tpu.memory_space<vmem>>
        %dma_wait3A_348 = arith.constant 0 : i32
        %dma_wait3A_349 = tpu.memref_slice %arg3[%add3A, %sub3A_304, %dma_wait3A_348] : memref<32x125x80xi32, #tpu.memory_space<hbm>> -> memref<1x1x80xi32, #tpu.memory_space<hbm>>
        %dma_wait3A_350 = tpu.memref_squeeze %dma_wait3A_349 : memref<1x1x80xi32, #tpu.memory_space<hbm>> -> memref<80xi32, #tpu.memory_space<hbm>>
        tpu.wait_dma2 semaphore(%arg11 : memref<!tpu.dma_semaphore, #tpu.memory_space<semaphore_mem>>) src(%dma_wait3A_350 : memref<80xi32, #tpu.memory_space<hbm>>) dst(%dma_wait3A_347 : memref<80xi32, #tpu.memory_space<vmem>>)
        %dma_wait3A_351 = arith.constant 0 : i32
        %dma_wait3A_352 = tpu.memref_slice %arg7[%rem3A_338, %dma_wait3A_351] : memref<6x80xi32, #tpu.memory_space<vmem>> -> memref<1x80xi32, #tpu.memory_space<vmem>>
        %dma_wait3A_353 = tpu.memref_squeeze %dma_wait3A_352 : memref<1x80xi32, #tpu.memory_space<vmem>> -> memref<80xi32, #tpu.memory_space<vmem>>
        %dma_wait3A_354 = arith.constant 0 : i32
        %dma_wait3A_355 = tpu.memref_slice %arg4[%add3A, %sub3A_304, %dma_wait3A_354] : memref<32x125x80xi32, #tpu.memory_space<hbm>> -> memref<1x1x80xi32, #tpu.memory_space<hbm>>
        %dma_wait3A_356 = tpu.memref_squeeze %dma_wait3A_355 : memref<1x1x80xi32, #tpu.memory_space<hbm>> -> memref<80xi32, #tpu.memory_space<hbm>>
        %dma_wait3A_357 = arith.constant 0 : i32
        %dma_wait3A_358 = tpu.memref_slice %arg7[%rem3A_338, %dma_wait3A_357] : memref<6x80xi32, #tpu.memory_space<vmem>> -> memref<1x80xi32, #tpu.memory_space<vmem>>
        %dma_wait3A_359 = tpu.memref_squeeze %dma_wait3A_358 : memref<1x80xi32, #tpu.memory_space<vmem>> -> memref<80xi32, #tpu.memory_space<vmem>>
        %dma_wait3A_360 = arith.constant 0 : i32
        %dma_wait3A_361 = tpu.memref_slice %arg4[%add3A, %sub3A_304, %dma_wait3A_360] : memref<32x125x80xi32, #tpu.memory_space<hbm>> -> memref<1x1x80xi32, #tpu.memory_space<hbm>>
        %dma_wait3A_362 = tpu.memref_squeeze %dma_wait3A_361 : memref<1x1x80xi32, #tpu.memory_space<hbm>> -> memref<80xi32, #tpu.memory_space<hbm>>
        tpu.wait_dma2 semaphore(%arg11 : memref<!tpu.dma_semaphore, #tpu.memory_space<semaphore_mem>>) src(%dma_wait3A_362 : memref<80xi32, #tpu.memory_space<hbm>>) dst(%dma_wait3A_359 : memref<80xi32, #tpu.memory_space<vmem>>)
        %rem3A_363 = arith.constant 6 : i32
        %rem3A_364 = arith.remsi %sub3A_304, %rem3A_363 : i32
        %rem3A_365 = arith.constant 4 : i32
        %rem3A_366 = arith.remsi %sub3A_304, %rem3A_365 : i32
        %dma_start3A_367 = arith.constant 0 : i32
        %dma_start3A_368 = arith.constant 0 : i32
        %dma_start3A_369 = tpu.memref_slice %arg8[%rem3A_366, %dma_start3A_367, %dma_start3A_368] : memref<4x80x128xf32, #tpu.memory_space<vmem>> -> memref<1x80x128xf32, #tpu.memory_space<vmem>>
        %dma_start3A_370 = tpu.memref_squeeze %dma_start3A_369 : memref<1x80x128xf32, #tpu.memory_space<vmem>> -> memref<80x128xf32, #tpu.memory_space<vmem>>
        %dma_start3A_371 = arith.constant 0 : i32
        %dma_start3A_372 = tpu.memref_slice %arg6[%rem3A_364, %dma_start3A_371] : memref<6x80xi32, #tpu.memory_space<vmem>> -> memref<1x80xi32, #tpu.memory_space<vmem>>
        %dma_start3A_373 = tpu.memref_squeeze %dma_start3A_372 : memref<1x80xi32, #tpu.memory_space<vmem>> -> memref<80xi32, #tpu.memory_space<vmem>>
        %dma_start3A_374 = arith.constant 0 : i32
        %dma_start3A_375 = arith.constant 0 : i32
        %dma_start3A_376 = tpu.memref_slice %arg2[%dma_start3A_374, %dma_start3A_375] : memref<10000x128xf32, #tpu.memory_space<hbm>> -> memref<10000x128xf32, #tpu.memory_space<hbm>>
        tpu.enqueue_indirect_dma source(%dma_start3A_376 : memref<10000x128xf32, #tpu.memory_space<hbm>>) target(%dma_start3A_370 : memref<80x128xf32, #tpu.memory_space<vmem>>) offsets(%dma_start3A_373 : memref<80xi32, #tpu.memory_space<vmem>>) semaphore(%arg10 : memref<!tpu.dma_semaphore, #tpu.memory_space<semaphore_mem>>)
      } else {
      }
      %rem3A_309 = arith.constant 6 : i32
      %rem3A_310 = arith.remsi %scan3A_300, %rem3A_309 : i32
      %rem3A_311 = arith.constant 4 : i32
      %rem3A_312 = arith.remsi %scan3A_300, %rem3A_311 : i32
      %dma_wait3A_313 = arith.constant 0 : i32
      %dma_wait3A_314 = arith.constant 0 : i32
      %dma_wait3A_315 = tpu.memref_slice %arg8[%rem3A_312, %dma_wait3A_313, %dma_wait3A_314] : memref<4x80x128xf32, #tpu.memory_space<vmem>> -> memref<1x80x128xf32, #tpu.memory_space<vmem>>
      %dma_wait3A_316 = tpu.memref_squeeze %dma_wait3A_315 : memref<1x80x128xf32, #tpu.memory_space<vmem>> -> memref<80x128xf32, #tpu.memory_space<vmem>>
      %dma_wait3A_317 = arith.constant 0 : i32
      %dma_wait3A_318 = tpu.memref_slice %arg6[%rem3A_310, %dma_wait3A_317] : memref<6x80xi32, #tpu.memory_space<vmem>> -> memref<1x80xi32, #tpu.memory_space<vmem>>
      %dma_wait3A_319 = tpu.memref_squeeze %dma_wait3A_318 : memref<1x80xi32, #tpu.memory_space<vmem>> -> memref<80xi32, #tpu.memory_space<vmem>>
      %dma_wait3A_320 = arith.constant 0 : i32
      %dma_wait3A_321 = arith.constant 0 : i32
      %dma_wait3A_322 = tpu.memref_slice %arg2[%dma_wait3A_320, %dma_wait3A_321] : memref<10000x128xf32, #tpu.memory_space<hbm>> -> memref<10000x128xf32, #tpu.memory_space<hbm>>
      tpu.wait_indirect_dma semaphore(%arg10 : memref<!tpu.dma_semaphore, #tpu.memory_space<semaphore_mem>>) src(%dma_wait3A_322 : memref<10000x128xf32, #tpu.memory_space<hbm>>) dst(%dma_wait3A_316 : memref<80x128xf32, #tpu.memory_space<vmem>>)
      %rem3A_323 = arith.constant 6 : i32
      %rem3A_324 = arith.remsi %scan3A_300, %rem3A_323 : i32
      %rem3A_325 = arith.constant 4 : i32
      %rem3A_326 = arith.remsi %scan3A_300, %rem3A_325 : i32
      "tpu.region"() ({
        %run_scoped3A = tpu.sem_alloc : memref<!tpu.dma_semaphore, #tpu.memory_space<semaphore_mem>>
        %dma_start3A_328 = arith.constant 0 : i32
        %dma_start3A_329 = arith.constant 0 : i32
        %dma_start3A_330 = tpu.memref_slice %arg8[%rem3A_326, %dma_start3A_328, %dma_start3A_329] : memref<4x80x128xf32, #tpu.memory_space<vmem>> -> memref<1x80x128xf32, #tpu.memory_space<vmem>>
        %dma_start3A_331 = tpu.memref_squeeze %dma_start3A_330 : memref<1x80x128xf32, #tpu.memory_space<vmem>> -> memref<80x128xf32, #tpu.memory_space<vmem>>
        %dma_start3A_332 = arith.constant 0 : i32
        %dma_start3A_333 = tpu.memref_slice %arg7[%rem3A_324, %dma_start3A_332] : memref<6x80xi32, #tpu.memory_space<vmem>> -> memref<1x80xi32, #tpu.memory_space<vmem>>
        %dma_start3A_334 = tpu.memref_squeeze %dma_start3A_333 : memref<1x80xi32, #tpu.memory_space<vmem>> -> memref<80xi32, #tpu.memory_space<vmem>>
        %dma_start3A_335 = arith.constant 0 : i32
        %dma_start3A_336 = arith.constant 0 : i32
        %dma_start3A_337 = tpu.memref_slice %arg9[%dma_start3A_335, %dma_start3A_336] : memref<10000x128xf32, #tpu.memory_space<vmem_shared>> -> memref<10000x128xf32, #tpu.memory_space<vmem_shared>>
        tpu.enqueue_indirect_dma source(%dma_start3A_331 : memref<80x128xf32, #tpu.memory_space<vmem>>) target(%dma_start3A_337 : memref<10000x128xf32, #tpu.memory_space<vmem_shared>>) offsets(%dma_start3A_334 : memref<80xi32, #tpu.memory_space<vmem>>) semaphore(%run_scoped3A : memref<!tpu.dma_semaphore, #tpu.memory_space<semaphore_mem>>) {add = true}
        %dma_wait3A_338 = arith.constant 0 : i32
        %dma_wait3A_339 = arith.constant 0 : i32
        %dma_wait3A_340 = tpu.memref_slice %arg8[%rem3A_326, %dma_wait3A_338, %dma_wait3A_339] : memref<4x80x128xf32, #tpu.memory_space<vmem>> -> memref<1x80x128xf32, #tpu.memory_space<vmem>>
        %dma_wait3A_341 = tpu.memref_squeeze %dma_wait3A_340 : memref<1x80x128xf32, #tpu.memory_space<vmem>> -> memref<80x128xf32, #tpu.memory_space<vmem>>
        %dma_wait3A_342 = arith.constant 0 : i32
        %dma_wait3A_343 = tpu.memref_slice %arg7[%rem3A_324, %dma_wait3A_342] : memref<6x80xi32, #tpu.memory_space<vmem>> -> memref<1x80xi32, #tpu.memory_space<vmem>>
        %dma_wait3A_344 = tpu.memref_squeeze %dma_wait3A_343 : memref<1x80xi32, #tpu.memory_space<vmem>> -> memref<80xi32, #tpu.memory_space<vmem>>
        %dma_wait3A_345 = arith.constant 0 : i32
        %dma_wait3A_346 = arith.constant 0 : i32
        %dma_wait3A_347 = tpu.memref_slice %arg9[%dma_wait3A_345, %dma_wait3A_346] : memref<10000x128xf32, #tpu.memory_space<vmem_shared>> -> memref<10000x128xf32, #tpu.memory_space<vmem_shared>>
        tpu.wait_indirect_dma semaphore(%run_scoped3A : memref<!tpu.dma_semaphore, #tpu.memory_space<semaphore_mem>>) src(%dma_wait3A_341 : memref<80x128xf32, #tpu.memory_space<vmem>>) dst(%dma_wait3A_347 : memref<10000x128xf32, #tpu.memory_space<vmem_shared>>)
        tpu.yield
      }) : () -> ()
      %scan3A_327 = arith.constant 0 : i32
      scf.yield %scan3A_327 : i32
    }
    %scan3A_289 = arith.constant 125 : i32
    %barrier3A_290 = arith.constant 0 : index
    tpu.barrier barrier_id(%barrier3A_290)
    %mul3A_291 = arith.constant 624 : i32
    %mul3A_292 = arith.muli %arg1, %mul3A_291 : i32
    %mul3A_293 = arith.constant 624 : i32
    %mul3A_294 = arith.muli %arg1, %mul3A_293 : i32
    "tpu.region"() ({
      %run_scoped3A = tpu.sem_alloc : memref<!tpu.dma_semaphore, #tpu.memory_space<semaphore_mem>>
      %dma_start3A_300 = arith.constant 0 : i32
      %dma_start3A_301 = tpu.memref_slice %arg5[%arg0, %mul3A_294, %dma_start3A_300] : memref<2x10000x128xf32, #tpu.memory_space<hbm>> -> memref<1x624x128xf32, #tpu.memory_space<hbm>>
      %dma_start3A_302 = tpu.memref_squeeze %dma_start3A_301 : memref<1x624x128xf32, #tpu.memory_space<hbm>> -> memref<624x128xf32, #tpu.memory_space<hbm>>
      %dma_start3A_303 = arith.constant 0 : i32
      %dma_start3A_304 = tpu.memref_slice %arg9[%mul3A_292, %dma_start3A_303] : memref<10000x128xf32, #tpu.memory_space<vmem_shared>> -> memref<624x128xf32, #tpu.memory_space<vmem_shared>>
      tpu.enqueue_dma source(%dma_start3A_304 : memref<624x128xf32, #tpu.memory_space<vmem_shared>>) target(%dma_start3A_302 : memref<624x128xf32, #tpu.memory_space<hbm>>) target_semaphore(%run_scoped3A : memref<!tpu.dma_semaphore, #tpu.memory_space<semaphore_mem>>)
      %dma_wait3A_305 = arith.constant 0 : i32
      %dma_wait3A_306 = tpu.memref_slice %arg5[%arg0, %mul3A_294, %dma_wait3A_305] : memref<2x10000x128xf32, #tpu.memory_space<hbm>> -> memref<1x624x128xf32, #tpu.memory_space<hbm>>
      %dma_wait3A_307 = tpu.memref_squeeze %dma_wait3A_306 : memref<1x624x128xf32, #tpu.memory_space<hbm>> -> memref<624x128xf32, #tpu.memory_space<hbm>>
      %dma_wait3A_308 = arith.constant 0 : i32
      %dma_wait3A_309 = tpu.memref_slice %arg9[%mul3A_292, %dma_wait3A_308] : memref<10000x128xf32, #tpu.memory_space<vmem_shared>> -> memref<624x128xf32, #tpu.memory_space<vmem_shared>>
      tpu.wait_dma2 semaphore(%run_scoped3A : memref<!tpu.dma_semaphore, #tpu.memory_space<semaphore_mem>>) src(%dma_wait3A_309 : memref<624x128xf32, #tpu.memory_space<vmem_shared>>) dst(%dma_wait3A_307 : memref<624x128xf32, #tpu.memory_space<hbm>>)
      tpu.yield
    }) : () -> ()
    %eq3A_295 = arith.constant 15 : i32
    %eq3A_296 = arith.cmpi eq, %arg1, %eq3A_295 : i32
    %convert_element_type3A_297 = arith.extui %eq3A_296 : i1 to i32
    %cond3A_298 = arith.constant 0 : i32
    %cond3A_299 = arith.cmpi ne, %convert_element_type3A_297, %cond3A_298 : i32
    scf.if %cond3A_299 {
      "tpu.region"() ({
        %run_scoped3A = tpu.sem_alloc : memref<!tpu.dma_semaphore, #tpu.memory_space<semaphore_mem>>
        %dma_start3A_300 = arith.constant 9984 : i32
        %dma_start3A_301 = arith.constant 0 : i32
        %dma_start3A_302 = tpu.memref_slice %arg5[%arg0, %dma_start3A_300, %dma_start3A_301] : memref<2x10000x128xf32, #tpu.memory_space<hbm>> -> memref<1x16x128xf32, #tpu.memory_space<hbm>>
        %dma_start3A_303 = tpu.memref_squeeze %dma_start3A_302 : memref<1x16x128xf32, #tpu.memory_space<hbm>> -> memref<16x128xf32, #tpu.memory_space<hbm>>
        %dma_start3A_304 = arith.constant 9984 : i32
        %dma_start3A_305 = arith.constant 0 : i32
        %dma_start3A_306 = tpu.memref_slice %arg9[%dma_start3A_304, %dma_start3A_305] : memref<10000x128xf32, #tpu.memory_space<vmem_shared>> -> memref<16x128xf32, #tpu.memory_space<vmem_shared>>
        tpu.enqueue_dma source(%dma_start3A_306 : memref<16x128xf32, #tpu.memory_space<vmem_shared>>) target(%dma_start3A_303 : memref<16x128xf32, #tpu.memory_space<hbm>>) target_semaphore(%run_scoped3A : memref<!tpu.dma_semaphore, #tpu.memory_space<semaphore_mem>>)
        %dma_wait3A_307 = arith.constant 9984 : i32
        %dma_wait3A_308 = arith.constant 0 : i32
        %dma_wait3A_309 = tpu.memref_slice %arg5[%arg0, %dma_wait3A_307, %dma_wait3A_308] : memref<2x10000x128xf32, #tpu.memory_space<hbm>> -> memref<1x16x128xf32, #tpu.memory_space<hbm>>
        %dma_wait3A_310 = tpu.memref_squeeze %dma_wait3A_309 : memref<1x16x128xf32, #tpu.memory_space<hbm>> -> memref<16x128xf32, #tpu.memory_space<hbm>>
        %dma_wait3A_311 = arith.constant 9984 : i32
        %dma_wait3A_312 = arith.constant 0 : i32
        %dma_wait3A_313 = tpu.memref_slice %arg9[%dma_wait3A_311, %dma_wait3A_312] : memref<10000x128xf32, #tpu.memory_space<vmem_shared>> -> memref<16x128xf32, #tpu.memory_space<vmem_shared>>
        tpu.wait_dma2 semaphore(%run_scoped3A : memref<!tpu.dma_semaphore, #tpu.memory_space<semaphore_mem>>) src(%dma_wait3A_313 : memref<16x128xf32, #tpu.memory_space<vmem_shared>>) dst(%dma_wait3A_310 : memref<16x128xf32, #tpu.memory_space<hbm>>)
        tpu.yield
      }) : () -> ()
    } else {
    }
    return
  }
}

module attributes {stable_mosaic.version = 14 : i64} {
  func.func @_dense_in_body(%arg0: i32, %arg1: memref<1000x128xf32, #tpu.memory_space<vmem>>, %arg2: memref<128x128xf32, #tpu.memory_space<vmem>>, %arg3: memref<1x128xf32, #tpu.memory_space<vmem>>, %arg4: memref<128x128xf32, #tpu.memory_space<vmem>>, %arg5: memref<1000x128xf32, #tpu.memory_space<vmem>>) attributes {dimension_semantics = [#tpu.dimension_semantics<arbitrary>], iteration_bounds = array<i64: 10>, scalar_prefetch = 0 : i64, scratch_operands = 0 : i64, tpu.core_type = #tpu.core_type<tc>, window_params = [{transform_indices = @transform_0, window_bounds = array<i64: 1000, 128>}, {pipeline_mode = #tpu.pipeline_mode<synchronous>, transform_indices = @transform_1, window_bounds = array<i64: 128, 128>}, {pipeline_mode = #tpu.pipeline_mode<synchronous>, transform_indices = @transform_2, window_bounds = array<i64: 1, 128>}, {pipeline_mode = #tpu.pipeline_mode<synchronous>, transform_indices = @transform_3, window_bounds = array<i64: 128, 128>}, {transform_indices = @transform_4, window_bounds = array<i64: 1000, 128>}]} {
    %get3A = arith.constant 0 : index
    %get3A_0 = arith.constant 0 : index
    %get3A_1 = vector.load %arg1[%get3A, %get3A_0] : memref<1000x128xf32, #tpu.memory_space<vmem>>, vector<1000x128xf32>
    %get3A_2 = arith.constant 0 : index
    %get3A_3 = arith.constant 0 : index
    %get3A_4 = vector.load %arg2[%get3A_2, %get3A_3] : memref<128x128xf32, #tpu.memory_space<vmem>>, vector<128x128xf32>
    %dot_general3A = arith.constant dense<0.000000e+00> : vector<1000x128xf32>
    %dot_general3A_5 = tpu.matmul %get3A_1, %get3A_4, %dot_general3A {dimension_numbers = #tpu.dot_dimension_numbers<[1], [1], [0], [0], [0, 0, 1, 0], [], []>, transpose_lhs_hint = false} : vector<1000x128xf32>, vector<128x128xf32>, vector<1000x128xf32> -> vector<1000x128xf32>
    %get3A_6 = arith.constant 0 : index
    %get3A_7 = arith.constant 0 : index
    %get3A_8 = vector.load %arg3[%get3A_6, %get3A_7] : memref<1x128xf32, #tpu.memory_space<vmem>>, vector<1x128xf32>
    %add3A = vector.broadcast %get3A_8 : vector<1x128xf32> to vector<1000x128xf32>
    %add3A_9 = arith.addf %dot_general3A_5, %add3A : vector<1000x128xf32>
    %get3A_10 = arith.constant 0 : index
    %get3A_11 = arith.constant 0 : index
    %get3A_12 = vector.load %arg4[%get3A_10, %get3A_11] : memref<128x128xf32, #tpu.memory_space<vmem>>, vector<128x128xf32>
    %dot_general3A_13 = arith.constant dense<0.000000e+00> : vector<1000x128xf32>
    %dot_general3A_14 = tpu.matmul %add3A_9, %get3A_12, %dot_general3A_13 {dimension_numbers = #tpu.dot_dimension_numbers<[1], [0], [0], [1], [0, 0, 1, 1], [], []>, transpose_lhs_hint = false} : vector<1000x128xf32>, vector<128x128xf32>, vector<1000x128xf32> -> vector<1000x128xf32>
    %swap3A = arith.constant 0 : index
    %swap3A_15 = arith.constant 0 : index
    %swap3A_16 = vector.load %arg5[%swap3A, %swap3A_15] : memref<1000x128xf32, #tpu.memory_space<vmem>>, vector<1000x128xf32>
    tpu.vector_store %arg5[%swap3A, %swap3A_15], %dot_general3A_14 {strides = array<i32>} : memref<1000x128xf32, #tpu.memory_space<vmem>>, vector<1000x128xf32>,
    return
  }
  func.func @transform_0(%arg0: i32) -> (i32, i32) {
    %c0_i32 = arith.constant 0 : i32
    %c0_i32_0 = arith.constant 0 : i32
    return %arg0, %c0_i32 : i32, i32
  }
  func.func @transform_1(%arg0: i32) -> (i32, i32) {
    %c0_i32 = arith.constant 0 : i32
    %c0_i32_0 = arith.constant 0 : i32
    %c0_i32_1 = arith.constant 0 : i32
    return %c0_i32, %c0_i32_0 : i32, i32
  }
  func.func @transform_2(%arg0: i32) -> (i32, i32) {
    %c0_i32 = arith.constant 0 : i32
    %c0_i32_0 = arith.constant 0 : i32
    %c0_i32_1 = arith.constant 0 : i32
    return %c0_i32, %c0_i32_0 : i32, i32
  }
  func.func @transform_3(%arg0: i32) -> (i32, i32) {
    %c0_i32 = arith.constant 0 : i32
    %c0_i32_0 = arith.constant 0 : i32
    %c0_i32_1 = arith.constant 0 : i32
    return %c0_i32, %c0_i32_0 : i32, i32
  }
  func.func @transform_4(%arg0: i32) -> (i32, i32) {
    %c0_i32 = arith.constant 0 : i32
    %c0_i32_0 = arith.constant 0 : i32
    return %arg0, %c0_i32 : i32, i32
  }
}

module attributes {stable_mosaic.version = 14 : i64} {
  func.func @_layer_body(%arg0: i32, %arg1: memref<2x1000x128xf32, #tpu.memory_space<vmem>>, %arg2: memref<1x1000x32xf32, #tpu.memory_space<vmem>>, %arg3: memref<128x128xf32, #tpu.memory_space<vmem>>, %arg4: memref<1x128xf32, #tpu.memory_space<vmem>>, %arg5: memref<1x128xf32, #tpu.memory_space<vmem>>, %arg6: memref<128x128xf32, #tpu.memory_space<vmem>>, %arg7: memref<1x128xf32, #tpu.memory_space<vmem>>, %arg8: memref<1000x128xf32, #tpu.memory_space<vmem>>, %arg9: memref<1x1x128xf32, #tpu.memory_space<vmem>>) attributes {dimension_semantics = [#tpu.dimension_semantics<arbitrary>], iteration_bounds = array<i64: 10>, scalar_prefetch = 0 : i64, scratch_operands = 0 : i64, tpu.core_type = #tpu.core_type<tc>, window_params = [{transform_indices = @transform_0, window_bounds = array<i64: 2, 1000, 128>}, {transform_indices = @transform_1, window_bounds = array<i64: 1, 1000, 32>}, {pipeline_mode = #tpu.pipeline_mode<synchronous>, transform_indices = @transform_2, window_bounds = array<i64: 128, 128>}, {pipeline_mode = #tpu.pipeline_mode<synchronous>, transform_indices = @transform_3, window_bounds = array<i64: 1, 128>}, {pipeline_mode = #tpu.pipeline_mode<synchronous>, transform_indices = @transform_4, window_bounds = array<i64: 1, 128>}, {pipeline_mode = #tpu.pipeline_mode<synchronous>, transform_indices = @transform_5, window_bounds = array<i64: 128, 128>}, {pipeline_mode = #tpu.pipeline_mode<synchronous>, transform_indices = @transform_6, window_bounds = array<i64: 1, 128>}, {transform_indices = @transform_7, window_bounds = array<i64: 1000, 128>}, {transform_indices = @transform_8, window_bounds = array<i64: 1, 1, 128>}]} {
    %get3A = arith.constant 0 : index
    %get3A_0 = arith.constant 0 : index
    %get3A_1 = arith.constant 0 : index
    %get3A_2 = vector.load %arg1[%get3A, %get3A_0, %get3A_1] : memref<2x1000x128xf32, #tpu.memory_space<vmem>>, vector<1x1000x128xf32>
    %get3A_3 = vector.shape_cast %get3A_2 : vector<1x1000x128xf32> to vector<1000x128xf32>
    %get3A_4 = arith.constant 1 : index
    %get3A_5 = arith.constant 0 : index
    %get3A_6 = arith.constant 0 : index
    %get3A_7 = vector.load %arg1[%get3A_4, %get3A_5, %get3A_6] : memref<2x1000x128xf32, #tpu.memory_space<vmem>>, vector<1x1000x128xf32>
    %get3A_8 = vector.shape_cast %get3A_7 : vector<1x1000x128xf32> to vector<1000x128xf32>
    %add3A = arith.addf %get3A_3, %get3A_8 : vector<1000x128xf32>
    %get3A_9 = arith.constant 0 : index
    %get3A_10 = arith.constant 0 : index
    %get3A_11 = arith.constant 0 : index
    %get3A_12 = vector.load %arg2[%get3A_9, %get3A_10, %get3A_11] : memref<1x1000x32xf32, #tpu.memory_space<vmem>>, vector<1x1000x32xf32>
    %get3A_13 = vector.shape_cast %get3A_12 : vector<1x1000x32xf32> to vector<1000x32xf32>
    %reduce_sum3A = arith.constant dense<0.000000e+00> : vector<1000xf32>
    %reduce_sum3A_14 = vector.multi_reduction <add>, %get3A_13, %reduce_sum3A [1] : vector<1000x32xf32> to vector<1000xf32>
    %broadcast_in_dim3A = vector.shape_cast %reduce_sum3A_14 : vector<1000xf32> to vector<1000x1xf32>
    %add3A_15 = arith.constant 1.000000e+00 : f32
    %add3A_16 = vector.broadcast %add3A_15 : f32 to vector<1000x1xf32>
    %add3A_17 = arith.addf %broadcast_in_dim3A, %add3A_16 : vector<1000x1xf32>
    %div3A = arith.constant 1.000000e+00 : f32
    %div3A_18 = vector.broadcast %div3A : f32 to vector<1000x1xf32>
    %div3A_19 = arith.divf %div3A_18, %add3A_17 : vector<1000x1xf32>
    %mul3A = vector.broadcast %div3A_19 : vector<1000x1xf32> to vector<1000x128xf32>
    %mul3A_20 = arith.mulf %add3A, %mul3A : vector<1000x128xf32>
    %get3A_21 = arith.constant 0 : index
    %get3A_22 = arith.constant 0 : index
    %get3A_23 = vector.load %arg3[%get3A_21, %get3A_22] : memref<128x128xf32, #tpu.memory_space<vmem>>, vector<128x128xf32>
    %dot_general3A = arith.constant dense<0.000000e+00> : vector<1000x128xf32>
    %dot_general3A_24 = tpu.matmul %mul3A_20, %get3A_23, %dot_general3A {dimension_numbers = #tpu.dot_dimension_numbers<[1], [0], [0], [1], [0, 0, 1, 1], [], []>, transpose_lhs_hint = false} : vector<1000x128xf32>, vector<128x128xf32>, vector<1000x128xf32> -> vector<1000x128xf32>
    %get3A_25 = arith.constant 0 : index
    %get3A_26 = arith.constant 0 : index
    %get3A_27 = vector.load %arg4[%get3A_25, %get3A_26] : memref<1x128xf32, #tpu.memory_space<vmem>>, vector<1x128xf32>
    %add3A_28 = vector.broadcast %get3A_27 : vector<1x128xf32> to vector<1000x128xf32>
    %add3A_29 = arith.addf %dot_general3A_24, %add3A_28 : vector<1000x128xf32>
    %ge3A = arith.constant 0.000000e+00 : f32
    %ge3A_30 = vector.broadcast %ge3A : f32 to vector<1000x128xf32>
    %ge3A_31 = arith.cmpf oge, %add3A_29, %ge3A_30 : vector<1000x128xf32>
    %get3A_32 = arith.constant 0 : index
    %get3A_33 = arith.constant 0 : index
    %get3A_34 = vector.load %arg5[%get3A_32, %get3A_33] : memref<1x128xf32, #tpu.memory_space<vmem>>, vector<1x128xf32>
    %mul3A_35 = vector.broadcast %get3A_34 : vector<1x128xf32> to vector<1000x128xf32>
    %mul3A_36 = arith.mulf %mul3A_35, %add3A_29 : vector<1000x128xf32>
    %select_n3A = arith.select %ge3A_31, %add3A_29, %mul3A_36 : vector<1000x128xi1>, vector<1000x128xf32>
    %get3A_37 = arith.constant 0 : index
    %get3A_38 = arith.constant 0 : index
    %get3A_39 = vector.load %arg6[%get3A_37, %get3A_38] : memref<128x128xf32, #tpu.memory_space<vmem>>, vector<128x128xf32>
    %dot_general3A_40 = arith.constant dense<0.000000e+00> : vector<1000x128xf32>
    %dot_general3A_41 = tpu.matmul %select_n3A, %get3A_39, %dot_general3A_40 {dimension_numbers = #tpu.dot_dimension_numbers<[1], [1], [0], [0], [0, 0, 1, 0], [], []>, transpose_lhs_hint = false} : vector<1000x128xf32>, vector<128x128xf32>, vector<1000x128xf32> -> vector<1000x128xf32>
    %get3A_42 = arith.constant 0 : index
    %get3A_43 = arith.constant 0 : index
    %get3A_44 = vector.load %arg7[%get3A_42, %get3A_43] : memref<1x128xf32, #tpu.memory_space<vmem>>, vector<1x128xf32>
    %add3A_45 = vector.broadcast %get3A_44 : vector<1x128xf32> to vector<1000x128xf32>
    %add3A_46 = arith.addf %dot_general3A_41, %add3A_45 : vector<1000x128xf32>
    %tanh3A = math.tanh %add3A_46 : vector<1000x128xf32>
    %reduce_sum3A_47 = arith.constant dense<0.000000e+00> : vector<128xf32>
    %reduce_sum3A_48 = vector.multi_reduction <add>, %tanh3A, %reduce_sum3A_47 [0] : vector<1000x128xf32> to vector<128xf32>
    %broadcast_in_dim3A_49 = vector.shape_cast %reduce_sum3A_48 : vector<128xf32> to vector<1x128xf32>
    %reshape3A = vector.shape_cast %broadcast_in_dim3A_49 : vector<1x128xf32> to vector<1x1x128xf32>
    %swap3A = arith.constant 0 : index
    %swap3A_50 = arith.constant 0 : index
    %swap3A_51 = arith.constant 0 : index
    %swap3A_52 = vector.load %arg9[%swap3A, %swap3A_50, %swap3A_51] : memref<1x1x128xf32, #tpu.memory_space<vmem>>, vector<1x1x128xf32>
    tpu.vector_store %arg9[%swap3A, %swap3A_50, %swap3A_51], %reshape3A {strides = array<i32>} : memref<1x1x128xf32, #tpu.memory_space<vmem>>, vector<1x1x128xf32>,
    %swap3A_53 = arith.constant 0 : index
    %swap3A_54 = arith.constant 0 : index
    %swap3A_55 = vector.load %arg8[%swap3A_53, %swap3A_54] : memref<1000x128xf32, #tpu.memory_space<vmem>>, vector<1000x128xf32>
    tpu.vector_store %arg8[%swap3A_53, %swap3A_54], %select_n3A {strides = array<i32>} : memref<1000x128xf32, #tpu.memory_space<vmem>>, vector<1000x128xf32>,
    return
  }
  func.func @transform_0(%arg0: i32) -> (i32, i32, i32) {
    %c0_i32 = arith.constant 0 : i32
    %c0_i32_0 = arith.constant 0 : i32
    %c0_i32_1 = arith.constant 0 : i32
    return %c0_i32, %arg0, %c0_i32_0 : i32, i32, i32
  }
  func.func @transform_1(%arg0: i32) -> (i32, i32, i32) {
    %c0_i32 = arith.constant 0 : i32
    %c0_i32_0 = arith.constant 0 : i32
    %c0_i32_1 = arith.constant 0 : i32
    return %arg0, %c0_i32, %c0_i32_0 : i32, i32, i32
  }
  func.func @transform_2(%arg0: i32) -> (i32, i32) {
    %c0_i32 = arith.constant 0 : i32
    %c0_i32_0 = arith.constant 0 : i32
    %c0_i32_1 = arith.constant 0 : i32
    return %c0_i32, %c0_i32_0 : i32, i32
  }
  func.func @transform_3(%arg0: i32) -> (i32, i32) {
    %c0_i32 = arith.constant 0 : i32
    %c0_i32_0 = arith.constant 0 : i32
    %c0_i32_1 = arith.constant 0 : i32
    return %c0_i32, %c0_i32_0 : i32, i32
  }
  func.func @transform_4(%arg0: i32) -> (i32, i32) {
    %c0_i32 = arith.constant 0 : i32
    %c0_i32_0 = arith.constant 0 : i32
    %c0_i32_1 = arith.constant 0 : i32
    return %c0_i32, %c0_i32_0 : i32, i32
  }
  func.func @transform_5(%arg0: i32) -> (i32, i32) {
    %c0_i32 = arith.constant 0 : i32
    %c0_i32_0 = arith.constant 0 : i32
    %c0_i32_1 = arith.constant 0 : i32
    return %c0_i32, %c0_i32_0 : i32, i32
  }
  func.func @transform_6(%arg0: i32) -> (i32, i32) {
    %c0_i32 = arith.constant 0 : i32
    %c0_i32_0 = arith.constant 0 : i32
    %c0_i32_1 = arith.constant 0 : i32
    return %c0_i32, %c0_i32_0 : i32, i32
  }
  func.func @transform_7(%arg0: i32) -> (i32, i32) {
    %c0_i32 = arith.constant 0 : i32
    %c0_i32_0 = arith.constant 0 : i32
    return %arg0, %c0_i32 : i32, i32
  }
  func.func @transform_8(%arg0: i32) -> (i32, i32, i32) {
    %c0_i32 = arith.constant 0 : i32
    %c0_i32_0 = arith.constant 0 : i32
    %c0_i32_1 = arith.constant 0 : i32
    return %arg0, %c0_i32, %c0_i32_0 : i32, i32, i32
  }
}

module attributes {stable_mosaic.version = 14 : i64} {
  func.func @_tail_body(%arg0: i32, %arg1: memref<1000x128xf32, #tpu.memory_space<vmem>>, %arg2: memref<1000x128xf32, #tpu.memory_space<vmem>>, %arg3: memref<10x1x128xf32, #tpu.memory_space<vmem>>, %arg4: memref<10x1x128xf32, #tpu.memory_space<vmem>>, %arg5: memref<1x128xf32, #tpu.memory_space<vmem>>, %arg6: memref<128x128xf32, #tpu.memory_space<vmem>>, %arg7: memref<1x128xf32, #tpu.memory_space<vmem>>, %arg8: memref<128x128xf32, #tpu.memory_space<vmem>>, %arg9: memref<1x128xf32, #tpu.memory_space<vmem>>, %arg10: memref<128x128xf32, #tpu.memory_space<vmem>>, %arg11: memref<1x128xf32, #tpu.memory_space<vmem>>, %arg12: memref<128x128xf32, #tpu.memory_space<vmem>>, %arg13: memref<1x128xf32, #tpu.memory_space<vmem>>, %arg14: memref<1x128xf32, #tpu.memory_space<vmem>>, %arg15: memref<1x128xf32, #tpu.memory_space<vmem>>, %arg16: memref<1x128xf32, #tpu.memory_space<vmem>>, %arg17: memref<1x128xf32, #tpu.memory_space<vmem>>, %arg18: memref<1x128xf32, #tpu.memory_space<vmem>>, %arg19: memref<1x128xf32, #tpu.memory_space<vmem>>, %arg20: memref<2048x128xbf16, #tpu.memory_space<vmem>>, %arg21: memref<1x2048xf32, #tpu.memory_space<vmem>>, %arg22: memref<128x2048xbf16, #tpu.memory_space<vmem>>, %arg23: memref<1x128xf32, #tpu.memory_space<vmem>>, %arg24: memref<64x128xf32, #tpu.memory_space<vmem>>, %arg25: memref<1x64xf32, #tpu.memory_space<vmem>>, %arg26: memref<1000x64xf32, #tpu.memory_space<vmem>>) attributes {dimension_semantics = [#tpu.dimension_semantics<arbitrary>], iteration_bounds = array<i64: 10>, scalar_prefetch = 0 : i64, scratch_operands = 0 : i64, tpu.core_type = #tpu.core_type<tc>, window_params = [{transform_indices = @transform_0, window_bounds = array<i64: 1000, 128>}, {transform_indices = @transform_1, window_bounds = array<i64: 1000, 128>}, {pipeline_mode = #tpu.pipeline_mode<synchronous>, transform_indices = @transform_2, window_bounds = array<i64: 10, 1, 128>}, {pipeline_mode = #tpu.pipeline_mode<synchronous>, transform_indices = @transform_3, window_bounds = array<i64: 10, 1, 128>}, {pipeline_mode = #tpu.pipeline_mode<synchronous>, transform_indices = @transform_4, window_bounds = array<i64: 1, 128>}, {pipeline_mode = #tpu.pipeline_mode<synchronous>, transform_indices = @transform_5, window_bounds = array<i64: 128, 128>}, {pipeline_mode = #tpu.pipeline_mode<synchronous>, transform_indices = @transform_6, window_bounds = array<i64: 1, 128>}, {pipeline_mode = #tpu.pipeline_mode<synchronous>, transform_indices = @transform_7, window_bounds = array<i64: 128, 128>}, {pipeline_mode = #tpu.pipeline_mode<synchronous>, transform_indices = @transform_8, window_bounds = array<i64: 1, 128>}, {pipeline_mode = #tpu.pipeline_mode<synchronous>, transform_indices = @transform_9, window_bounds = array<i64: 128, 128>}, {pipeline_mode = #tpu.pipeline_mode<synchronous>, transform_indices = @transform_10, window_bounds = array<i64: 1, 128>}, {pipeline_mode = #tpu.pipeline_mode<synchronous>, transform_indices = @transform_11, window_bounds = array<i64: 128, 128>}, {pipeline_mode = #tpu.pipeline_mode<synchronous>, transform_indices = @transform_12, window_bounds = array<i64: 1, 128>}, {pipeline_mode = #tpu.pipeline_mode<synchronous>, transform_indices = @transform_13, window_bounds = array<i64: 1, 128>}, {pipeline_mode = #tpu.pipeline_mode<synchronous>, transform_indices = @transform_14, window_bounds = array<i64: 1, 128>}, {pipeline_mode = #tpu.pipeline_mode<synchronous>, transform_indices = @transform_15, window_bounds = array<i64: 1, 128>}, {pipeline_mode = #tpu.pipeline_mode<synchronous>, transform_indices = @transform_16, window_bounds = array<i64: 1, 128>}, {pipeline_mode = #tpu.pipeline_mode<synchronous>, transform_indices = @transform_17, window_bounds = array<i64: 1, 128>}, {pipeline_mode = #tpu.pipeline_mode<synchronous>, transform_indices = @transform_18, window_bounds = array<i64: 1, 128>}, {pipeline_mode = #tpu.pipeline_mode<synchronous>, transform_indices = @transform_19, window_bounds = array<i64: 2048, 128>}, {pipeline_mode = #tpu.pipeline_mode<synchronous>, transform_indices = @transform_20, window_bounds = array<i64: 1, 2048>}, {pipeline_mode = #tpu.pipeline_mode<synchronous>, transform_indices = @transform_21, window_bounds = array<i64: 128, 2048>}, {pipeline_mode = #tpu.pipeline_mode<synchronous>, transform_indices = @transform_22, window_bounds = array<i64: 1, 128>}, {pipeline_mode = #tpu.pipeline_mode<synchronous>, transform_indices = @transform_23, window_bounds = array<i64: 64, 128>}, {pipeline_mode = #tpu.pipeline_mode<synchronous>, transform_indices = @transform_24, window_bounds = array<i64: 1, 64>}, {transform_indices = @transform_25, window_bounds = array<i64: 1000, 64>}]} {
    %get3A = arith.constant 0 : index
    %get3A_0 = arith.constant 0 : index
    %get3A_1 = vector.load %arg5[%get3A, %get3A_0] : memref<1x128xf32, #tpu.memory_space<vmem>>, vector<1x128xf32>
    %get3A_2 = arith.constant 0 : index
    %get3A_3 = arith.constant 0 : index
    %get3A_4 = arith.constant 0 : index
    %get3A_5 = vector.load %arg3[%get3A_2, %get3A_3, %get3A_4] : memref<10x1x128xf32, #tpu.memory_space<vmem>>, vector<10x1x128xf32>
    %reduce_sum3A = arith.constant dense<0.000000e+00> : vector<1x128xf32>
    %reduce_sum3A_6 = vector.multi_reduction <add>, %get3A_5, %reduce_sum3A [0] : vector<10x1x128xf32> to vector<1x128xf32>
    %mul3A = arith.mulf %reduce_sum3A_6, %get3A_1 : vector<1x128xf32>
    %reduce_sum3A_7 = vector.shape_cast %mul3A : vector<1x128xf32> to vector<1x1x128xf32>
    %reduce_sum3A_8 = arith.constant dense<0.000000e+00> : vector<1xf32>
    %reduce_sum3A_9 = vector.multi_reduction <add>, %reduce_sum3A_7, %reduce_sum3A_8 [1, 2] : vector<1x1x128xf32> to vector<1xf32>
    %reduce_sum3A_10 = vector.shape_cast %reduce_sum3A_9 : vector<1xf32> to vector<1x1x1xf32>
    %reduce_sum3A_11 = vector.extract %reduce_sum3A_10[0, 0, 0] : f32 from vector<1x1x1xf32>
    %div3A = arith.constant 1.000000e+04 : f32
    %div3A_12 = arith.divf %reduce_sum3A_11, %div3A : f32
    %get3A_13 = arith.constant 0 : index
    %get3A_14 = arith.constant 0 : index
    %get3A_15 = arith.constant 0 : index
    %get3A_16 = vector.load %arg4[%get3A_13, %get3A_14, %get3A_15] : memref<10x1x128xf32, #tpu.memory_space<vmem>>, vector<10x1x128xf32>
    %reduce_sum3A_17 = arith.constant dense<0.000000e+00> : vector<1x128xf32>
    %reduce_sum3A_18 = vector.multi_reduction <add>, %get3A_16, %reduce_sum3A_17 [0] : vector<10x1x128xf32> to vector<1x128xf32>
    %mul3A_19 = arith.mulf %reduce_sum3A_18, %get3A_1 : vector<1x128xf32>
    %reduce_sum3A_20 = vector.shape_cast %mul3A_19 : vector<1x128xf32> to vector<1x1x128xf32>
    %reduce_sum3A_21 = arith.constant dense<0.000000e+00> : vector<1xf32>
    %reduce_sum3A_22 = vector.multi_reduction <add>, %reduce_sum3A_20, %reduce_sum3A_21 [1, 2] : vector<1x1x128xf32> to vector<1xf32>
    %reduce_sum3A_23 = vector.shape_cast %reduce_sum3A_22 : vector<1xf32> to vector<1x1x1xf32>
    %reduce_sum3A_24 = vector.extract %reduce_sum3A_23[0, 0, 0] : f32 from vector<1x1x1xf32>
    %div3A_25 = arith.constant 1.000000e+04 : f32
    %div3A_26 = arith.divf %reduce_sum3A_24, %div3A_25 : f32
    %max3A = arith.maximumf %div3A_12, %div3A_26 : f32
    %sub3A = arith.subf %div3A_12, %max3A : f32
    %exp3A = math.exp %sub3A : f32
    %sub3A_27 = arith.subf %div3A_26, %max3A : f32
    %exp3A_28 = math.exp %sub3A_27 : f32
    %add3A = arith.addf %exp3A, %exp3A_28 : f32
    %div3A_29 = arith.divf %exp3A, %add3A : f32
    %add3A_30 = arith.addf %exp3A, %exp3A_28 : f32
    %div3A_31 = arith.divf %exp3A_28, %add3A_30 : f32
    %get3A_32 = arith.constant 0 : index
    %get3A_33 = arith.constant 0 : index
    %get3A_34 = vector.load %arg1[%get3A_32, %get3A_33] : memref<1000x128xf32, #tpu.memory_space<vmem>>, vector<1000x128xf32>
    %mul3A_35 = vector.broadcast %div3A_29 : f32 to vector<1000x128xf32>
    %mul3A_36 = arith.mulf %mul3A_35, %get3A_34 : vector<1000x128xf32>
    %get3A_37 = arith.constant 0 : index
    %get3A_38 = arith.constant 0 : index
    %get3A_39 = vector.load %arg2[%get3A_37, %get3A_38] : memref<1000x128xf32, #tpu.memory_space<vmem>>, vector<1000x128xf32>
    %mul3A_40 = vector.broadcast %div3A_31 : f32 to vector<1000x128xf32>
    %mul3A_41 = arith.mulf %mul3A_40, %get3A_39 : vector<1000x128xf32>
    %add3A_42 = arith.addf %mul3A_36, %mul3A_41 : vector<1000x128xf32>
    %get3A_43 = arith.constant 0 : index
    %get3A_44 = arith.constant 0 : index
    %get3A_45 = vector.load %arg6[%get3A_43, %get3A_44] : memref<128x128xf32, #tpu.memory_space<vmem>>, vector<128x128xf32>
    %dot_general3A = arith.constant dense<0.000000e+00> : vector<1000x128xf32>
    %dot_general3A_46 = tpu.matmul %add3A_42, %get3A_45, %dot_general3A {dimension_numbers = #tpu.dot_dimension_numbers<[1], [1], [0], [0], [0, 0, 1, 0], [], []>, transpose_lhs_hint = false} : vector<1000x128xf32>, vector<128x128xf32>, vector<1000x128xf32> -> vector<1000x128xf32>
    %get3A_47 = arith.constant 0 : index
    %get3A_48 = arith.constant 0 : index
    %get3A_49 = vector.load %arg7[%get3A_47, %get3A_48] : memref<1x128xf32, #tpu.memory_space<vmem>>, vector<1x128xf32>
    %add3A_50 = vector.broadcast %get3A_49 : vector<1x128xf32> to vector<1000x128xf32>
    %add3A_51 = arith.addf %dot_general3A_46, %add3A_50 : vector<1000x128xf32>
    %get3A_52 = arith.constant 0 : index
    %get3A_53 = arith.constant 0 : index
    %get3A_54 = vector.load %arg8[%get3A_52, %get3A_53] : memref<128x128xf32, #tpu.memory_space<vmem>>, vector<128x128xf32>
    %dot_general3A_55 = arith.constant dense<0.000000e+00> : vector<1000x128xf32>
    %dot_general3A_56 = tpu.matmul %add3A_51, %get3A_54, %dot_general3A_55 {dimension_numbers = #tpu.dot_dimension_numbers<[1], [1], [0], [0], [0, 0, 1, 0], [], []>, transpose_lhs_hint = false} : vector<1000x128xf32>, vector<128x128xf32>, vector<1000x128xf32> -> vector<1000x128xf32>
    %get3A_57 = arith.constant 0 : index
    %get3A_58 = arith.constant 0 : index
    %get3A_59 = vector.load %arg9[%get3A_57, %get3A_58] : memref<1x128xf32, #tpu.memory_space<vmem>>, vector<1x128xf32>
    %add3A_60 = vector.broadcast %get3A_59 : vector<1x128xf32> to vector<1000x128xf32>
    %add3A_61 = arith.addf %dot_general3A_56, %add3A_60 : vector<1000x128xf32>
    %add3A_62 = arith.addf %add3A_42, %add3A_61 : vector<1000x128xf32>
    %get3A_63 = arith.constant 0 : index
    %get3A_64 = arith.constant 0 : index
    %get3A_65 = vector.load %arg14[%get3A_63, %get3A_64] : memref<1x128xf32, #tpu.memory_space<vmem>>, vector<1x128xf32>
    %get3A_66 = arith.constant 0 : index
    %get3A_67 = arith.constant 0 : index
    %get3A_68 = vector.load %arg15[%get3A_66, %get3A_67] : memref<1x128xf32, #tpu.memory_space<vmem>>, vector<1x128xf32>
    %reduce_sum3A_69 = arith.constant dense<0.000000e+00> : vector<1000xf32>
    %reduce_sum3A_70 = vector.multi_reduction <add>, %add3A_62, %reduce_sum3A_69 [1] : vector<1000x128xf32> to vector<1000xf32>
    %broadcast_in_dim3A = vector.shape_cast %reduce_sum3A_70 : vector<1000xf32> to vector<1000x1xf32>
    %div3A_71 = arith.constant 1.280000e+02 : f32
    %div3A_72 = vector.broadcast %div3A_71 : f32 to vector<1000x1xf32>
    %div3A_73 = arith.divf %broadcast_in_dim3A, %div3A_72 : vector<1000x1xf32>
    %sub3A_74 = vector.broadcast %div3A_73 : vector<1000x1xf32> to vector<1000x128xf32>
    %sub3A_75 = arith.subf %add3A_62, %sub3A_74 : vector<1000x128xf32>
    %integer_pow3A = arith.mulf %sub3A_75, %sub3A_75 : vector<1000x128xf32>
    %reduce_sum3A_76 = arith.constant dense<0.000000e+00> : vector<1000xf32>
    %reduce_sum3A_77 = vector.multi_reduction <add>, %integer_pow3A, %reduce_sum3A_76 [1] : vector<1000x128xf32> to vector<1000xf32>
    %broadcast_in_dim3A_78 = vector.shape_cast %reduce_sum3A_77 : vector<1000xf32> to vector<1000x1xf32>
    %div3A_79 = arith.constant 1.280000e+02 : f32
    %div3A_80 = vector.broadcast %div3A_79 : f32 to vector<1000x1xf32>
    %div3A_81 = arith.divf %broadcast_in_dim3A_78, %div3A_80 : vector<1000x1xf32>
    %sub3A_82 = vector.broadcast %div3A_73 : vector<1000x1xf32> to vector<1000x128xf32>
    %sub3A_83 = arith.subf %add3A_62, %sub3A_82 : vector<1000x128xf32>
    %add3A_84 = arith.constant 9.99999974E-6 : f32
    %add3A_85 = vector.broadcast %add3A_84 : f32 to vector<1000x1xf32>
    %add3A_86 = arith.addf %div3A_81, %add3A_85 : vector<1000x1xf32>
    %sqrt3A = math.sqrt %add3A_86 : vector<1000x1xf32>
    %div3A_87 = vector.broadcast %sqrt3A : vector<1000x1xf32> to vector<1000x128xf32>
    %div3A_88 = arith.divf %sub3A_83, %div3A_87 : vector<1000x128xf32>
    %mul3A_89 = vector.broadcast %get3A_65 : vector<1x128xf32> to vector<1000x128xf32>
    %mul3A_90 = arith.mulf %div3A_88, %mul3A_89 : vector<1000x128xf32>
    %add3A_91 = vector.broadcast %get3A_68 : vector<1x128xf32> to vector<1000x128xf32>
    %add3A_92 = arith.addf %mul3A_90, %add3A_91 : vector<1000x128xf32>
    %get3A_93 = arith.constant 0 : index
    %get3A_94 = arith.constant 0 : index
    %get3A_95 = vector.load %arg10[%get3A_93, %get3A_94] : memref<128x128xf32, #tpu.memory_space<vmem>>, vector<128x128xf32>
    %dot_general3A_96 = arith.constant dense<0.000000e+00> : vector<1000x128xf32>
    %dot_general3A_97 = tpu.matmul %add3A_42, %get3A_95, %dot_general3A_96 {dimension_numbers = #tpu.dot_dimension_numbers<[1], [1], [0], [0], [0, 0, 1, 0], [], []>, transpose_lhs_hint = false} : vector<1000x128xf32>, vector<128x128xf32>, vector<1000x128xf32> -> vector<1000x128xf32>
    %get3A_98 = arith.constant 0 : index
    %get3A_99 = arith.constant 0 : index
    %get3A_100 = vector.load %arg11[%get3A_98, %get3A_99] : memref<1x128xf32, #tpu.memory_space<vmem>>, vector<1x128xf32>
    %add3A_101 = vector.broadcast %get3A_100 : vector<1x128xf32> to vector<1000x128xf32>
    %add3A_102 = arith.addf %dot_general3A_97, %add3A_101 : vector<1000x128xf32>
    %get3A_103 = arith.constant 0 : index
    %get3A_104 = arith.constant 0 : index
    %get3A_105 = vector.load %arg12[%get3A_103, %get3A_104] : memref<128x128xf32, #tpu.memory_space<vmem>>, vector<128x128xf32>
    %dot_general3A_106 = arith.constant dense<0.000000e+00> : vector<1000x128xf32>
    %dot_general3A_107 = tpu.matmul %add3A_102, %get3A_105, %dot_general3A_106 {dimension_numbers = #tpu.dot_dimension_numbers<[1], [1], [0], [0], [0, 0, 1, 0], [], []>, transpose_lhs_hint = false} : vector<1000x128xf32>, vector<128x128xf32>, vector<1000x128xf32> -> vector<1000x128xf32>
    %get3A_108 = arith.constant 0 : index
    %get3A_109 = arith.constant 0 : index
    %get3A_110 = vector.load %arg13[%get3A_108, %get3A_109] : memref<1x128xf32, #tpu.memory_space<vmem>>, vector<1x128xf32>
    %add3A_111 = vector.broadcast %get3A_110 : vector<1x128xf32> to vector<1000x128xf32>
    %add3A_112 = arith.addf %dot_general3A_107, %add3A_111 : vector<1000x128xf32>
    %add3A_113 = arith.addf %add3A_92, %add3A_112 : vector<1000x128xf32>
    %get3A_114 = arith.constant 0 : index
    %get3A_115 = arith.constant 0 : index
    %get3A_116 = vector.load %arg16[%get3A_114, %get3A_115] : memref<1x128xf32, #tpu.memory_space<vmem>>, vector<1x128xf32>
    %get3A_117 = arith.constant 0 : index
    %get3A_118 = arith.constant 0 : index
    %get3A_119 = vector.load %arg17[%get3A_117, %get3A_118] : memref<1x128xf32, #tpu.memory_space<vmem>>, vector<1x128xf32>
    %reduce_sum3A_120 = arith.constant dense<0.000000e+00> : vector<1000xf32>
    %reduce_sum3A_121 = vector.multi_reduction <add>, %add3A_113, %reduce_sum3A_120 [1] : vector<1000x128xf32> to vector<1000xf32>
    %broadcast_in_dim3A_122 = vector.shape_cast %reduce_sum3A_121 : vector<1000xf32> to vector<1000x1xf32>
    %div3A_123 = arith.constant 1.280000e+02 : f32
    %div3A_124 = vector.broadcast %div3A_123 : f32 to vector<1000x1xf32>
    %div3A_125 = arith.divf %broadcast_in_dim3A_122, %div3A_124 : vector<1000x1xf32>
    %sub3A_126 = vector.broadcast %div3A_125 : vector<1000x1xf32> to vector<1000x128xf32>
    %sub3A_127 = arith.subf %add3A_113, %sub3A_126 : vector<1000x128xf32>
    %integer_pow3A_128 = arith.mulf %sub3A_127, %sub3A_127 : vector<1000x128xf32>
    %reduce_sum3A_129 = arith.constant dense<0.000000e+00> : vector<1000xf32>
    %reduce_sum3A_130 = vector.multi_reduction <add>, %integer_pow3A_128, %reduce_sum3A_129 [1] : vector<1000x128xf32> to vector<1000xf32>
    %broadcast_in_dim3A_131 = vector.shape_cast %reduce_sum3A_130 : vector<1000xf32> to vector<1000x1xf32>
    %div3A_132 = arith.constant 1.280000e+02 : f32
    %div3A_133 = vector.broadcast %div3A_132 : f32 to vector<1000x1xf32>
    %div3A_134 = arith.divf %broadcast_in_dim3A_131, %div3A_133 : vector<1000x1xf32>
    %sub3A_135 = vector.broadcast %div3A_125 : vector<1000x1xf32> to vector<1000x128xf32>
    %sub3A_136 = arith.subf %add3A_113, %sub3A_135 : vector<1000x128xf32>
    %add3A_137 = arith.constant 9.99999974E-6 : f32
    %add3A_138 = vector.broadcast %add3A_137 : f32 to vector<1000x1xf32>
    %add3A_139 = arith.addf %div3A_134, %add3A_138 : vector<1000x1xf32>
    %sqrt3A_140 = math.sqrt %add3A_139 : vector<1000x1xf32>
    %div3A_141 = vector.broadcast %sqrt3A_140 : vector<1000x1xf32> to vector<1000x128xf32>
    %div3A_142 = arith.divf %sub3A_136, %div3A_141 : vector<1000x128xf32>
    %mul3A_143 = vector.broadcast %get3A_116 : vector<1x128xf32> to vector<1000x128xf32>
    %mul3A_144 = arith.mulf %div3A_142, %mul3A_143 : vector<1000x128xf32>
    %add3A_145 = vector.broadcast %get3A_119 : vector<1x128xf32> to vector<1000x128xf32>
    %add3A_146 = arith.addf %mul3A_144, %add3A_145 : vector<1000x128xf32>
    %broadcast_in_dim3A_147 = arith.constant 0.000000e+00 : f32
    %broadcast_in_dim3A_148 = vector.broadcast %broadcast_in_dim3A_147 : f32 to vector<1000x128xf32>
    %get3A_149 = arith.constant 0 : index
    %get3A_150 = arith.constant 0 : index
    %get3A_151 = vector.load %arg23[%get3A_149, %get3A_150] : memref<1x128xf32, #tpu.memory_space<vmem>>, vector<1x128xf32>
    %add3A_152 = vector.broadcast %get3A_151 : vector<1x128xf32> to vector<1000x128xf32>
    %add3A_153 = arith.addf %broadcast_in_dim3A_148, %add3A_152 : vector<1000x128xf32>
    %convert_element_type3A = arith.truncf %add3A_146 : vector<1000x128xf32> to vector<1000x128xbf16>
    %get3A_154 = arith.constant 0 : index
    %get3A_155 = arith.constant 0 : index
    %get3A_156 = vector.load %arg20[%get3A_154, %get3A_155] : memref<2048x128xbf16, #tpu.memory_space<vmem>>, vector<512x128xbf16>
    %get3A_157 = arith.constant 0 : index
    %get3A_158 = arith.constant 0 : index
    %get3A_159 = vector.load %arg21[%get3A_157, %get3A_158] : memref<1x2048xf32, #tpu.memory_space<vmem>>, vector<1x512xf32>
    %dot_general3A_160 = arith.constant dense<0.000000e+00> : vector<1000x512xf32>
    %dot_general3A_161 = tpu.matmul %convert_element_type3A, %get3A_156, %dot_general3A_160 {dimension_numbers = #tpu.dot_dimension_numbers<[1], [1], [0], [0], [0, 0, 1, 0], [], []>, transpose_lhs_hint = false} : vector<1000x128xbf16>, vector<512x128xbf16>, vector<1000x512xf32> -> vector<1000x512xf32>
    %add3A_162 = vector.broadcast %get3A_159 : vector<1x512xf32> to vector<1000x512xf32>
    %add3A_163 = arith.addf %dot_general3A_161, %add3A_162 : vector<1000x512xf32>
    %max3A_164 = arith.constant 0.000000e+00 : f32
    %max3A_165 = vector.broadcast %max3A_164 : f32 to vector<1000x512xf32>
    %max3A_166 = arith.maximumf %add3A_163, %max3A_165 : vector<1000x512xf32>
    %convert_element_type3A_167 = arith.truncf %max3A_166 : vector<1000x512xf32> to vector<1000x512xbf16>
    %get3A_168 = arith.constant 0 : index
    %get3A_169 = arith.constant 0 : index
    %get3A_170 = vector.load %arg22[%get3A_168, %get3A_169] : memref<128x2048xbf16, #tpu.memory_space<vmem>>, vector<128x512xbf16>
    %dot_general3A_171 = arith.constant dense<0.000000e+00> : vector<1000x128xf32>
    %dot_general3A_172 = tpu.matmul %convert_element_type3A_167, %get3A_170, %dot_general3A_171 {dimension_numbers = #tpu.dot_dimension_numbers<[1], [1], [0], [0], [0, 0, 1, 0], [], []>, transpose_lhs_hint = false} : vector<1000x512xbf16>, vector<128x512xbf16>, vector<1000x128xf32> -> vector<1000x128xf32>
    %add3A_173 = arith.addf %add3A_153, %dot_general3A_172 : vector<1000x128xf32>
    %get3A_174 = arith.constant 512 : index
    %get3A_175 = arith.constant 0 : index
    %get3A_176 = vector.load %arg20[%get3A_174, %get3A_175] : memref<2048x128xbf16, #tpu.memory_space<vmem>>, vector<512x128xbf16>
    %get3A_177 = arith.constant 0 : index
    %get3A_178 = arith.constant 512 : index
    %get3A_179 = vector.load %arg21[%get3A_177, %get3A_178] : memref<1x2048xf32, #tpu.memory_space<vmem>>, vector<1x512xf32>
    %dot_general3A_180 = arith.constant dense<0.000000e+00> : vector<1000x512xf32>
    %dot_general3A_181 = tpu.matmul %convert_element_type3A, %get3A_176, %dot_general3A_180 {dimension_numbers = #tpu.dot_dimension_numbers<[1], [1], [0], [0], [0, 0, 1, 0], [], []>, transpose_lhs_hint = false} : vector<1000x128xbf16>, vector<512x128xbf16>, vector<1000x512xf32> -> vector<1000x512xf32>
    %add3A_182 = vector.broadcast %get3A_179 : vector<1x512xf32> to vector<1000x512xf32>
    %add3A_183 = arith.addf %dot_general3A_181, %add3A_182 : vector<1000x512xf32>
    %max3A_184 = arith.constant 0.000000e+00 : f32
    %max3A_185 = vector.broadcast %max3A_184 : f32 to vector<1000x512xf32>
    %max3A_186 = arith.maximumf %add3A_183, %max3A_185 : vector<1000x512xf32>
    %convert_element_type3A_187 = arith.truncf %max3A_186 : vector<1000x512xf32> to vector<1000x512xbf16>
    %get3A_188 = arith.constant 0 : index
    %get3A_189 = arith.constant 512 : index
    %get3A_190 = vector.load %arg22[%get3A_188, %get3A_189] : memref<128x2048xbf16, #tpu.memory_space<vmem>>, vector<128x512xbf16>
    %dot_general3A_191 = arith.constant dense<0.000000e+00> : vector<1000x128xf32>
    %dot_general3A_192 = tpu.matmul %convert_element_type3A_187, %get3A_190, %dot_general3A_191 {dimension_numbers = #tpu.dot_dimension_numbers<[1], [1], [0], [0], [0, 0, 1, 0], [], []>, transpose_lhs_hint = false} : vector<1000x512xbf16>, vector<128x512xbf16>, vector<1000x128xf32> -> vector<1000x128xf32>
    %add3A_193 = arith.addf %add3A_173, %dot_general3A_192 : vector<1000x128xf32>
    %get3A_194 = arith.constant 1024 : index
    %get3A_195 = arith.constant 0 : index
    %get3A_196 = vector.load %arg20[%get3A_194, %get3A_195] : memref<2048x128xbf16, #tpu.memory_space<vmem>>, vector<512x128xbf16>
    %get3A_197 = arith.constant 0 : index
    %get3A_198 = arith.constant 1024 : index
    %get3A_199 = vector.load %arg21[%get3A_197, %get3A_198] : memref<1x2048xf32, #tpu.memory_space<vmem>>, vector<1x512xf32>
    %dot_general3A_200 = arith.constant dense<0.000000e+00> : vector<1000x512xf32>
    %dot_general3A_201 = tpu.matmul %convert_element_type3A, %get3A_196, %dot_general3A_200 {dimension_numbers = #tpu.dot_dimension_numbers<[1], [1], [0], [0], [0, 0, 1, 0], [], []>, transpose_lhs_hint = false} : vector<1000x128xbf16>, vector<512x128xbf16>, vector<1000x512xf32> -> vector<1000x512xf32>
    %add3A_202 = vector.broadcast %get3A_199 : vector<1x512xf32> to vector<1000x512xf32>
    %add3A_203 = arith.addf %dot_general3A_201, %add3A_202 : vector<1000x512xf32>
    %max3A_204 = arith.constant 0.000000e+00 : f32
    %max3A_205 = vector.broadcast %max3A_204 : f32 to vector<1000x512xf32>
    %max3A_206 = arith.maximumf %add3A_203, %max3A_205 : vector<1000x512xf32>
    %convert_element_type3A_207 = arith.truncf %max3A_206 : vector<1000x512xf32> to vector<1000x512xbf16>
    %get3A_208 = arith.constant 0 : index
    %get3A_209 = arith.constant 1024 : index
    %get3A_210 = vector.load %arg22[%get3A_208, %get3A_209] : memref<128x2048xbf16, #tpu.memory_space<vmem>>, vector<128x512xbf16>
    %dot_general3A_211 = arith.constant dense<0.000000e+00> : vector<1000x128xf32>
    %dot_general3A_212 = tpu.matmul %convert_element_type3A_207, %get3A_210, %dot_general3A_211 {dimension_numbers = #tpu.dot_dimension_numbers<[1], [1], [0], [0], [0, 0, 1, 0], [], []>, transpose_lhs_hint = false} : vector<1000x512xbf16>, vector<128x512xbf16>, vector<1000x128xf32> -> vector<1000x128xf32>
    %add3A_213 = arith.addf %add3A_193, %dot_general3A_212 : vector<1000x128xf32>
    %get3A_214 = arith.constant 1536 : index
    %get3A_215 = arith.constant 0 : index
    %get3A_216 = vector.load %arg20[%get3A_214, %get3A_215] : memref<2048x128xbf16, #tpu.memory_space<vmem>>, vector<512x128xbf16>
    %get3A_217 = arith.constant 0 : index
    %get3A_218 = arith.constant 1536 : index
    %get3A_219 = vector.load %arg21[%get3A_217, %get3A_218] : memref<1x2048xf32, #tpu.memory_space<vmem>>, vector<1x512xf32>
    %dot_general3A_220 = arith.constant dense<0.000000e+00> : vector<1000x512xf32>
    %dot_general3A_221 = tpu.matmul %convert_element_type3A, %get3A_216, %dot_general3A_220 {dimension_numbers = #tpu.dot_dimension_numbers<[1], [1], [0], [0], [0, 0, 1, 0], [], []>, transpose_lhs_hint = false} : vector<1000x128xbf16>, vector<512x128xbf16>, vector<1000x512xf32> -> vector<1000x512xf32>
    %add3A_222 = vector.broadcast %get3A_219 : vector<1x512xf32> to vector<1000x512xf32>
    %add3A_223 = arith.addf %dot_general3A_221, %add3A_222 : vector<1000x512xf32>
    %max3A_224 = arith.constant 0.000000e+00 : f32
    %max3A_225 = vector.broadcast %max3A_224 : f32 to vector<1000x512xf32>
    %max3A_226 = arith.maximumf %add3A_223, %max3A_225 : vector<1000x512xf32>
    %convert_element_type3A_227 = arith.truncf %max3A_226 : vector<1000x512xf32> to vector<1000x512xbf16>
    %get3A_228 = arith.constant 0 : index
    %get3A_229 = arith.constant 1536 : index
    %get3A_230 = vector.load %arg22[%get3A_228, %get3A_229] : memref<128x2048xbf16, #tpu.memory_space<vmem>>, vector<128x512xbf16>
    %dot_general3A_231 = arith.constant dense<0.000000e+00> : vector<1000x128xf32>
    %dot_general3A_232 = tpu.matmul %convert_element_type3A_227, %get3A_230, %dot_general3A_231 {dimension_numbers = #tpu.dot_dimension_numbers<[1], [1], [0], [0], [0, 0, 1, 0], [], []>, transpose_lhs_hint = false} : vector<1000x512xbf16>, vector<128x512xbf16>, vector<1000x128xf32> -> vector<1000x128xf32>
    %add3A_233 = arith.addf %add3A_213, %dot_general3A_232 : vector<1000x128xf32>
    %add3A_234 = arith.addf %add3A_146, %add3A_233 : vector<1000x128xf32>
    %get3A_235 = arith.constant 0 : index
    %get3A_236 = arith.constant 0 : index
    %get3A_237 = vector.load %arg18[%get3A_235, %get3A_236] : memref<1x128xf32, #tpu.memory_space<vmem>>, vector<1x128xf32>
    %get3A_238 = arith.constant 0 : index
    %get3A_239 = arith.constant 0 : index
    %get3A_240 = vector.load %arg19[%get3A_238, %get3A_239] : memref<1x128xf32, #tpu.memory_space<vmem>>, vector<1x128xf32>
    %reduce_sum3A_241 = arith.constant dense<0.000000e+00> : vector<1000xf32>
    %reduce_sum3A_242 = vector.multi_reduction <add>, %add3A_234, %reduce_sum3A_241 [1] : vector<1000x128xf32> to vector<1000xf32>
    %broadcast_in_dim3A_243 = vector.shape_cast %reduce_sum3A_242 : vector<1000xf32> to vector<1000x1xf32>
    %div3A_244 = arith.constant 1.280000e+02 : f32
    %div3A_245 = vector.broadcast %div3A_244 : f32 to vector<1000x1xf32>
    %div3A_246 = arith.divf %broadcast_in_dim3A_243, %div3A_245 : vector<1000x1xf32>
    %sub3A_247 = vector.broadcast %div3A_246 : vector<1000x1xf32> to vector<1000x128xf32>
    %sub3A_248 = arith.subf %add3A_234, %sub3A_247 : vector<1000x128xf32>
    %integer_pow3A_249 = arith.mulf %sub3A_248, %sub3A_248 : vector<1000x128xf32>
    %reduce_sum3A_250 = arith.constant dense<0.000000e+00> : vector<1000xf32>
    %reduce_sum3A_251 = vector.multi_reduction <add>, %integer_pow3A_249, %reduce_sum3A_250 [1] : vector<1000x128xf32> to vector<1000xf32>
    %broadcast_in_dim3A_252 = vector.shape_cast %reduce_sum3A_251 : vector<1000xf32> to vector<1000x1xf32>
    %div3A_253 = arith.constant 1.280000e+02 : f32
    %div3A_254 = vector.broadcast %div3A_253 : f32 to vector<1000x1xf32>
    %div3A_255 = arith.divf %broadcast_in_dim3A_252, %div3A_254 : vector<1000x1xf32>
    %sub3A_256 = vector.broadcast %div3A_246 : vector<1000x1xf32> to vector<1000x128xf32>
    %sub3A_257 = arith.subf %add3A_234, %sub3A_256 : vector<1000x128xf32>
    %add3A_258 = arith.constant 9.99999974E-6 : f32
    %add3A_259 = vector.broadcast %add3A_258 : f32 to vector<1000x1xf32>
    %add3A_260 = arith.addf %div3A_255, %add3A_259 : vector<1000x1xf32>
    %sqrt3A_261 = math.sqrt %add3A_260 : vector<1000x1xf32>
    %div3A_262 = vector.broadcast %sqrt3A_261 : vector<1000x1xf32> to vector<1000x128xf32>
    %div3A_263 = arith.divf %sub3A_257, %div3A_262 : vector<1000x128xf32>
    %mul3A_264 = vector.broadcast %get3A_237 : vector<1x128xf32> to vector<1000x128xf32>
    %mul3A_265 = arith.mulf %div3A_263, %mul3A_264 : vector<1000x128xf32>
    %add3A_266 = vector.broadcast %get3A_240 : vector<1x128xf32> to vector<1000x128xf32>
    %add3A_267 = arith.addf %mul3A_265, %add3A_266 : vector<1000x128xf32>
    %get3A_268 = arith.constant 0 : index
    %get3A_269 = arith.constant 0 : index
    %get3A_270 = vector.load %arg24[%get3A_268, %get3A_269] : memref<64x128xf32, #tpu.memory_space<vmem>>, vector<64x128xf32>
    %dot_general3A_271 = arith.constant dense<0.000000e+00> : vector<1000x64xf32>
    %dot_general3A_272 = tpu.matmul %add3A_267, %get3A_270, %dot_general3A_271 {dimension_numbers = #tpu.dot_dimension_numbers<[1], [1], [0], [0], [0, 0, 1, 0], [], []>, transpose_lhs_hint = false} : vector<1000x128xf32>, vector<64x128xf32>, vector<1000x64xf32> -> vector<1000x64xf32>
    %get3A_273 = arith.constant 0 : index
    %get3A_274 = arith.constant 0 : index
    %get3A_275 = vector.load %arg25[%get3A_273, %get3A_274] : memref<1x64xf32, #tpu.memory_space<vmem>>, vector<1x64xf32>
    %add3A_276 = vector.broadcast %get3A_275 : vector<1x64xf32> to vector<1000x64xf32>
    %add3A_277 = arith.addf %dot_general3A_272, %add3A_276 : vector<1000x64xf32>
    %swap3A = arith.constant 0 : index
    %swap3A_278 = arith.constant 0 : index
    %swap3A_279 = vector.load %arg26[%swap3A, %swap3A_278] : memref<1000x64xf32, #tpu.memory_space<vmem>>, vector<1000x64xf32>
    tpu.vector_store %arg26[%swap3A, %swap3A_278], %add3A_277 {strides = array<i32>} : memref<1000x64xf32, #tpu.memory_space<vmem>>, vector<1000x64xf32>,
    return
  }
  func.func @transform_0(%arg0: i32) -> (i32, i32) {
    %c0_i32 = arith.constant 0 : i32
    %c0_i32_0 = arith.constant 0 : i32
    return %arg0, %c0_i32 : i32, i32
  }
  func.func @transform_1(%arg0: i32) -> (i32, i32) {
    %c0_i32 = arith.constant 0 : i32
    %c0_i32_0 = arith.constant 0 : i32
    return %arg0, %c0_i32 : i32, i32
  }
  func.func @transform_2(%arg0: i32) -> (i32, i32, i32) {
    %c0_i32 = arith.constant 0 : i32
    %c0_i32_0 = arith.constant 0 : i32
    %c0_i32_1 = arith.constant 0 : i32
    %c0_i32_2 = arith.constant 0 : i32
    return %c0_i32, %c0_i32_0, %c0_i32_1 : i32, i32, i32
  }
  func.func @transform_3(%arg0: i32) -> (i32, i32, i32) {
    %c0_i32 = arith.constant 0 : i32
    %c0_i32_0 = arith.constant 0 : i32
    %c0_i32_1 = arith.constant 0 : i32
    %c0_i32_2 = arith.constant 0 : i32
    return %c0_i32, %c0_i32_0, %c0_i32_1 : i32, i32, i32
  }
  func.func @transform_4(%arg0: i32) -> (i32, i32) {
    %c0_i32 = arith.constant 0 : i32
    %c0_i32_0 = arith.constant 0 : i32
    %c0_i32_1 = arith.constant 0 : i32
    return %c0_i32, %c0_i32_0 : i32, i32
  }
  func.func @transform_5(%arg0: i32) -> (i32, i32) {
    %c0_i32 = arith.constant 0 : i32
    %c0_i32_0 = arith.constant 0 : i32
    %c0_i32_1 = arith.constant 0 : i32
    return %c0_i32, %c0_i32_0 : i32, i32
  }
  func.func @transform_6(%arg0: i32) -> (i32, i32) {
    %c0_i32 = arith.constant 0 : i32
    %c0_i32_0 = arith.constant 0 : i32
    %c0_i32_1 = arith.constant 0 : i32
    return %c0_i32, %c0_i32_0 : i32, i32
  }
  func.func @transform_7(%arg0: i32) -> (i32, i32) {
    %c0_i32 = arith.constant 0 : i32
    %c0_i32_0 = arith.constant 0 : i32
    %c0_i32_1 = arith.constant 0 : i32
    return %c0_i32, %c0_i32_0 : i32, i32
  }
  func.func @transform_8(%arg0: i32) -> (i32, i32) {
    %c0_i32 = arith.constant 0 : i32
    %c0_i32_0 = arith.constant 0 : i32
    %c0_i32_1 = arith.constant 0 : i32
    return %c0_i32, %c0_i32_0 : i32, i32
  }
  func.func @transform_9(%arg0: i32) -> (i32, i32) {
    %c0_i32 = arith.constant 0 : i32
    %c0_i32_0 = arith.constant 0 : i32
    %c0_i32_1 = arith.constant 0 : i32
    return %c0_i32, %c0_i32_0 : i32, i32
  }
  func.func @transform_10(%arg0: i32) -> (i32, i32) {
    %c0_i32 = arith.constant 0 : i32
    %c0_i32_0 = arith.constant 0 : i32
    %c0_i32_1 = arith.constant 0 : i32
    return %c0_i32, %c0_i32_0 : i32, i32
  }
  func.func @transform_11(%arg0: i32) -> (i32, i32) {
    %c0_i32 = arith.constant 0 : i32
    %c0_i32_0 = arith.constant 0 : i32
    %c0_i32_1 = arith.constant 0 : i32
    return %c0_i32, %c0_i32_0 : i32, i32
  }
  func.func @transform_12(%arg0: i32) -> (i32, i32) {
    %c0_i32 = arith.constant 0 : i32
    %c0_i32_0 = arith.constant 0 : i32
    %c0_i32_1 = arith.constant 0 : i32
    return %c0_i32, %c0_i32_0 : i32, i32
  }
  func.func @transform_13(%arg0: i32) -> (i32, i32) {
    %c0_i32 = arith.constant 0 : i32
    %c0_i32_0 = arith.constant 0 : i32
    %c0_i32_1 = arith.constant 0 : i32
    return %c0_i32, %c0_i32_0 : i32, i32
  }
  func.func @transform_14(%arg0: i32) -> (i32, i32) {
    %c0_i32 = arith.constant 0 : i32
    %c0_i32_0 = arith.constant 0 : i32
    %c0_i32_1 = arith.constant 0 : i32
    return %c0_i32, %c0_i32_0 : i32, i32
  }
  func.func @transform_15(%arg0: i32) -> (i32, i32) {
    %c0_i32 = arith.constant 0 : i32
    %c0_i32_0 = arith.constant 0 : i32
    %c0_i32_1 = arith.constant 0 : i32
    return %c0_i32, %c0_i32_0 : i32, i32
  }
  func.func @transform_16(%arg0: i32) -> (i32, i32) {
    %c0_i32 = arith.constant 0 : i32
    %c0_i32_0 = arith.constant 0 : i32
    %c0_i32_1 = arith.constant 0 : i32
    return %c0_i32, %c0_i32_0 : i32, i32
  }
  func.func @transform_17(%arg0: i32) -> (i32, i32) {
    %c0_i32 = arith.constant 0 : i32
    %c0_i32_0 = arith.constant 0 : i32
    %c0_i32_1 = arith.constant 0 : i32
    return %c0_i32, %c0_i32_0 : i32, i32
  }
  func.func @transform_18(%arg0: i32) -> (i32, i32) {
    %c0_i32 = arith.constant 0 : i32
    %c0_i32_0 = arith.constant 0 : i32
    %c0_i32_1 = arith.constant 0 : i32
    return %c0_i32, %c0_i32_0 : i32, i32
  }
  func.func @transform_19(%arg0: i32) -> (i32, i32) {
    %c0_i32 = arith.constant 0 : i32
    %c0_i32_0 = arith.constant 0 : i32
    %c0_i32_1 = arith.constant 0 : i32
    return %c0_i32, %c0_i32_0 : i32, i32
  }
  func.func @transform_20(%arg0: i32) -> (i32, i32) {
    %c0_i32 = arith.constant 0 : i32
    %c0_i32_0 = arith.constant 0 : i32
    %c0_i32_1 = arith.constant 0 : i32
    return %c0_i32, %c0_i32_0 : i32, i32
  }
  func.func @transform_21(%arg0: i32) -> (i32, i32) {
    %c0_i32 = arith.constant 0 : i32
    %c0_i32_0 = arith.constant 0 : i32
    %c0_i32_1 = arith.constant 0 : i32
    return %c0_i32, %c0_i32_0 : i32, i32
  }
  func.func @transform_22(%arg0: i32) -> (i32, i32) {
    %c0_i32 = arith.constant 0 : i32
    %c0_i32_0 = arith.constant 0 : i32
    %c0_i32_1 = arith.constant 0 : i32
    return %c0_i32, %c0_i32_0 : i32, i32
  }
  func.func @transform_23(%arg0: i32) -> (i32, i32) {
    %c0_i32 = arith.constant 0 : i32
    %c0_i32_0 = arith.constant 0 : i32
    %c0_i32_1 = arith.constant 0 : i32
    return %c0_i32, %c0_i32_0 : i32, i32
  }
  func.func @transform_24(%arg0: i32) -> (i32, i32) {
    %c0_i32 = arith.constant 0 : i32
    %c0_i32_0 = arith.constant 0 : i32
    %c0_i32_1 = arith.constant 0 : i32
    return %c0_i32, %c0_i32_0 : i32, i32
  }
  func.func @transform_25(%arg0: i32) -> (i32, i32) {
    %c0_i32 = arith.constant 0 : i32
    %c0_i32_0 = arith.constant 0 : i32
    return %arg0, %c0_i32 : i32, i32
  }
}

</mosaic_0001>

<sc_bundles>
// kernel: kernel.11.cloned.1.call-start
scs
__scs_entry_jumppad:
0x0: {  	(pc) =	sbr.rel $0x88, $3  }
0x1: {  	(tag) =	ssettag $0x0;
	lr =	simm.s32 $0x1  }
0x2: {  	[smem:$0x3F82] =	sst lr;
	_ =	strace $0xD0000000  }
0x3: {  	_ = 	snop  }
0x4: {  	_ = 	snop  }
0x5: {  	_ = 	snop  }
0x6: {  	_ = 	snop  }
0x7: {  	_ = 	snop  }
__scs_overlays_trampoline_lowered:
0x8: {  	[smem:$0x3F91] =	sst s0  }
0x9: {  	[smem:$0x3F92] =	sst s1  }
0xa: {  	[smem:$0x3F93] =	sst s2  }
0xb: {  	[smem:$0x3F94] =	sst s3  }
0xc: {  	[smem:$0x3F95] =	sst s4  }
0xd: {  	[smem:$0x3F96] =	sst s5  }
0xe: {  	[smem:$0x3F97] =	sst s6  }
0xf: {  	[smem:$0x3F98] =	sst s7  }
0x10: {  	[smem:$0x3F99] =	sst s8  }
0x11: {  	[smem:$0x3F9A] =	sst s9;
	s0 =	simm.s32 @!p0 $0x0  }
0x12: {  	s1 =	sld [smem:$0x3F80];
	s0 =	simm.s32 @p0 $0x1  }
0x13: {  	[smem:$0x3F9B] =	sst s0;
	s0 =	simm.s32 @!p1 $0x0  }
0x14: {  	s2 =	sld [smem:$0x3F7F];
	s0 =	simm.s32 @p1 $0x1  }
0x15: {  	[smem:$0x3F9C] =	sst s0;
	s0 =	simm.s32 @!p2 $0x0  }
0x16: {  	s3 =	sld [smem:$0x3FDB];
	s0 =	simm.s32 @p2 $0x1  }
0x17: {  	s4 =	simm.s32 $0x1BF5;
	[smem:$0x3F9E] =	sst s0  }
0x18: {  	s0 =	sld [smem:$0x3F81];
	_ =	swait.ge [sflag:s4], $0x0  }
0x19: {  	s7 =	sld [smem:$0x3F82]  }
0x1a: {  	s8 =	sadd.s32 $0xFFFFE003, lr  }
0x1b: {  	s9 =	sadd.s32 $0xFFFFFEF7, lr;
	s5 =	simm.s32 $0xFFFFFFFF;
	p2 =	slt.u32 s8, $0xFFFFF086  }
0x1c: {  	p1 =	slt.u32 s9, $0xF7A;
	s5 =	simm.s32 @!p2 $0x0  }
0x1d: {  	s5 =	simm.s32 @p1 $0x1;
	p0 =	seq.s32 s7, s2  }
0x1e: {  	s7 =	smul.u32 @!p0 $0xF7A, s2;
	p2 =	seq.s32 @!p0 s5, $0x0  }
0x1f: {  	s9 =	smul.u32 $0xF7A, s1;
	s8 =	simm.s32 @!p0 $0x1BF5;
	p2 =	por !p2, p0  }
0x20: {  	[sflag:s8] =	ssyncset.s32 @!p0 $0xFFFFF086;
	s6 =	sadd.s32 @!p0 s3, s7;
	s7 =	simm.s32 @!p0 $0x108  }
0x21: {  	s3 =	sadd.s32 s3, s9;
	s6 =	sadd.s32 @!p0 $0x88, s6;
	s7 =	simm.s32 @p2 $0x1082  }
0x22: {  	[simem:s7], [sflag:s8] =	dma.local @!p0 [hbm:s6], $0xF7A  }
0x23: {  	s9 =	sor.u32 $0xD0000000, s2;
	s6 =	simm.s32 $0x108;
	_ =	swait.ge @!p0 [sflag:s8], $0x0  }
0x24: {  	s3 =	sadd.s32 $0x88, s3;
	s6 =	simm.s32 @!p1 $0x1082;
	[sflag:s4] =	ssyncset.s32 $0xFFFFF086  }
0x25: {  	[simem:s6], [sflag:s4] =	dma.local [hbm:s3], $0xF7A  }
0x26: {  	[smem:$0x3F82] =	sst s1;
	(tag) =	ssettag s2;
	_ =	strace s9  }
0x27: {  	s1 =	sld [smem:$0x3F92]  }
0x28: {  	s2 =	sld [smem:$0x3F93]  }
0x29: {  	s4 =	sld [smem:$0x3F95]  }
0x2a: {  	p0 =	seq.s32 s5, $0x0;
	s5 =	sld [smem:$0x3F96]  }
0x2b: {  	s6 =	sld [smem:$0x3F97]  }
0x2c: {  	s7 =	sld [smem:$0x3F98]  }
0x2d: {  	s3 =	simm.s32 $0x108;
	s8 =	sld [smem:$0x3F99]  }
0x2e: {  	s3 =	simm.s32 @!p0 $0x1082;
	s9 =	sld [smem:$0x3F9A]  }
0x2f: {  	lr =	sadd.s32 s0, s3;
	s0 =	sld [smem:$0x3F91]  }
0x30: {  	s3 =	sld [smem:$0x3F94]  }
0x31: {  	[smem:$0x3F9D] =	sst s10  }
0x32: {  	s10 =	sld [smem:$0x3F9B];
	_ =	sdelay $0x3  }
0x33: {  	p0 =	seq.s32 s10, $0x1;
	s10 =	sld [smem:$0x3F9D];
	_ =	sdelay $0x3  }
0x34: {  	[smem:$0x3F9D] =	sst s10  }
0x35: {  	s10 =	sld [smem:$0x3F9C];
	_ =	sdelay $0x3  }
0x36: {  	p1 =	seq.s32 s10, $0x1;
	s10 =	sld [smem:$0x3F9D];
	_ =	sdelay $0x3  }
0x37: {  	[smem:$0x3F9D] =	sst s10  }
0x38: {  	s10 =	sld [smem:$0x3F9E]  }
0x39: {  	_ = 	snop;
	(pc) =	sbr.ind lr, $3  }
0x3a: {  	_ = 	snop  }
0x3b: {  	_ = 	snop  }
0x3c: {  	p2 =	seq.s32 s10, $0x1;
	s10 =	sld [smem:$0x3F9D]  }
0x3d: {  	_ =	shalt  }
0x3e: {  	_ =	shalt  }
0x3f: {  	_ =	shalt  }
0x40: {  	_ =	shalt  }
0x41: {  	_ =	shalt  }
0x42: {  	_ =	shalt  }
0x43: {  	_ =	shalt  }
0x44: {  	_ =	shalt  }
0x45: {  	_ =	shalt  }
0x46: {  	_ =	shalt  }
0x47: {  	_ =	shalt  }
0x48: {  	_ =	shalt  }
0x49: {  	_ =	shalt  }
0x4a: {  	_ =	shalt  }
0x4b: {  	_ =	shalt  }
0x4c: {  	_ =	shalt  }
0x4d: {  	_ =	shalt  }
0x4e: {  	_ =	shalt  }
0x4f: {  	_ =	shalt  }
0x50: {  	_ =	shalt  }
0x51: {  	_ =	shalt  }
0x52: {  	_ =	shalt  }
0x53: {  	_ =	shalt  }
0x54: {  	_ =	shalt  }
0x55: {  	_ =	shalt  }
0x56: {  	_ =	shalt  }
0x57: {  	_ =	shalt  }
0x58: {  	_ =	shalt  }
0x59: {  	_ =	shalt  }
0x5a: {  	_ =	shalt  }
0x5b: {  	_ =	shalt  }
0x5c: {  	_ =	shalt  }
0x5d: {  	_ =	shalt  }
0x5e: {  	_ =	shalt  }
0x5f: {  	_ =	shalt  }
0x60: {  	_ =	shalt  }
0x61: {  	_ =	shalt  }
0x62: {  	_ =	shalt  }
0x63: {  	_ =	shalt  }
0x64: {  	_ =	shalt  }
0x65: {  	_ =	shalt  }
0x66: {  	_ =	shalt  }
0x67: {  	_ =	shalt  }
0x68: {  	_ =	shalt  }
0x69: {  	_ =	shalt  }
0x6a: {  	_ =	shalt  }
0x6b: {  	_ =	shalt  }
0x6c: {  	_ =	shalt  }
0x6d: {  	_ =	shalt  }
0x6e: {  	_ =	shalt  }
0x6f: {  	_ =	shalt  }
0x70: {  	_ =	shalt  }
0x71: {  	_ =	shalt  }
0x72: {  	_ =	shalt  }
0x73: {  	_ =	shalt  }
0x74: {  	_ =	shalt  }
0x75: {  	_ =	shalt  }
0x76: {  	_ =	shalt  }
0x77: {  	_ =	shalt  }
0x78: {  	_ =	shalt  }
0x79: {  	_ =	shalt  }
0x7a: {  	_ =	shalt  }
0x7b: {  	_ =	shalt  }
0x7c: {  	_ =	shalt  }
0x7d: {  	_ =	shalt  }
0x7e: {  	_ =	shalt  }
0x7f: {  	_ =	shalt  }
0x80: {  	_ =	shalt  }
0x81: {  	_ =	shalt  }
0x82: {  	_ =	shalt  }
0x83: {  	_ =	shalt  }
0x84: {  	_ =	shalt  }
0x85: {  	_ =	shalt  }
0x86: {  	_ =	shalt  }
0x87: {  	_ =	shalt  }
.Lfunc_end0:
.L_simem_size_0:
called_computation.1_lowered:
.L_overlay_start_0:
0x88: {  	s2 =	sld [smem:$0x3FD9]  }
0x89: {  	s3 =	sld [smem:$0x3FFE];
	_ =	sdelay $0x1  }
0x8a: {  	s1 =	srdreg.scid  }
0x8b: {  	s0 =	sand.u32 $0x1, s1  }
0x8c: {  	s17 =	sshll.u32 s0, $0xA;
	s2 =	sadd.s32 s3, s2  }
0x8d: {  	s2 =	sadd.s32 s2, s17  }
0x8e: {  	[smem:$0x3FA9] =	sst s2  }
0x8f: {  	_ = 	snop  }
0x90: {  	s2 =	sld [smem:$0x3FD0];
	(tm) =	ssettm $0x1  }
0x91: {  	s18 =	sld [smem:$0x3FFB];
	_ =	sdelay $0x3  }
0x92: {  	_ =	strace s18  }
0x93: {  	s3 =	sld [smem:$0x3FFC];
	_ =	sdelay $0x3  }
0x94: {  	_ =	strace s3  }
0x95: {  	s3 =	sld [smem:$0x3FFD];
	_ =	sdelay $0x3  }
0x96: {  	_ =	strace s3  }
0x97: {  	_ =	strace $0x8FFFFFFF  }
0x98: {  	s19 =	sld [smem:$0x3FDB];
	_ =	sdelay $0x1  }
0x99: {  	s4 =	simm.s32 $_scs_section_size  }
0x9a: {  	s5 =	simm.s32 $_size__tile_overlayer_lowered;
	s6 =	simm.s32 $_tile_overlayer_lowered  }
0x9b: {  	s22 =	simm.s32 $0x1BFF;
	s21 =	sshll.u32 s6, $0x1;
	s3 =	sadd.s32 s4, s19  }
0x9c: {  	s7 =	simm.s32 $0x0;
	s20 =	sshll.u32 s5, $0x1;
	s5 =	sadd.s32 s21, s3  }
0x9d: {  	[timem:s7], [sflag:s22] =	dma.local [hbm:s5], s20  }
0x9e: {  	_ =	swait.ge [sflag:s22], s20  }
0x9f: {  	s4 =	ssub.s32 $0x0, s20;
	[sflag:s22] =	ssyncset.done $0x0  }
0xa0: {  	[sflag:s22] =	ssyncadd.s32 s4;
	_ =	sdelay $0x1  }
0xa1: {  	s23 =	simm.s32 $0x1B8B  }
0xa2: {  	_ =	swait.ge [sflag:s23], $0x1  }
0xa3: {  	[sflag:s23] =	ssyncset.done $0x0  }
0xa4: {  	s25 =	simm.s32 $0x1B8E;
	s24 =	sld [smem:$0x3FFE];
	[sflag:s23] =	ssyncadd.s32 $0xFFFFFFFF  }
0xa5: {  	s26 =	simm.s32 $execute0_lowered;
	[smem:$0x3FD2] =	sst s25  }
0xa6: {  	s5 =	sshll.u32 s26, $0x1;
	_ =	strace $0x80000049;
	[dreg:$0x1] =	wrdreg $0xFFFFFFFF  }
0xa7: {  	s28 =	simm.s32 $_size_execute0_lowered;
	s3 =	sadd.s32 s3, s5;
	[dreg:$0x0] =	wrdreg $0x0  }
0xa8: {  	s5 =	sshll.u32 s28, $0x1;
	[dreg:$0x2] =	wrdreg s3  }
0xa9: {  	[dreg:$0x3] =	wrdreg s5  }
0xaa: {  	[dreg:$0x4] =	wrdreg $0xC0  }
0xab: {  	_ =	task [dreg:s7], $0x5FFFF  }
0xac: {  	[dreg:$0x1] =	wrdreg $0xFFFFFFFF  }
0xad: {  	[dreg:$0x0] =	wrdreg $0x60  }
0xae: {  	[dreg:$0x2] =	wrdreg s24  }
0xaf: {  	[dreg:$0x3] =	wrdreg s2  }
0xb0: {  	[dreg:$0x4] =	wrdreg $0xA3C00  }
0xb1: {  	[dreg:$0x5] =	wrdreg $0x9  }
0xb2: {  	_ =	task.clear_ibuf [dreg:s7], $0x6FFFF;
	_ =	strace $0x90000049  }
0xb3: {  	s29 =	simm.s32 $0x9;
	_ =	strace $0x8000004B  }
0xb4: {  	_ =	swait.ge [sflag:s29], $0x1  }
0xb5: {  	[sflag:s29] =	ssyncadd.s32 $0xFFFFFFFF  }
0xb6: {  	_ =	strace $0x9000004B  }
0xb7: {  	_ =	sfence  }
0xb8: {  	s30 =	sld [smem:$0x0];
	_ =	sdelay $0x2  }
0xb9: {  	s31 =	sshll.u32 s1, $0xD;
	s1 =	sshrl.u32 s1, $0x2  }
0xba: {  	s3 =	sand.u32 $0x4000, s31;
	s1 =	sadd.s32 s1, s30  }
0xbb: {  	s0 =	sor.u32 s3, s0;
	s1 =	sshll.u32 s1, $0x11  }
0xbc: {  	s0 =	sor.u32 s1, s0  }
0xbd: {  	s0 =	sadd.s32 $0x8F2B, s0  }
0xbe: {  	[sflag:s0] =	ssyncadd.remote.s32 $0x1  }
0xbf: {  	_ =	sfence.sel $0xFFFF  }
0xc0: {  	[dreg:$0x0] =	wrdreg $0xFFFFFFFF;
	(pc) =	sbr.abs _section_cstart, $3  }
0xc1: {  	[dreg:$0x1] =	wrdreg $0xFFFFFFFF  }
0xc2: {  	_ =	task.clear_ibuf [dreg:s7], $0x2FFFF;
	_ =	strace $0x9FFFFFFF  }
0xc3: {  	(tm) =	ssettm $0x7FFFFFFF  }
tec
execute0_lowered:
.L_overlay_start_1:
0x0: {  	(tag) =	ssettag $0x1  }
0x1: {  	s0 =	rddreg [dreg:$0x0]  }
0x2: {  	s2 =	rddreg [dreg:$0x1]  }
0x3: {  	s1 =	rddreg [dreg:$0x2];
	s4 =	simm.s32 $0x0  }
0x4: {  	s3 =	srdreg.scid;
	s15 =	stileid.u32;
	s28 =	simm.s32 $0x2  }
0x5: {  	s30 =	simm.s32 $0x0;
	[smem:$0x7FF] =	sst s4;
	s6 =	smul.u32 $0x4E000, s15  }
0x6: {  	s3 =	sand.u32 $0x1, s3;
	s4 =	sadd.s32 $0xF200, s0;
	s20 =	smul.u32 $0x13800, s15  }
0x7: {  	s7 =	sadd.s32 $0x5400, s0;
	s9 =	sadd.s32 $0x36400, s0;
	s14 =	smul.u32 $0x2710, s15  }
0x8: {  	s0 =	sadd.s32 $0x36200, s0;
	p1 =	sne.s32 s15, $0xF;
	_ =	strace $0x8000004A  }
0x9: {  	s5 =	sshll.u32 s3, $0x4;
	s8 =	ssub.s32 $0x2, s3;
	s11 =	smul.u32 $0x138800, s3  }
0xa: {  	s24 =	smul.u32 $0x27100, s3;
	p0 =	sne.s32 s3, $0x0;
	s5 =	sor.u32 s15, s5  }
0xb: {  	[dreg:$0x13] =	wrdreg s0;
	s6 =	sshrl.u32 s6, $0x2;
	s5 =	smul.u32 $0x2710, s5  }
0xc: {  	s0 =	sadd.s32 $0x138000, s1;
	s3 =	simm.s32 $0x3C0;
	s16 =	sadd.s32 s6, s1  }
0xd: {  	s6 =	sadd.s32 $0x2800, s16;
	[dreg:$0x4] =	wrdreg s16;
	s5 =	sshrl.u32 s5, $0x3  }
0xe: {  	s10 =	sshrl.u32 s8, $0x1;
	[dreg:$0x5] =	wrdreg s6;
	s21 =	sadd.s32 s7, s5  }
0xf: {  	s22 =	sadd.s32 s2, s5;
	s23 =	sadd.s32 $0xA, s5;
	[dreg:$0x6] =	wrdreg s21  }
0x10: {  	s8 =	ssub.s32 s8, s10;
	[dreg:$0x7] =	wrdreg s22;
	s12 =	sadd.s32 s7, s23  }
0x11: {  	s25 =	sadd.s32 $0x14, s5;
	s10 =	sadd.s32 s2, s23;
	[dreg:$0x8] =	wrdreg s12  }
0x12: {  	s13 =	sadd.s32 $0x1E, s5;
	s17 =	sadd.s32 s7, s25;
	[dreg:$0x9] =	wrdreg s10  }
0x13: {  	s31 =	sadd.s32 s20, s11;
	s26 =	sadd.s32 s7, s13;
	[dreg:$0xa] =	wrdreg s17  }
0x14: {  	s5 =	sadd.s32 $0x28, s5;
	s29 =	sadd.s32 s2, s13;
	[dreg:$0xc] =	wrdreg s26  }
0x15: {  	s11 =	sshrl.u32 s11, $0x3;
	s13 =	sadd.s32 s7, s5;
	[dreg:$0xd] =	wrdreg s29  }
0x16: {  	s6 =	simm.s32 $0xA0;
	s5 =	sadd.s32 s2, s5;
	[dreg:$0xf] =	wrdreg s13  }
0x17: {  	s21 =	sadd.s32 s20, s1;
	s22 =	sadd.s32 $0x7800, s16;
	[dreg:$0x10] =	wrdreg s5  }
0x18: {  	s20 =	sshrl.u32 s20, $0x3;
	s23 =	sadd.s32 $0xA000, s16;
	[dreg:$0x14] =	wrdreg s22  }
0x19: {  	s12 =	sadd.s32 s2, s25;
	s10 =	sadd.s32 s14, s24;
	[dreg:$0x15] =	wrdreg s23  }
0x1a: {  	s17 =	sadd.s32 $0x5000, s16;
	s25 =	smax.u32 s8, $0x1;
	[dreg:$0xb] =	wrdreg s12  }
0x1b: {  	s26 =	sadd.s32 $0xC800, s16;
	s29 =	sadd.s32 $0xF000, s16;
	[dreg:$0x11] =	wrdreg s17  }
0x1c: {  	s12 =	sshrl.u32 s31, $0x3;
	s10 =	sadd.s32 $0x190, s10;
	[dreg:$0x16] =	wrdreg s26  }
0x1d: {  	[dreg:$0x17] =	wrdreg s29;
	s31 =	sadd.s32 $0x11800, s16;
	s26 =	simm.s32 $0x1  }
0x1e: {  	s12 =	sadd.s32 s9, s12;
	s14 =	sshrl.u32 s10, $0x3;
	[dreg:$0x18] =	wrdreg s31  }
0x1f: {  	s9 =	sadd.s32 s9, s11;
	[dreg:$0xe] =	wrdreg s12;
	s18 =	sadd.s32 s14, s2  }
0x20: {  	s19 =	sadd.s32 s14, s7;
	s2 =	sadd.s32 s4, s20;
	s24 =	sadd.s32 $0x27000, s9  }
0x21: {  	v0 =	vimm.f32 $0.0e+00;
	s20 =	simm.s32 $0x50;
	[dreg:$0x12] =	wrdreg s2;
	s2 =	simm.s32 $0x3  }
.LBB2_1:
.Ltmp0:
0x22: {  	(pc) =	sbr.rel @p0 .LBB2_3-.Ltmp0, $4  }
0x23: {  	_ = 	snop  }
0x24: {  	s5 =	stileid.u32  }
0x25: {  	s5 =	sshll.u32 s5, $0x6  }
0x26: {  	s23 =	sshrl.u32 s21, $0x3;
	s22 =	sshrl.u32 @!p1 s0, $0x3;
	s31 =	sor.u32 $0x1C03, s5  }
0x27: {  	s5 =	rddreg [dreg:$0x12]  }
0x28: {  	[spmem:s23], [sflag:s31] =	dma.local [hbm:s5], $0x2700  }
0x29: {  	_ =	swait.ge [sflag:s2], $0x2700  }
0x2a: {  	[sflag:s2] =	ssyncset.done $0x0  }
0x2b: {  	s5 =	rddreg [dreg:$0x13];
	[sflag:s2] =	ssyncadd.s32 $0xFFFFD900  }
0x2c: {  	[spmem:s22], [sflag:s31] =	dma.local @!p1 [hbm:s5], $0x100  }
.Ltmp1:
0x2d: {  	_ = 	snop;
	(pc) =	sbr.rel .LBB2_6-.Ltmp1, $4  }
0x2e: {  	s5 =	simm.s32 @!p1 $0x3  }
0x2f: {  	_ =	swait.ge @!p1 [sflag:s5], $0x100  }
0x30: {  	[sflag:s5] =	ssyncset.done @!p1 $0x0  }
0x31: {  	[sflag:s5] =	ssyncadd.s32 @!p1 $0xFFFFFF00  }
.LBB2_3:
0x32: {  	s7 =	simm.s32 $0x0  }
0x33: {  	s5 =	sand.u32 $0xFE00, s7  }
0x34: {  	s7 =	sand.u32 $0x70, s7;
	s8 =	sshrl.u32 s5, $0x2  }
0x35: {  	s5 =	simm.s32 $0x40;
	s8 =	sor.u32 s7, s8;
	s7 =	simm.s32 $0x0  }
.LBB2_4:
0x36: {  	p2 =	sne.s32 s5, $0x9FC0  }
0x37: {  	[tilespmem:s8+$0x3C0] =	vst v0;
	s7 =	sadd.s32 $0x10, s7;
	s8 =	smov.u32 s5;
	s5 =	sadd.s32 $0x40, s5  }
.Ltmp2:
0x38: {  	(pc) =	sbr.rel @p2 .LBB2_4-.Ltmp2, $4  }
0x39: {  	_ = 	snop  }
0x3a: {  	s8 =	sand.u32 $0xFE00, s8  }
0x3b: {  	s9 =	sand.u32 $0x70, s7;
	s8 =	sshrl.u32 s8, $0x2  }
0x3c: {  	s8 =	sor.u32 s9, s8  }
0x3d: {  	[tilespmem:s8+$0x3C0] =	vst v0;
	s5 =	rddreg [dreg:$0x4]  }
0x3e: {  	[spmem:s5] =	stream.linear.scatter [tilespmem:s3], [sflag:$0x3], $0x2800, $0x38;
	[tilespmem:$0x1DC40] =	vst v63  }
0x3f: {  	_ =	swait.ge [sflag:s2], $0x2800  }
0x40: {  	[sflag:s2] =	ssyncset.done $0x0  }
0x41: {  	s12 =	rddreg [dreg:$0x5];
	[sflag:s2] =	ssyncadd.s32 $0xFFFFD800  }
0x42: {  	[spmem:s12] =	stream.linear.scatter [tilespmem:s3], [sflag:$0x3], $0x2800, $0x38;
	[tilespmem:$0x1DC40] =	vst v63  }
0x43: {  	_ =	swait.ge [sflag:s2], $0x2800  }
0x44: {  	[sflag:s2] =	ssyncset.done $0x0  }
0x45: {  	s13 =	rddreg [dreg:$0x11];
	[sflag:s2] =	ssyncadd.s32 $0xFFFFD800  }
0x46: {  	[spmem:s13] =	stream.linear.scatter [tilespmem:s3], [sflag:$0x3], $0x2800, $0x38;
	[tilespmem:$0x1DC40] =	vst v63  }
0x47: {  	_ =	swait.ge [sflag:s2], $0x2800  }
0x48: {  	[sflag:s2] =	ssyncset.done $0x0  }
0x49: {  	s14 =	rddreg [dreg:$0x14];
	[sflag:s2] =	ssyncadd.s32 $0xFFFFD800  }
0x4a: {  	[spmem:s14] =	stream.linear.scatter [tilespmem:s3], [sflag:$0x3], $0x2800, $0x38;
	[tilespmem:$0x1DC40] =	vst v63  }
0x4b: {  	_ =	swait.ge [sflag:s2], $0x2800  }
0x4c: {  	[sflag:s2] =	ssyncset.done $0x0  }
0x4d: {  	s15 =	rddreg [dreg:$0x15];
	[sflag:s2] =	ssyncadd.s32 $0xFFFFD800  }
0x4e: {  	[spmem:s15] =	stream.linear.scatter [tilespmem:s3], [sflag:$0x3], $0x2800, $0x38;
	[tilespmem:$0x1DC40] =	vst v63  }
0x4f: {  	_ =	swait.ge [sflag:s2], $0x2800  }
0x50: {  	[sflag:s2] =	ssyncset.done $0x0  }
0x51: {  	s16 =	rddreg [dreg:$0x16];
	[sflag:s2] =	ssyncadd.s32 $0xFFFFD800  }
0x52: {  	[spmem:s16] =	stream.linear.scatter [tilespmem:s3], [sflag:$0x3], $0x2800, $0x38;
	[tilespmem:$0x1DC40] =	vst v63  }
0x53: {  	_ =	swait.ge [sflag:s2], $0x2800  }
0x54: {  	[sflag:s2] =	ssyncset.done $0x0  }
0x55: {  	s17 =	rddreg [dreg:$0x17];
	[sflag:s2] =	ssyncadd.s32 $0xFFFFD800  }
0x56: {  	[spmem:s17] =	stream.linear.scatter [tilespmem:s3], [sflag:$0x3], $0x2800, $0x38;
	[tilespmem:$0x1DC40] =	vst v63  }
0x57: {  	_ =	swait.ge [sflag:s2], $0x2800  }
0x58: {  	[sflag:s2] =	ssyncset.done $0x0  }
0x59: {  	s29 =	rddreg [dreg:$0x18];
	[sflag:s2] =	ssyncadd.s32 $0xFFFFD800  }
0x5a: {  	[spmem:s29] =	stream.linear.scatter [tilespmem:s3], [sflag:$0x3], $0x2000, $0x38;
	[tilespmem:$0x1DC40] =	vst v63  }
0x5b: {  	_ =	swait.ge [sflag:s2], $0x2000  }
0x5c: {  	[sflag:s2] =	ssyncset.done $0x0  }
0x5d: {  	s5 =	simm.s32 @!p1 $0x3C0;
	[sflag:s2] =	ssyncadd.s32 $0xFFFFE000  }
0x5e: {  	[spmem:s0] =	stream.linear.scatter @!p1 [tilespmem:s5], [sflag:$0x3], $0x800, $0x38;
	[tilespmem:$0x1DC40] =	vst v63  }
0x5f: {  	s5 =	simm.s32 @!p1 $0x3  }
0x60: {  	_ =	swait.ge @!p1 [sflag:s5], $0x800  }
0x61: {  	[sflag:s5] =	ssyncset.done @!p1 $0x0  }
0x62: {  	[sflag:s5] =	ssyncadd.s32 @!p1 $0xFFFFF800  }
.LBB2_6:
0x63: {  	[bflag:$0x0] =	sbarrier.arrive $0xFFFF  }
0x64: {  	s9 =	simm.s32 $0x0;
	s5 =	rddreg [dreg:$0x6]  }
0x65: {  	[tilespmem:s9], [sflag:$0x2] =	stream.linear.gather [hbm4b:s5+s9], $0x50, $0x38;
	[tilespmem:$0x1DC40] =	vst v63  }
0x66: {  	s7 =	simm.s32 $0x1E0;
	s17 =	rddreg [dreg:$0x7]  }
0x67: {  	[tilespmem:s7], [sflag:$0x2] =	stream.linear.gather [hbm4b:s17+s9], $0x50, $0x38;
	[tilespmem:$0x1DC40] =	vst v63  }
0x68: {  	s7 =	rddreg [dreg:$0x8]  }
0x69: {  	[tilespmem:s20], [sflag:$0x2] =	stream.linear.gather [hbm4b:s7+s9], $0x50, $0x38;
	[tilespmem:$0x1DC40] =	vst v63  }
0x6a: {  	s10 =	simm.s32 $0x230;
	s8 =	rddreg [dreg:$0x9]  }
0x6b: {  	[tilespmem:s10], [sflag:$0x2] =	stream.linear.gather [hbm4b:s8+s9], $0x50, $0x38;
	[tilespmem:$0x1DC40] =	vst v63  }
0x6c: {  	s11 =	rddreg [dreg:$0xa]  }
0x6d: {  	[tilespmem:s6], [sflag:$0x2] =	stream.linear.gather [hbm4b:s11+s9], $0x50, $0x38;
	[tilespmem:$0x1DC40] =	vst v63  }
0x6e: {  	s13 =	simm.s32 $0x280;
	s12 =	rddreg [dreg:$0xb]  }
0x6f: {  	[tilespmem:s13], [sflag:$0x2] =	stream.linear.gather [hbm4b:s12+s9], $0x50, $0x38;
	[tilespmem:$0x1DC40] =	vst v63  }
0x70: {  	s15 =	simm.s32 $0xF0;
	s14 =	rddreg [dreg:$0xc]  }
0x71: {  	[tilespmem:s15], [sflag:$0x2] =	stream.linear.gather [hbm4b:s14+s9], $0x50, $0x38;
	[tilespmem:$0x1DC40] =	vst v63  }
0x72: {  	s16 =	rddreg [dreg:$0xd];
	s17 =	simm.s32 $0x2D0  }
0x73: {  	[tilespmem:s17], [sflag:$0x2] =	stream.linear.gather [hbm4b:s16+s9], $0x50, $0x38;
	[tilespmem:$0x1DC40] =	vst v63  }
0x74: {  	s8 =	rddreg [dreg:$0xf];
	s10 =	simm.s32 $0x140  }
0x75: {  	[tilespmem:s10], [sflag:$0x2] =	stream.linear.gather [hbm4b:s8+s9], $0x50, $0x38;
	[tilespmem:$0x1DC40] =	vst v63  }
0x76: {  	s11 =	rddreg [dreg:$0x10];
	s12 =	simm.s32 $0x320  }
0x77: {  	[tilespmem:s12], [sflag:$0x2] =	stream.linear.gather [hbm4b:s11+s9], $0x50, $0x38;
	[tilespmem:$0x1DC40] =	vst v63  }
0x78: {  	_ =	swait.ge [sflag:s28], $0x50  }
0x79: {  	p2 =	por $0x0, $0x0;
	[sflag:s28] =	ssyncset.done $0x0  }
0x7a: {  	p3 =	por @!p2 $0x0, $0x0;
	[sflag:s28] =	ssyncadd.s32 $0xFFFFFFB0  }
0x7b: {  	p3 =	por p3, p2;
	_ =	swait.ge [sflag:s28], $0x50  }
0x7c: {  	s5 =	simm.s32 @!p3 $0x5;
	[sflag:s28] =	ssyncset.done $0x0  }
0x7d: {  	s5 =	smul.u32 @!p3 $0xAB, s5;
	[sflag:s28] =	ssyncadd.s32 $0xFFFFFFB0  }
0x7e: {  	[tilespmem:s3], [sflag:$0x1] =	stream.indirect.gather [hbm4b:s4+s20], $0x80, s9, s20, $0xb8;
	[tilespmem:$0x1DC40] =	vst v63  }
0x7f: {  	_ =	swait.ge [sflag:s28], $0x50  }
0x80: {  	s5 =	sshrl.u32 @!p3 s5, $0xA;
	[sflag:s28] =	ssyncset.done $0x0  }
0x81: {  	s5 =	sand.u32 @!p3 $0x3F, s5;
	[sflag:s28] =	ssyncadd.s32 $0xFFFFFFB0  }
0x82: {  	s5 =	smul.u32 @!p3 $0x6, s5;
	_ =	swait.ge [sflag:s28], $0x50  }
0x83: {  	s29 =	simm.s32 $0x1;
	[sflag:s28] =	ssyncset.done $0x0  }
0x84: {  	s5 =	ssub.s32 @!p3 $0x5, s5;
	s13 =	simm.s32 $0x2BC0;
	[sflag:s28] =	ssyncadd.s32 $0xFFFFFFB0  }
0x85: {  	[tilespmem:s13], [sflag:$0x1] =	stream.indirect.gather [hbm4b:s4+s20], $0x80, s20, s20, $0xb8;
	[tilespmem:$0x1DC40] =	vst v63  }
0x86: {  	s7 =	simm.s32 $0x3;
	s5 =	sand.u32 @!p3 $0xFF, s5;
	_ =	swait.ge [sflag:s28], $0x50  }
0x87: {  	s14 =	simm.s32 $0x53C0;
	s15 =	smul.u32 $0xAB, s9;
	[sflag:s28] =	ssyncset.done $0x0  }
0x88: {  	s8 =	smul.u32 @!p2 $0xAB, s7;
	s7 =	sand.u32 @!p2 $0x3, s7;
	[sflag:s28] =	ssyncadd.s32 $0xFFFFFFB0  }
0x89: {  	s17 =	sand.u32 $0x3, s9;
	s10 =	smul.u32 @!p2 $0xA000, s7;
	_ =	swait.ge [sflag:s28], $0x50  }
0x8a: {  	s8 =	sshrl.u32 @!p2 s8, $0xA;
	s11 =	smul.u32 @!p3 $0x50, s5;
	[sflag:s28] =	ssyncset.done $0x0  }
0x8b: {  	s12 =	simm.s32 @!p3 $0x0;
	s5 =	sadd.s32 $0xA, s19;
	[sflag:s28] =	ssyncadd.s32 $0xFFFFFFB0  }
0x8c: {  	[tilespmem:s14], [sflag:$0x1] =	stream.indirect.gather [hbm4b:s4+s20], $0x80, s6, s20, $0xb8;
	[tilespmem:$0x1DC40] =	vst v63  }
0x8d: {  	s7 =	sand.u32 @!p2 $0x3F, s8;
	s8 =	simm.s32 $0x2;
	s10 =	sshrl.u32 @!p2 s10, $0x2  }
0x8e: {  	[tilespmem:s11], [sflag:$0x2] =	stream.linear.gather @!p3 [hbm4b:s19+s12], $0x50, $0x38;
	[tilespmem:$0x1DC40] =	vst v63  }
0x8f: {  	s7 =	smul.u32 @!p2 $0x6, s7;
	s13 =	simm.s32 @!p2 $0x2;
	s11 =	sadd.s32 @!p3 $0x1E0, s11  }
0x90: {  	[tilespmem:s11], [sflag:$0x2] =	stream.linear.gather @!p3 [hbm4b:s18+s12], $0x50, $0x38;
	[tilespmem:$0x1DC40] =	vst v63  }
0x91: {  	s10 =	sor.u32 @!p2 $0x3C0, s10;
	s7 =	ssub.s32 @!p2 $0x3, s7;
	_ =	swait.ge @!p2 [sflag:s13], $0x50  }
0x92: {  	s9 =	simm.s32 $0x4;
	s14 =	smul.u32 $0xA000, s17;
	[sflag:s13] =	ssyncset.done @!p2 $0x0  }
0x93: {  	s12 =	sand.u32 @!p2 $0xFF, s7;
	s11 =	sshrl.u32 s15, $0xA;
	[sflag:s13] =	ssyncadd.s32 @!p2 $0xFFFFFFB0  }
0x94: {  	s12 =	smul.u32 @!p2 $0x140, s12;
	s11 =	sand.u32 $0x3F, s11;
	_ =	swait.ge @!p2 [sflag:s13], $0x50  }
0x95: {  	s14 =	sshrl.u32 s14, $0x2;
	s11 =	smul.u32 $0x6, s11;
	[sflag:s13] =	ssyncset.done @!p2 $0x0  }
0x96: {  	s12 =	sshrl.u32 @!p2 s12, $0x2;
	[sflag:s13] =	ssyncadd.s32 @!p2 $0xFFFFFFB0;
	s13 =	simm.s32 @!p2 $0x50  }
0x97: {  	[tilespmem:s10], [sflag:$0x1] =	stream.indirect.gather @!p2 [hbm4b:s4+s13], $0x80, s12, s13, $0xb8;
	[tilespmem:$0x1DC40] =	vst v63  }
0x98: {  	s7 =	sadd.s32 $0xA, s18;
	s16 =	ssub.s32 $0x0, s11;
	p2 =	por $0x0, $0x0  }
0x99: {  	s11 =	sand.u32 $0xFF, s16;
	p3 =	por @!p2 $0x0, $0x0;
	s12 =	smul.u32 @!p2 $0xAB, s9  }
0x9a: {  	_ =	swait.ge [sflag:s26], $0x2800;
	s15 =	sand.u32 @!p2 $0x3, s9;
	p3 =	por p3, p2  }
0x9b: {  	s10 =	smul.u32 @!p2 $0xA000, s15;
	s13 =	simm.s32 @!p3 $0x6;
	s12 =	sshrl.u32 @!p2 s12, $0xA  }
0x9c: {  	[sflag:s26] =	ssyncset.done $0x0;
	s15 =	smul.u32 @!p3 $0xAB, s13;
	s12 =	sand.u32 @!p2 $0x3F, s12  }
.LBB2_7:
0x9d: {  	[sflag:s26] =	ssyncadd.s32 $0xFFFFD800;
	s16 =	smul.u32 $0x140, s11;
	s11 =	smov.u32 s29  }
0x9e: {  	s29 =	smov.u32 s8;
	s8 =	sadd.s32 $0x1, s8;
	s17 =	smov.u32 s5  }
0x9f: {  	p4 =	sne.s32 s8, $0x7D;
	s15 =	sshrl.u32 @!p3 s15, $0xA  }
0xa0: {  	s15 =	sand.u32 @!p3 $0x3F, s15;
	s16 =	sshrl.u32 s16, $0x2  }
0xa1: {  	s14 =	sor.u32 $0x3C0, s14;
	s15 =	smul.u32 @!p3 $0x6, s15;
	s16 =	sadd.s32 $0x1E0, s16  }
0xa2: {  	[spmem:s1] =	stream.indirect.scatter.add.f32 [tilespmem:s14], [sflag:$0x3], $0x80, s16, s20, $0xb8;
	[tilespmem:$0x1DC40] =	vst v63  }
0xa3: {  	s13 =	ssub.s32 @!p3 s13, s15;
	_ =	swait.ge [sflag:s2], $0x2800  }
0xa4: {  	s13 =	sand.u32 @!p3 $0xFF, s13;
	[sflag:s2] =	ssyncset.done $0x0  }
0xa5: {  	s13 =	smul.u32 @!p3 $0x50, s13;
	[sflag:s2] =	ssyncadd.s32 $0xFFFFD800  }
0xa6: {  	s5 =	sadd.s32 $0xA, s5;
	s14 =	simm.s32 @!p3 $0x0  }
0xa7: {  	[tilespmem:s13], [sflag:$0x2] =	stream.linear.gather @!p3 [hbm4b:s17+s14], $0x50, $0x38;
	[tilespmem:$0x1DC40] =	vst v63  }
0xa8: {  	s12 =	smul.u32 @!p2 $0x6, s12;
	s15 =	simm.s32 @!p2 $0x2;
	s13 =	sadd.s32 @!p3 $0x1E0, s13  }
0xa9: {  	[tilespmem:s13], [sflag:$0x2] =	stream.linear.gather @!p3 [hbm4b:s7+s14], $0x50, $0x38;
	[tilespmem:$0x1DC40] =	vst v63  }
0xaa: {  	s9 =	ssub.s32 @!p2 s9, s12;
	s12 =	smul.u32 $0xAB, s11;
	_ =	swait.ge @!p2 [sflag:s15], $0x50  }
0xab: {  	s9 =	sand.u32 @!p2 $0xFF, s9;
	s7 =	sadd.s32 $0xA, s7;
	[sflag:s15] =	ssyncset.done @!p2 $0x0  }
0xac: {  	s9 =	smul.u32 @!p2 $0x140, s9;
	s12 =	sshrl.u32 s12, $0xA;
	[sflag:s15] =	ssyncadd.s32 @!p2 $0xFFFFFFB0  }
0xad: {  	s10 =	sshrl.u32 @!p2 s10, $0x2;
	s12 =	sand.u32 $0x3F, s12;
	_ =	swait.ge @!p2 [sflag:s15], $0x50  }
0xae: {  	s9 =	sshrl.u32 @!p2 s9, $0x2;
	s12 =	smul.u32 $0x6, s12;
	[sflag:s15] =	ssyncset.done @!p2 $0x0  }
0xaf: {  	s10 =	sor.u32 @!p2 $0x3C0, s10;
	s13 =	simm.s32 @!p2 $0x50;
	[sflag:s15] =	ssyncadd.s32 @!p2 $0xFFFFFFB0  }
0xb0: {  	[tilespmem:s10], [sflag:$0x1] =	stream.indirect.gather @!p2 [hbm4b:s4+s13], $0x80, s9, s13, $0xb8;
	[tilespmem:$0x1DC40] =	vst v63  }
0xb1: {  	s10 =	ssub.s32 s11, s12;
	s11 =	sand.u32 $0x3, s11  }
0xb2: {  	_ =	swait.ge [sflag:s26], $0x2800;
	s14 =	smul.u32 $0xA000, s11  }
.Ltmp3:
0xb3: {  	s9 =	sadd.s32 $0x3, s29;
	p2 =	sgt.u32 s29, $0x79;
	(pc) =	sbr.rel @p4 .LBB2_7-.Ltmp3, $4  }
0xb4: {  	p3 =	sgt.u32 @!p2 s29, $0x77;
	s12 =	smul.u32 @!p2 $0xAB, s9;
	[sflag:s26] =	ssyncset.done $0x0  }
0xb5: {  	s15 =	sand.u32 @!p2 $0x3, s9;
	s11 =	sand.u32 $0xFF, s10;
	p3 =	por p3, p2  }
0xb6: {  	s10 =	smul.u32 @!p2 $0xA000, s15;
	s13 =	sadd.s32 @!p3 $0x5, s29;
	s12 =	sshrl.u32 @!p2 s12, $0xA  }
0xb7: {  	s14 =	sshrl.u32 s14, $0x2;
	s15 =	smul.u32 @!p3 $0xAB, s13;
	s12 =	sand.u32 @!p2 $0x3F, s12  }
0xb8: {  	s8 =	smul.u32 $0x140, s11  }
0xb9: {  	s11 =	sshrl.u32 @!p3 s15, $0xA  }
0xba: {  	[sflag:s26] =	ssyncadd.s32 $0xFFFFD800;
	s11 =	sand.u32 @!p3 $0x3F, s11;
	s8 =	sshrl.u32 s8, $0x2  }
0xbb: {  	s14 =	sor.u32 $0x3C0, s14;
	s11 =	smul.u32 @!p3 $0x6, s11;
	s8 =	sadd.s32 $0x1E0, s8  }
0xbc: {  	[spmem:s1] =	stream.indirect.scatter.add.f32 [tilespmem:s14], [sflag:$0x3], $0x80, s8, s20, $0xb8;
	[tilespmem:$0x1DC40] =	vst v63  }
0xbd: {  	s8 =	ssub.s32 @!p3 s13, s11  }
0xbe: {  	_ =	swait.ge [sflag:s2], $0x2800;
	s8 =	sand.u32 @!p3 $0xFF, s8  }
0xbf: {  	[sflag:s2] =	ssyncset.done $0x0;
	s8 =	smul.u32 @!p3 $0x50, s8  }
0xc0: {  	s15 =	smul.u32 $0xAB, s29;
	s11 =	simm.s32 @!p3 $0x0;
	[sflag:s2] =	ssyncadd.s32 $0xFFFFD800  }
0xc1: {  	[tilespmem:s8], [sflag:$0x2] =	stream.linear.gather @!p3 [hbm4b:s5+s11], $0x50, $0x38;
	[tilespmem:$0x1DC40] =	vst v63  }
0xc2: {  	s5 =	sadd.s32 @!p3 $0x1E0, s8;
	s8 =	smul.u32 @!p2 $0x6, s12;
	s12 =	simm.s32 @!p2 $0x2  }
0xc3: {  	[tilespmem:s5], [sflag:$0x2] =	stream.linear.gather @!p3 [hbm4b:s7+s11], $0x50, $0x38;
	[tilespmem:$0x1DC40] =	vst v63  }
0xc4: {  	s17 =	sand.u32 $0x3, s29;
	s5 =	ssub.s32 @!p2 s9, s8;
	_ =	swait.ge @!p2 [sflag:s12], $0x50  }
0xc5: {  	s7 =	sshrl.u32 s15, $0xA;
	s5 =	sand.u32 @!p2 $0xFF, s5;
	[sflag:s12] =	ssyncset.done @!p2 $0x0  }
0xc6: {  	s7 =	sand.u32 $0x3F, s7;
	s5 =	smul.u32 @!p2 $0x140, s5;
	[sflag:s12] =	ssyncadd.s32 @!p2 $0xFFFFFFB0  }
0xc7: {  	s8 =	sshrl.u32 @!p2 s10, $0x2;
	s7 =	smul.u32 $0x6, s7;
	_ =	swait.ge @!p2 [sflag:s12], $0x50  }
0xc8: {  	s9 =	simm.s32 @!p2 $0x50;
	s8 =	sor.u32 @!p2 $0x3C0, s8;
	[sflag:s12] =	ssyncset.done @!p2 $0x0  }
0xc9: {  	s5 =	sshrl.u32 @!p2 s5, $0x2;
	s16 =	ssub.s32 s29, s7;
	[sflag:s12] =	ssyncadd.s32 @!p2 $0xFFFFFFB0  }
0xca: {  	[tilespmem:s8], [sflag:$0x1] =	stream.indirect.gather @!p2 [hbm4b:s4+s9], $0x80, s5, s9, $0xb8;
	[tilespmem:$0x1DC40] =	vst v63  }
0xcb: {  	s7 =	smul.u32 $0xA000, s17;
	s5 =	sand.u32 $0xFF, s16  }
0xcc: {  	s5 =	smul.u32 $0x140, s5  }
0xcd: {  	_ =	swait.ge [sflag:s26], $0x2800  }
0xce: {  	s7 =	sshrl.u32 s7, $0x2;
	[sflag:s26] =	ssyncset.done $0x0;
	s5 =	sshrl.u32 s5, $0x2  }
0xcf: {  	s7 =	sor.u32 $0x3C0, s7;
	[sflag:s26] =	ssyncadd.s32 $0xFFFFD800;
	s5 =	sadd.s32 $0x1E0, s5  }
0xd0: {  	[spmem:s1] =	stream.indirect.scatter.add.f32 [tilespmem:s7], [sflag:$0x3], $0x80, s5, s20, $0xb8;
	[tilespmem:$0x1DC40] =	vst v63  }
0xd1: {  	_ =	swait.ge [sflag:s2], $0x2800  }
0xd2: {  	[sflag:s2] =	ssyncset.done $0x0  }
0xd3: {  	[sflag:s2] =	ssyncadd.s32 $0xFFFFD800  }
0xd4: {  	[bflag:$0x0] =	sbarrier.arrive $0xFFFF  }
0xd5: {  	s29 =	rddreg [dreg:$0xe]  }
0xd6: {  	[hbm:s29], [sflag:s31] =	dma.local [spmem:s23], $0x2700  }
0xd7: {  	s30 =	sadd.s32 $0x1, s30;
	_ =	swait.ge [sflag:s2], $0x2700  }
0xd8: {  	p2 =	sne.s32 s30, s25;
	[sflag:s2] =	ssyncset.done $0x0  }
.Ltmp4:
0xd9: {  	s5 =	simm.s32 @!p1 $0x3;
	[sflag:s2] =	ssyncadd.s32 $0xFFFFD900;
	(pc) =	sbr.rel @p2 .LBB2_1-.Ltmp4, $4  }
0xda: {  	[hbm:s24], [sflag:s31] =	dma.local @!p1 [spmem:s22], $0x100  }
0xdb: {  	_ =	swait.ge @!p1 [sflag:s5], $0x100  }
0xdc: {  	[sflag:s5] =	ssyncset.done @!p1 $0x0  }
0xdd: {  	[sflag:s5] =	ssyncadd.s32 @!p1 $0xFFFFFF00  }
0xde: {  	_ =	sfence.sel $0x180000  }
0xdf: {  	[bflag:$0x0] =	sbarrier.arrive $0xFFFF  }
0xe0: {  	_ =	strace $0x9000004A  }
0xe1: {  	s0 =	stileid.u32;
	[bflag:$0x2] =	sbarrier.arrive $0xFFFF  }
0xe2: {  	p0 =	sne.s32 s0, $0x0;
	s0 =	rddreg [dreg:$0x3]  }
0xe3: {  	s0 =	sadd.s32 @!p0 $0x100000, s0  }
0xe4: {  	[sflag:s0] =	ssyncadd.tile.s32 @!p0 $0x1;
	_ =	shalt  }
.Lfunc_end2:
_tile_overlayer_lowered:
.L_overlay_start_2:
0xe5: {  	(tag) =	ssettag $0x2  }
0xe6: {  	s0 =	rddreg [dreg:$0x0];
	s2 =	stileid.u32  }
0xe7: {  	s1 =	rddreg [dreg:$0x1];
	p0 =	sne.s32 s2, $0x0  }
0xe8: {  	s3 =	rddreg [dreg:$0x2];
	[bflag:$0x3] =	sbarrier.arrive $0xFFFF;
	s2 =	simm.s32 @!p0 $0x1C03  }
0xe9: {  	[timem:s3], [sflag:s2] =	dma.local @!p0 [hbm:s0], s1  }
0xea: {  	s0 =	simm.s32 @!p0 $0x3  }
0xeb: {  	_ =	swait.ge @!p0 [sflag:s0], s1  }
0xec: {  	s1 =	ssub.s32 @!p0 $0x0, s1;
	[sflag:s0] =	ssyncset.done @!p0 $0x0  }
0xed: {  	[sflag:s0] =	ssyncadd.s32 @!p0 s1  }
0xee: {  	[bflag:$0x3] =	sbarrier.arrive $0xFFFF  }
0xef: {  	_ =	shalt  }

// kernel: kernel.8.cloned.1.call-start
scs
__scs_entry_jumppad:
0x0: {  	(pc) =	sbr.rel $0x88, $3  }
0x1: {  	(tag) =	ssettag $0x0;
	lr =	simm.s32 $0x1  }
0x2: {  	[smem:$0x3F82] =	sst lr;
	_ =	strace $0xD0000000  }
0x3: {  	_ = 	snop  }
0x4: {  	_ = 	snop  }
0x5: {  	_ = 	snop  }
0x6: {  	_ = 	snop  }
0x7: {  	_ = 	snop  }
__scs_overlays_trampoline_lowered:
0x8: {  	[smem:$0x3F91] =	sst s0  }
0x9: {  	[smem:$0x3F92] =	sst s1  }
0xa: {  	[smem:$0x3F93] =	sst s2  }
0xb: {  	[smem:$0x3F94] =	sst s3  }
0xc: {  	[smem:$0x3F95] =	sst s4  }
0xd: {  	[smem:$0x3F96] =	sst s5  }
0xe: {  	[smem:$0x3F97] =	sst s6  }
0xf: {  	[smem:$0x3F98] =	sst s7  }
0x10: {  	[smem:$0x3F99] =	sst s8  }
0x11: {  	[smem:$0x3F9A] =	sst s9;
	s0 =	simm.s32 @!p0 $0x0  }
0x12: {  	s1 =	sld [smem:$0x3F80];
	s0 =	simm.s32 @p0 $0x1  }
0x13: {  	[smem:$0x3F9B] =	sst s0;
	s0 =	simm.s32 @!p1 $0x0  }
0x14: {  	s2 =	sld [smem:$0x3F7F];
	s0 =	simm.s32 @p1 $0x1  }
0x15: {  	[smem:$0x3F9C] =	sst s0;
	s0 =	simm.s32 @!p2 $0x0  }
0x16: {  	s3 =	sld [smem:$0x3FDB];
	s0 =	simm.s32 @p2 $0x1  }
0x17: {  	s4 =	simm.s32 $0x1BF5;
	[smem:$0x3F9E] =	sst s0  }
0x18: {  	s0 =	sld [smem:$0x3F81];
	_ =	swait.ge [sflag:s4], $0x0  }
0x19: {  	s7 =	sld [smem:$0x3F82]  }
0x1a: {  	s8 =	sadd.s32 $0xFFFFE003, lr  }
0x1b: {  	s9 =	sadd.s32 $0xFFFFFEF7, lr;
	s5 =	simm.s32 $0xFFFFFFFF;
	p2 =	slt.u32 s8, $0xFFFFF086  }
0x1c: {  	p1 =	slt.u32 s9, $0xF7A;
	s5 =	simm.s32 @!p2 $0x0  }
0x1d: {  	s5 =	simm.s32 @p1 $0x1;
	p0 =	seq.s32 s7, s2  }
0x1e: {  	s7 =	smul.u32 @!p0 $0xF7A, s2;
	p2 =	seq.s32 @!p0 s5, $0x0  }
0x1f: {  	s9 =	smul.u32 $0xF7A, s1;
	s8 =	simm.s32 @!p0 $0x1BF5;
	p2 =	por !p2, p0  }
0x20: {  	[sflag:s8] =	ssyncset.s32 @!p0 $0xFFFFF086;
	s6 =	sadd.s32 @!p0 s3, s7;
	s7 =	simm.s32 @!p0 $0x108  }
0x21: {  	s3 =	sadd.s32 s3, s9;
	s6 =	sadd.s32 @!p0 $0x88, s6;
	s7 =	simm.s32 @p2 $0x1082  }
0x22: {  	[simem:s7], [sflag:s8] =	dma.local @!p0 [hbm:s6], $0xF7A  }
0x23: {  	s9 =	sor.u32 $0xD0000000, s2;
	s6 =	simm.s32 $0x108;
	_ =	swait.ge @!p0 [sflag:s8], $0x0  }
0x24: {  	s3 =	sadd.s32 $0x88, s3;
	s6 =	simm.s32 @!p1 $0x1082;
	[sflag:s4] =	ssyncset.s32 $0xFFFFF086  }
0x25: {  	[simem:s6], [sflag:s4] =	dma.local [hbm:s3], $0xF7A  }
0x26: {  	[smem:$0x3F82] =	sst s1;
	(tag) =	ssettag s2;
	_ =	strace s9  }
0x27: {  	s1 =	sld [smem:$0x3F92]  }
0x28: {  	s2 =	sld [smem:$0x3F93]  }
0x29: {  	s4 =	sld [smem:$0x3F95]  }
0x2a: {  	p0 =	seq.s32 s5, $0x0;
	s5 =	sld [smem:$0x3F96]  }
0x2b: {  	s6 =	sld [smem:$0x3F97]  }
0x2c: {  	s7 =	sld [smem:$0x3F98]  }
0x2d: {  	s3 =	simm.s32 $0x108;
	s8 =	sld [smem:$0x3F99]  }
0x2e: {  	s3 =	simm.s32 @!p0 $0x1082;
	s9 =	sld [smem:$0x3F9A]  }
0x2f: {  	lr =	sadd.s32 s0, s3;
	s0 =	sld [smem:$0x3F91]  }
0x30: {  	s3 =	sld [smem:$0x3F94]  }
0x31: {  	[smem:$0x3F9D] =	sst s10  }
0x32: {  	s10 =	sld [smem:$0x3F9B];
	_ =	sdelay $0x3  }
0x33: {  	p0 =	seq.s32 s10, $0x1;
	s10 =	sld [smem:$0x3F9D];
	_ =	sdelay $0x3  }
0x34: {  	[smem:$0x3F9D] =	sst s10  }
0x35: {  	s10 =	sld [smem:$0x3F9C];
	_ =	sdelay $0x3  }
0x36: {  	p1 =	seq.s32 s10, $0x1;
	s10 =	sld [smem:$0x3F9D];
	_ =	sdelay $0x3  }
0x37: {  	[smem:$0x3F9D] =	sst s10  }
0x38: {  	s10 =	sld [smem:$0x3F9E]  }
0x39: {  	_ = 	snop;
	(pc) =	sbr.ind lr, $3  }
0x3a: {  	_ = 	snop  }
0x3b: {  	_ = 	snop  }
0x3c: {  	p2 =	seq.s32 s10, $0x1;
	s10 =	sld [smem:$0x3F9D]  }
0x3d: {  	_ =	shalt  }
0x3e: {  	_ =	shalt  }
0x3f: {  	_ =	shalt  }
0x40: {  	_ =	shalt  }
0x41: {  	_ =	shalt  }
0x42: {  	_ =	shalt  }
0x43: {  	_ =	shalt  }
0x44: {  	_ =	shalt  }
0x45: {  	_ =	shalt  }
0x46: {  	_ =	shalt  }
0x47: {  	_ =	shalt  }
0x48: {  	_ =	shalt  }
0x49: {  	_ =	shalt  }
0x4a: {  	_ =	shalt  }
0x4b: {  	_ =	shalt  }
0x4c: {  	_ =	shalt  }
0x4d: {  	_ =	shalt  }
0x4e: {  	_ =	shalt  }
0x4f: {  	_ =	shalt  }
0x50: {  	_ =	shalt  }
0x51: {  	_ =	shalt  }
0x52: {  	_ =	shalt  }
0x53: {  	_ =	shalt  }
0x54: {  	_ =	shalt  }
0x55: {  	_ =	shalt  }
0x56: {  	_ =	shalt  }
0x57: {  	_ =	shalt  }
0x58: {  	_ =	shalt  }
0x59: {  	_ =	shalt  }
0x5a: {  	_ =	shalt  }
0x5b: {  	_ =	shalt  }
0x5c: {  	_ =	shalt  }
0x5d: {  	_ =	shalt  }
0x5e: {  	_ =	shalt  }
0x5f: {  	_ =	shalt  }
0x60: {  	_ =	shalt  }
0x61: {  	_ =	shalt  }
0x62: {  	_ =	shalt  }
0x63: {  	_ =	shalt  }
0x64: {  	_ =	shalt  }
0x65: {  	_ =	shalt  }
0x66: {  	_ =	shalt  }
0x67: {  	_ =	shalt  }
0x68: {  	_ =	shalt  }
0x69: {  	_ =	shalt  }
0x6a: {  	_ =	shalt  }
0x6b: {  	_ =	shalt  }
0x6c: {  	_ =	shalt  }
0x6d: {  	_ =	shalt  }
0x6e: {  	_ =	shalt  }
0x6f: {  	_ =	shalt  }
0x70: {  	_ =	shalt  }
0x71: {  	_ =	shalt  }
0x72: {  	_ =	shalt  }
0x73: {  	_ =	shalt  }
0x74: {  	_ =	shalt  }
0x75: {  	_ =	shalt  }
0x76: {  	_ =	shalt  }
0x77: {  	_ =	shalt  }
0x78: {  	_ =	shalt  }
0x79: {  	_ =	shalt  }
0x7a: {  	_ =	shalt  }
0x7b: {  	_ =	shalt  }
0x7c: {  	_ =	shalt  }
0x7d: {  	_ =	shalt  }
0x7e: {  	_ =	shalt  }
0x7f: {  	_ =	shalt  }
0x80: {  	_ =	shalt  }
0x81: {  	_ =	shalt  }
0x82: {  	_ =	shalt  }
0x83: {  	_ =	shalt  }
0x84: {  	_ =	shalt  }
0x85: {  	_ =	shalt  }
0x86: {  	_ =	shalt  }
0x87: {  	_ =	shalt  }
.Lfunc_end0:
.L_simem_size_0:
called_computation_lowered:
.L_overlay_start_0:
0x88: {  	s2 =	sld [smem:$0x3FD9]  }
0x89: {  	s3 =	sld [smem:$0x3FFE];
	_ =	sdelay $0x1  }
0x8a: {  	s1 =	srdreg.scid  }
0x8b: {  	s0 =	sand.u32 $0x1, s1  }
0x8c: {  	s17 =	sshll.u32 s0, $0xA;
	s2 =	sadd.s32 s3, s2  }
0x8d: {  	s2 =	sadd.s32 s2, s17  }
0x8e: {  	[smem:$0x3FA9] =	sst s2  }
0x8f: {  	_ = 	snop  }
0x90: {  	s2 =	sld [smem:$0x3FD0];
	(tm) =	ssettm $0x1  }
0x91: {  	s18 =	sld [smem:$0x3FFB];
	_ =	sdelay $0x3  }
0x92: {  	_ =	strace s18  }
0x93: {  	s3 =	sld [smem:$0x3FFC];
	_ =	sdelay $0x3  }
0x94: {  	_ =	strace s3  }
0x95: {  	s3 =	sld [smem:$0x3FFD];
	_ =	sdelay $0x3  }
0x96: {  	_ =	strace s3  }
0x97: {  	_ =	strace $0x8FFFFFFF  }
0x98: {  	s19 =	sld [smem:$0x3FDB];
	_ =	sdelay $0x1  }
0x99: {  	s4 =	simm.s32 $_scs_section_size  }
0x9a: {  	s5 =	simm.s32 $_size__tile_overlayer_lowered;
	s6 =	simm.s32 $_tile_overlayer_lowered  }
0x9b: {  	s22 =	simm.s32 $0x1BFF;
	s21 =	sshll.u32 s6, $0x1;
	s3 =	sadd.s32 s4, s19  }
0x9c: {  	s7 =	simm.s32 $0x0;
	s20 =	sshll.u32 s5, $0x1;
	s5 =	sadd.s32 s21, s3  }
0x9d: {  	[timem:s7], [sflag:s22] =	dma.local [hbm:s5], s20  }
0x9e: {  	_ =	swait.ge [sflag:s22], s20  }
0x9f: {  	s4 =	ssub.s32 $0x0, s20;
	[sflag:s22] =	ssyncset.done $0x0  }
0xa0: {  	[sflag:s22] =	ssyncadd.s32 s4;
	_ =	sdelay $0x1  }
0xa1: {  	s23 =	simm.s32 $0x1B8B  }
0xa2: {  	_ =	swait.ge [sflag:s23], $0x1  }
0xa3: {  	[sflag:s23] =	ssyncset.done $0x0  }
0xa4: {  	s25 =	simm.s32 $0x1B8E;
	s24 =	sld [smem:$0x3FFE];
	[sflag:s23] =	ssyncadd.s32 $0xFFFFFFFF  }
0xa5: {  	s26 =	simm.s32 $execute0_lowered;
	[smem:$0x3FD2] =	sst s25  }
0xa6: {  	s5 =	sshll.u32 s26, $0x1;
	_ =	strace $0x80000046;
	[dreg:$0x1] =	wrdreg $0xFFFFFFFF  }
0xa7: {  	s28 =	simm.s32 $_size_execute0_lowered;
	s3 =	sadd.s32 s3, s5;
	[dreg:$0x0] =	wrdreg $0x0  }
0xa8: {  	s5 =	sshll.u32 s28, $0x1;
	[dreg:$0x2] =	wrdreg s3  }
0xa9: {  	[dreg:$0x3] =	wrdreg s5  }
0xaa: {  	[dreg:$0x4] =	wrdreg $0xC0  }
0xab: {  	_ =	task [dreg:s7], $0x5FFFF  }
0xac: {  	[dreg:$0x1] =	wrdreg $0xFFFFFFFF  }
0xad: {  	[dreg:$0x0] =	wrdreg $0x60  }
0xae: {  	[dreg:$0x2] =	wrdreg s24  }
0xaf: {  	[dreg:$0x3] =	wrdreg s2  }
0xb0: {  	[dreg:$0x4] =	wrdreg $0x7B200  }
0xb1: {  	[dreg:$0x5] =	wrdreg $0x9  }
0xb2: {  	_ =	task.clear_ibuf [dreg:s7], $0x6FFFF;
	_ =	strace $0x90000046  }
0xb3: {  	s29 =	simm.s32 $0x9;
	_ =	strace $0x80000048  }
0xb4: {  	_ =	swait.ge [sflag:s29], $0x1  }
0xb5: {  	[sflag:s29] =	ssyncadd.s32 $0xFFFFFFFF  }
0xb6: {  	_ =	strace $0x90000048  }
0xb7: {  	_ =	sfence  }
0xb8: {  	s30 =	sld [smem:$0x0];
	_ =	sdelay $0x2  }
0xb9: {  	s31 =	sshll.u32 s1, $0xD;
	s1 =	sshrl.u32 s1, $0x2  }
0xba: {  	s3 =	sand.u32 $0x4000, s31;
	s1 =	sadd.s32 s1, s30  }
0xbb: {  	s0 =	sor.u32 s3, s0;
	s1 =	sshll.u32 s1, $0x11  }
0xbc: {  	s0 =	sor.u32 s1, s0  }
0xbd: {  	s0 =	sadd.s32 $0x8F2B, s0  }
0xbe: {  	[sflag:s0] =	ssyncadd.remote.s32 $0x1  }
0xbf: {  	_ =	sfence.sel $0xFFFF  }
0xc0: {  	[dreg:$0x0] =	wrdreg $0xFFFFFFFF;
	(pc) =	sbr.abs _section_cstart, $3  }
0xc1: {  	[dreg:$0x1] =	wrdreg $0xFFFFFFFF  }
0xc2: {  	_ =	task.clear_ibuf [dreg:s7], $0x2FFFF;
	_ =	strace $0x9FFFFFFF  }
0xc3: {  	(tm) =	ssettm $0x7FFFFFFF  }
tec
execute0_lowered:
.L_overlay_start_1:
0x0: {  	(tag) =	ssettag $0x1  }
0x1: {  	s0 =	rddreg [dreg:$0x0]  }
0x2: {  	s1 =	srdreg.scid;
	s3 =	rddreg [dreg:$0x1]  }
0x3: {  	s2 =	rddreg [dreg:$0x2];
	s16 =	stileid.u32;
	s5 =	simm.s32 $0x0  }
0x4: {  	s20 =	simm.s32 $0x0;
	s1 =	sand.u32 $0x1, s1;
	[smem:$0x7FF] =	sst s5  }
0x5: {  	s6 =	smul.u32 $0x4E000, s16;
	s7 =	sadd.s32 $0x5400, s0;
	s8 =	sadd.s32 $0x40200, s0  }
0x6: {  	s15 =	smul.u32 $0x2710, s16;
	p1 =	sne.s32 s16, $0xF;
	s31 =	sadd.s32 $0x138000, s2  }
0x7: {  	s4 =	sshll.u32 s1, $0x4;
	_ =	strace $0x80000047;
	s26 =	smul.u32 $0x138800, s1  }
0x8: {  	s9 =	ssub.s32 $0x2, s1;
	s13 =	smul.u32 $0x27100, s1;
	p0 =	sne.s32 s1, $0x0  }
0x9: {  	s4 =	sor.u32 s16, s4;
	s6 =	sshrl.u32 s6, $0x2;
	s11 =	sshrl.u32 s9, $0x1  }
0xa: {  	s22 =	smul.u32 $0x2710, s4;
	s4 =	sadd.s32 $0xF200, s0;
	s17 =	sadd.s32 s6, s2  }
0xb: {  	s6 =	ssub.s32 s9, s11;
	s9 =	smul.u32 $0x13800, s16;
	s18 =	sadd.s32 s15, s13  }
0xc: {  	s11 =	sshrl.u32 s26, $0x3;
	s23 =	sadd.s32 $0x2800, s17;
	[dreg:$0x4] =	wrdreg s17  }
0xd: {  	s24 =	sadd.s32 $0x5000, s17;
	s11 =	sadd.s32 s8, s11;
	[dreg:$0x5] =	wrdreg s23  }
0xe: {  	s5 =	sshrl.u32 s22, $0x3;
	[dreg:$0x6] =	wrdreg s24;
	s23 =	sadd.s32 $0x7800, s17  }
0xf: {  	s19 =	sadd.s32 s9, s26;
	s24 =	sadd.s32 s9, s2;
	[dreg:$0x10] =	wrdreg s23  }
0x10: {  	s22 =	sshrl.u32 s9, $0x3;
	s26 =	sadd.s32 $0xA000, s17;
	[dreg:$0x11] =	wrdreg s24  }
0x11: {  	s10 =	sadd.s32 s5, s0;
	s25 =	sadd.s32 s7, s5;
	[dreg:$0x14] =	wrdreg s26  }
0x12: {  	s12 =	sadd.s32 s3, s5;
	s28 =	sadd.s32 $0xA, s5;
	[dreg:$0x7] =	wrdreg s25  }
0x13: {  	s29 =	sadd.s32 $0x14, s5;
	s0 =	sadd.s32 $0x36200, s0;
	[dreg:$0x8] =	wrdreg s12  }
0x14: {  	s5 =	sadd.s32 $0x1E, s5;
	s14 =	sadd.s32 s7, s28;
	[dreg:$0x13] =	wrdreg s0  }
0x15: {  	s13 =	sshrl.u32 s19, $0x3;
	s12 =	sadd.s32 s3, s28;
	[dreg:$0x9] =	wrdreg s14  }
0x16: {  	s24 =	sadd.s32 $0x27000, s11;
	s30 =	sadd.s32 s7, s29;
	[dreg:$0xa] =	wrdreg s12  }
0x17: {  	s19 =	simm.s32 $0x1;
	s13 =	sadd.s32 s8, s13;
	[dreg:$0xb] =	wrdreg s30  }
0x18: {  	s26 =	simm.s32 $0x1B3A0;
	s21 =	sadd.s32 s7, s5;
	[dreg:$0xd] =	wrdreg s13  }
0x19: {  	s5 =	sadd.s32 s3, s5;
	s25 =	sadd.s32 s4, s22;
	[dreg:$0xe] =	wrdreg s21  }
0x1a: {  	s23 =	sadd.s32 $0x36400, s10;
	s28 =	sadd.s32 $0xC800, s17;
	[dreg:$0xf] =	wrdreg s5  }
0x1b: {  	s0 =	simm.s32 $0x3;
	s22 =	simm.s32 $0x2;
	[dreg:$0x12] =	wrdreg s25  }
0x1c: {  	s14 =	sadd.s32 s3, s29;
	s12 =	sadd.s32 $0x140, s18;
	[dreg:$0x15] =	wrdreg s28  }
0x1d: {  	s25 =	smax.u32 s6, $0x1;
	s29 =	sadd.s32 $0xF000, s17;
	[dreg:$0xc] =	wrdreg s14  }
0x1e: {  	s30 =	sadd.s32 $0x11800, s17;
	s6 =	simm.s32 $0x320;
	[dreg:$0x16] =	wrdreg s29  }
0x1f: {  	s21 =	simm.s32 $0x0;
	s12 =	sshrl.u32 s12, $0x3;
	[dreg:$0x17] =	wrdreg s30  }
0x20: {  	v0 =	vimm.f32 $0.0e+00;
	v1 =	vimm.f32 $1.000000000e+00;
	s8 =	sadd.s32 s12, s3;
	s3 =	sadd.s32 s12, s7;
	s7 =	simm.s32 $0x50  }
.LBB2_1:
.Ltmp0:
0x21: {  	(pc) =	sbr.rel @p0 .LBB2_3-.Ltmp0, $4  }
0x22: {  	_ = 	snop  }
0x23: {  	s1 =	stileid.u32  }
0x24: {  	s5 =	rddreg [dreg:$0x11];
	s1 =	sshll.u32 s1, $0x6  }
0x25: {  	s28 =	sshrl.u32 @!p1 s31, $0x3;
	s30 =	sshrl.u32 s5, $0x3;
	s29 =	sor.u32 $0x1C03, s1  }
0x26: {  	s1 =	rddreg [dreg:$0x12]  }
0x27: {  	[spmem:s30], [sflag:s29] =	dma.local [hbm:s1], $0x2700  }
0x28: {  	_ =	swait.ge [sflag:s0], $0x2700  }
0x29: {  	[sflag:s0] =	ssyncset.done $0x0  }
0x2a: {  	s1 =	rddreg [dreg:$0x13];
	[sflag:s0] =	ssyncadd.s32 $0xFFFFD900  }
0x2b: {  	[spmem:s28], [sflag:s29] =	dma.local @!p1 [hbm:s1], $0x100  }
.Ltmp1:
0x2c: {  	_ = 	snop;
	(pc) =	sbr.rel .LBB2_6-.Ltmp1, $4  }
0x2d: {  	s1 =	simm.s32 @!p1 $0x3  }
0x2e: {  	_ =	swait.ge @!p1 [sflag:s1], $0x100  }
0x2f: {  	[sflag:s1] =	ssyncset.done @!p1 $0x0  }
0x30: {  	[sflag:s1] =	ssyncadd.s32 @!p1 $0xFFFFFF00  }
.LBB2_3:
0x31: {  	s5 =	simm.s32 $0x0  }
0x32: {  	s1 =	sand.u32 $0xFE00, s5  }
0x33: {  	s20 =	simm.s32 $0x0;
	s5 =	sand.u32 $0x70, s5;
	s9 =	sshrl.u32 s1, $0x2  }
0x34: {  	s1 =	simm.s32 $0x40;
	s9 =	sor.u32 s5, s9;
	s5 =	simm.s32 $0x0  }
.LBB2_4:
0x35: {  	p2 =	sne.s32 s1, $0x9FC0  }
0x36: {  	[tilespmem:s9+$0x320] =	vst v0;
	s5 =	sadd.s32 $0x10, s5;
	s9 =	smov.u32 s1;
	s1 =	sadd.s32 $0x40, s1  }
.Ltmp2:
0x37: {  	(pc) =	sbr.rel @p2 .LBB2_4-.Ltmp2, $4  }
0x38: {  	_ = 	snop  }
0x39: {  	s9 =	sand.u32 $0xFE00, s9  }
0x3a: {  	s10 =	sand.u32 $0x70, s5;
	s9 =	sshrl.u32 s9, $0x2  }
0x3b: {  	s9 =	sor.u32 s10, s9  }
0x3c: {  	[tilespmem:s9+$0x320] =	vst v0;
	s1 =	rddreg [dreg:$0x4]  }
0x3d: {  	[spmem:s1] =	stream.linear.scatter [tilespmem:s6], [sflag:$0x3], $0x2800, $0x38;
	[tilespmem:$0x1DAB0] =	vst v63  }
0x3e: {  	_ =	swait.ge [sflag:s0], $0x2800  }
0x3f: {  	[sflag:s0] =	ssyncset.done $0x0  }
0x40: {  	s12 =	rddreg [dreg:$0x5];
	[sflag:s0] =	ssyncadd.s32 $0xFFFFD800  }
0x41: {  	[spmem:s12] =	stream.linear.scatter [tilespmem:s6], [sflag:$0x3], $0x2800, $0x38;
	[tilespmem:$0x1DAB0] =	vst v63  }
0x42: {  	_ =	swait.ge [sflag:s0], $0x2800  }
0x43: {  	[sflag:s0] =	ssyncset.done $0x0  }
0x44: {  	s13 =	rddreg [dreg:$0x6];
	[sflag:s0] =	ssyncadd.s32 $0xFFFFD800  }
0x45: {  	[spmem:s13] =	stream.linear.scatter [tilespmem:s6], [sflag:$0x3], $0x2800, $0x38;
	[tilespmem:$0x1DAB0] =	vst v63  }
0x46: {  	_ =	swait.ge [sflag:s0], $0x2800  }
0x47: {  	[sflag:s0] =	ssyncset.done $0x0  }
0x48: {  	s14 =	rddreg [dreg:$0x10];
	[sflag:s0] =	ssyncadd.s32 $0xFFFFD800  }
0x49: {  	[spmem:s14] =	stream.linear.scatter [tilespmem:s6], [sflag:$0x3], $0x2800, $0x38;
	[tilespmem:$0x1DAB0] =	vst v63  }
0x4a: {  	_ =	swait.ge [sflag:s0], $0x2800  }
0x4b: {  	[sflag:s0] =	ssyncset.done $0x0  }
0x4c: {  	s15 =	rddreg [dreg:$0x14];
	[sflag:s0] =	ssyncadd.s32 $0xFFFFD800  }
0x4d: {  	[spmem:s15] =	stream.linear.scatter [tilespmem:s6], [sflag:$0x3], $0x2800, $0x38;
	[tilespmem:$0x1DAB0] =	vst v63  }
0x4e: {  	_ =	swait.ge [sflag:s0], $0x2800  }
0x4f: {  	[sflag:s0] =	ssyncset.done $0x0  }
0x50: {  	s16 =	rddreg [dreg:$0x15];
	[sflag:s0] =	ssyncadd.s32 $0xFFFFD800  }
0x51: {  	[spmem:s16] =	stream.linear.scatter [tilespmem:s6], [sflag:$0x3], $0x2800, $0x38;
	[tilespmem:$0x1DAB0] =	vst v63  }
0x52: {  	_ =	swait.ge [sflag:s0], $0x2800  }
0x53: {  	[sflag:s0] =	ssyncset.done $0x0  }
0x54: {  	s17 =	rddreg [dreg:$0x16];
	[sflag:s0] =	ssyncadd.s32 $0xFFFFD800  }
0x55: {  	[spmem:s17] =	stream.linear.scatter [tilespmem:s6], [sflag:$0x3], $0x2800, $0x38;
	[tilespmem:$0x1DAB0] =	vst v63  }
0x56: {  	_ =	swait.ge [sflag:s0], $0x2800  }
0x57: {  	[sflag:s0] =	ssyncset.done $0x0  }
0x58: {  	s18 =	rddreg [dreg:$0x17];
	[sflag:s0] =	ssyncadd.s32 $0xFFFFD800  }
0x59: {  	[spmem:s18] =	stream.linear.scatter [tilespmem:s6], [sflag:$0x3], $0x2000, $0x38;
	[tilespmem:$0x1DAB0] =	vst v63  }
0x5a: {  	_ =	swait.ge [sflag:s0], $0x2000  }
0x5b: {  	[sflag:s0] =	ssyncset.done $0x0  }
0x5c: {  	s1 =	simm.s32 @!p1 $0x320;
	[sflag:s0] =	ssyncadd.s32 $0xFFFFE000  }
0x5d: {  	[spmem:s31] =	stream.linear.scatter @!p1 [tilespmem:s1], [sflag:$0x3], $0x800, $0x38;
	[tilespmem:$0x1DAB0] =	vst v63  }
0x5e: {  	s1 =	simm.s32 @!p1 $0x3  }
0x5f: {  	_ =	swait.ge @!p1 [sflag:s1], $0x800  }
0x60: {  	[sflag:s1] =	ssyncset.done @!p1 $0x0  }
0x61: {  	[sflag:s1] =	ssyncadd.s32 @!p1 $0xFFFFF800  }
.LBB2_6:
0x62: {  	[bflag:$0x0] =	sbarrier.arrive $0xFFFF;
	s1 =	simm.s32 $0x40;
	s5 =	simm.s32 $0x0  }
.LBB2_7:
0x63: {  	p2 =	sne.s32 s1, $0x9C00;
	[tilespmem:s5+$0x1B3A0] =	vst v0;
	s5 =	smov.u32 s1;
	s1 =	sadd.s32 $0x40, s1  }
.Ltmp3:
0x64: {  	(pc) =	sbr.rel @p2 .LBB2_7-.Ltmp3, $2  }
0x65: {  	_ =	sdelay $0x2  }
0x66: {  	s5 =	sshra.s32 s5, $0x2  }
0x67: {  	[tilespmem:s5+$0x1B3A0] =	vst v0;
	s1 =	simm.s32 $0x0;
	s12 =	rddreg [dreg:$0x7]  }
0x68: {  	[tilespmem:s1], [sflag:$0x2] =	stream.linear.gather [hbm4b:s12+s1], $0x50, $0x38;
	[tilespmem:$0x1DAB0] =	vst v63  }
0x69: {  	s13 =	rddreg [dreg:$0x8];
	s9 =	simm.s32 $0x190  }
0x6a: {  	[tilespmem:s9], [sflag:$0x2] =	stream.linear.gather [hbm4b:s13+s1], $0x50, $0x38;
	[tilespmem:$0x1DAB0] =	vst v63  }
0x6b: {  	s14 =	rddreg [dreg:$0x9]  }
0x6c: {  	[tilespmem:s7], [sflag:$0x2] =	stream.linear.gather [hbm4b:s14+s1], $0x50, $0x38;
	[tilespmem:$0x1DAB0] =	vst v63  }
0x6d: {  	s15 =	rddreg [dreg:$0xa];
	s16 =	simm.s32 $0x1E0;
	p2 =	por $0x0, $0x0  }
0x6e: {  	[tilespmem:s16], [sflag:$0x2] =	stream.linear.gather [hbm4b:s15+s1], $0x50, $0x38;
	[tilespmem:$0x1DAB0] =	vst v63  }
0x6f: {  	s17 =	rddreg [dreg:$0xb];
	s18 =	simm.s32 $0xA0;
	p3 =	por @!p2 $0x0, $0x0  }
0x70: {  	[tilespmem:s18], [sflag:$0x2] =	stream.linear.gather [hbm4b:s17+s1], $0x50, $0x38;
	[tilespmem:$0x1DAB0] =	vst v63  }
0x71: {  	s10 =	simm.s32 $0x230;
	p3 =	por p3, p2;
	s9 =	rddreg [dreg:$0xc]  }
0x72: {  	[tilespmem:s10], [sflag:$0x2] =	stream.linear.gather [hbm4b:s9+s1], $0x50, $0x38;
	[tilespmem:$0x1DAB0] =	vst v63  }
0x73: {  	s11 =	rddreg [dreg:$0xe];
	s12 =	simm.s32 $0xF0;
	s5 =	simm.s32 @!p3 $0x4  }
0x74: {  	[tilespmem:s12], [sflag:$0x2] =	stream.linear.gather [hbm4b:s11+s1], $0x50, $0x38;
	[tilespmem:$0x1DAB0] =	vst v63  }
0x75: {  	s13 =	rddreg [dreg:$0xf];
	s5 =	smul.u32 @!p3 $0xCD, s5;
	s14 =	simm.s32 $0x280  }
0x76: {  	[tilespmem:s14], [sflag:$0x2] =	stream.linear.gather [hbm4b:s13+s1], $0x50, $0x38;
	[tilespmem:$0x1DAB0] =	vst v63  }
0x77: {  	_ =	swait.ge [sflag:s22], $0x50  }
0x78: {  	s5 =	sshrl.u32 @!p3 s5, $0xA;
	[sflag:s22] =	ssyncset.done $0x0  }
0x79: {  	s5 =	sand.u32 @!p3 $0x3F, s5;
	[sflag:s22] =	ssyncadd.s32 $0xFFFFFFB0  }
0x7a: {  	s5 =	smul.u32 @!p3 $0x5, s5;
	_ =	swait.ge [sflag:s22], $0x50  }
0x7b: {  	[sflag:s22] =	ssyncset.done $0x0  }
0x7c: {  	s5 =	ssub.s32 @!p3 $0x4, s5;
	[sflag:s22] =	ssyncadd.s32 $0xFFFFFFB0  }
0x7d: {  	[tilespmem:s6], [sflag:$0x1] =	stream.indirect.gather [hbm4b:s4+s7], $0x80, s1, s7, $0xb8;
	[tilespmem:$0x1DAB0] =	vst v63  }
0x7e: {  	s9 =	simm.s32 @!p2 $0x2;
	s5 =	sand.u32 @!p3 $0xFF, s5;
	_ =	swait.ge [sflag:s22], $0x50  }
0x7f: {  	s9 =	sand.u32 @!p2 $0xFF, s9;
	s5 =	smul.u32 @!p3 $0x50, s5;
	[sflag:s22] =	ssyncset.done $0x0  }
0x80: {  	s15 =	simm.s32 $0x2B20;
	s10 =	smul.u32 @!p2 $0xAB, s9;
	[sflag:s22] =	ssyncadd.s32 $0xFFFFFFB0  }
0x81: {  	s9 =	smul.u32 @!p2 $0xCD, s9;
	s11 =	simm.s32 @!p3 $0x0;
	_ =	swait.ge [sflag:s22], $0x50  }
0x82: {  	s12 =	smul.u32 $0xCD, s1;
	s10 =	sshrl.u32 @!p2 s10, $0x9;
	[sflag:s22] =	ssyncset.done $0x0  }
0x83: {  	s9 =	sshrl.u32 @!p2 s9, $0xA;
	s10 =	smul.u32 @!p2 $0x3, s10;
	[sflag:s22] =	ssyncadd.s32 $0xFFFFFFB0  }
0x84: {  	[tilespmem:s15], [sflag:$0x1] =	stream.indirect.gather [hbm4b:s4+s7], $0x80, s7, s7, $0xb8;
	[tilespmem:$0x1DAB0] =	vst v63  }
0x85: {  	s13 =	simm.s32 @!p2 $0x2;
	s16 =	sshrl.u32 s12, $0xA;
	s10 =	ssub.s32 @!p2 $0x2, s10  }
0x86: {  	[tilespmem:s5], [sflag:$0x2] =	stream.linear.gather @!p3 [hbm4b:s3+s11], $0x50, $0x38;
	[tilespmem:$0x1DAB0] =	vst v63  }
0x87: {  	s9 =	smul.u32 @!p2 $0x5, s9;
	s10 =	sand.u32 @!p2 $0xFF, s10;
	s5 =	sadd.s32 @!p3 $0x190, s5  }
0x88: {  	[tilespmem:s5], [sflag:$0x2] =	stream.linear.gather @!p3 [hbm4b:s8+s11], $0x50, $0x38;
	[tilespmem:$0x1DAB0] =	vst v63  }
0x89: {  	s9 =	ssub.s32 @!p2 $0x2, s9;
	s10 =	smul.u32 @!p2 $0xA000, s10;
	_ =	swait.ge @!p2 [sflag:s13], $0x50  }
0x8a: {  	s5 =	sand.u32 @!p2 $0xFF, s9;
	s9 =	sand.u32 $0x3F, s16;
	[sflag:s13] =	ssyncset.done @!p2 $0x0  }
0x8b: {  	s10 =	sshrl.u32 @!p2 s10, $0x2;
	s9 =	smul.u32 $0x5, s9;
	[sflag:s13] =	ssyncadd.s32 @!p2 $0xFFFFFFB0  }
0x8c: {  	s10 =	sor.u32 @!p2 $0x320, s10;
	s5 =	smul.u32 @!p2 $0x140, s5;
	_ =	swait.ge @!p2 [sflag:s13], $0x50  }
0x8d: {  	s11 =	simm.s32 @!p2 $0x50;
	s9 =	ssub.s32 $0x0, s9;
	[sflag:s13] =	ssyncset.done @!p2 $0x0  }
0x8e: {  	s5 =	sshrl.u32 @!p2 s5, $0x2;
	s9 =	sand.u32 $0xFF, s9;
	[sflag:s13] =	ssyncadd.s32 @!p2 $0xFFFFFFB0  }
0x8f: {  	[tilespmem:s10], [sflag:$0x1] =	stream.indirect.gather @!p2 [hbm4b:s4+s11], $0x80, s5, s11, $0xb8;
	[tilespmem:$0x1DAB0] =	vst v63  }
0x90: {  	s17 =	smul.u32 $0x140, s9;
	_ =	swait.ge [sflag:s19], $0x2800  }
0x91: {  	[sflag:s19] =	ssyncset.done $0x0  }
0x92: {  	s9 =	sshrl.u32 s17, $0x2;
	[sflag:s19] =	ssyncadd.s32 $0xFFFFD800  }
0x93: {  	v2 =	vld [tilespmem:s9+$0x190];
	_ =	sdelay $0x7  }
0x94: {  	[tilespmem:v2+s26+$0x0] =	vst.idx.add.f32.msk $0xffff, v1  }
0x95: {  	v2 =	vld [tilespmem:s9+$0x1A0];
	_ =	sdelay $0x7  }
0x96: {  	[tilespmem:v2+s26+$0x0] =	vst.idx.add.f32.msk $0xffff, v1  }
0x97: {  	v2 =	vld [tilespmem:s9+$0x1B0];
	_ =	sdelay $0x7  }
0x98: {  	[tilespmem:v2+s26+$0x0] =	vst.idx.add.f32.msk $0xffff, v1  }
0x99: {  	s1 =	smul.u32 $0xAB, s1;
	v2 =	vld [tilespmem:s9+$0x1C0];
	_ =	sdelay $0x1  }
0x9a: {  	s1 =	sshrl.u32 s1, $0x9;
	p2 =	por $0x0, $0x0  }
0x9b: {  	s1 =	sand.u32 $0x7F, s1;
	s5 =	simm.s32 @!p2 $0x3  }
0x9c: {  	s1 =	smul.u32 $0x3, s1;
	p3 =	por @!p2 $0x0, $0x0;
	s5 =	sand.u32 @!p2 $0xFF, s5  }
0x9d: {  	p4 =	por p3, p2;
	s11 =	smul.u32 @!p2 $0xAB, s5  }
0x9e: {  	s1 =	ssub.s32 $0x0, s1;
	s10 =	simm.s32 @!p4 $0x5;
	s12 =	smul.u32 @!p2 $0xCD, s5  }
0x9f: {  	s18 =	sand.u32 $0xFF, s1;
	s10 =	smul.u32 @!p4 $0xCD, s10  }
0xa0: {  	s5 =	sshrl.u32 @!p2 s11, $0x9;
	s11 =	smul.u32 $0xA000, s18;
	[tilespmem:v2+s26+$0x0] =	vst.idx.add.f32.msk $0xffff, v1  }
0xa1: {  	s12 =	sshrl.u32 @!p2 s12, $0xA;
	s10 =	sshrl.u32 @!p4 s10, $0xA;
	s13 =	smul.u32 @!p2 $0x3, s5;
	v2 =	vld [tilespmem:s9+$0x1D0]  }
0xa2: {  	s1 =	simm.s32 $0x1;
	s12 =	smul.u32 @!p2 $0x5, s12;
	s10 =	sand.u32 @!p4 $0x3F, s10  }
0xa3: {  	s18 =	smov.u32 s3;
	s10 =	smul.u32 @!p4 $0x5, s10;
	s13 =	ssub.s32 @!p2 $0x3, s13  }
0xa4: {  	s5 =	simm.s32 $0x2;
	s11 =	sshrl.u32 s11, $0x2;
	s17 =	sand.u32 @!p2 $0xFF, s13  }
0xa5: {  	s13 =	sor.u32 $0x320, s11;
	s11 =	ssub.s32 @!p2 $0x3, s12;
	s10 =	ssub.s32 @!p4 $0x5, s10  }
0xa6: {  	s12 =	smul.u32 @!p2 $0xA000, s17;
	s17 =	smov.u32 s8;
	s14 =	sand.u32 @!p4 $0xFF, s10  }
.LBB2_9:
0xa7: {  	s17 =	sadd.s32 $0xA, s17  }
0xa8: {  	s18 =	sadd.s32 $0xA, s18;
	s10 =	smov.u32 s5;
	s5 =	sadd.s32 $0x1, s5  }
0xa9: {  	s14 =	smul.u32 @!p4 $0x50, s14;
	s9 =	sadd.s32 $0x190, s9;
	s12 =	sshrl.u32 @!p2 s12, $0x2;
	[tilespmem:v2+s26+$0x0] =	vst.idx.add.f32.msk $0xffff, v1  }
0xaa: {  	[spmem:s2] =	stream.indirect.scatter.add.f32 [tilespmem:s13], [sflag:$0x3], $0x80, s9, s7, $0xb8;
	[tilespmem:$0x1DAB0] =	vst v63  }
0xab: {  	s9 =	sor.u32 @!p2 $0x320, s12;
	s12 =	smul.u32 $0xCD, s1;
	_ =	swait.ge [sflag:s0], $0x2800  }
0xac: {  	p3 =	sne.s32 s5, $0x7D;
	s13 =	simm.s32 @!p4 $0x0;
	[sflag:s0] =	ssyncset.done $0x0  }
0xad: {  	s11 =	sand.u32 @!p2 $0xFF, s11;
	s15 =	sadd.s32 @!p4 $0x190, s14;
	s12 =	sshrl.u32 s12, $0xA  }
0xae: {  	s11 =	smul.u32 @!p2 $0x140, s11;
	s12 =	sand.u32 $0x3F, s12;
	[sflag:s0] =	ssyncadd.s32 $0xFFFFD800  }
0xaf: {  	[tilespmem:s14], [sflag:$0x2] =	stream.linear.gather @!p4 [hbm4b:s18+s13], $0x50, $0x38;
	[tilespmem:$0x1DAB0] =	vst v63  }
0xb0: {  	s11 =	sshrl.u32 @!p2 s11, $0x2;
	s12 =	smul.u32 $0x5, s12;
	s14 =	simm.s32 @!p2 $0x2  }
0xb1: {  	[tilespmem:s15], [sflag:$0x2] =	stream.linear.gather @!p4 [hbm4b:s17+s13], $0x50, $0x38;
	[tilespmem:$0x1DAB0] =	vst v63  }
0xb2: {  	s12 =	ssub.s32 s1, s12;
	s13 =	simm.s32 @!p2 $0x50;
	_ =	swait.ge @!p2 [sflag:s14], $0x50  }
0xb3: {  	s12 =	sand.u32 $0xFF, s12;
	[sflag:s14] =	ssyncset.done @!p2 $0x0  }
0xb4: {  	s12 =	smul.u32 $0x140, s12;
	[sflag:s14] =	ssyncadd.s32 @!p2 $0xFFFFFFB0  }
0xb5: {  	_ =	swait.ge @!p2 [sflag:s14], $0x50  }
0xb6: {  	[sflag:s14] =	ssyncset.done @!p2 $0x0  }
0xb7: {  	[sflag:s14] =	ssyncadd.s32 @!p2 $0xFFFFFFB0  }
0xb8: {  	[tilespmem:s9], [sflag:$0x1] =	stream.indirect.gather @!p2 [hbm4b:s4+s13], $0x80, s11, s13, $0xb8;
	[tilespmem:$0x1DAB0] =	vst v63  }
0xb9: {  	_ =	swait.ge [sflag:s19], $0x2800  }
0xba: {  	[sflag:s19] =	ssyncset.done $0x0  }
0xbb: {  	s9 =	sshrl.u32 s12, $0x2;
	[sflag:s19] =	ssyncadd.s32 $0xFFFFD800  }
0xbc: {  	v2 =	vld [tilespmem:s9+$0x190];
	_ =	sdelay $0x7  }
0xbd: {  	[tilespmem:v2+s26+$0x0] =	vst.idx.add.f32.msk $0xffff, v1  }
0xbe: {  	v2 =	vld [tilespmem:s9+$0x1A0];
	_ =	sdelay $0x7  }
0xbf: {  	[tilespmem:v2+s26+$0x0] =	vst.idx.add.f32.msk $0xffff, v1  }
0xc0: {  	v2 =	vld [tilespmem:s9+$0x1B0];
	_ =	sdelay $0x7  }
0xc1: {  	[tilespmem:v2+s26+$0x0] =	vst.idx.add.f32.msk $0xffff, v1  }
0xc2: {  	s11 =	smul.u32 $0xAB, s1;
	v2 =	vld [tilespmem:s9+$0x1C0];
	_ =	sdelay $0x1  }
0xc3: {  	s11 =	sshrl.u32 s11, $0x9  }
0xc4: {  	p2 =	sgt.u32 s10, $0x7A;
	s11 =	sand.u32 $0x7F, s11  }
0xc5: {  	p4 =	sgt.u32 @!p2 s10, $0x78;
	s12 =	sadd.s32 @!p2 $0x2, s10;
	s11 =	smul.u32 $0x3, s11  }
0xc6: {  	p4 =	por p4, p2;
	s13 =	sand.u32 @!p2 $0xFF, s12  }
0xc7: {  	s14 =	sadd.s32 @!p4 $0x4, s10;
	s15 =	smul.u32 @!p2 $0xAB, s13;
	s1 =	ssub.s32 s1, s11  }
0xc8: {  	s11 =	smul.u32 @!p4 $0xCD, s14;
	s16 =	sand.u32 $0xFF, s1  }
0xc9: {  	s1 =	smov.u32 s10;
	s10 =	smul.u32 @!p2 $0xCD, s13;
	s13 =	sshrl.u32 @!p2 s15, $0x9;
	[tilespmem:v2+s26+$0x0] =	vst.idx.add.f32.msk $0xffff, v1  }
0xca: {  	s13 =	smul.u32 @!p2 $0x3, s13;
	v2 =	vld [tilespmem:s9+$0x1D0]  }
0xcb: {  	s11 =	sshrl.u32 @!p4 s11, $0xA;
	s15 =	smul.u32 $0xA000, s16  }
.Ltmp4:
0xcc: {  	s11 =	sand.u32 @!p4 $0x3F, s11;
	s10 =	sshrl.u32 @!p2 s10, $0xA;
	(pc) =	sbr.rel @p3 .LBB2_9-.Ltmp4, $4  }
0xcd: {  	s11 =	smul.u32 @!p4 $0x5, s11;
	s13 =	ssub.s32 @!p2 s12, s13  }
0xce: {  	s10 =	smul.u32 @!p2 $0x5, s10;
	s15 =	sshrl.u32 s15, $0x2  }
0xcf: {  	s16 =	sand.u32 @!p2 $0xFF, s13;
	s13 =	sor.u32 $0x320, s15;
	s11 =	ssub.s32 @!p4 s14, s11  }
0xd0: {  	s14 =	sand.u32 @!p4 $0xFF, s11;
	s11 =	ssub.s32 @!p2 s12, s10;
	s12 =	smul.u32 @!p2 $0xA000, s16  }
0xd1: {  	_ =	sdelay $0x3  }
0xd2: {  	s5 =	sadd.s32 $0x190, s9;
	[tilespmem:v2+s26+$0x0] =	vst.idx.add.f32.msk $0xffff, v1  }
0xd3: {  	[spmem:s2] =	stream.indirect.scatter.add.f32 [tilespmem:s13], [sflag:$0x3], $0x80, s5, s7, $0xb8;
	[tilespmem:$0x1DAB0] =	vst v63  }
0xd4: {  	_ =	swait.ge [sflag:s0], $0x2800  }
0xd5: {  	s9 =	smul.u32 @!p4 $0x50, s14;
	s10 =	sadd.s32 $0xA, s18;
	[sflag:s0] =	ssyncset.done $0x0  }
0xd6: {  	s18 =	smul.u32 $0xCD, s1;
	s13 =	simm.s32 @!p4 $0x0;
	[sflag:s0] =	ssyncadd.s32 $0xFFFFD800  }
0xd7: {  	[tilespmem:s9], [sflag:$0x2] =	stream.linear.gather @!p4 [hbm4b:s10+s13], $0x50, $0x38;
	[tilespmem:$0x1DAB0] =	vst v63  }
0xd8: {  	s14 =	simm.s32 @!p2 $0x2;
	s5 =	sadd.s32 $0xA, s17;
	s9 =	sadd.s32 @!p4 $0x190, s9  }
0xd9: {  	[tilespmem:s9], [sflag:$0x2] =	stream.linear.gather @!p4 [hbm4b:s5+s13], $0x50, $0x38;
	[tilespmem:$0x1DAB0] =	vst v63  }
0xda: {  	s13 =	sshrl.u32 s18, $0xA;
	_ =	swait.ge @!p2 [sflag:s14], $0x50  }
0xdb: {  	s10 =	sshrl.u32 @!p2 s12, $0x2;
	s9 =	sand.u32 $0x3F, s13;
	[sflag:s14] =	ssyncset.done @!p2 $0x0  }
0xdc: {  	s5 =	sand.u32 @!p2 $0xFF, s11;
	s9 =	smul.u32 $0x5, s9;
	[sflag:s14] =	ssyncadd.s32 @!p2 $0xFFFFFFB0  }
0xdd: {  	s10 =	sor.u32 @!p2 $0x320, s10;
	s5 =	smul.u32 @!p2 $0x140, s5;
	_ =	swait.ge @!p2 [sflag:s14], $0x50  }
0xde: {  	s11 =	simm.s32 @!p2 $0x50;
	s9 =	ssub.s32 s1, s9;
	[sflag:s14] =	ssyncset.done @!p2 $0x0  }
0xdf: {  	s5 =	sshrl.u32 @!p2 s5, $0x2;
	s9 =	sand.u32 $0xFF, s9;
	[sflag:s14] =	ssyncadd.s32 @!p2 $0xFFFFFFB0  }
0xe0: {  	[tilespmem:s10], [sflag:$0x1] =	stream.indirect.gather @!p2 [hbm4b:s4+s11], $0x80, s5, s11, $0xb8;
	[tilespmem:$0x1DAB0] =	vst v63  }
0xe1: {  	s15 =	smul.u32 $0x140, s9;
	_ =	swait.ge [sflag:s19], $0x2800  }
0xe2: {  	[sflag:s19] =	ssyncset.done $0x0  }
0xe3: {  	s5 =	sshrl.u32 s15, $0x2;
	[sflag:s19] =	ssyncadd.s32 $0xFFFFD800  }
0xe4: {  	v2 =	vld [tilespmem:s5+$0x190];
	_ =	sdelay $0x7  }
0xe5: {  	[tilespmem:v2+s26+$0x0] =	vst.idx.add.f32.msk $0xffff, v1  }
0xe6: {  	v2 =	vld [tilespmem:s5+$0x1A0];
	_ =	sdelay $0x7  }
0xe7: {  	[tilespmem:v2+s26+$0x0] =	vst.idx.add.f32.msk $0xffff, v1  }
0xe8: {  	v2 =	vld [tilespmem:s5+$0x1B0];
	_ =	sdelay $0x7  }
0xe9: {  	[tilespmem:v2+s26+$0x0] =	vst.idx.add.f32.msk $0xffff, v1  }
0xea: {  	v2 =	vld [tilespmem:s5+$0x1C0];
	_ =	sdelay $0x5  }
0xeb: {  	s16 =	smul.u32 $0xAB, s1;
	_ =	sdelay $0x1  }
0xec: {  	s9 =	sshrl.u32 s16, $0x9;
	[tilespmem:v2+s26+$0x0] =	vst.idx.add.f32.msk $0xffff, v1  }
0xed: {  	s9 =	sand.u32 $0x7F, s9;
	v2 =	vld [tilespmem:s5+$0x1D0]  }
0xee: {  	s9 =	smul.u32 $0x3, s9;
	_ =	sdelay $0x1  }
0xef: {  	s17 =	ssub.s32 s1, s9  }
0xf0: {  	s1 =	sand.u32 $0xFF, s17  }
0xf1: {  	s1 =	smul.u32 $0xA000, s1;
	_ =	sdelay $0x1  }
0xf2: {  	s1 =	sshrl.u32 s1, $0x2  }
0xf3: {  	s1 =	sor.u32 $0x320, s1;
	s5 =	sadd.s32 $0x190, s5;
	[tilespmem:v2+s26+$0x0] =	vst.idx.add.f32.msk $0xffff, v1  }
0xf4: {  	[spmem:s2] =	stream.indirect.scatter.add.f32 [tilespmem:s1], [sflag:$0x3], $0x80, s5, s7, $0xb8;
	[tilespmem:$0x1DAB0] =	vst v63  }
0xf5: {  	_ =	swait.ge [sflag:s0], $0x2800  }
0xf6: {  	[sflag:s0] =	ssyncset.done $0x0  }
0xf7: {  	[sflag:s0] =	ssyncadd.s32 $0xFFFFD800  }
0xf8: {  	[hbm4b:s23+s20] =	stream.linear.scatter [tilespmem:s26], [sflag:$0x3], $0x2710, $0x38;
	[tilespmem:$0x1DAB0] =	vst v63  }
0xf9: {  	_ =	swait.ge [sflag:s0], $0x2710  }
0xfa: {  	[sflag:s0] =	ssyncset.done $0x0  }
0xfb: {  	[sflag:s0] =	ssyncadd.s32 $0xFFFFD8F0  }
0xfc: {  	[bflag:$0x0] =	sbarrier.arrive $0xFFFF  }
0xfd: {  	s18 =	rddreg [dreg:$0xd]  }
0xfe: {  	[hbm:s18], [sflag:s29] =	dma.local [spmem:s30], $0x2700  }
0xff: {  	s21 =	sadd.s32 $0x1, s21;
	_ =	swait.ge [sflag:s0], $0x2700  }
0x100: {  	p2 =	sne.s32 s21, s25;
	[sflag:s0] =	ssyncset.done $0x0  }
.Ltmp5:
0x101: {  	s1 =	simm.s32 @!p1 $0x3;
	[sflag:s0] =	ssyncadd.s32 $0xFFFFD900;
	(pc) =	sbr.rel @p2 .LBB2_1-.Ltmp5, $4  }
0x102: {  	[hbm:s24], [sflag:s29] =	dma.local @!p1 [spmem:s28], $0x100  }
0x103: {  	_ =	swait.ge @!p1 [sflag:s1], $0x100  }
0x104: {  	[sflag:s1] =	ssyncset.done @!p1 $0x0  }
0x105: {  	[sflag:s1] =	ssyncadd.s32 @!p1 $0xFFFFFF00  }
0x106: {  	_ =	sfence.sel $0x180000  }
0x107: {  	[bflag:$0x0] =	sbarrier.arrive $0xFFFF  }
0x108: {  	_ =	strace $0x90000047  }
0x109: {  	s0 =	stileid.u32;
	[bflag:$0x2] =	sbarrier.arrive $0xFFFF  }
0x10a: {  	p0 =	sne.s32 s0, $0x0;
	s0 =	rddreg [dreg:$0x3]  }
0x10b: {  	s0 =	sadd.s32 @!p0 $0x100000, s0  }
0x10c: {  	[sflag:s0] =	ssyncadd.tile.s32 @!p0 $0x1;
	_ =	shalt  }
.Lfunc_end2:
_tile_overlayer_lowered:
.L_overlay_start_2:
0x10d: {  	(tag) =	ssettag $0x2  }
0x10e: {  	s0 =	rddreg [dreg:$0x0];
	s2 =	stileid.u32  }
0x10f: {  	s1 =	rddreg [dreg:$0x1];
	p0 =	sne.s32 s2, $0x0  }
0x110: {  	s3 =	rddreg [dreg:$0x2];
	[bflag:$0x3] =	sbarrier.arrive $0xFFFF;
	s2 =	simm.s32 @!p0 $0x1C03  }
0x111: {  	[timem:s3], [sflag:s2] =	dma.local @!p0 [hbm:s0], s1  }
0x112: {  	s0 =	simm.s32 @!p0 $0x3  }
0x113: {  	_ =	swait.ge @!p0 [sflag:s0], s1  }
0x114: {  	s1 =	ssub.s32 @!p0 $0x0, s1;
	[sflag:s0] =	ssyncset.done @!p0 $0x0  }
0x115: {  	[sflag:s0] =	ssyncadd.s32 @!p0 s1  }
0x116: {  	[bflag:$0x3] =	sbarrier.arrive $0xFFFF  }
0x117: {  	_ =	shalt  }

</sc_bundles>
